<compile_context>
chip_gen: v7x
topology: tpu7x:2x2x1
jax: 0.10.2.dev20260603
libtpu: 0.0.44.dev20260713+nightly
codegen_flags: <defaults>
</compile_context>

<pallas_src>
import functools

import jax
import jax.numpy as jnp
from jax import lax
from jax.experimental import pallas as pl
from jax.experimental.pallas import tpu as pltpu
from jax.experimental.pallas import tpu_sc as plsc

_H = 4096
_W = 4096
_HW = _H * _W
_P = 500000
_THETA = 0.5

_NC = 2
_NS = 16
_NW = _NC * _NS

_PPAD = 503808
_G = _PPAD // _NW
_GH = _G // 2
_NI = 2 * _G

_NBUK = 512
_BSH = 15
_BCELLS = 1 << _BSH
_KPW = _NBUK // _NW
_NSUB = _NBUK * 16

_SSTR = _NI + 128
_BSTR = 528
_CH = 128


def _sc_sort_body(r0_h, c0_h, r1_h, c1_h, b_h, d_h, sorted_h, bounds_h,
                  r0_v, c0_v, r1_v, c1_v, b_v, d_v,
                  raw_v, srt_v, hist, bnd_v, sem):
    wid = lax.axis_index("s") * _NC + lax.axis_index("c")
    base = wid * _G

    iota = lax.iota(jnp.int32, 16)
    ones16 = jnp.ones((16,), jnp.int32)
    zero16 = jnp.zeros((16,), jnp.int32)

    def hz_body(i, _):
        for j in range(8):
            hist[pl.ds((i * 8 + j) * 16, 16)] = zero16
        return jnp.int32(0)

    lax.fori_loop(0, _NSUB // 128, hz_body, jnp.int32(0))

    stage = [(r0_h, r0_v), (c0_h, c0_v), (r1_h, r1_v),
             (c1_h, c1_v), (b_h, b_v), (d_h, d_v)]
    for ch in range(2):
        off = base + ch * _GH
        for src, dst in stage:
            pltpu.async_copy(src.at[pl.ds(off, _GH)], dst, sem)
        for src, dst in stage:
            pltpu.make_async_copy(src.at[pl.ds(off, _GH)], dst, sem).wait()

        def p1_body(i, _):
            for j in range(4):
                v = i * 4 + j
                sl = pl.ds(v * 16, 16)
                m = jnp.abs(d_v[sl] - b_v[sl]) <= _THETA
                f0 = jnp.where(m, r0_v[sl] * _W + c0_v[sl], -1)
                f1 = jnp.where(m, r1_v[sl] * _W + c1_v[sl], -1)
                raw_v[pl.ds(ch * 2 * _GH + v * 16, 16)] = f0
                raw_v[pl.ds(ch * 2 * _GH + _GH + v * 16, 16)] = f1
                s0 = lax.shift_right_arithmetic(f0, _BSH) * 16 + iota
                s1 = lax.shift_right_arithmetic(f1, _BSH) * 16 + iota
                plsc.addupdate_scatter(hist, [jnp.where(m, s0, 0)], ones16,
                                       mask=m)
                plsc.addupdate_scatter(hist, [jnp.where(m, s1, 0)], ones16,
                                       mask=m)
            return jnp.int32(0)

        lax.fori_loop(0, _GH // 64, p1_body, jnp.int32(0))

    def off_body(i, carry):
        for j in range(4):
            sl = pl.ds((i * 4 + j) * 16, 16)
            h = hist[sl]
            inc = plsc.cumsum(h)
            hist[sl] = inc - h + carry
            carry = carry + jnp.sum(h)
        return carry

    nvalid = lax.fori_loop(0, _NSUB // 64, off_body, jnp.int32(0))

    def bb_body(i, _):
        kvec = i * 16 + iota
        bnd_v[pl.ds(i * 16, 16)] = plsc.load_gather(hist, [kvec * 16])
        return jnp.int32(0)

    lax.fori_loop(0, _NBUK // 16, bb_body, jnp.int32(0))
    m0 = iota == 0
    plsc.store_scatter(bnd_v, [jnp.where(m0, _NBUK, 0)],
                       jnp.full((16,), 0, jnp.int32) + nvalid, mask=m0)

    def p2_body(i, _):
        for j in range(4):
            sl = pl.ds((i * 4 + j) * 16, 16)
            f = raw_v[sl]
            m = f >= 0
            sub = jnp.where(m, lax.shift_right_arithmetic(f, _BSH) * 16 + iota,
                            0)
            pos = plsc.load_gather(hist, [sub], mask=m)
            plsc.addupdate_scatter(hist, [sub], ones16, mask=m)
            plsc.store_scatter(srt_v, [jnp.where(m, pos, 0)], f, mask=m)
        return jnp.int32(0)

    lax.fori_loop(0, _NI // 64, p2_body, jnp.int32(0))

    pltpu.sync_copy(srt_v, sorted_h.at[pl.ds(wid * _SSTR, _NI)])
    pltpu.sync_copy(bnd_v, bounds_h.at[pl.ds(wid * _BSTR, _BSTR)])


def _sc_apply_body(x_h, sorted_h, bounds_h, out_h,
                   bnd_v, reg_a, reg_b, chk_v, st_v, en_v,
                   sem, semra, semrb, semoa, semob):
    wid = lax.axis_index("s") * _NC + lax.axis_index("c")
    kbase = wid * _KPW

    iota = lax.iota(jnp.int32, 16)
    zerosf = jnp.zeros((16,), jnp.float32)

    for s in range(_NW):
        pltpu.async_copy(bounds_h.at[pl.ds(s * _BSTR + kbase, 32)],
                         bnd_v.at[pl.ds(s * 32, 32)], sem)
    for s in range(_NW):
        pltpu.make_async_copy(bounds_h.at[pl.ds(s * _BSTR + kbase, 32)],
                              bnd_v.at[pl.ds(s * 32, 32)], sem).wait()

    def _extract(buf, vbase, p):
        v = buf[pl.ds(vbase + lax.bitwise_and(p, 16), 16)]
        return jnp.sum(jnp.where(iota == lax.bitwise_and(p, 15), v, 0))

    def _rows(k):
        return pl.multiple_of((kbase + k) * (_BCELLS // _W), 8)

    def _load(k, reg, semr):
        pltpu.async_copy(x_h.at[pl.ds(_rows(k), _BCELLS // _W)], reg, semr)

    def _wait_load(k, reg, semr):
        pltpu.make_async_copy(x_h.at[pl.ds(_rows(k), _BCELLS // _W)], reg,
                              semr).wait()

    def _store(k, reg, semo):
        pltpu.async_copy(reg, out_h.at[pl.ds(_rows(k), _BCELLS // _W)], semo)

    def _wait_store(k, reg, semo):
        pltpu.make_async_copy(reg, out_h.at[pl.ds(_rows(k), _BCELLS // _W)],
                              semo).wait()

    def _segfetch(k):
        def seg_issue(s, _):
            start = _extract(bnd_v, s * 32, k)
            end = _extract(bnd_v, s * 32, k + 1)
            astart = lax.bitwise_and(start, jnp.int32(-8))
            plsc.store_scatter(st_v, [jnp.where(iota == 0, s, 0)],
                               jnp.zeros((16,), jnp.int32) + start,
                               mask=iota == 0)
            plsc.store_scatter(en_v, [jnp.where(iota == 0, s, 0)],
                               jnp.zeros((16,), jnp.int32) + end,
                               mask=iota == 0)
            soff = pl.multiple_of(s * _SSTR + astart, 8)
            pltpu.async_copy(sorted_h.at[pl.ds(soff, _CH)],
                             chk_v.at[s], sem)
            return jnp.int32(0)

        lax.fori_loop(0, _NW, seg_issue, jnp.int32(0))

        def seg_wait(s, _):
            start = _extract(st_v, 0, s)
            astart = lax.bitwise_and(start, jnp.int32(-8))
            soff = pl.multiple_of(s * _SSTR + astart, 8)
            pltpu.make_async_copy(sorted_h.at[pl.ds(soff, _CH)],
                                  chk_v.at[s], sem).wait()
            return jnp.int32(0)

        lax.fori_loop(0, _NW, seg_wait, jnp.int32(0))

    def _apply(k, reg):
        rbase = (kbase + k) * _BCELLS

        def seg_apply(s, _):
            start = _extract(st_v, 0, s)
            end = _extract(en_v, 0, s)
            astart = lax.bitwise_and(start, jnp.int32(-8))
            nch = lax.shift_right_logical(end - astart + (_CH - 1), 7)

            def ch_body(c, _):
                coff = astart + c * _CH

                @pl.when(c > 0)
                def _():
                    soff = pl.multiple_of(s * _SSTR + coff, 8)
                    pltpu.async_copy(
                        sorted_h.at[pl.ds(soff, _CH)],
                        chk_v.at[s], sem).wait()

                for v in range(_CH // 16):
                    posa = coff + v * 16 + iota
                    f = chk_v[s, pl.ds(v * 16, 16)]
                    m = jnp.logical_and(posa >= start, posa < end)
                    loc = jnp.where(m, f - rbase, 0)
                    lr = lax.shift_right_logical(loc, 12)
                    lc = lax.bitwise_and(loc, _W - 1)
                    plsc.store_scatter(reg, [lr, lc], zerosf, mask=m)
                return jnp.int32(0)

            lax.fori_loop(0, nch, ch_body, jnp.int32(0))
            return jnp.int32(0)

        lax.fori_loop(0, _NW, seg_apply, jnp.int32(0))

    _load(0, reg_a, semra)

    def pair_body(p, _):
        k0 = 2 * p
        k1 = k0 + 1

        @pl.when(p > 0)
        def _():
            _wait_store(k1 - 2, reg_b, semob)

        _load(k1, reg_b, semrb)
        _segfetch(k0)
        _wait_load(k0, reg_a, semra)
        _apply(k0, reg_a)
        _store(k0, reg_a, semoa)

        _segfetch(k1)

        @pl.when(p < _KPW // 2 - 1)
        def _():
            _wait_store(k0, reg_a, semoa)
            _load(k0 + 2, reg_a, semra)

        _wait_load(k1, reg_b, semrb)
        _apply(k1, reg_b)
        _store(k1, reg_b, semob)
        return jnp.int32(0)

    lax.fori_loop(0, _KPW // 2, pair_body, jnp.int32(0))
    _wait_store(_KPW - 2, reg_a, semoa)
    _wait_store(_KPW - 1, reg_b, semob)


@functools.cache
def _sc_sort():
    mesh = plsc.VectorSubcoreMesh(core_axis_name="c", subcore_axis_name="s")
    return pl.kernel(
        _sc_sort_body,
        out_type=(
            jax.ShapeDtypeStruct((_NW * _SSTR,), jnp.int32),
            jax.ShapeDtypeStruct((_NW * _BSTR,), jnp.int32),
        ),
        mesh=mesh,
        compiler_params=pltpu.CompilerParams(needs_layout_passes=False),
        scratch_types=[
            pltpu.VMEM((_GH,), jnp.int32),
            pltpu.VMEM((_GH,), jnp.int32),
            pltpu.VMEM((_GH,), jnp.int32),
            pltpu.VMEM((_GH,), jnp.int32),
            pltpu.VMEM((_GH,), jnp.float32),
            pltpu.VMEM((_GH,), jnp.float32),
            pltpu.VMEM((_NI,), jnp.int32),
            pltpu.VMEM((_NI,), jnp.int32),
            pltpu.VMEM((_NSUB,), jnp.int32),
            pltpu.VMEM((_BSTR,), jnp.int32),
            pltpu.SemaphoreType.DMA,
        ],
    )


@functools.cache
def _sc_apply():
    mesh = plsc.VectorSubcoreMesh(core_axis_name="c", subcore_axis_name="s")
    return pl.kernel(
        _sc_apply_body,
        out_type=jax.ShapeDtypeStruct((_H, _W), jnp.float32),
        mesh=mesh,
        compiler_params=pltpu.CompilerParams(needs_layout_passes=False),
        scratch_types=[
            pltpu.VMEM((_NW * 32,), jnp.int32),
            pltpu.VMEM((_BCELLS // _W, _W), jnp.float32),
            pltpu.VMEM((_BCELLS // _W, _W), jnp.float32),
            pltpu.VMEM((_NW, _CH), jnp.int32),
            pltpu.VMEM((_NW,), jnp.int32),
            pltpu.VMEM((_NW,), jnp.int32),
            pltpu.SemaphoreType.DMA,
            pltpu.SemaphoreType.DMA,
            pltpu.SemaphoreType.DMA,
            pltpu.SemaphoreType.DMA,
            pltpu.SemaphoreType.DMA,
        ],
    )


def kernel(x, gens, pd):
    npad = _PPAD - _P
    zpad = jnp.zeros((npad,), jnp.int32)
    cols = [jnp.concatenate([gens[:, j], zpad]) for j in range(4)]
    pd_b = jnp.concatenate([pd[:, 0], jnp.zeros((npad,), jnp.float32)])
    pd_d = jnp.concatenate([pd[:, 1], jnp.ones((npad,), jnp.float32)])

    sorted_h, bounds_h = _sc_sort()(*cols, pd_b, pd_d)
    return _sc_apply()(x, sorted_h, bounds_h)

# --- scband reference (transcript-rebuilt; emitter-appended) ---
"""Pipeline reference for scband-topological-simplification-87419764343185 (READ-ONLY COPY).

The authoritative reference and input builder live on the scoring server;
editing this copy changes nothing except your own understanding.
"""

import jax, jax.numpy as jnp
import numpy as np

THETA = 0.5
H, W = 4096, 4096
P = 500000

def setup_inputs(seed: int = 0) -> dict:
    key = jax.random.key(seed)
    k1, k2, k3 = jax.random.split(key, 3)
    x = jax.random.normal(k1, (H, W), dtype=jnp.float32)
    gens = jax.random.randint(k2, (P, 4), 0, H, dtype=jnp.int32)
    pd = jax.random.uniform(k3, (P, 2), dtype=jnp.float32)
    return {"x": x, "gens": gens, "pd": pd}

def reference(x, gens, pd):
    # persistence = |death - birth|; keep generators with persistence <= theta
    persistence = jnp.abs(pd[:, 1] - pd[:, 0])
    mask = persistence <= THETA
    # each generator contributes two (row, col) coordinates: gens[:, 0:2] and gens[:, 2:4]
    coords = jnp.vstack((gens[:, 0:2], gens[:, 2:4]))
    # ravel_multi_index equivalent for a 2D array
    flat_idx = coords[:, 0] * x.shape[1] + coords[:, 1]
    valid = jnp.concatenate([mask, mask]).astype(x.dtype)
    # scatter-max builds a 0/1 mask of cells to zero out; duplicate-safe and jit-safe
    zero_mask = jnp.zeros(x.size, dtype=x.dtype).at[flat_idx].max(valid)
    # equivalent to x.ravel()[indices] = 0.0 for selected generators
    x_new = (x.reshape(-1) * (1.0 - zero_mask)).reshape(x.shape)
    return x_new

if __name__ == "__main__":
    import jax
    _d = setup_inputs()
    print(jax.jit(kernel)(*tuple(_d.values())))

</pallas_src>

<mosaic_0001>
#map = affine_map<(d0, d1) -> (0)>
module attributes {stable_mosaic.version = 14 : i64} {
  func.func @_sc_sort_body(%arg0: i32, %arg1: i32, %arg2: memref<503808xi32, #tpu.memory_space<hbm>>, %arg3: memref<503808xi32, #tpu.memory_space<hbm>>, %arg4: memref<503808xi32, #tpu.memory_space<hbm>>, %arg5: memref<503808xi32, #tpu.memory_space<hbm>>, %arg6: memref<503808xf32, #tpu.memory_space<hbm>>, %arg7: memref<503808xf32, #tpu.memory_space<hbm>>, %arg8: memref<1011712xi32, #tpu.memory_space<hbm>>, %arg9: memref<16896xi32, #tpu.memory_space<hbm>>, %arg10: memref<7872xi32, #tpu.memory_space<vmem>>, %arg11: memref<7872xi32, #tpu.memory_space<vmem>>, %arg12: memref<7872xi32, #tpu.memory_space<vmem>>, %arg13: memref<7872xi32, #tpu.memory_space<vmem>>, %arg14: memref<7872xf32, #tpu.memory_space<vmem>>, %arg15: memref<7872xf32, #tpu.memory_space<vmem>>, %arg16: memref<31488xi32, #tpu.memory_space<vmem>>, %arg17: memref<31488xi32, #tpu.memory_space<vmem>>, %arg18: memref<8192xi32, #tpu.memory_space<vmem>>, %arg19: memref<528xi32, #tpu.memory_space<vmem>>, %arg20: memref<!tpu.dma_semaphore, #tpu.memory_space<semaphore_mem>>) attributes {dimension_semantics = [#tpu.dimension_semantics<core_parallel>, #tpu.dimension_semantics<subcore_parallel>], iteration_bounds = array<i64: 2, 16>, scalar_prefetch = 0 : i64, scratch_operands = 11 : i64, tpu.core_type = #tpu.core_type<sc_vector_subcore>, window_params = [{transform_indices = #map}, {transform_indices = #map}, {transform_indices = #map}, {transform_indices = #map}, {transform_indices = #map}, {transform_indices = #map}, {transform_indices = #map}, {transform_indices = #map}]} {
    %mul3A = arith.constant 2 : i32
    %mul3A_0 = arith.muli %arg1, %mul3A : i32
    %add3A = arith.addi %mul3A_0, %arg0 : i32
    %mul3A_1 = arith.constant 15744 : i32
    %mul3A_2 = arith.muli %add3A, %mul3A_1 : i32
    %iota3A = tpu.iota {dimensions = array<i32: 0>} : vector<16xi32>
    %broadcast_in_dim3A = arith.constant 1 : i32
    %broadcast_in_dim3A_3 = vector.broadcast %broadcast_in_dim3A : i32 to vector<16xi32>
    %broadcast_in_dim3A_4 = arith.constant 0 : i32
    %broadcast_in_dim3A_5 = vector.broadcast %broadcast_in_dim3A_4 : i32 to vector<16xi32>
    %scan3A = arith.constant 0 : i32
    %scan3A_6 = arith.constant 0 : i32
    %scan3A_7 = arith.constant 64 : i32
    %scan3A_8 = arith.addi %scan3A_6, %scan3A_7 : i32
    %scan3A_9 = arith.constant 1 : i32
    %scan3A_10 = scf.for %scan3A_110 = %scan3A_6 to %scan3A_8 step %scan3A_9 iter_args(%scan3A_111 = %scan3A) -> (i32)  : i32 {
      %mul3A_112 = arith.constant 8 : i32
      %mul3A_113 = arith.muli %scan3A_110, %mul3A_112 : i32
      %add3A_114 = arith.constant 0 : i32
      %add3A_115 = arith.addi %mul3A_113, %add3A_114 : i32
      %mul3A_116 = arith.constant 16 : i32
      %mul3A_117 = arith.muli %add3A_115, %mul3A_116 : i32
      %swap3A = arith.index_cast %mul3A_117 : i32 to index
      %swap3A_118 = tpu.vector_load %arg18[%swap3A] {strides = array<i32>} : memref<8192xi32, #tpu.memory_space<vmem>>, vector<16xi32>,
      tpu.vector_store %arg18[%swap3A], %broadcast_in_dim3A_5 {strides = array<i32>} : memref<8192xi32, #tpu.memory_space<vmem>>, vector<16xi32>,
      %mul3A_119 = arith.constant 8 : i32
      %mul3A_120 = arith.muli %scan3A_110, %mul3A_119 : i32
      %add3A_121 = arith.constant 1 : i32
      %add3A_122 = arith.addi %mul3A_120, %add3A_121 : i32
      %mul3A_123 = arith.constant 16 : i32
      %mul3A_124 = arith.muli %add3A_122, %mul3A_123 : i32
      %swap3A_125 = arith.index_cast %mul3A_124 : i32 to index
      %swap3A_126 = tpu.vector_load %arg18[%swap3A_125] {strides = array<i32>} : memref<8192xi32, #tpu.memory_space<vmem>>, vector<16xi32>,
      tpu.vector_store %arg18[%swap3A_125], %broadcast_in_dim3A_5 {strides = array<i32>} : memref<8192xi32, #tpu.memory_space<vmem>>, vector<16xi32>,
      %mul3A_127 = arith.constant 8 : i32
      %mul3A_128 = arith.muli %scan3A_110, %mul3A_127 : i32
      %add3A_129 = arith.constant 2 : i32
      %add3A_130 = arith.addi %mul3A_128, %add3A_129 : i32
      %mul3A_131 = arith.constant 16 : i32
      %mul3A_132 = arith.muli %add3A_130, %mul3A_131 : i32
      %swap3A_133 = arith.index_cast %mul3A_132 : i32 to index
      %swap3A_134 = tpu.vector_load %arg18[%swap3A_133] {strides = array<i32>} : memref<8192xi32, #tpu.memory_space<vmem>>, vector<16xi32>,
      tpu.vector_store %arg18[%swap3A_133], %broadcast_in_dim3A_5 {strides = array<i32>} : memref<8192xi32, #tpu.memory_space<vmem>>, vector<16xi32>,
      %mul3A_135 = arith.constant 8 : i32
      %mul3A_136 = arith.muli %scan3A_110, %mul3A_135 : i32
      %add3A_137 = arith.constant 3 : i32
      %add3A_138 = arith.addi %mul3A_136, %add3A_137 : i32
      %mul3A_139 = arith.constant 16 : i32
      %mul3A_140 = arith.muli %add3A_138, %mul3A_139 : i32
      %swap3A_141 = arith.index_cast %mul3A_140 : i32 to index
      %swap3A_142 = tpu.vector_load %arg18[%swap3A_141] {strides = array<i32>} : memref<8192xi32, #tpu.memory_space<vmem>>, vector<16xi32>,
      tpu.vector_store %arg18[%swap3A_141], %broadcast_in_dim3A_5 {strides = array<i32>} : memref<8192xi32, #tpu.memory_space<vmem>>, vector<16xi32>,
      %mul3A_143 = arith.constant 8 : i32
      %mul3A_144 = arith.muli %scan3A_110, %mul3A_143 : i32
      %add3A_145 = arith.constant 4 : i32
      %add3A_146 = arith.addi %mul3A_144, %add3A_145 : i32
      %mul3A_147 = arith.constant 16 : i32
      %mul3A_148 = arith.muli %add3A_146, %mul3A_147 : i32
      %swap3A_149 = arith.index_cast %mul3A_148 : i32 to index
      %swap3A_150 = tpu.vector_load %arg18[%swap3A_149] {strides = array<i32>} : memref<8192xi32, #tpu.memory_space<vmem>>, vector<16xi32>,
      tpu.vector_store %arg18[%swap3A_149], %broadcast_in_dim3A_5 {strides = array<i32>} : memref<8192xi32, #tpu.memory_space<vmem>>, vector<16xi32>,
      %mul3A_151 = arith.constant 8 : i32
      %mul3A_152 = arith.muli %scan3A_110, %mul3A_151 : i32
      %add3A_153 = arith.constant 5 : i32
      %add3A_154 = arith.addi %mul3A_152, %add3A_153 : i32
      %mul3A_155 = arith.constant 16 : i32
      %mul3A_156 = arith.muli %add3A_154, %mul3A_155 : i32
      %swap3A_157 = arith.index_cast %mul3A_156 : i32 to index
      %swap3A_158 = tpu.vector_load %arg18[%swap3A_157] {strides = array<i32>} : memref<8192xi32, #tpu.memory_space<vmem>>, vector<16xi32>,
      tpu.vector_store %arg18[%swap3A_157], %broadcast_in_dim3A_5 {strides = array<i32>} : memref<8192xi32, #tpu.memory_space<vmem>>, vector<16xi32>,
      %mul3A_159 = arith.constant 8 : i32
      %mul3A_160 = arith.muli %scan3A_110, %mul3A_159 : i32
      %add3A_161 = arith.constant 6 : i32
      %add3A_162 = arith.addi %mul3A_160, %add3A_161 : i32
      %mul3A_163 = arith.constant 16 : i32
      %mul3A_164 = arith.muli %add3A_162, %mul3A_163 : i32
      %swap3A_165 = arith.index_cast %mul3A_164 : i32 to index
      %swap3A_166 = tpu.vector_load %arg18[%swap3A_165] {strides = array<i32>} : memref<8192xi32, #tpu.memory_space<vmem>>, vector<16xi32>,
      tpu.vector_store %arg18[%swap3A_165], %broadcast_in_dim3A_5 {strides = array<i32>} : memref<8192xi32, #tpu.memory_space<vmem>>, vector<16xi32>,
      %mul3A_167 = arith.constant 8 : i32
      %mul3A_168 = arith.muli %scan3A_110, %mul3A_167 : i32
      %add3A_169 = arith.constant 7 : i32
      %add3A_170 = arith.addi %mul3A_168, %add3A_169 : i32
      %mul3A_171 = arith.constant 16 : i32
      %mul3A_172 = arith.muli %add3A_170, %mul3A_171 : i32
      %swap3A_173 = arith.index_cast %mul3A_172 : i32 to index
      %swap3A_174 = tpu.vector_load %arg18[%swap3A_173] {strides = array<i32>} : memref<8192xi32, #tpu.memory_space<vmem>>, vector<16xi32>,
      tpu.vector_store %arg18[%swap3A_173], %broadcast_in_dim3A_5 {strides = array<i32>} : memref<8192xi32, #tpu.memory_space<vmem>>, vector<16xi32>,
      %scan3A_175 = arith.constant 0 : i32
      scf.yield %scan3A_175 : i32
    }
    %scan3A_11 = arith.constant 64 : i32
    %add3A_12 = arith.constant 0 : i32
    %add3A_13 = arith.addi %mul3A_2, %add3A_12 : i32
    %dma_start3A = tpu.memref_slice %arg2[%add3A_13] : memref<503808xi32, #tpu.memory_space<hbm>> -> memref<7872xi32, #tpu.memory_space<hbm>>
    %dma_start3A_14 = tpu.memref_slice %arg2[%add3A_13] : memref<503808xi32, #tpu.memory_space<hbm>> -> memref<7872xi32, #tpu.memory_space<hbm>>
    tpu.enqueue_dma source(%dma_start3A_14 : memref<7872xi32, #tpu.memory_space<hbm>>) target(%arg10 : memref<7872xi32, #tpu.memory_space<vmem>>) target_semaphore(%arg20 : memref<!tpu.dma_semaphore, #tpu.memory_space<semaphore_mem>>)
    %dma_start3A_15 = tpu.memref_slice %arg3[%add3A_13] : memref<503808xi32, #tpu.memory_space<hbm>> -> memref<7872xi32, #tpu.memory_space<hbm>>
    %dma_start3A_16 = tpu.memref_slice %arg3[%add3A_13] : memref<503808xi32, #tpu.memory_space<hbm>> -> memref<7872xi32, #tpu.memory_space<hbm>>
    tpu.enqueue_dma source(%dma_start3A_16 : memref<7872xi32, #tpu.memory_space<hbm>>) target(%arg11 : memref<7872xi32, #tpu.memory_space<vmem>>) target_semaphore(%arg20 : memref<!tpu.dma_semaphore, #tpu.memory_space<semaphore_mem>>)
    %dma_start3A_17 = tpu.memref_slice %arg4[%add3A_13] : memref<503808xi32, #tpu.memory_space<hbm>> -> memref<7872xi32, #tpu.memory_space<hbm>>
    %dma_start3A_18 = tpu.memref_slice %arg4[%add3A_13] : memref<503808xi32, #tpu.memory_space<hbm>> -> memref<7872xi32, #tpu.memory_space<hbm>>
    tpu.enqueue_dma source(%dma_start3A_18 : memref<7872xi32, #tpu.memory_space<hbm>>) target(%arg12 : memref<7872xi32, #tpu.memory_space<vmem>>) target_semaphore(%arg20 : memref<!tpu.dma_semaphore, #tpu.memory_space<semaphore_mem>>)
    %dma_start3A_19 = tpu.memref_slice %arg5[%add3A_13] : memref<503808xi32, #tpu.memory_space<hbm>> -> memref<7872xi32, #tpu.memory_space<hbm>>
    %dma_start3A_20 = tpu.memref_slice %arg5[%add3A_13] : memref<503808xi32, #tpu.memory_space<hbm>> -> memref<7872xi32, #tpu.memory_space<hbm>>
    tpu.enqueue_dma source(%dma_start3A_20 : memref<7872xi32, #tpu.memory_space<hbm>>) target(%arg13 : memref<7872xi32, #tpu.memory_space<vmem>>) target_semaphore(%arg20 : memref<!tpu.dma_semaphore, #tpu.memory_space<semaphore_mem>>)
    %dma_start3A_21 = tpu.memref_slice %arg6[%add3A_13] : memref<503808xf32, #tpu.memory_space<hbm>> -> memref<7872xf32, #tpu.memory_space<hbm>>
    %dma_start3A_22 = tpu.memref_slice %arg6[%add3A_13] : memref<503808xf32, #tpu.memory_space<hbm>> -> memref<7872xf32, #tpu.memory_space<hbm>>
    tpu.enqueue_dma source(%dma_start3A_22 : memref<7872xf32, #tpu.memory_space<hbm>>) target(%arg14 : memref<7872xf32, #tpu.memory_space<vmem>>) target_semaphore(%arg20 : memref<!tpu.dma_semaphore, #tpu.memory_space<semaphore_mem>>)
    %dma_start3A_23 = tpu.memref_slice %arg7[%add3A_13] : memref<503808xf32, #tpu.memory_space<hbm>> -> memref<7872xf32, #tpu.memory_space<hbm>>
    %dma_start3A_24 = tpu.memref_slice %arg7[%add3A_13] : memref<503808xf32, #tpu.memory_space<hbm>> -> memref<7872xf32, #tpu.memory_space<hbm>>
    tpu.enqueue_dma source(%dma_start3A_24 : memref<7872xf32, #tpu.memory_space<hbm>>) target(%arg15 : memref<7872xf32, #tpu.memory_space<vmem>>) target_semaphore(%arg20 : memref<!tpu.dma_semaphore, #tpu.memory_space<semaphore_mem>>)
    %dma_wait3A = tpu.memref_slice %arg2[%add3A_13] : memref<503808xi32, #tpu.memory_space<hbm>> -> memref<7872xi32, #tpu.memory_space<hbm>>
    %dma_wait3A_25 = tpu.memref_slice %arg2[%add3A_13] : memref<503808xi32, #tpu.memory_space<hbm>> -> memref<7872xi32, #tpu.memory_space<hbm>>
    tpu.wait_dma2 semaphore(%arg20 : memref<!tpu.dma_semaphore, #tpu.memory_space<semaphore_mem>>) src(%dma_wait3A_25 : memref<7872xi32, #tpu.memory_space<hbm>>) dst(%arg10 : memref<7872xi32, #tpu.memory_space<vmem>>)
    %dma_wait3A_26 = tpu.memref_slice %arg3[%add3A_13] : memref<503808xi32, #tpu.memory_space<hbm>> -> memref<7872xi32, #tpu.memory_space<hbm>>
    %dma_wait3A_27 = tpu.memref_slice %arg3[%add3A_13] : memref<503808xi32, #tpu.memory_space<hbm>> -> memref<7872xi32, #tpu.memory_space<hbm>>
    tpu.wait_dma2 semaphore(%arg20 : memref<!tpu.dma_semaphore, #tpu.memory_space<semaphore_mem>>) src(%dma_wait3A_27 : memref<7872xi32, #tpu.memory_space<hbm>>) dst(%arg11 : memref<7872xi32, #tpu.memory_space<vmem>>)
    %dma_wait3A_28 = tpu.memref_slice %arg4[%add3A_13] : memref<503808xi32, #tpu.memory_space<hbm>> -> memref<7872xi32, #tpu.memory_space<hbm>>
    %dma_wait3A_29 = tpu.memref_slice %arg4[%add3A_13] : memref<503808xi32, #tpu.memory_space<hbm>> -> memref<7872xi32, #tpu.memory_space<hbm>>
    tpu.wait_dma2 semaphore(%arg20 : memref<!tpu.dma_semaphore, #tpu.memory_space<semaphore_mem>>) src(%dma_wait3A_29 : memref<7872xi32, #tpu.memory_space<hbm>>) dst(%arg12 : memref<7872xi32, #tpu.memory_space<vmem>>)
    %dma_wait3A_30 = tpu.memref_slice %arg5[%add3A_13] : memref<503808xi32, #tpu.memory_space<hbm>> -> memref<7872xi32, #tpu.memory_space<hbm>>
    %dma_wait3A_31 = tpu.memref_slice %arg5[%add3A_13] : memref<503808xi32, #tpu.memory_space<hbm>> -> memref<7872xi32, #tpu.memory_space<hbm>>
    tpu.wait_dma2 semaphore(%arg20 : memref<!tpu.dma_semaphore, #tpu.memory_space<semaphore_mem>>) src(%dma_wait3A_31 : memref<7872xi32, #tpu.memory_space<hbm>>) dst(%arg13 : memref<7872xi32, #tpu.memory_space<vmem>>)
    %dma_wait3A_32 = tpu.memref_slice %arg6[%add3A_13] : memref<503808xf32, #tpu.memory_space<hbm>> -> memref<7872xf32, #tpu.memory_space<hbm>>
    %dma_wait3A_33 = tpu.memref_slice %arg6[%add3A_13] : memref<503808xf32, #tpu.memory_space<hbm>> -> memref<7872xf32, #tpu.memory_space<hbm>>
    tpu.wait_dma2 semaphore(%arg20 : memref<!tpu.dma_semaphore, #tpu.memory_space<semaphore_mem>>) src(%dma_wait3A_33 : memref<7872xf32, #tpu.memory_space<hbm>>) dst(%arg14 : memref<7872xf32, #tpu.memory_space<vmem>>)
    %dma_wait3A_34 = tpu.memref_slice %arg7[%add3A_13] : memref<503808xf32, #tpu.memory_space<hbm>> -> memref<7872xf32, #tpu.memory_space<hbm>>
    %dma_wait3A_35 = tpu.memref_slice %arg7[%add3A_13] : memref<503808xf32, #tpu.memory_space<hbm>> -> memref<7872xf32, #tpu.memory_space<hbm>>
    tpu.wait_dma2 semaphore(%arg20 : memref<!tpu.dma_semaphore, #tpu.memory_space<semaphore_mem>>) src(%dma_wait3A_35 : memref<7872xf32, #tpu.memory_space<hbm>>) dst(%arg15 : memref<7872xf32, #tpu.memory_space<vmem>>)
    %scan3A_36 = arith.constant 0 : i32
    %scan3A_37 = arith.constant 0 : i32
    %scan3A_38 = arith.constant 123 : i32
    %scan3A_39 = arith.addi %scan3A_37, %scan3A_38 : i32
    %scan3A_40 = arith.constant 1 : i32
    %scan3A_41 = scf.for %scan3A_110 = %scan3A_37 to %scan3A_39 step %scan3A_40 iter_args(%scan3A_111 = %scan3A_36) -> (i32)  : i32 {
      %mul3A_112 = arith.constant 4 : i32
      %mul3A_113 = arith.muli %scan3A_110, %mul3A_112 : i32
      %add3A_114 = arith.constant 0 : i32
      %add3A_115 = arith.addi %mul3A_113, %add3A_114 : i32
      %mul3A_116 = arith.constant 16 : i32
      %mul3A_117 = arith.muli %add3A_115, %mul3A_116 : i32
      %get3A = arith.index_cast %mul3A_117 : i32 to index
      %get3A_118 = tpu.vector_load %arg15[%get3A] {strides = array<i32>} : memref<7872xf32, #tpu.memory_space<vmem>>, vector<16xf32>,
      %get3A_119 = arith.index_cast %mul3A_117 : i32 to index
      %get3A_120 = tpu.vector_load %arg14[%get3A_119] {strides = array<i32>} : memref<7872xf32, #tpu.memory_space<vmem>>, vector<16xf32>,
      %sub3A = arith.subf %get3A_118, %get3A_120 : vector<16xf32>
      %abs3A = math.absf %sub3A : vector<16xf32>
      %le3A = arith.constant 5.000000e-01 : f32
      %le3A_121 = vector.broadcast %le3A : f32 to vector<16xf32>
      %le3A_122 = arith.cmpf ole, %abs3A, %le3A_121 : vector<16xf32>
      %get3A_123 = arith.index_cast %mul3A_117 : i32 to index
      %get3A_124 = tpu.vector_load %arg10[%get3A_123] {strides = array<i32>} : memref<7872xi32, #tpu.memory_space<vmem>>, vector<16xi32>,
      %mul3A_125 = arith.constant 4096 : i32
      %mul3A_126 = vector.broadcast %mul3A_125 : i32 to vector<16xi32>
      %mul3A_127 = arith.muli %get3A_124, %mul3A_126 : vector<16xi32>
      %get3A_128 = arith.index_cast %mul3A_117 : i32 to index
      %get3A_129 = tpu.vector_load %arg11[%get3A_128] {strides = array<i32>} : memref<7872xi32, #tpu.memory_space<vmem>>, vector<16xi32>,
      %add3A_130 = arith.addi %mul3A_127, %get3A_129 : vector<16xi32>
      %jit3A_131 = arith.constant -1 : i32
      %broadcast_in_dim3A_132 = vector.broadcast %jit3A_131 : i32 to vector<16xi32>
      %select_n3A_133 = arith.select %le3A_122, %add3A_130, %broadcast_in_dim3A_132 : vector<16xi1>, vector<16xi32>
      %get3A_134 = arith.index_cast %mul3A_117 : i32 to index
      %get3A_135 = tpu.vector_load %arg12[%get3A_134] {strides = array<i32>} : memref<7872xi32, #tpu.memory_space<vmem>>, vector<16xi32>,
      %mul3A_136 = arith.constant 4096 : i32
      %mul3A_137 = vector.broadcast %mul3A_136 : i32 to vector<16xi32>
      %mul3A_138 = arith.muli %get3A_135, %mul3A_137 : vector<16xi32>
      %get3A_139 = arith.index_cast %mul3A_117 : i32 to index
      %get3A_140 = tpu.vector_load %arg13[%get3A_139] {strides = array<i32>} : memref<7872xi32, #tpu.memory_space<vmem>>, vector<16xi32>,
      %add3A_141 = arith.addi %mul3A_138, %get3A_140 : vector<16xi32>
      %jit3A_142 = arith.constant -1 : i32
      %broadcast_in_dim3A_143 = vector.broadcast %jit3A_142 : i32 to vector<16xi32>
      %select_n3A_144 = arith.select %le3A_122, %add3A_141, %broadcast_in_dim3A_143 : vector<16xi1>, vector<16xi32>
      %mul3A_145 = arith.constant 16 : i32
      %mul3A_146 = arith.muli %add3A_115, %mul3A_145 : i32
      %add3A_147 = arith.constant 0 : i32
      %add3A_148 = arith.addi %add3A_147, %mul3A_146 : i32
      %swap3A = arith.index_cast %add3A_148 : i32 to index
      %swap3A_149 = tpu.vector_load %arg16[%swap3A] {strides = array<i32>} : memref<31488xi32, #tpu.memory_space<vmem>>, vector<16xi32>,
      tpu.vector_store %arg16[%swap3A], %select_n3A_133 {strides = array<i32>} : memref<31488xi32, #tpu.memory_space<vmem>>, vector<16xi32>,
      %mul3A_150 = arith.constant 16 : i32
      %mul3A_151 = arith.muli %add3A_115, %mul3A_150 : i32
      %add3A_152 = arith.constant 7872 : i32
      %add3A_153 = arith.addi %add3A_152, %mul3A_151 : i32
      %swap3A_154 = arith.index_cast %add3A_153 : i32 to index
      %swap3A_155 = tpu.vector_load %arg16[%swap3A_154] {strides = array<i32>} : memref<31488xi32, #tpu.memory_space<vmem>>, vector<16xi32>,
      tpu.vector_store %arg16[%swap3A_154], %select_n3A_144 {strides = array<i32>} : memref<31488xi32, #tpu.memory_space<vmem>>, vector<16xi32>,
      %shift_right_arithmetic3A = arith.constant 15 : i32
      %shift_right_arithmetic3A_156 = vector.broadcast %shift_right_arithmetic3A : i32 to vector<16xi32>
      %shift_right_arithmetic3A_157 = arith.shrsi %select_n3A_133, %shift_right_arithmetic3A_156 : vector<16xi32>
      %mul3A_158 = arith.constant 16 : i32
      %mul3A_159 = vector.broadcast %mul3A_158 : i32 to vector<16xi32>
      %mul3A_160 = arith.muli %shift_right_arithmetic3A_157, %mul3A_159 : vector<16xi32>
      %add3A_161 = arith.addi %mul3A_160, %iota3A : vector<16xi32>
      %shift_right_arithmetic3A_162 = arith.constant 15 : i32
      %shift_right_arithmetic3A_163 = vector.broadcast %shift_right_arithmetic3A_162 : i32 to vector<16xi32>
      %shift_right_arithmetic3A_164 = arith.shrsi %select_n3A_144, %shift_right_arithmetic3A_163 : vector<16xi32>
      %mul3A_165 = arith.constant 16 : i32
      %mul3A_166 = vector.broadcast %mul3A_165 : i32 to vector<16xi32>
      %mul3A_167 = arith.muli %shift_right_arithmetic3A_164, %mul3A_166 : vector<16xi32>
      %add3A_168 = arith.addi %mul3A_167, %iota3A : vector<16xi32>
      %jit3A_169 = arith.constant 0 : i32
      %broadcast_in_dim3A_170 = vector.broadcast %jit3A_169 : i32 to vector<16xi32>
      %select_n3A_171 = arith.select %le3A_122, %add3A_161, %broadcast_in_dim3A_170 : vector<16xi1>, vector<16xi32>
      tpu.vector_store_idx %arg18[%select_n3A_171], %broadcast_in_dim3A_3 masked %le3A_122 {add = true} : memref<8192xi32, #tpu.memory_space<vmem>>[vector<16xi32>], vector<16xi32>, vector<16xi1>
      %jit3A_172 = arith.constant 0 : i32
      %broadcast_in_dim3A_173 = vector.broadcast %jit3A_172 : i32 to vector<16xi32>
      %select_n3A_174 = arith.select %le3A_122, %add3A_168, %broadcast_in_dim3A_173 : vector<16xi1>, vector<16xi32>
      tpu.vector_store_idx %arg18[%select_n3A_174], %broadcast_in_dim3A_3 masked %le3A_122 {add = true} : memref<8192xi32, #tpu.memory_space<vmem>>[vector<16xi32>], vector<16xi32>, vector<16xi1>
      %mul3A_175 = arith.constant 4 : i32
      %mul3A_176 = arith.muli %scan3A_110, %mul3A_175 : i32
      %add3A_177 = arith.constant 1 : i32
      %add3A_178 = arith.addi %mul3A_176, %add3A_177 : i32
      %mul3A_179 = arith.constant 16 : i32
      %mul3A_180 = arith.muli %add3A_178, %mul3A_179 : i32
      %get3A_181 = arith.index_cast %mul3A_180 : i32 to index
      %get3A_182 = tpu.vector_load %arg15[%get3A_181] {strides = array<i32>} : memref<7872xf32, #tpu.memory_space<vmem>>, vector<16xf32>,
      %get3A_183 = arith.index_cast %mul3A_180 : i32 to index
      %get3A_184 = tpu.vector_load %arg14[%get3A_183] {strides = array<i32>} : memref<7872xf32, #tpu.memory_space<vmem>>, vector<16xf32>,
      %sub3A_185 = arith.subf %get3A_182, %get3A_184 : vector<16xf32>
      %abs3A_186 = math.absf %sub3A_185 : vector<16xf32>
      %le3A_187 = arith.constant 5.000000e-01 : f32
      %le3A_188 = vector.broadcast %le3A_187 : f32 to vector<16xf32>
      %le3A_189 = arith.cmpf ole, %abs3A_186, %le3A_188 : vector<16xf32>
      %get3A_190 = arith.index_cast %mul3A_180 : i32 to index
      %get3A_191 = tpu.vector_load %arg10[%get3A_190] {strides = array<i32>} : memref<7872xi32, #tpu.memory_space<vmem>>, vector<16xi32>,
      %mul3A_192 = arith.constant 4096 : i32
      %mul3A_193 = vector.broadcast %mul3A_192 : i32 to vector<16xi32>
      %mul3A_194 = arith.muli %get3A_191, %mul3A_193 : vector<16xi32>
      %get3A_195 = arith.index_cast %mul3A_180 : i32 to index
      %get3A_196 = tpu.vector_load %arg11[%get3A_195] {strides = array<i32>} : memref<7872xi32, #tpu.memory_space<vmem>>, vector<16xi32>,
      %add3A_197 = arith.addi %mul3A_194, %get3A_196 : vector<16xi32>
      %jit3A_198 = arith.constant -1 : i32
      %broadcast_in_dim3A_199 = vector.broadcast %jit3A_198 : i32 to vector<16xi32>
      %select_n3A_200 = arith.select %le3A_189, %add3A_197, %broadcast_in_dim3A_199 : vector<16xi1>, vector<16xi32>
      %get3A_201 = arith.index_cast %mul3A_180 : i32 to index
      %get3A_202 = tpu.vector_load %arg12[%get3A_201] {strides = array<i32>} : memref<7872xi32, #tpu.memory_space<vmem>>, vector<16xi32>,
      %mul3A_203 = arith.constant 4096 : i32
      %mul3A_204 = vector.broadcast %mul3A_203 : i32 to vector<16xi32>
      %mul3A_205 = arith.muli %get3A_202, %mul3A_204 : vector<16xi32>
      %get3A_206 = arith.index_cast %mul3A_180 : i32 to index
      %get3A_207 = tpu.vector_load %arg13[%get3A_206] {strides = array<i32>} : memref<7872xi32, #tpu.memory_space<vmem>>, vector<16xi32>,
      %add3A_208 = arith.addi %mul3A_205, %get3A_207 : vector<16xi32>
      %jit3A_209 = arith.constant -1 : i32
      %broadcast_in_dim3A_210 = vector.broadcast %jit3A_209 : i32 to vector<16xi32>
      %select_n3A_211 = arith.select %le3A_189, %add3A_208, %broadcast_in_dim3A_210 : vector<16xi1>, vector<16xi32>
      %mul3A_212 = arith.constant 16 : i32
      %mul3A_213 = arith.muli %add3A_178, %mul3A_212 : i32
      %add3A_214 = arith.constant 0 : i32
      %add3A_215 = arith.addi %add3A_214, %mul3A_213 : i32
      %swap3A_216 = arith.index_cast %add3A_215 : i32 to index
      %swap3A_217 = tpu.vector_load %arg16[%swap3A_216] {strides = array<i32>} : memref<31488xi32, #tpu.memory_space<vmem>>, vector<16xi32>,
      tpu.vector_store %arg16[%swap3A_216], %select_n3A_200 {strides = array<i32>} : memref<31488xi32, #tpu.memory_space<vmem>>, vector<16xi32>,
      %mul3A_218 = arith.constant 16 : i32
      %mul3A_219 = arith.muli %add3A_178, %mul3A_218 : i32
      %add3A_220 = arith.constant 7872 : i32
      %add3A_221 = arith.addi %add3A_220, %mul3A_219 : i32
      %swap3A_222 = arith.index_cast %add3A_221 : i32 to index
      %swap3A_223 = tpu.vector_load %arg16[%swap3A_222] {strides = array<i32>} : memref<31488xi32, #tpu.memory_space<vmem>>, vector<16xi32>,
      tpu.vector_store %arg16[%swap3A_222], %select_n3A_211 {strides = array<i32>} : memref<31488xi32, #tpu.memory_space<vmem>>, vector<16xi32>,
      %shift_right_arithmetic3A_224 = arith.constant 15 : i32
      %shift_right_arithmetic3A_225 = vector.broadcast %shift_right_arithmetic3A_224 : i32 to vector<16xi32>
      %shift_right_arithmetic3A_226 = arith.shrsi %select_n3A_200, %shift_right_arithmetic3A_225 : vector<16xi32>
      %mul3A_227 = arith.constant 16 : i32
      %mul3A_228 = vector.broadcast %mul3A_227 : i32 to vector<16xi32>
      %mul3A_229 = arith.muli %shift_right_arithmetic3A_226, %mul3A_228 : vector<16xi32>
      %add3A_230 = arith.addi %mul3A_229, %iota3A : vector<16xi32>
      %shift_right_arithmetic3A_231 = arith.constant 15 : i32
      %shift_right_arithmetic3A_232 = vector.broadcast %shift_right_arithmetic3A_231 : i32 to vector<16xi32>
      %shift_right_arithmetic3A_233 = arith.shrsi %select_n3A_211, %shift_right_arithmetic3A_232 : vector<16xi32>
      %mul3A_234 = arith.constant 16 : i32
      %mul3A_235 = vector.broadcast %mul3A_234 : i32 to vector<16xi32>
      %mul3A_236 = arith.muli %shift_right_arithmetic3A_233, %mul3A_235 : vector<16xi32>
      %add3A_237 = arith.addi %mul3A_236, %iota3A : vector<16xi32>
      %jit3A_238 = arith.constant 0 : i32
      %broadcast_in_dim3A_239 = vector.broadcast %jit3A_238 : i32 to vector<16xi32>
      %select_n3A_240 = arith.select %le3A_189, %add3A_230, %broadcast_in_dim3A_239 : vector<16xi1>, vector<16xi32>
      tpu.vector_store_idx %arg18[%select_n3A_240], %broadcast_in_dim3A_3 masked %le3A_189 {add = true} : memref<8192xi32, #tpu.memory_space<vmem>>[vector<16xi32>], vector<16xi32>, vector<16xi1>
      %jit3A_241 = arith.constant 0 : i32
      %broadcast_in_dim3A_242 = vector.broadcast %jit3A_241 : i32 to vector<16xi32>
      %select_n3A_243 = arith.select %le3A_189, %add3A_237, %broadcast_in_dim3A_242 : vector<16xi1>, vector<16xi32>
      tpu.vector_store_idx %arg18[%select_n3A_243], %broadcast_in_dim3A_3 masked %le3A_189 {add = true} : memref<8192xi32, #tpu.memory_space<vmem>>[vector<16xi32>], vector<16xi32>, vector<16xi1>
      %mul3A_244 = arith.constant 4 : i32
      %mul3A_245 = arith.muli %scan3A_110, %mul3A_244 : i32
      %add3A_246 = arith.constant 2 : i32
      %add3A_247 = arith.addi %mul3A_245, %add3A_246 : i32
      %mul3A_248 = arith.constant 16 : i32
      %mul3A_249 = arith.muli %add3A_247, %mul3A_248 : i32
      %get3A_250 = arith.index_cast %mul3A_249 : i32 to index
      %get3A_251 = tpu.vector_load %arg15[%get3A_250] {strides = array<i32>} : memref<7872xf32, #tpu.memory_space<vmem>>, vector<16xf32>,
      %get3A_252 = arith.index_cast %mul3A_249 : i32 to index
      %get3A_253 = tpu.vector_load %arg14[%get3A_252] {strides = array<i32>} : memref<7872xf32, #tpu.memory_space<vmem>>, vector<16xf32>,
      %sub3A_254 = arith.subf %get3A_251, %get3A_253 : vector<16xf32>
      %abs3A_255 = math.absf %sub3A_254 : vector<16xf32>
      %le3A_256 = arith.constant 5.000000e-01 : f32
      %le3A_257 = vector.broadcast %le3A_256 : f32 to vector<16xf32>
      %le3A_258 = arith.cmpf ole, %abs3A_255, %le3A_257 : vector<16xf32>
      %get3A_259 = arith.index_cast %mul3A_249 : i32 to index
      %get3A_260 = tpu.vector_load %arg10[%get3A_259] {strides = array<i32>} : memref<7872xi32, #tpu.memory_space<vmem>>, vector<16xi32>,
      %mul3A_261 = arith.constant 4096 : i32
      %mul3A_262 = vector.broadcast %mul3A_261 : i32 to vector<16xi32>
      %mul3A_263 = arith.muli %get3A_260, %mul3A_262 : vector<16xi32>
      %get3A_264 = arith.index_cast %mul3A_249 : i32 to index
      %get3A_265 = tpu.vector_load %arg11[%get3A_264] {strides = array<i32>} : memref<7872xi32, #tpu.memory_space<vmem>>, vector<16xi32>,
      %add3A_266 = arith.addi %mul3A_263, %get3A_265 : vector<16xi32>
      %jit3A_267 = arith.constant -1 : i32
      %broadcast_in_dim3A_268 = vector.broadcast %jit3A_267 : i32 to vector<16xi32>
      %select_n3A_269 = arith.select %le3A_258, %add3A_266, %broadcast_in_dim3A_268 : vector<16xi1>, vector<16xi32>
      %get3A_270 = arith.index_cast %mul3A_249 : i32 to index
      %get3A_271 = tpu.vector_load %arg12[%get3A_270] {strides = array<i32>} : memref<7872xi32, #tpu.memory_space<vmem>>, vector<16xi32>,
      %mul3A_272 = arith.constant 4096 : i32
      %mul3A_273 = vector.broadcast %mul3A_272 : i32 to vector<16xi32>
      %mul3A_274 = arith.muli %get3A_271, %mul3A_273 : vector<16xi32>
      %get3A_275 = arith.index_cast %mul3A_249 : i32 to index
      %get3A_276 = tpu.vector_load %arg13[%get3A_275] {strides = array<i32>} : memref<7872xi32, #tpu.memory_space<vmem>>, vector<16xi32>,
      %add3A_277 = arith.addi %mul3A_274, %get3A_276 : vector<16xi32>
      %jit3A_278 = arith.constant -1 : i32
      %broadcast_in_dim3A_279 = vector.broadcast %jit3A_278 : i32 to vector<16xi32>
      %select_n3A_280 = arith.select %le3A_258, %add3A_277, %broadcast_in_dim3A_279 : vector<16xi1>, vector<16xi32>
      %mul3A_281 = arith.constant 16 : i32
      %mul3A_282 = arith.muli %add3A_247, %mul3A_281 : i32
      %add3A_283 = arith.constant 0 : i32
      %add3A_284 = arith.addi %add3A_283, %mul3A_282 : i32
      %swap3A_285 = arith.index_cast %add3A_284 : i32 to index
      %swap3A_286 = tpu.vector_load %arg16[%swap3A_285] {strides = array<i32>} : memref<31488xi32, #tpu.memory_space<vmem>>, vector<16xi32>,
      tpu.vector_store %arg16[%swap3A_285], %select_n3A_269 {strides = array<i32>} : memref<31488xi32, #tpu.memory_space<vmem>>, vector<16xi32>,
      %mul3A_287 = arith.constant 16 : i32
      %mul3A_288 = arith.muli %add3A_247, %mul3A_287 : i32
      %add3A_289 = arith.constant 7872 : i32
      %add3A_290 = arith.addi %add3A_289, %mul3A_288 : i32
      %swap3A_291 = arith.index_cast %add3A_290 : i32 to index
      %swap3A_292 = tpu.vector_load %arg16[%swap3A_291] {strides = array<i32>} : memref<31488xi32, #tpu.memory_space<vmem>>, vector<16xi32>,
      tpu.vector_store %arg16[%swap3A_291], %select_n3A_280 {strides = array<i32>} : memref<31488xi32, #tpu.memory_space<vmem>>, vector<16xi32>,
      %shift_right_arithmetic3A_293 = arith.constant 15 : i32
      %shift_right_arithmetic3A_294 = vector.broadcast %shift_right_arithmetic3A_293 : i32 to vector<16xi32>
      %shift_right_arithmetic3A_295 = arith.shrsi %select_n3A_269, %shift_right_arithmetic3A_294 : vector<16xi32>
      %mul3A_296 = arith.constant 16 : i32
      %mul3A_297 = vector.broadcast %mul3A_296 : i32 to vector<16xi32>
      %mul3A_298 = arith.muli %shift_right_arithmetic3A_295, %mul3A_297 : vector<16xi32>
      %add3A_299 = arith.addi %mul3A_298, %iota3A : vector<16xi32>
      %shift_right_arithmetic3A_300 = arith.constant 15 : i32
      %shift_right_arithmetic3A_301 = vector.broadcast %shift_right_arithmetic3A_300 : i32 to vector<16xi32>
      %shift_right_arithmetic3A_302 = arith.shrsi %select_n3A_280, %shift_right_arithmetic3A_301 : vector<16xi32>
      %mul3A_303 = arith.constant 16 : i32
      %mul3A_304 = vector.broadcast %mul3A_303 : i32 to vector<16xi32>
      %mul3A_305 = arith.muli %shift_right_arithmetic3A_302, %mul3A_304 : vector<16xi32>
      %add3A_306 = arith.addi %mul3A_305, %iota3A : vector<16xi32>
      %jit3A_307 = arith.constant 0 : i32
      %broadcast_in_dim3A_308 = vector.broadcast %jit3A_307 : i32 to vector<16xi32>
      %select_n3A_309 = arith.select %le3A_258, %add3A_299, %broadcast_in_dim3A_308 : vector<16xi1>, vector<16xi32>
      tpu.vector_store_idx %arg18[%select_n3A_309], %broadcast_in_dim3A_3 masked %le3A_258 {add = true} : memref<8192xi32, #tpu.memory_space<vmem>>[vector<16xi32>], vector<16xi32>, vector<16xi1>
      %jit3A_310 = arith.constant 0 : i32
      %broadcast_in_dim3A_311 = vector.broadcast %jit3A_310 : i32 to vector<16xi32>
      %select_n3A_312 = arith.select %le3A_258, %add3A_306, %broadcast_in_dim3A_311 : vector<16xi1>, vector<16xi32>
      tpu.vector_store_idx %arg18[%select_n3A_312], %broadcast_in_dim3A_3 masked %le3A_258 {add = true} : memref<8192xi32, #tpu.memory_space<vmem>>[vector<16xi32>], vector<16xi32>, vector<16xi1>
      %mul3A_313 = arith.constant 4 : i32
      %mul3A_314 = arith.muli %scan3A_110, %mul3A_313 : i32
      %add3A_315 = arith.constant 3 : i32
      %add3A_316 = arith.addi %mul3A_314, %add3A_315 : i32
      %mul3A_317 = arith.constant 16 : i32
      %mul3A_318 = arith.muli %add3A_316, %mul3A_317 : i32
      %get3A_319 = arith.index_cast %mul3A_318 : i32 to index
      %get3A_320 = tpu.vector_load %arg15[%get3A_319] {strides = array<i32>} : memref<7872xf32, #tpu.memory_space<vmem>>, vector<16xf32>,
      %get3A_321 = arith.index_cast %mul3A_318 : i32 to index
      %get3A_322 = tpu.vector_load %arg14[%get3A_321] {strides = array<i32>} : memref<7872xf32, #tpu.memory_space<vmem>>, vector<16xf32>,
      %sub3A_323 = arith.subf %get3A_320, %get3A_322 : vector<16xf32>
      %abs3A_324 = math.absf %sub3A_323 : vector<16xf32>
      %le3A_325 = arith.constant 5.000000e-01 : f32
      %le3A_326 = vector.broadcast %le3A_325 : f32 to vector<16xf32>
      %le3A_327 = arith.cmpf ole, %abs3A_324, %le3A_326 : vector<16xf32>
      %get3A_328 = arith.index_cast %mul3A_318 : i32 to index
      %get3A_329 = tpu.vector_load %arg10[%get3A_328] {strides = array<i32>} : memref<7872xi32, #tpu.memory_space<vmem>>, vector<16xi32>,
      %mul3A_330 = arith.constant 4096 : i32
      %mul3A_331 = vector.broadcast %mul3A_330 : i32 to vector<16xi32>
      %mul3A_332 = arith.muli %get3A_329, %mul3A_331 : vector<16xi32>
      %get3A_333 = arith.index_cast %mul3A_318 : i32 to index
      %get3A_334 = tpu.vector_load %arg11[%get3A_333] {strides = array<i32>} : memref<7872xi32, #tpu.memory_space<vmem>>, vector<16xi32>,
      %add3A_335 = arith.addi %mul3A_332, %get3A_334 : vector<16xi32>
      %jit3A_336 = arith.constant -1 : i32
      %broadcast_in_dim3A_337 = vector.broadcast %jit3A_336 : i32 to vector<16xi32>
      %select_n3A_338 = arith.select %le3A_327, %add3A_335, %broadcast_in_dim3A_337 : vector<16xi1>, vector<16xi32>
      %get3A_339 = arith.index_cast %mul3A_318 : i32 to index
      %get3A_340 = tpu.vector_load %arg12[%get3A_339] {strides = array<i32>} : memref<7872xi32, #tpu.memory_space<vmem>>, vector<16xi32>,
      %mul3A_341 = arith.constant 4096 : i32
      %mul3A_342 = vector.broadcast %mul3A_341 : i32 to vector<16xi32>
      %mul3A_343 = arith.muli %get3A_340, %mul3A_342 : vector<16xi32>
      %get3A_344 = arith.index_cast %mul3A_318 : i32 to index
      %get3A_345 = tpu.vector_load %arg13[%get3A_344] {strides = array<i32>} : memref<7872xi32, #tpu.memory_space<vmem>>, vector<16xi32>,
      %add3A_346 = arith.addi %mul3A_343, %get3A_345 : vector<16xi32>
      %jit3A_347 = arith.constant -1 : i32
      %broadcast_in_dim3A_348 = vector.broadcast %jit3A_347 : i32 to vector<16xi32>
      %select_n3A_349 = arith.select %le3A_327, %add3A_346, %broadcast_in_dim3A_348 : vector<16xi1>, vector<16xi32>
      %mul3A_350 = arith.constant 16 : i32
      %mul3A_351 = arith.muli %add3A_316, %mul3A_350 : i32
      %add3A_352 = arith.constant 0 : i32
      %add3A_353 = arith.addi %add3A_352, %mul3A_351 : i32
      %swap3A_354 = arith.index_cast %add3A_353 : i32 to index
      %swap3A_355 = tpu.vector_load %arg16[%swap3A_354] {strides = array<i32>} : memref<31488xi32, #tpu.memory_space<vmem>>, vector<16xi32>,
      tpu.vector_store %arg16[%swap3A_354], %select_n3A_338 {strides = array<i32>} : memref<31488xi32, #tpu.memory_space<vmem>>, vector<16xi32>,
      %mul3A_356 = arith.constant 16 : i32
      %mul3A_357 = arith.muli %add3A_316, %mul3A_356 : i32
      %add3A_358 = arith.constant 7872 : i32
      %add3A_359 = arith.addi %add3A_358, %mul3A_357 : i32
      %swap3A_360 = arith.index_cast %add3A_359 : i32 to index
      %swap3A_361 = tpu.vector_load %arg16[%swap3A_360] {strides = array<i32>} : memref<31488xi32, #tpu.memory_space<vmem>>, vector<16xi32>,
      tpu.vector_store %arg16[%swap3A_360], %select_n3A_349 {strides = array<i32>} : memref<31488xi32, #tpu.memory_space<vmem>>, vector<16xi32>,
      %shift_right_arithmetic3A_362 = arith.constant 15 : i32
      %shift_right_arithmetic3A_363 = vector.broadcast %shift_right_arithmetic3A_362 : i32 to vector<16xi32>
      %shift_right_arithmetic3A_364 = arith.shrsi %select_n3A_338, %shift_right_arithmetic3A_363 : vector<16xi32>
      %mul3A_365 = arith.constant 16 : i32
      %mul3A_366 = vector.broadcast %mul3A_365 : i32 to vector<16xi32>
      %mul3A_367 = arith.muli %shift_right_arithmetic3A_364, %mul3A_366 : vector<16xi32>
      %add3A_368 = arith.addi %mul3A_367, %iota3A : vector<16xi32>
      %shift_right_arithmetic3A_369 = arith.constant 15 : i32
      %shift_right_arithmetic3A_370 = vector.broadcast %shift_right_arithmetic3A_369 : i32 to vector<16xi32>
      %shift_right_arithmetic3A_371 = arith.shrsi %select_n3A_349, %shift_right_arithmetic3A_370 : vector<16xi32>
      %mul3A_372 = arith.constant 16 : i32
      %mul3A_373 = vector.broadcast %mul3A_372 : i32 to vector<16xi32>
      %mul3A_374 = arith.muli %shift_right_arithmetic3A_371, %mul3A_373 : vector<16xi32>
      %add3A_375 = arith.addi %mul3A_374, %iota3A : vector<16xi32>
      %jit3A_376 = arith.constant 0 : i32
      %broadcast_in_dim3A_377 = vector.broadcast %jit3A_376 : i32 to vector<16xi32>
      %select_n3A_378 = arith.select %le3A_327, %add3A_368, %broadcast_in_dim3A_377 : vector<16xi1>, vector<16xi32>
      tpu.vector_store_idx %arg18[%select_n3A_378], %broadcast_in_dim3A_3 masked %le3A_327 {add = true} : memref<8192xi32, #tpu.memory_space<vmem>>[vector<16xi32>], vector<16xi32>, vector<16xi1>
      %jit3A_379 = arith.constant 0 : i32
      %broadcast_in_dim3A_380 = vector.broadcast %jit3A_379 : i32 to vector<16xi32>
      %select_n3A_381 = arith.select %le3A_327, %add3A_375, %broadcast_in_dim3A_380 : vector<16xi1>, vector<16xi32>
      tpu.vector_store_idx %arg18[%select_n3A_381], %broadcast_in_dim3A_3 masked %le3A_327 {add = true} : memref<8192xi32, #tpu.memory_space<vmem>>[vector<16xi32>], vector<16xi32>, vector<16xi1>
      %scan3A_382 = arith.constant 0 : i32
      scf.yield %scan3A_382 : i32
    }
    %scan3A_42 = arith.constant 123 : i32
    %add3A_43 = arith.constant 7872 : i32
    %add3A_44 = arith.addi %mul3A_2, %add3A_43 : i32
    %dma_start3A_45 = tpu.memref_slice %arg2[%add3A_44] : memref<503808xi32, #tpu.memory_space<hbm>> -> memref<7872xi32, #tpu.memory_space<hbm>>
    %dma_start3A_46 = tpu.memref_slice %arg2[%add3A_44] : memref<503808xi32, #tpu.memory_space<hbm>> -> memref<7872xi32, #tpu.memory_space<hbm>>
    tpu.enqueue_dma source(%dma_start3A_46 : memref<7872xi32, #tpu.memory_space<hbm>>) target(%arg10 : memref<7872xi32, #tpu.memory_space<vmem>>) target_semaphore(%arg20 : memref<!tpu.dma_semaphore, #tpu.memory_space<semaphore_mem>>)
    %dma_start3A_47 = tpu.memref_slice %arg3[%add3A_44] : memref<503808xi32, #tpu.memory_space<hbm>> -> memref<7872xi32, #tpu.memory_space<hbm>>
    %dma_start3A_48 = tpu.memref_slice %arg3[%add3A_44] : memref<503808xi32, #tpu.memory_space<hbm>> -> memref<7872xi32, #tpu.memory_space<hbm>>
    tpu.enqueue_dma source(%dma_start3A_48 : memref<7872xi32, #tpu.memory_space<hbm>>) target(%arg11 : memref<7872xi32, #tpu.memory_space<vmem>>) target_semaphore(%arg20 : memref<!tpu.dma_semaphore, #tpu.memory_space<semaphore_mem>>)
    %dma_start3A_49 = tpu.memref_slice %arg4[%add3A_44] : memref<503808xi32, #tpu.memory_space<hbm>> -> memref<7872xi32, #tpu.memory_space<hbm>>
    %dma_start3A_50 = tpu.memref_slice %arg4[%add3A_44] : memref<503808xi32, #tpu.memory_space<hbm>> -> memref<7872xi32, #tpu.memory_space<hbm>>
    tpu.enqueue_dma source(%dma_start3A_50 : memref<7872xi32, #tpu.memory_space<hbm>>) target(%arg12 : memref<7872xi32, #tpu.memory_space<vmem>>) target_semaphore(%arg20 : memref<!tpu.dma_semaphore, #tpu.memory_space<semaphore_mem>>)
    %dma_start3A_51 = tpu.memref_slice %arg5[%add3A_44] : memref<503808xi32, #tpu.memory_space<hbm>> -> memref<7872xi32, #tpu.memory_space<hbm>>
    %dma_start3A_52 = tpu.memref_slice %arg5[%add3A_44] : memref<503808xi32, #tpu.memory_space<hbm>> -> memref<7872xi32, #tpu.memory_space<hbm>>
    tpu.enqueue_dma source(%dma_start3A_52 : memref<7872xi32, #tpu.memory_space<hbm>>) target(%arg13 : memref<7872xi32, #tpu.memory_space<vmem>>) target_semaphore(%arg20 : memref<!tpu.dma_semaphore, #tpu.memory_space<semaphore_mem>>)
    %dma_start3A_53 = tpu.memref_slice %arg6[%add3A_44] : memref<503808xf32, #tpu.memory_space<hbm>> -> memref<7872xf32, #tpu.memory_space<hbm>>
    %dma_start3A_54 = tpu.memref_slice %arg6[%add3A_44] : memref<503808xf32, #tpu.memory_space<hbm>> -> memref<7872xf32, #tpu.memory_space<hbm>>
    tpu.enqueue_dma source(%dma_start3A_54 : memref<7872xf32, #tpu.memory_space<hbm>>) target(%arg14 : memref<7872xf32, #tpu.memory_space<vmem>>) target_semaphore(%arg20 : memref<!tpu.dma_semaphore, #tpu.memory_space<semaphore_mem>>)
    %dma_start3A_55 = tpu.memref_slice %arg7[%add3A_44] : memref<503808xf32, #tpu.memory_space<hbm>> -> memref<7872xf32, #tpu.memory_space<hbm>>
    %dma_start3A_56 = tpu.memref_slice %arg7[%add3A_44] : memref<503808xf32, #tpu.memory_space<hbm>> -> memref<7872xf32, #tpu.memory_space<hbm>>
    tpu.enqueue_dma source(%dma_start3A_56 : memref<7872xf32, #tpu.memory_space<hbm>>) target(%arg15 : memref<7872xf32, #tpu.memory_space<vmem>>) target_semaphore(%arg20 : memref<!tpu.dma_semaphore, #tpu.memory_space<semaphore_mem>>)
    %dma_wait3A_57 = tpu.memref_slice %arg2[%add3A_44] : memref<503808xi32, #tpu.memory_space<hbm>> -> memref<7872xi32, #tpu.memory_space<hbm>>
    %dma_wait3A_58 = tpu.memref_slice %arg2[%add3A_44] : memref<503808xi32, #tpu.memory_space<hbm>> -> memref<7872xi32, #tpu.memory_space<hbm>>
    tpu.wait_dma2 semaphore(%arg20 : memref<!tpu.dma_semaphore, #tpu.memory_space<semaphore_mem>>) src(%dma_wait3A_58 : memref<7872xi32, #tpu.memory_space<hbm>>) dst(%arg10 : memref<7872xi32, #tpu.memory_space<vmem>>)
    %dma_wait3A_59 = tpu.memref_slice %arg3[%add3A_44] : memref<503808xi32, #tpu.memory_space<hbm>> -> memref<7872xi32, #tpu.memory_space<hbm>>
    %dma_wait3A_60 = tpu.memref_slice %arg3[%add3A_44] : memref<503808xi32, #tpu.memory_space<hbm>> -> memref<7872xi32, #tpu.memory_space<hbm>>
    tpu.wait_dma2 semaphore(%arg20 : memref<!tpu.dma_semaphore, #tpu.memory_space<semaphore_mem>>) src(%dma_wait3A_60 : memref<7872xi32, #tpu.memory_space<hbm>>) dst(%arg11 : memref<7872xi32, #tpu.memory_space<vmem>>)
    %dma_wait3A_61 = tpu.memref_slice %arg4[%add3A_44] : memref<503808xi32, #tpu.memory_space<hbm>> -> memref<7872xi32, #tpu.memory_space<hbm>>
    %dma_wait3A_62 = tpu.memref_slice %arg4[%add3A_44] : memref<503808xi32, #tpu.memory_space<hbm>> -> memref<7872xi32, #tpu.memory_space<hbm>>
    tpu.wait_dma2 semaphore(%arg20 : memref<!tpu.dma_semaphore, #tpu.memory_space<semaphore_mem>>) src(%dma_wait3A_62 : memref<7872xi32, #tpu.memory_space<hbm>>) dst(%arg12 : memref<7872xi32, #tpu.memory_space<vmem>>)
    %dma_wait3A_63 = tpu.memref_slice %arg5[%add3A_44] : memref<503808xi32, #tpu.memory_space<hbm>> -> memref<7872xi32, #tpu.memory_space<hbm>>
    %dma_wait3A_64 = tpu.memref_slice %arg5[%add3A_44] : memref<503808xi32, #tpu.memory_space<hbm>> -> memref<7872xi32, #tpu.memory_space<hbm>>
    tpu.wait_dma2 semaphore(%arg20 : memref<!tpu.dma_semaphore, #tpu.memory_space<semaphore_mem>>) src(%dma_wait3A_64 : memref<7872xi32, #tpu.memory_space<hbm>>) dst(%arg13 : memref<7872xi32, #tpu.memory_space<vmem>>)
    %dma_wait3A_65 = tpu.memref_slice %arg6[%add3A_44] : memref<503808xf32, #tpu.memory_space<hbm>> -> memref<7872xf32, #tpu.memory_space<hbm>>
    %dma_wait3A_66 = tpu.memref_slice %arg6[%add3A_44] : memref<503808xf32, #tpu.memory_space<hbm>> -> memref<7872xf32, #tpu.memory_space<hbm>>
    tpu.wait_dma2 semaphore(%arg20 : memref<!tpu.dma_semaphore, #tpu.memory_space<semaphore_mem>>) src(%dma_wait3A_66 : memref<7872xf32, #tpu.memory_space<hbm>>) dst(%arg14 : memref<7872xf32, #tpu.memory_space<vmem>>)
    %dma_wait3A_67 = tpu.memref_slice %arg7[%add3A_44] : memref<503808xf32, #tpu.memory_space<hbm>> -> memref<7872xf32, #tpu.memory_space<hbm>>
    %dma_wait3A_68 = tpu.memref_slice %arg7[%add3A_44] : memref<503808xf32, #tpu.memory_space<hbm>> -> memref<7872xf32, #tpu.memory_space<hbm>>
    tpu.wait_dma2 semaphore(%arg20 : memref<!tpu.dma_semaphore, #tpu.memory_space<semaphore_mem>>) src(%dma_wait3A_68 : memref<7872xf32, #tpu.memory_space<hbm>>) dst(%arg15 : memref<7872xf32, #tpu.memory_space<vmem>>)
    %scan3A_69 = arith.constant 0 : i32
    %scan3A_70 = arith.constant 0 : i32
    %scan3A_71 = arith.constant 123 : i32
    %scan3A_72 = arith.addi %scan3A_70, %scan3A_71 : i32
    %scan3A_73 = arith.constant 1 : i32
    %scan3A_74 = scf.for %scan3A_110 = %scan3A_70 to %scan3A_72 step %scan3A_73 iter_args(%scan3A_111 = %scan3A_69) -> (i32)  : i32 {
      %mul3A_112 = arith.constant 4 : i32
      %mul3A_113 = arith.muli %scan3A_110, %mul3A_112 : i32
      %add3A_114 = arith.constant 0 : i32
      %add3A_115 = arith.addi %mul3A_113, %add3A_114 : i32
      %mul3A_116 = arith.constant 16 : i32
      %mul3A_117 = arith.muli %add3A_115, %mul3A_116 : i32
      %get3A = arith.index_cast %mul3A_117 : i32 to index
      %get3A_118 = tpu.vector_load %arg15[%get3A] {strides = array<i32>} : memref<7872xf32, #tpu.memory_space<vmem>>, vector<16xf32>,
      %get3A_119 = arith.index_cast %mul3A_117 : i32 to index
      %get3A_120 = tpu.vector_load %arg14[%get3A_119] {strides = array<i32>} : memref<7872xf32, #tpu.memory_space<vmem>>, vector<16xf32>,
      %sub3A = arith.subf %get3A_118, %get3A_120 : vector<16xf32>
      %abs3A = math.absf %sub3A : vector<16xf32>
      %le3A = arith.constant 5.000000e-01 : f32
      %le3A_121 = vector.broadcast %le3A : f32 to vector<16xf32>
      %le3A_122 = arith.cmpf ole, %abs3A, %le3A_121 : vector<16xf32>
      %get3A_123 = arith.index_cast %mul3A_117 : i32 to index
      %get3A_124 = tpu.vector_load %arg10[%get3A_123] {strides = array<i32>} : memref<7872xi32, #tpu.memory_space<vmem>>, vector<16xi32>,
      %mul3A_125 = arith.constant 4096 : i32
      %mul3A_126 = vector.broadcast %mul3A_125 : i32 to vector<16xi32>
      %mul3A_127 = arith.muli %get3A_124, %mul3A_126 : vector<16xi32>
      %get3A_128 = arith.index_cast %mul3A_117 : i32 to index
      %get3A_129 = tpu.vector_load %arg11[%get3A_128] {strides = array<i32>} : memref<7872xi32, #tpu.memory_space<vmem>>, vector<16xi32>,
      %add3A_130 = arith.addi %mul3A_127, %get3A_129 : vector<16xi32>
      %jit3A_131 = arith.constant -1 : i32
      %broadcast_in_dim3A_132 = vector.broadcast %jit3A_131 : i32 to vector<16xi32>
      %select_n3A_133 = arith.select %le3A_122, %add3A_130, %broadcast_in_dim3A_132 : vector<16xi1>, vector<16xi32>
      %get3A_134 = arith.index_cast %mul3A_117 : i32 to index
      %get3A_135 = tpu.vector_load %arg12[%get3A_134] {strides = array<i32>} : memref<7872xi32, #tpu.memory_space<vmem>>, vector<16xi32>,
      %mul3A_136 = arith.constant 4096 : i32
      %mul3A_137 = vector.broadcast %mul3A_136 : i32 to vector<16xi32>
      %mul3A_138 = arith.muli %get3A_135, %mul3A_137 : vector<16xi32>
      %get3A_139 = arith.index_cast %mul3A_117 : i32 to index
      %get3A_140 = tpu.vector_load %arg13[%get3A_139] {strides = array<i32>} : memref<7872xi32, #tpu.memory_space<vmem>>, vector<16xi32>,
      %add3A_141 = arith.addi %mul3A_138, %get3A_140 : vector<16xi32>
      %jit3A_142 = arith.constant -1 : i32
      %broadcast_in_dim3A_143 = vector.broadcast %jit3A_142 : i32 to vector<16xi32>
      %select_n3A_144 = arith.select %le3A_122, %add3A_141, %broadcast_in_dim3A_143 : vector<16xi1>, vector<16xi32>
      %mul3A_145 = arith.constant 16 : i32
      %mul3A_146 = arith.muli %add3A_115, %mul3A_145 : i32
      %add3A_147 = arith.constant 15744 : i32
      %add3A_148 = arith.addi %add3A_147, %mul3A_146 : i32
      %swap3A = arith.index_cast %add3A_148 : i32 to index
      %swap3A_149 = tpu.vector_load %arg16[%swap3A] {strides = array<i32>} : memref<31488xi32, #tpu.memory_space<vmem>>, vector<16xi32>,
      tpu.vector_store %arg16[%swap3A], %select_n3A_133 {strides = array<i32>} : memref<31488xi32, #tpu.memory_space<vmem>>, vector<16xi32>,
      %mul3A_150 = arith.constant 16 : i32
      %mul3A_151 = arith.muli %add3A_115, %mul3A_150 : i32
      %add3A_152 = arith.constant 23616 : i32
      %add3A_153 = arith.addi %add3A_152, %mul3A_151 : i32
      %swap3A_154 = arith.index_cast %add3A_153 : i32 to index
      %swap3A_155 = tpu.vector_load %arg16[%swap3A_154] {strides = array<i32>} : memref<31488xi32, #tpu.memory_space<vmem>>, vector<16xi32>,
      tpu.vector_store %arg16[%swap3A_154], %select_n3A_144 {strides = array<i32>} : memref<31488xi32, #tpu.memory_space<vmem>>, vector<16xi32>,
      %shift_right_arithmetic3A = arith.constant 15 : i32
      %shift_right_arithmetic3A_156 = vector.broadcast %shift_right_arithmetic3A : i32 to vector<16xi32>
      %shift_right_arithmetic3A_157 = arith.shrsi %select_n3A_133, %shift_right_arithmetic3A_156 : vector<16xi32>
      %mul3A_158 = arith.constant 16 : i32
      %mul3A_159 = vector.broadcast %mul3A_158 : i32 to vector<16xi32>
      %mul3A_160 = arith.muli %shift_right_arithmetic3A_157, %mul3A_159 : vector<16xi32>
      %add3A_161 = arith.addi %mul3A_160, %iota3A : vector<16xi32>
      %shift_right_arithmetic3A_162 = arith.constant 15 : i32
      %shift_right_arithmetic3A_163 = vector.broadcast %shift_right_arithmetic3A_162 : i32 to vector<16xi32>
      %shift_right_arithmetic3A_164 = arith.shrsi %select_n3A_144, %shift_right_arithmetic3A_163 : vector<16xi32>
      %mul3A_165 = arith.constant 16 : i32
      %mul3A_166 = vector.broadcast %mul3A_165 : i32 to vector<16xi32>
      %mul3A_167 = arith.muli %shift_right_arithmetic3A_164, %mul3A_166 : vector<16xi32>
      %add3A_168 = arith.addi %mul3A_167, %iota3A : vector<16xi32>
      %jit3A_169 = arith.constant 0 : i32
      %broadcast_in_dim3A_170 = vector.broadcast %jit3A_169 : i32 to vector<16xi32>
      %select_n3A_171 = arith.select %le3A_122, %add3A_161, %broadcast_in_dim3A_170 : vector<16xi1>, vector<16xi32>
      tpu.vector_store_idx %arg18[%select_n3A_171], %broadcast_in_dim3A_3 masked %le3A_122 {add = true} : memref<8192xi32, #tpu.memory_space<vmem>>[vector<16xi32>], vector<16xi32>, vector<16xi1>
      %jit3A_172 = arith.constant 0 : i32
      %broadcast_in_dim3A_173 = vector.broadcast %jit3A_172 : i32 to vector<16xi32>
      %select_n3A_174 = arith.select %le3A_122, %add3A_168, %broadcast_in_dim3A_173 : vector<16xi1>, vector<16xi32>
      tpu.vector_store_idx %arg18[%select_n3A_174], %broadcast_in_dim3A_3 masked %le3A_122 {add = true} : memref<8192xi32, #tpu.memory_space<vmem>>[vector<16xi32>], vector<16xi32>, vector<16xi1>
      %mul3A_175 = arith.constant 4 : i32
      %mul3A_176 = arith.muli %scan3A_110, %mul3A_175 : i32
      %add3A_177 = arith.constant 1 : i32
      %add3A_178 = arith.addi %mul3A_176, %add3A_177 : i32
      %mul3A_179 = arith.constant 16 : i32
      %mul3A_180 = arith.muli %add3A_178, %mul3A_179 : i32
      %get3A_181 = arith.index_cast %mul3A_180 : i32 to index
      %get3A_182 = tpu.vector_load %arg15[%get3A_181] {strides = array<i32>} : memref<7872xf32, #tpu.memory_space<vmem>>, vector<16xf32>,
      %get3A_183 = arith.index_cast %mul3A_180 : i32 to index
      %get3A_184 = tpu.vector_load %arg14[%get3A_183] {strides = array<i32>} : memref<7872xf32, #tpu.memory_space<vmem>>, vector<16xf32>,
      %sub3A_185 = arith.subf %get3A_182, %get3A_184 : vector<16xf32>
      %abs3A_186 = math.absf %sub3A_185 : vector<16xf32>
      %le3A_187 = arith.constant 5.000000e-01 : f32
      %le3A_188 = vector.broadcast %le3A_187 : f32 to vector<16xf32>
      %le3A_189 = arith.cmpf ole, %abs3A_186, %le3A_188 : vector<16xf32>
      %get3A_190 = arith.index_cast %mul3A_180 : i32 to index
      %get3A_191 = tpu.vector_load %arg10[%get3A_190] {strides = array<i32>} : memref<7872xi32, #tpu.memory_space<vmem>>, vector<16xi32>,
      %mul3A_192 = arith.constant 4096 : i32
      %mul3A_193 = vector.broadcast %mul3A_192 : i32 to vector<16xi32>
      %mul3A_194 = arith.muli %get3A_191, %mul3A_193 : vector<16xi32>
      %get3A_195 = arith.index_cast %mul3A_180 : i32 to index
      %get3A_196 = tpu.vector_load %arg11[%get3A_195] {strides = array<i32>} : memref<7872xi32, #tpu.memory_space<vmem>>, vector<16xi32>,
      %add3A_197 = arith.addi %mul3A_194, %get3A_196 : vector<16xi32>
      %jit3A_198 = arith.constant -1 : i32
      %broadcast_in_dim3A_199 = vector.broadcast %jit3A_198 : i32 to vector<16xi32>
      %select_n3A_200 = arith.select %le3A_189, %add3A_197, %broadcast_in_dim3A_199 : vector<16xi1>, vector<16xi32>
      %get3A_201 = arith.index_cast %mul3A_180 : i32 to index
      %get3A_202 = tpu.vector_load %arg12[%get3A_201] {strides = array<i32>} : memref<7872xi32, #tpu.memory_space<vmem>>, vector<16xi32>,
      %mul3A_203 = arith.constant 4096 : i32
      %mul3A_204 = vector.broadcast %mul3A_203 : i32 to vector<16xi32>
      %mul3A_205 = arith.muli %get3A_202, %mul3A_204 : vector<16xi32>
      %get3A_206 = arith.index_cast %mul3A_180 : i32 to index
      %get3A_207 = tpu.vector_load %arg13[%get3A_206] {strides = array<i32>} : memref<7872xi32, #tpu.memory_space<vmem>>, vector<16xi32>,
      %add3A_208 = arith.addi %mul3A_205, %get3A_207 : vector<16xi32>
      %jit3A_209 = arith.constant -1 : i32
      %broadcast_in_dim3A_210 = vector.broadcast %jit3A_209 : i32 to vector<16xi32>
      %select_n3A_211 = arith.select %le3A_189, %add3A_208, %broadcast_in_dim3A_210 : vector<16xi1>, vector<16xi32>
      %mul3A_212 = arith.constant 16 : i32
      %mul3A_213 = arith.muli %add3A_178, %mul3A_212 : i32
      %add3A_214 = arith.constant 15744 : i32
      %add3A_215 = arith.addi %add3A_214, %mul3A_213 : i32
      %swap3A_216 = arith.index_cast %add3A_215 : i32 to index
      %swap3A_217 = tpu.vector_load %arg16[%swap3A_216] {strides = array<i32>} : memref<31488xi32, #tpu.memory_space<vmem>>, vector<16xi32>,
      tpu.vector_store %arg16[%swap3A_216], %select_n3A_200 {strides = array<i32>} : memref<31488xi32, #tpu.memory_space<vmem>>, vector<16xi32>,
      %mul3A_218 = arith.constant 16 : i32
      %mul3A_219 = arith.muli %add3A_178, %mul3A_218 : i32
      %add3A_220 = arith.constant 23616 : i32
      %add3A_221 = arith.addi %add3A_220, %mul3A_219 : i32
      %swap3A_222 = arith.index_cast %add3A_221 : i32 to index
      %swap3A_223 = tpu.vector_load %arg16[%swap3A_222] {strides = array<i32>} : memref<31488xi32, #tpu.memory_space<vmem>>, vector<16xi32>,
      tpu.vector_store %arg16[%swap3A_222], %select_n3A_211 {strides = array<i32>} : memref<31488xi32, #tpu.memory_space<vmem>>, vector<16xi32>,
      %shift_right_arithmetic3A_224 = arith.constant 15 : i32
      %shift_right_arithmetic3A_225 = vector.broadcast %shift_right_arithmetic3A_224 : i32 to vector<16xi32>
      %shift_right_arithmetic3A_226 = arith.shrsi %select_n3A_200, %shift_right_arithmetic3A_225 : vector<16xi32>
      %mul3A_227 = arith.constant 16 : i32
      %mul3A_228 = vector.broadcast %mul3A_227 : i32 to vector<16xi32>
      %mul3A_229 = arith.muli %shift_right_arithmetic3A_226, %mul3A_228 : vector<16xi32>
      %add3A_230 = arith.addi %mul3A_229, %iota3A : vector<16xi32>
      %shift_right_arithmetic3A_231 = arith.constant 15 : i32
      %shift_right_arithmetic3A_232 = vector.broadcast %shift_right_arithmetic3A_231 : i32 to vector<16xi32>
      %shift_right_arithmetic3A_233 = arith.shrsi %select_n3A_211, %shift_right_arithmetic3A_232 : vector<16xi32>
      %mul3A_234 = arith.constant 16 : i32
      %mul3A_235 = vector.broadcast %mul3A_234 : i32 to vector<16xi32>
      %mul3A_236 = arith.muli %shift_right_arithmetic3A_233, %mul3A_235 : vector<16xi32>
      %add3A_237 = arith.addi %mul3A_236, %iota3A : vector<16xi32>
      %jit3A_238 = arith.constant 0 : i32
      %broadcast_in_dim3A_239 = vector.broadcast %jit3A_238 : i32 to vector<16xi32>
      %select_n3A_240 = arith.select %le3A_189, %add3A_230, %broadcast_in_dim3A_239 : vector<16xi1>, vector<16xi32>
      tpu.vector_store_idx %arg18[%select_n3A_240], %broadcast_in_dim3A_3 masked %le3A_189 {add = true} : memref<8192xi32, #tpu.memory_space<vmem>>[vector<16xi32>], vector<16xi32>, vector<16xi1>
      %jit3A_241 = arith.constant 0 : i32
      %broadcast_in_dim3A_242 = vector.broadcast %jit3A_241 : i32 to vector<16xi32>
      %select_n3A_243 = arith.select %le3A_189, %add3A_237, %broadcast_in_dim3A_242 : vector<16xi1>, vector<16xi32>
      tpu.vector_store_idx %arg18[%select_n3A_243], %broadcast_in_dim3A_3 masked %le3A_189 {add = true} : memref<8192xi32, #tpu.memory_space<vmem>>[vector<16xi32>], vector<16xi32>, vector<16xi1>
      %mul3A_244 = arith.constant 4 : i32
      %mul3A_245 = arith.muli %scan3A_110, %mul3A_244 : i32
      %add3A_246 = arith.constant 2 : i32
      %add3A_247 = arith.addi %mul3A_245, %add3A_246 : i32
      %mul3A_248 = arith.constant 16 : i32
      %mul3A_249 = arith.muli %add3A_247, %mul3A_248 : i32
      %get3A_250 = arith.index_cast %mul3A_249 : i32 to index
      %get3A_251 = tpu.vector_load %arg15[%get3A_250] {strides = array<i32>} : memref<7872xf32, #tpu.memory_space<vmem>>, vector<16xf32>,
      %get3A_252 = arith.index_cast %mul3A_249 : i32 to index
      %get3A_253 = tpu.vector_load %arg14[%get3A_252] {strides = array<i32>} : memref<7872xf32, #tpu.memory_space<vmem>>, vector<16xf32>,
      %sub3A_254 = arith.subf %get3A_251, %get3A_253 : vector<16xf32>
      %abs3A_255 = math.absf %sub3A_254 : vector<16xf32>
      %le3A_256 = arith.constant 5.000000e-01 : f32
      %le3A_257 = vector.broadcast %le3A_256 : f32 to vector<16xf32>
      %le3A_258 = arith.cmpf ole, %abs3A_255, %le3A_257 : vector<16xf32>
      %get3A_259 = arith.index_cast %mul3A_249 : i32 to index
      %get3A_260 = tpu.vector_load %arg10[%get3A_259] {strides = array<i32>} : memref<7872xi32, #tpu.memory_space<vmem>>, vector<16xi32>,
      %mul3A_261 = arith.constant 4096 : i32
      %mul3A_262 = vector.broadcast %mul3A_261 : i32 to vector<16xi32>
      %mul3A_263 = arith.muli %get3A_260, %mul3A_262 : vector<16xi32>
      %get3A_264 = arith.index_cast %mul3A_249 : i32 to index
      %get3A_265 = tpu.vector_load %arg11[%get3A_264] {strides = array<i32>} : memref<7872xi32, #tpu.memory_space<vmem>>, vector<16xi32>,
      %add3A_266 = arith.addi %mul3A_263, %get3A_265 : vector<16xi32>
      %jit3A_267 = arith.constant -1 : i32
      %broadcast_in_dim3A_268 = vector.broadcast %jit3A_267 : i32 to vector<16xi32>
      %select_n3A_269 = arith.select %le3A_258, %add3A_266, %broadcast_in_dim3A_268 : vector<16xi1>, vector<16xi32>
      %get3A_270 = arith.index_cast %mul3A_249 : i32 to index
      %get3A_271 = tpu.vector_load %arg12[%get3A_270] {strides = array<i32>} : memref<7872xi32, #tpu.memory_space<vmem>>, vector<16xi32>,
      %mul3A_272 = arith.constant 4096 : i32
      %mul3A_273 = vector.broadcast %mul3A_272 : i32 to vector<16xi32>
      %mul3A_274 = arith.muli %get3A_271, %mul3A_273 : vector<16xi32>
      %get3A_275 = arith.index_cast %mul3A_249 : i32 to index
      %get3A_276 = tpu.vector_load %arg13[%get3A_275] {strides = array<i32>} : memref<7872xi32, #tpu.memory_space<vmem>>, vector<16xi32>,
      %add3A_277 = arith.addi %mul3A_274, %get3A_276 : vector<16xi32>
      %jit3A_278 = arith.constant -1 : i32
      %broadcast_in_dim3A_279 = vector.broadcast %jit3A_278 : i32 to vector<16xi32>
      %select_n3A_280 = arith.select %le3A_258, %add3A_277, %broadcast_in_dim3A_279 : vector<16xi1>, vector<16xi32>
      %mul3A_281 = arith.constant 16 : i32
      %mul3A_282 = arith.muli %add3A_247, %mul3A_281 : i32
      %add3A_283 = arith.constant 15744 : i32
      %add3A_284 = arith.addi %add3A_283, %mul3A_282 : i32
      %swap3A_285 = arith.index_cast %add3A_284 : i32 to index
      %swap3A_286 = tpu.vector_load %arg16[%swap3A_285] {strides = array<i32>} : memref<31488xi32, #tpu.memory_space<vmem>>, vector<16xi32>,
      tpu.vector_store %arg16[%swap3A_285], %select_n3A_269 {strides = array<i32>} : memref<31488xi32, #tpu.memory_space<vmem>>, vector<16xi32>,
      %mul3A_287 = arith.constant 16 : i32
      %mul3A_288 = arith.muli %add3A_247, %mul3A_287 : i32
      %add3A_289 = arith.constant 23616 : i32
      %add3A_290 = arith.addi %add3A_289, %mul3A_288 : i32
      %swap3A_291 = arith.index_cast %add3A_290 : i32 to index
      %swap3A_292 = tpu.vector_load %arg16[%swap3A_291] {strides = array<i32>} : memref<31488xi32, #tpu.memory_space<vmem>>, vector<16xi32>,
      tpu.vector_store %arg16[%swap3A_291], %select_n3A_280 {strides = array<i32>} : memref<31488xi32, #tpu.memory_space<vmem>>, vector<16xi32>,
      %shift_right_arithmetic3A_293 = arith.constant 15 : i32
      %shift_right_arithmetic3A_294 = vector.broadcast %shift_right_arithmetic3A_293 : i32 to vector<16xi32>
      %shift_right_arithmetic3A_295 = arith.shrsi %select_n3A_269, %shift_right_arithmetic3A_294 : vector<16xi32>
      %mul3A_296 = arith.constant 16 : i32
      %mul3A_297 = vector.broadcast %mul3A_296 : i32 to vector<16xi32>
      %mul3A_298 = arith.muli %shift_right_arithmetic3A_295, %mul3A_297 : vector<16xi32>
      %add3A_299 = arith.addi %mul3A_298, %iota3A : vector<16xi32>
      %shift_right_arithmetic3A_300 = arith.constant 15 : i32
      %shift_right_arithmetic3A_301 = vector.broadcast %shift_right_arithmetic3A_300 : i32 to vector<16xi32>
      %shift_right_arithmetic3A_302 = arith.shrsi %select_n3A_280, %shift_right_arithmetic3A_301 : vector<16xi32>
      %mul3A_303 = arith.constant 16 : i32
      %mul3A_304 = vector.broadcast %mul3A_303 : i32 to vector<16xi32>
      %mul3A_305 = arith.muli %shift_right_arithmetic3A_302, %mul3A_304 : vector<16xi32>
      %add3A_306 = arith.addi %mul3A_305, %iota3A : vector<16xi32>
      %jit3A_307 = arith.constant 0 : i32
      %broadcast_in_dim3A_308 = vector.broadcast %jit3A_307 : i32 to vector<16xi32>
      %select_n3A_309 = arith.select %le3A_258, %add3A_299, %broadcast_in_dim3A_308 : vector<16xi1>, vector<16xi32>
      tpu.vector_store_idx %arg18[%select_n3A_309], %broadcast_in_dim3A_3 masked %le3A_258 {add = true} : memref<8192xi32, #tpu.memory_space<vmem>>[vector<16xi32>], vector<16xi32>, vector<16xi1>
      %jit3A_310 = arith.constant 0 : i32
      %broadcast_in_dim3A_311 = vector.broadcast %jit3A_310 : i32 to vector<16xi32>
      %select_n3A_312 = arith.select %le3A_258, %add3A_306, %broadcast_in_dim3A_311 : vector<16xi1>, vector<16xi32>
      tpu.vector_store_idx %arg18[%select_n3A_312], %broadcast_in_dim3A_3 masked %le3A_258 {add = true} : memref<8192xi32, #tpu.memory_space<vmem>>[vector<16xi32>], vector<16xi32>, vector<16xi1>
      %mul3A_313 = arith.constant 4 : i32
      %mul3A_314 = arith.muli %scan3A_110, %mul3A_313 : i32
      %add3A_315 = arith.constant 3 : i32
      %add3A_316 = arith.addi %mul3A_314, %add3A_315 : i32
      %mul3A_317 = arith.constant 16 : i32
      %mul3A_318 = arith.muli %add3A_316, %mul3A_317 : i32
      %get3A_319 = arith.index_cast %mul3A_318 : i32 to index
      %get3A_320 = tpu.vector_load %arg15[%get3A_319] {strides = array<i32>} : memref<7872xf32, #tpu.memory_space<vmem>>, vector<16xf32>,
      %get3A_321 = arith.index_cast %mul3A_318 : i32 to index
      %get3A_322 = tpu.vector_load %arg14[%get3A_321] {strides = array<i32>} : memref<7872xf32, #tpu.memory_space<vmem>>, vector<16xf32>,
      %sub3A_323 = arith.subf %get3A_320, %get3A_322 : vector<16xf32>
      %abs3A_324 = math.absf %sub3A_323 : vector<16xf32>
      %le3A_325 = arith.constant 5.000000e-01 : f32
      %le3A_326 = vector.broadcast %le3A_325 : f32 to vector<16xf32>
      %le3A_327 = arith.cmpf ole, %abs3A_324, %le3A_326 : vector<16xf32>
      %get3A_328 = arith.index_cast %mul3A_318 : i32 to index
      %get3A_329 = tpu.vector_load %arg10[%get3A_328] {strides = array<i32>} : memref<7872xi32, #tpu.memory_space<vmem>>, vector<16xi32>,
      %mul3A_330 = arith.constant 4096 : i32
      %mul3A_331 = vector.broadcast %mul3A_330 : i32 to vector<16xi32>
      %mul3A_332 = arith.muli %get3A_329, %mul3A_331 : vector<16xi32>
      %get3A_333 = arith.index_cast %mul3A_318 : i32 to index
      %get3A_334 = tpu.vector_load %arg11[%get3A_333] {strides = array<i32>} : memref<7872xi32, #tpu.memory_space<vmem>>, vector<16xi32>,
      %add3A_335 = arith.addi %mul3A_332, %get3A_334 : vector<16xi32>
      %jit3A_336 = arith.constant -1 : i32
      %broadcast_in_dim3A_337 = vector.broadcast %jit3A_336 : i32 to vector<16xi32>
      %select_n3A_338 = arith.select %le3A_327, %add3A_335, %broadcast_in_dim3A_337 : vector<16xi1>, vector<16xi32>
      %get3A_339 = arith.index_cast %mul3A_318 : i32 to index
      %get3A_340 = tpu.vector_load %arg12[%get3A_339] {strides = array<i32>} : memref<7872xi32, #tpu.memory_space<vmem>>, vector<16xi32>,
      %mul3A_341 = arith.constant 4096 : i32
      %mul3A_342 = vector.broadcast %mul3A_341 : i32 to vector<16xi32>
      %mul3A_343 = arith.muli %get3A_340, %mul3A_342 : vector<16xi32>
      %get3A_344 = arith.index_cast %mul3A_318 : i32 to index
      %get3A_345 = tpu.vector_load %arg13[%get3A_344] {strides = array<i32>} : memref<7872xi32, #tpu.memory_space<vmem>>, vector<16xi32>,
      %add3A_346 = arith.addi %mul3A_343, %get3A_345 : vector<16xi32>
      %jit3A_347 = arith.constant -1 : i32
      %broadcast_in_dim3A_348 = vector.broadcast %jit3A_347 : i32 to vector<16xi32>
      %select_n3A_349 = arith.select %le3A_327, %add3A_346, %broadcast_in_dim3A_348 : vector<16xi1>, vector<16xi32>
      %mul3A_350 = arith.constant 16 : i32
      %mul3A_351 = arith.muli %add3A_316, %mul3A_350 : i32
      %add3A_352 = arith.constant 15744 : i32
      %add3A_353 = arith.addi %add3A_352, %mul3A_351 : i32
      %swap3A_354 = arith.index_cast %add3A_353 : i32 to index
      %swap3A_355 = tpu.vector_load %arg16[%swap3A_354] {strides = array<i32>} : memref<31488xi32, #tpu.memory_space<vmem>>, vector<16xi32>,
      tpu.vector_store %arg16[%swap3A_354], %select_n3A_338 {strides = array<i32>} : memref<31488xi32, #tpu.memory_space<vmem>>, vector<16xi32>,
      %mul3A_356 = arith.constant 16 : i32
      %mul3A_357 = arith.muli %add3A_316, %mul3A_356 : i32
      %add3A_358 = arith.constant 23616 : i32
      %add3A_359 = arith.addi %add3A_358, %mul3A_357 : i32
      %swap3A_360 = arith.index_cast %add3A_359 : i32 to index
      %swap3A_361 = tpu.vector_load %arg16[%swap3A_360] {strides = array<i32>} : memref<31488xi32, #tpu.memory_space<vmem>>, vector<16xi32>,
      tpu.vector_store %arg16[%swap3A_360], %select_n3A_349 {strides = array<i32>} : memref<31488xi32, #tpu.memory_space<vmem>>, vector<16xi32>,
      %shift_right_arithmetic3A_362 = arith.constant 15 : i32
      %shift_right_arithmetic3A_363 = vector.broadcast %shift_right_arithmetic3A_362 : i32 to vector<16xi32>
      %shift_right_arithmetic3A_364 = arith.shrsi %select_n3A_338, %shift_right_arithmetic3A_363 : vector<16xi32>
      %mul3A_365 = arith.constant 16 : i32
      %mul3A_366 = vector.broadcast %mul3A_365 : i32 to vector<16xi32>
      %mul3A_367 = arith.muli %shift_right_arithmetic3A_364, %mul3A_366 : vector<16xi32>
      %add3A_368 = arith.addi %mul3A_367, %iota3A : vector<16xi32>
      %shift_right_arithmetic3A_369 = arith.constant 15 : i32
      %shift_right_arithmetic3A_370 = vector.broadcast %shift_right_arithmetic3A_369 : i32 to vector<16xi32>
      %shift_right_arithmetic3A_371 = arith.shrsi %select_n3A_349, %shift_right_arithmetic3A_370 : vector<16xi32>
      %mul3A_372 = arith.constant 16 : i32
      %mul3A_373 = vector.broadcast %mul3A_372 : i32 to vector<16xi32>
      %mul3A_374 = arith.muli %shift_right_arithmetic3A_371, %mul3A_373 : vector<16xi32>
      %add3A_375 = arith.addi %mul3A_374, %iota3A : vector<16xi32>
      %jit3A_376 = arith.constant 0 : i32
      %broadcast_in_dim3A_377 = vector.broadcast %jit3A_376 : i32 to vector<16xi32>
      %select_n3A_378 = arith.select %le3A_327, %add3A_368, %broadcast_in_dim3A_377 : vector<16xi1>, vector<16xi32>
      tpu.vector_store_idx %arg18[%select_n3A_378], %broadcast_in_dim3A_3 masked %le3A_327 {add = true} : memref<8192xi32, #tpu.memory_space<vmem>>[vector<16xi32>], vector<16xi32>, vector<16xi1>
      %jit3A_379 = arith.constant 0 : i32
      %broadcast_in_dim3A_380 = vector.broadcast %jit3A_379 : i32 to vector<16xi32>
      %select_n3A_381 = arith.select %le3A_327, %add3A_375, %broadcast_in_dim3A_380 : vector<16xi1>, vector<16xi32>
      tpu.vector_store_idx %arg18[%select_n3A_381], %broadcast_in_dim3A_3 masked %le3A_327 {add = true} : memref<8192xi32, #tpu.memory_space<vmem>>[vector<16xi32>], vector<16xi32>, vector<16xi1>
      %scan3A_382 = arith.constant 0 : i32
      scf.yield %scan3A_382 : i32
    }
    %scan3A_75 = arith.constant 123 : i32
    %scan3A_76 = arith.constant 0 : i32
    %scan3A_77 = arith.constant 0 : i32
    %scan3A_78 = arith.constant 128 : i32
    %scan3A_79 = arith.addi %scan3A_77, %scan3A_78 : i32
    %scan3A_80 = arith.constant 1 : i32
    %scan3A_81 = scf.for %scan3A_110 = %scan3A_77 to %scan3A_79 step %scan3A_80 iter_args(%scan3A_111 = %scan3A_76) -> (i32)  : i32 {
      %mul3A_112 = arith.constant 4 : i32
      %mul3A_113 = arith.muli %scan3A_110, %mul3A_112 : i32
      %add3A_114 = arith.constant 0 : i32
      %add3A_115 = arith.addi %mul3A_113, %add3A_114 : i32
      %mul3A_116 = arith.constant 16 : i32
      %mul3A_117 = arith.muli %add3A_115, %mul3A_116 : i32
      %get3A = arith.index_cast %mul3A_117 : i32 to index
      %get3A_118 = tpu.vector_load %arg18[%get3A] {strides = array<i32>} : memref<8192xi32, #tpu.memory_space<vmem>>, vector<16xi32>,
      %broadcast_in_dim3A_119 = arith.constant true
      %broadcast_in_dim3A_120 = vector.broadcast %broadcast_in_dim3A_119 : i1 to vector<16xi1>
      %masked_cumsum3A = tpu.scan <sum>, %get3A_118 masked %broadcast_in_dim3A_120 : vector<16xi32>, vector<16xi1> -> vector<16xi32>
      %sub3A = arith.subi %masked_cumsum3A, %get3A_118 : vector<16xi32>
      %add3A_121 = vector.broadcast %scan3A_111 : i32 to vector<16xi32>
      %add3A_122 = arith.addi %sub3A, %add3A_121 : vector<16xi32>
      %swap3A = arith.index_cast %mul3A_117 : i32 to index
      %swap3A_123 = tpu.vector_load %arg18[%swap3A] {strides = array<i32>} : memref<8192xi32, #tpu.memory_space<vmem>>, vector<16xi32>,
      tpu.vector_store %arg18[%swap3A], %add3A_122 {strides = array<i32>} : memref<8192xi32, #tpu.memory_space<vmem>>, vector<16xi32>,
      %reduce_sum3A = arith.constant true
      %reduce_sum3A_124 = vector.broadcast %reduce_sum3A : i1 to vector<16xi1>
      %reduce_sum3A_125 = tpu.scan <sum>, %get3A_118 masked %reduce_sum3A_124 : vector<16xi32>, vector<16xi1> -> vector<16xi32>
      %reduce_sum3A_126 = vector.extract %reduce_sum3A_125[15] : i32 from vector<16xi32>
      %add3A_127 = arith.addi %scan3A_111, %reduce_sum3A_126 : i32
      %mul3A_128 = arith.constant 4 : i32
      %mul3A_129 = arith.muli %scan3A_110, %mul3A_128 : i32
      %add3A_130 = arith.constant 1 : i32
      %add3A_131 = arith.addi %mul3A_129, %add3A_130 : i32
      %mul3A_132 = arith.constant 16 : i32
      %mul3A_133 = arith.muli %add3A_131, %mul3A_132 : i32
      %get3A_134 = arith.index_cast %mul3A_133 : i32 to index
      %get3A_135 = tpu.vector_load %arg18[%get3A_134] {strides = array<i32>} : memref<8192xi32, #tpu.memory_space<vmem>>, vector<16xi32>,
      %broadcast_in_dim3A_136 = arith.constant true
      %broadcast_in_dim3A_137 = vector.broadcast %broadcast_in_dim3A_136 : i1 to vector<16xi1>
      %masked_cumsum3A_138 = tpu.scan <sum>, %get3A_135 masked %broadcast_in_dim3A_137 : vector<16xi32>, vector<16xi1> -> vector<16xi32>
      %sub3A_139 = arith.subi %masked_cumsum3A_138, %get3A_135 : vector<16xi32>
      %add3A_140 = vector.broadcast %add3A_127 : i32 to vector<16xi32>
      %add3A_141 = arith.addi %sub3A_139, %add3A_140 : vector<16xi32>
      %swap3A_142 = arith.index_cast %mul3A_133 : i32 to index
      %swap3A_143 = tpu.vector_load %arg18[%swap3A_142] {strides = array<i32>} : memref<8192xi32, #tpu.memory_space<vmem>>, vector<16xi32>,
      tpu.vector_store %arg18[%swap3A_142], %add3A_141 {strides = array<i32>} : memref<8192xi32, #tpu.memory_space<vmem>>, vector<16xi32>,
      %reduce_sum3A_144 = arith.constant true
      %reduce_sum3A_145 = vector.broadcast %reduce_sum3A_144 : i1 to vector<16xi1>
      %reduce_sum3A_146 = tpu.scan <sum>, %get3A_135 masked %reduce_sum3A_145 : vector<16xi32>, vector<16xi1> -> vector<16xi32>
      %reduce_sum3A_147 = vector.extract %reduce_sum3A_146[15] : i32 from vector<16xi32>
      %add3A_148 = arith.addi %add3A_127, %reduce_sum3A_147 : i32
      %mul3A_149 = arith.constant 4 : i32
      %mul3A_150 = arith.muli %scan3A_110, %mul3A_149 : i32
      %add3A_151 = arith.constant 2 : i32
      %add3A_152 = arith.addi %mul3A_150, %add3A_151 : i32
      %mul3A_153 = arith.constant 16 : i32
      %mul3A_154 = arith.muli %add3A_152, %mul3A_153 : i32
      %get3A_155 = arith.index_cast %mul3A_154 : i32 to index
      %get3A_156 = tpu.vector_load %arg18[%get3A_155] {strides = array<i32>} : memref<8192xi32, #tpu.memory_space<vmem>>, vector<16xi32>,
      %broadcast_in_dim3A_157 = arith.constant true
      %broadcast_in_dim3A_158 = vector.broadcast %broadcast_in_dim3A_157 : i1 to vector<16xi1>
      %masked_cumsum3A_159 = tpu.scan <sum>, %get3A_156 masked %broadcast_in_dim3A_158 : vector<16xi32>, vector<16xi1> -> vector<16xi32>
      %sub3A_160 = arith.subi %masked_cumsum3A_159, %get3A_156 : vector<16xi32>
      %add3A_161 = vector.broadcast %add3A_148 : i32 to vector<16xi32>
      %add3A_162 = arith.addi %sub3A_160, %add3A_161 : vector<16xi32>
      %swap3A_163 = arith.index_cast %mul3A_154 : i32 to index
      %swap3A_164 = tpu.vector_load %arg18[%swap3A_163] {strides = array<i32>} : memref<8192xi32, #tpu.memory_space<vmem>>, vector<16xi32>,
      tpu.vector_store %arg18[%swap3A_163], %add3A_162 {strides = array<i32>} : memref<8192xi32, #tpu.memory_space<vmem>>, vector<16xi32>,
      %reduce_sum3A_165 = arith.constant true
      %reduce_sum3A_166 = vector.broadcast %reduce_sum3A_165 : i1 to vector<16xi1>
      %reduce_sum3A_167 = tpu.scan <sum>, %get3A_156 masked %reduce_sum3A_166 : vector<16xi32>, vector<16xi1> -> vector<16xi32>
      %reduce_sum3A_168 = vector.extract %reduce_sum3A_167[15] : i32 from vector<16xi32>
      %add3A_169 = arith.addi %add3A_148, %reduce_sum3A_168 : i32
      %mul3A_170 = arith.constant 4 : i32
      %mul3A_171 = arith.muli %scan3A_110, %mul3A_170 : i32
      %add3A_172 = arith.constant 3 : i32
      %add3A_173 = arith.addi %mul3A_171, %add3A_172 : i32
      %mul3A_174 = arith.constant 16 : i32
      %mul3A_175 = arith.muli %add3A_173, %mul3A_174 : i32
      %get3A_176 = arith.index_cast %mul3A_175 : i32 to index
      %get3A_177 = tpu.vector_load %arg18[%get3A_176] {strides = array<i32>} : memref<8192xi32, #tpu.memory_space<vmem>>, vector<16xi32>,
      %broadcast_in_dim3A_178 = arith.constant true
      %broadcast_in_dim3A_179 = vector.broadcast %broadcast_in_dim3A_178 : i1 to vector<16xi1>
      %masked_cumsum3A_180 = tpu.scan <sum>, %get3A_177 masked %broadcast_in_dim3A_179 : vector<16xi32>, vector<16xi1> -> vector<16xi32>
      %sub3A_181 = arith.subi %masked_cumsum3A_180, %get3A_177 : vector<16xi32>
      %add3A_182 = vector.broadcast %add3A_169 : i32 to vector<16xi32>
      %add3A_183 = arith.addi %sub3A_181, %add3A_182 : vector<16xi32>
      %swap3A_184 = arith.index_cast %mul3A_175 : i32 to index
      %swap3A_185 = tpu.vector_load %arg18[%swap3A_184] {strides = array<i32>} : memref<8192xi32, #tpu.memory_space<vmem>>, vector<16xi32>,
      tpu.vector_store %arg18[%swap3A_184], %add3A_183 {strides = array<i32>} : memref<8192xi32, #tpu.memory_space<vmem>>, vector<16xi32>,
      %reduce_sum3A_186 = arith.constant true
      %reduce_sum3A_187 = vector.broadcast %reduce_sum3A_186 : i1 to vector<16xi1>
      %reduce_sum3A_188 = tpu.scan <sum>, %get3A_177 masked %reduce_sum3A_187 : vector<16xi32>, vector<16xi1> -> vector<16xi32>
      %reduce_sum3A_189 = vector.extract %reduce_sum3A_188[15] : i32 from vector<16xi32>
      %add3A_190 = arith.addi %add3A_169, %reduce_sum3A_189 : i32
      scf.yield %add3A_190 : i32
    }
    %scan3A_82 = arith.constant 128 : i32
    %scan3A_83 = arith.constant 0 : i32
    %scan3A_84 = arith.constant 0 : i32
    %scan3A_85 = arith.constant 32 : i32
    %scan3A_86 = arith.addi %scan3A_84, %scan3A_85 : i32
    %scan3A_87 = arith.constant 1 : i32
    %scan3A_88 = scf.for %scan3A_110 = %scan3A_84 to %scan3A_86 step %scan3A_87 iter_args(%scan3A_111 = %scan3A_83) -> (i32)  : i32 {
      %mul3A_112 = arith.constant 16 : i32
      %mul3A_113 = arith.muli %scan3A_110, %mul3A_112 : i32
      %add3A_114 = vector.broadcast %mul3A_113 : i32 to vector<16xi32>
      %add3A_115 = arith.addi %add3A_114, %iota3A : vector<16xi32>
      %mul3A_116 = arith.constant 16 : i32
      %mul3A_117 = vector.broadcast %mul3A_116 : i32 to vector<16xi32>
      %mul3A_118 = arith.muli %add3A_115, %mul3A_117 : vector<16xi32>
      %gather3A = tpu.vector_load_idx %arg18[%mul3A_118] : memref<8192xi32, #tpu.memory_space<vmem>>[vector<16xi32>], vector<16xi32>,
      %mul3A_119 = arith.constant 16 : i32
      %mul3A_120 = arith.muli %scan3A_110, %mul3A_119 : i32
      %swap3A = arith.index_cast %mul3A_120 : i32 to index
      %swap3A_121 = tpu.vector_load %arg19[%swap3A] {strides = array<i32>} : memref<528xi32, #tpu.memory_space<vmem>>, vector<16xi32>,
      tpu.vector_store %arg19[%swap3A], %gather3A {strides = array<i32>} : memref<528xi32, #tpu.memory_space<vmem>>, vector<16xi32>,
      %scan3A_122 = arith.constant 0 : i32
      scf.yield %scan3A_122 : i32
    }
    %scan3A_89 = arith.constant 32 : i32
    %eq3A = arith.constant 0 : i32
    %eq3A_90 = vector.broadcast %eq3A : i32 to vector<16xi32>
    %eq3A_91 = arith.cmpi eq, %iota3A, %eq3A_90 : vector<16xi32>
    %jit3A = arith.constant 512 : i32
    %jit3A_92 = arith.constant 0 : i32
    %broadcast_in_dim3A_93 = vector.broadcast %jit3A : i32 to vector<16xi32>
    %broadcast_in_dim3A_94 = vector.broadcast %jit3A_92 : i32 to vector<16xi32>
    %select_n3A = arith.select %eq3A_91, %broadcast_in_dim3A_93, %broadcast_in_dim3A_94 : vector<16xi1>, vector<16xi32>
    %broadcast_in_dim3A_95 = arith.constant 0 : i32
    %broadcast_in_dim3A_96 = vector.broadcast %broadcast_in_dim3A_95 : i32 to vector<16xi32>
    %add3A_97 = vector.broadcast %scan3A_81 : i32 to vector<16xi32>
    %add3A_98 = arith.addi %broadcast_in_dim3A_96, %add3A_97 : vector<16xi32>
    tpu.vector_store_idx %arg19[%select_n3A], %add3A_98 masked %eq3A_91 : memref<528xi32, #tpu.memory_space<vmem>>[vector<16xi32>], vector<16xi32>, vector<16xi1>
    %scan3A_99 = arith.constant 0 : i32
    %scan3A_100 = arith.constant 0 : i32
    %scan3A_101 = arith.constant 492 : i32
    %scan3A_102 = arith.addi %scan3A_100, %scan3A_101 : i32
    %scan3A_103 = arith.constant 1 : i32
    %scan3A_104 = scf.for %scan3A_110 = %scan3A_100 to %scan3A_102 step %scan3A_103 iter_args(%scan3A_111 = %scan3A_99) -> (i32)  : i32 {
      %mul3A_112 = arith.constant 4 : i32
      %mul3A_113 = arith.muli %scan3A_110, %mul3A_112 : i32
      %add3A_114 = arith.constant 0 : i32
      %add3A_115 = arith.addi %mul3A_113, %add3A_114 : i32
      %mul3A_116 = arith.constant 16 : i32
      %mul3A_117 = arith.muli %add3A_115, %mul3A_116 : i32
      %get3A = arith.index_cast %mul3A_117 : i32 to index
      %get3A_118 = tpu.vector_load %arg16[%get3A] {strides = array<i32>} : memref<31488xi32, #tpu.memory_space<vmem>>, vector<16xi32>,
      %ge3A = arith.constant 0 : i32
      %ge3A_119 = vector.broadcast %ge3A : i32 to vector<16xi32>
      %ge3A_120 = arith.cmpi sge, %get3A_118, %ge3A_119 : vector<16xi32>
      %shift_right_arithmetic3A = arith.constant 15 : i32
      %shift_right_arithmetic3A_121 = vector.broadcast %shift_right_arithmetic3A : i32 to vector<16xi32>
      %shift_right_arithmetic3A_122 = arith.shrsi %get3A_118, %shift_right_arithmetic3A_121 : vector<16xi32>
      %mul3A_123 = arith.constant 16 : i32
      %mul3A_124 = vector.broadcast %mul3A_123 : i32 to vector<16xi32>
      %mul3A_125 = arith.muli %shift_right_arithmetic3A_122, %mul3A_124 : vector<16xi32>
      %add3A_126 = arith.addi %mul3A_125, %iota3A : vector<16xi32>
      %jit3A_127 = arith.constant 0 : i32
      %broadcast_in_dim3A_128 = vector.broadcast %jit3A_127 : i32 to vector<16xi32>
      %select_n3A_129 = arith.select %ge3A_120, %add3A_126, %broadcast_in_dim3A_128 : vector<16xi1>, vector<16xi32>
      %gather3A = tpu.vector_load_idx %arg18[%select_n3A_129] masked %ge3A_120 : memref<8192xi32, #tpu.memory_space<vmem>>[vector<16xi32>], vector<16xi32>, vector<16xi1>
      tpu.vector_store_idx %arg18[%select_n3A_129], %broadcast_in_dim3A_3 masked %ge3A_120 {add = true} : memref<8192xi32, #tpu.memory_space<vmem>>[vector<16xi32>], vector<16xi32>, vector<16xi1>
      %jit3A_130 = arith.constant 0 : i32
      %broadcast_in_dim3A_131 = vector.broadcast %jit3A_130 : i32 to vector<16xi32>
      %select_n3A_132 = arith.select %ge3A_120, %gather3A, %broadcast_in_dim3A_131 : vector<16xi1>, vector<16xi32>
      tpu.vector_store_idx %arg17[%select_n3A_132], %get3A_118 masked %ge3A_120 : memref<31488xi32, #tpu.memory_space<vmem>>[vector<16xi32>], vector<16xi32>, vector<16xi1>
      %mul3A_133 = arith.constant 4 : i32
      %mul3A_134 = arith.muli %scan3A_110, %mul3A_133 : i32
      %add3A_135 = arith.constant 1 : i32
      %add3A_136 = arith.addi %mul3A_134, %add3A_135 : i32
      %mul3A_137 = arith.constant 16 : i32
      %mul3A_138 = arith.muli %add3A_136, %mul3A_137 : i32
      %get3A_139 = arith.index_cast %mul3A_138 : i32 to index
      %get3A_140 = tpu.vector_load %arg16[%get3A_139] {strides = array<i32>} : memref<31488xi32, #tpu.memory_space<vmem>>, vector<16xi32>,
      %ge3A_141 = arith.constant 0 : i32
      %ge3A_142 = vector.broadcast %ge3A_141 : i32 to vector<16xi32>
      %ge3A_143 = arith.cmpi sge, %get3A_140, %ge3A_142 : vector<16xi32>
      %shift_right_arithmetic3A_144 = arith.constant 15 : i32
      %shift_right_arithmetic3A_145 = vector.broadcast %shift_right_arithmetic3A_144 : i32 to vector<16xi32>
      %shift_right_arithmetic3A_146 = arith.shrsi %get3A_140, %shift_right_arithmetic3A_145 : vector<16xi32>
      %mul3A_147 = arith.constant 16 : i32
      %mul3A_148 = vector.broadcast %mul3A_147 : i32 to vector<16xi32>
      %mul3A_149 = arith.muli %shift_right_arithmetic3A_146, %mul3A_148 : vector<16xi32>
      %add3A_150 = arith.addi %mul3A_149, %iota3A : vector<16xi32>
      %jit3A_151 = arith.constant 0 : i32
      %broadcast_in_dim3A_152 = vector.broadcast %jit3A_151 : i32 to vector<16xi32>
      %select_n3A_153 = arith.select %ge3A_143, %add3A_150, %broadcast_in_dim3A_152 : vector<16xi1>, vector<16xi32>
      %gather3A_154 = tpu.vector_load_idx %arg18[%select_n3A_153] masked %ge3A_143 : memref<8192xi32, #tpu.memory_space<vmem>>[vector<16xi32>], vector<16xi32>, vector<16xi1>
      tpu.vector_store_idx %arg18[%select_n3A_153], %broadcast_in_dim3A_3 masked %ge3A_143 {add = true} : memref<8192xi32, #tpu.memory_space<vmem>>[vector<16xi32>], vector<16xi32>, vector<16xi1>
      %jit3A_155 = arith.constant 0 : i32
      %broadcast_in_dim3A_156 = vector.broadcast %jit3A_155 : i32 to vector<16xi32>
      %select_n3A_157 = arith.select %ge3A_143, %gather3A_154, %broadcast_in_dim3A_156 : vector<16xi1>, vector<16xi32>
      tpu.vector_store_idx %arg17[%select_n3A_157], %get3A_140 masked %ge3A_143 : memref<31488xi32, #tpu.memory_space<vmem>>[vector<16xi32>], vector<16xi32>, vector<16xi1>
      %mul3A_158 = arith.constant 4 : i32
      %mul3A_159 = arith.muli %scan3A_110, %mul3A_158 : i32
      %add3A_160 = arith.constant 2 : i32
      %add3A_161 = arith.addi %mul3A_159, %add3A_160 : i32
      %mul3A_162 = arith.constant 16 : i32
      %mul3A_163 = arith.muli %add3A_161, %mul3A_162 : i32
      %get3A_164 = arith.index_cast %mul3A_163 : i32 to index
      %get3A_165 = tpu.vector_load %arg16[%get3A_164] {strides = array<i32>} : memref<31488xi32, #tpu.memory_space<vmem>>, vector<16xi32>,
      %ge3A_166 = arith.constant 0 : i32
      %ge3A_167 = vector.broadcast %ge3A_166 : i32 to vector<16xi32>
      %ge3A_168 = arith.cmpi sge, %get3A_165, %ge3A_167 : vector<16xi32>
      %shift_right_arithmetic3A_169 = arith.constant 15 : i32
      %shift_right_arithmetic3A_170 = vector.broadcast %shift_right_arithmetic3A_169 : i32 to vector<16xi32>
      %shift_right_arithmetic3A_171 = arith.shrsi %get3A_165, %shift_right_arithmetic3A_170 : vector<16xi32>
      %mul3A_172 = arith.constant 16 : i32
      %mul3A_173 = vector.broadcast %mul3A_172 : i32 to vector<16xi32>
      %mul3A_174 = arith.muli %shift_right_arithmetic3A_171, %mul3A_173 : vector<16xi32>
      %add3A_175 = arith.addi %mul3A_174, %iota3A : vector<16xi32>
      %jit3A_176 = arith.constant 0 : i32
      %broadcast_in_dim3A_177 = vector.broadcast %jit3A_176 : i32 to vector<16xi32>
      %select_n3A_178 = arith.select %ge3A_168, %add3A_175, %broadcast_in_dim3A_177 : vector<16xi1>, vector<16xi32>
      %gather3A_179 = tpu.vector_load_idx %arg18[%select_n3A_178] masked %ge3A_168 : memref<8192xi32, #tpu.memory_space<vmem>>[vector<16xi32>], vector<16xi32>, vector<16xi1>
      tpu.vector_store_idx %arg18[%select_n3A_178], %broadcast_in_dim3A_3 masked %ge3A_168 {add = true} : memref<8192xi32, #tpu.memory_space<vmem>>[vector<16xi32>], vector<16xi32>, vector<16xi1>
      %jit3A_180 = arith.constant 0 : i32
      %broadcast_in_dim3A_181 = vector.broadcast %jit3A_180 : i32 to vector<16xi32>
      %select_n3A_182 = arith.select %ge3A_168, %gather3A_179, %broadcast_in_dim3A_181 : vector<16xi1>, vector<16xi32>
      tpu.vector_store_idx %arg17[%select_n3A_182], %get3A_165 masked %ge3A_168 : memref<31488xi32, #tpu.memory_space<vmem>>[vector<16xi32>], vector<16xi32>, vector<16xi1>
      %mul3A_183 = arith.constant 4 : i32
      %mul3A_184 = arith.muli %scan3A_110, %mul3A_183 : i32
      %add3A_185 = arith.constant 3 : i32
      %add3A_186 = arith.addi %mul3A_184, %add3A_185 : i32
      %mul3A_187 = arith.constant 16 : i32
      %mul3A_188 = arith.muli %add3A_186, %mul3A_187 : i32
      %get3A_189 = arith.index_cast %mul3A_188 : i32 to index
      %get3A_190 = tpu.vector_load %arg16[%get3A_189] {strides = array<i32>} : memref<31488xi32, #tpu.memory_space<vmem>>, vector<16xi32>,
      %ge3A_191 = arith.constant 0 : i32
      %ge3A_192 = vector.broadcast %ge3A_191 : i32 to vector<16xi32>
      %ge3A_193 = arith.cmpi sge, %get3A_190, %ge3A_192 : vector<16xi32>
      %shift_right_arithmetic3A_194 = arith.constant 15 : i32
      %shift_right_arithmetic3A_195 = vector.broadcast %shift_right_arithmetic3A_194 : i32 to vector<16xi32>
      %shift_right_arithmetic3A_196 = arith.shrsi %get3A_190, %shift_right_arithmetic3A_195 : vector<16xi32>
      %mul3A_197 = arith.constant 16 : i32
      %mul3A_198 = vector.broadcast %mul3A_197 : i32 to vector<16xi32>
      %mul3A_199 = arith.muli %shift_right_arithmetic3A_196, %mul3A_198 : vector<16xi32>
      %add3A_200 = arith.addi %mul3A_199, %iota3A : vector<16xi32>
      %jit3A_201 = arith.constant 0 : i32
      %broadcast_in_dim3A_202 = vector.broadcast %jit3A_201 : i32 to vector<16xi32>
      %select_n3A_203 = arith.select %ge3A_193, %add3A_200, %broadcast_in_dim3A_202 : vector<16xi1>, vector<16xi32>
      %gather3A_204 = tpu.vector_load_idx %arg18[%select_n3A_203] masked %ge3A_193 : memref<8192xi32, #tpu.memory_space<vmem>>[vector<16xi32>], vector<16xi32>, vector<16xi1>
      tpu.vector_store_idx %arg18[%select_n3A_203], %broadcast_in_dim3A_3 masked %ge3A_193 {add = true} : memref<8192xi32, #tpu.memory_space<vmem>>[vector<16xi32>], vector<16xi32>, vector<16xi1>
      %jit3A_205 = arith.constant 0 : i32
      %broadcast_in_dim3A_206 = vector.broadcast %jit3A_205 : i32 to vector<16xi32>
      %select_n3A_207 = arith.select %ge3A_193, %gather3A_204, %broadcast_in_dim3A_206 : vector<16xi1>, vector<16xi32>
      tpu.vector_store_idx %arg17[%select_n3A_207], %get3A_190 masked %ge3A_193 : memref<31488xi32, #tpu.memory_space<vmem>>[vector<16xi32>], vector<16xi32>, vector<16xi1>
      %scan3A_208 = arith.constant 0 : i32
      scf.yield %scan3A_208 : i32
    }
    %scan3A_105 = arith.constant 492 : i32
    %mul3A_106 = arith.constant 31616 : i32
    %mul3A_107 = arith.muli %add3A, %mul3A_106 : i32
    "tpu.region"() ({
      %run_scoped3A = tpu.sem_alloc : memref<!tpu.dma_semaphore, #tpu.memory_space<semaphore_mem>>
      %dma_start3A_110 = tpu.memref_slice %arg8[%mul3A_107] : memref<1011712xi32, #tpu.memory_space<hbm>> -> memref<31488xi32, #tpu.memory_space<hbm>>
      %dma_start3A_111 = tpu.memref_slice %arg8[%mul3A_107] : memref<1011712xi32, #tpu.memory_space<hbm>> -> memref<31488xi32, #tpu.memory_space<hbm>>
      tpu.enqueue_dma source(%arg17 : memref<31488xi32, #tpu.memory_space<vmem>>) target(%dma_start3A_111 : memref<31488xi32, #tpu.memory_space<hbm>>) target_semaphore(%run_scoped3A : memref<!tpu.dma_semaphore, #tpu.memory_space<semaphore_mem>>)
      %dma_wait3A_112 = tpu.memref_slice %arg8[%mul3A_107] : memref<1011712xi32, #tpu.memory_space<hbm>> -> memref<31488xi32, #tpu.memory_space<hbm>>
      %dma_wait3A_113 = tpu.memref_slice %arg8[%mul3A_107] : memref<1011712xi32, #tpu.memory_space<hbm>> -> memref<31488xi32, #tpu.memory_space<hbm>>
      tpu.wait_dma2 semaphore(%run_scoped3A : memref<!tpu.dma_semaphore, #tpu.memory_space<semaphore_mem>>) src(%arg17 : memref<31488xi32, #tpu.memory_space<vmem>>) dst(%dma_wait3A_113 : memref<31488xi32, #tpu.memory_space<hbm>>)
      tpu.yield
    }) : () -> ()
    %mul3A_108 = arith.constant 528 : i32
    %mul3A_109 = arith.muli %add3A, %mul3A_108 : i32
    "tpu.region"() ({
      %run_scoped3A = tpu.sem_alloc : memref<!tpu.dma_semaphore, #tpu.memory_space<semaphore_mem>>
      %dma_start3A_110 = tpu.memref_slice %arg9[%mul3A_109] : memref<16896xi32, #tpu.memory_space<hbm>> -> memref<528xi32, #tpu.memory_space<hbm>>
      %dma_start3A_111 = tpu.memref_slice %arg9[%mul3A_109] : memref<16896xi32, #tpu.memory_space<hbm>> -> memref<528xi32, #tpu.memory_space<hbm>>
      tpu.enqueue_dma source(%arg19 : memref<528xi32, #tpu.memory_space<vmem>>) target(%dma_start3A_111 : memref<528xi32, #tpu.memory_space<hbm>>) target_semaphore(%run_scoped3A : memref<!tpu.dma_semaphore, #tpu.memory_space<semaphore_mem>>)
      %dma_wait3A_112 = tpu.memref_slice %arg9[%mul3A_109] : memref<16896xi32, #tpu.memory_space<hbm>> -> memref<528xi32, #tpu.memory_space<hbm>>
      %dma_wait3A_113 = tpu.memref_slice %arg9[%mul3A_109] : memref<16896xi32, #tpu.memory_space<hbm>> -> memref<528xi32, #tpu.memory_space<hbm>>
      tpu.wait_dma2 semaphore(%run_scoped3A : memref<!tpu.dma_semaphore, #tpu.memory_space<semaphore_mem>>) src(%arg19 : memref<528xi32, #tpu.memory_space<vmem>>) dst(%dma_wait3A_113 : memref<528xi32, #tpu.memory_space<hbm>>)
      tpu.yield
    }) : () -> ()
    return
  }
}

#map = affine_map<(d0, d1) -> (0, 0)>
#map1 = affine_map<(d0, d1) -> (0)>
module attributes {stable_mosaic.version = 14 : i64} {
  func.func @_sc_apply_body(%arg0: i32, %arg1: i32, %arg2: memref<4096x4096xf32, #tpu.memory_space<hbm>>, %arg3: memref<1011712xi32, #tpu.memory_space<hbm>>, %arg4: memref<16896xi32, #tpu.memory_space<hbm>>, %arg5: memref<4096x4096xf32, #tpu.memory_space<hbm>>, %arg6: memref<1024xi32, #tpu.memory_space<vmem>>, %arg7: memref<8x4096xf32, #tpu.memory_space<vmem>>, %arg8: memref<8x4096xf32, #tpu.memory_space<vmem>>, %arg9: memref<32x128xi32, #tpu.memory_space<vmem>>, %arg10: memref<32xi32, #tpu.memory_space<vmem>>, %arg11: memref<32xi32, #tpu.memory_space<vmem>>, %arg12: memref<!tpu.dma_semaphore, #tpu.memory_space<semaphore_mem>>, %arg13: memref<!tpu.dma_semaphore, #tpu.memory_space<semaphore_mem>>, %arg14: memref<!tpu.dma_semaphore, #tpu.memory_space<semaphore_mem>>, %arg15: memref<!tpu.dma_semaphore, #tpu.memory_space<semaphore_mem>>, %arg16: memref<!tpu.dma_semaphore, #tpu.memory_space<semaphore_mem>>) attributes {dimension_semantics = [#tpu.dimension_semantics<core_parallel>, #tpu.dimension_semantics<subcore_parallel>], iteration_bounds = array<i64: 2, 16>, scalar_prefetch = 0 : i64, scratch_operands = 11 : i64, tpu.core_type = #tpu.core_type<sc_vector_subcore>, window_params = [{transform_indices = #map}, {transform_indices = #map1}, {transform_indices = #map1}, {transform_indices = #map}]} {
    %mul3A = arith.constant 2 : i32
    %mul3A_0 = arith.muli %arg1, %mul3A : i32
    %add3A = arith.addi %mul3A_0, %arg0 : i32
    %mul3A_1 = arith.constant 16 : i32
    %mul3A_2 = arith.muli %add3A, %mul3A_1 : i32
    %iota3A = tpu.iota {dimensions = array<i32: 0>} : vector<16xi32>
    %broadcast_in_dim3A = arith.constant 0.000000e+00 : f32
    %broadcast_in_dim3A_3 = vector.broadcast %broadcast_in_dim3A : f32 to vector<16xf32>
    %add3A_4 = arith.constant 0 : i32
    %add3A_5 = arith.addi %add3A_4, %mul3A_2 : i32
    %dma_start3A = arith.constant 0 : i32
    %dma_start3A_6 = tpu.memref_slice %arg6[%dma_start3A] : memref<1024xi32, #tpu.memory_space<vmem>> -> memref<32xi32, #tpu.memory_space<vmem>>
    %dma_start3A_7 = tpu.memref_slice %arg4[%add3A_5] : memref<16896xi32, #tpu.memory_space<hbm>> -> memref<32xi32, #tpu.memory_space<hbm>>
    %dma_start3A_8 = arith.constant 0 : i32
    %dma_start3A_9 = tpu.memref_slice %arg6[%dma_start3A_8] : memref<1024xi32, #tpu.memory_space<vmem>> -> memref<32xi32, #tpu.memory_space<vmem>>
    %dma_start3A_10 = tpu.memref_slice %arg4[%add3A_5] : memref<16896xi32, #tpu.memory_space<hbm>> -> memref<32xi32, #tpu.memory_space<hbm>>
    tpu.enqueue_dma source(%dma_start3A_10 : memref<32xi32, #tpu.memory_space<hbm>>) target(%dma_start3A_9 : memref<32xi32, #tpu.memory_space<vmem>>) target_semaphore(%arg12 : memref<!tpu.dma_semaphore, #tpu.memory_space<semaphore_mem>>)
    %add3A_11 = arith.constant 528 : i32
    %add3A_12 = arith.addi %add3A_11, %mul3A_2 : i32
    %dma_start3A_13 = arith.constant 32 : i32
    %dma_start3A_14 = tpu.memref_slice %arg6[%dma_start3A_13] : memref<1024xi32, #tpu.memory_space<vmem>> -> memref<32xi32, #tpu.memory_space<vmem>>
    %dma_start3A_15 = tpu.memref_slice %arg4[%add3A_12] : memref<16896xi32, #tpu.memory_space<hbm>> -> memref<32xi32, #tpu.memory_space<hbm>>
    %dma_start3A_16 = arith.constant 32 : i32
    %dma_start3A_17 = tpu.memref_slice %arg6[%dma_start3A_16] : memref<1024xi32, #tpu.memory_space<vmem>> -> memref<32xi32, #tpu.memory_space<vmem>>
    %dma_start3A_18 = tpu.memref_slice %arg4[%add3A_12] : memref<16896xi32, #tpu.memory_space<hbm>> -> memref<32xi32, #tpu.memory_space<hbm>>
    tpu.enqueue_dma source(%dma_start3A_18 : memref<32xi32, #tpu.memory_space<hbm>>) target(%dma_start3A_17 : memref<32xi32, #tpu.memory_space<vmem>>) target_semaphore(%arg12 : memref<!tpu.dma_semaphore, #tpu.memory_space<semaphore_mem>>)
    %add3A_19 = arith.constant 1056 : i32
    %add3A_20 = arith.addi %add3A_19, %mul3A_2 : i32
    %dma_start3A_21 = arith.constant 64 : i32
    %dma_start3A_22 = tpu.memref_slice %arg6[%dma_start3A_21] : memref<1024xi32, #tpu.memory_space<vmem>> -> memref<32xi32, #tpu.memory_space<vmem>>
    %dma_start3A_23 = tpu.memref_slice %arg4[%add3A_20] : memref<16896xi32, #tpu.memory_space<hbm>> -> memref<32xi32, #tpu.memory_space<hbm>>
    %dma_start3A_24 = arith.constant 64 : i32
    %dma_start3A_25 = tpu.memref_slice %arg6[%dma_start3A_24] : memref<1024xi32, #tpu.memory_space<vmem>> -> memref<32xi32, #tpu.memory_space<vmem>>
    %dma_start3A_26 = tpu.memref_slice %arg4[%add3A_20] : memref<16896xi32, #tpu.memory_space<hbm>> -> memref<32xi32, #tpu.memory_space<hbm>>
    tpu.enqueue_dma source(%dma_start3A_26 : memref<32xi32, #tpu.memory_space<hbm>>) target(%dma_start3A_25 : memref<32xi32, #tpu.memory_space<vmem>>) target_semaphore(%arg12 : memref<!tpu.dma_semaphore, #tpu.memory_space<semaphore_mem>>)
    %add3A_27 = arith.constant 1584 : i32
    %add3A_28 = arith.addi %add3A_27, %mul3A_2 : i32
    %dma_start3A_29 = arith.constant 96 : i32
    %dma_start3A_30 = tpu.memref_slice %arg6[%dma_start3A_29] : memref<1024xi32, #tpu.memory_space<vmem>> -> memref<32xi32, #tpu.memory_space<vmem>>
    %dma_start3A_31 = tpu.memref_slice %arg4[%add3A_28] : memref<16896xi32, #tpu.memory_space<hbm>> -> memref<32xi32, #tpu.memory_space<hbm>>
    %dma_start3A_32 = arith.constant 96 : i32
    %dma_start3A_33 = tpu.memref_slice %arg6[%dma_start3A_32] : memref<1024xi32, #tpu.memory_space<vmem>> -> memref<32xi32, #tpu.memory_space<vmem>>
    %dma_start3A_34 = tpu.memref_slice %arg4[%add3A_28] : memref<16896xi32, #tpu.memory_space<hbm>> -> memref<32xi32, #tpu.memory_space<hbm>>
    tpu.enqueue_dma source(%dma_start3A_34 : memref<32xi32, #tpu.memory_space<hbm>>) target(%dma_start3A_33 : memref<32xi32, #tpu.memory_space<vmem>>) target_semaphore(%arg12 : memref<!tpu.dma_semaphore, #tpu.memory_space<semaphore_mem>>)
    %add3A_35 = arith.constant 2112 : i32
    %add3A_36 = arith.addi %add3A_35, %mul3A_2 : i32
    %dma_start3A_37 = arith.constant 128 : i32
    %dma_start3A_38 = tpu.memref_slice %arg6[%dma_start3A_37] : memref<1024xi32, #tpu.memory_space<vmem>> -> memref<32xi32, #tpu.memory_space<vmem>>
    %dma_start3A_39 = tpu.memref_slice %arg4[%add3A_36] : memref<16896xi32, #tpu.memory_space<hbm>> -> memref<32xi32, #tpu.memory_space<hbm>>
    %dma_start3A_40 = arith.constant 128 : i32
    %dma_start3A_41 = tpu.memref_slice %arg6[%dma_start3A_40] : memref<1024xi32, #tpu.memory_space<vmem>> -> memref<32xi32, #tpu.memory_space<vmem>>
    %dma_start3A_42 = tpu.memref_slice %arg4[%add3A_36] : memref<16896xi32, #tpu.memory_space<hbm>> -> memref<32xi32, #tpu.memory_space<hbm>>
    tpu.enqueue_dma source(%dma_start3A_42 : memref<32xi32, #tpu.memory_space<hbm>>) target(%dma_start3A_41 : memref<32xi32, #tpu.memory_space<vmem>>) target_semaphore(%arg12 : memref<!tpu.dma_semaphore, #tpu.memory_space<semaphore_mem>>)
    %add3A_43 = arith.constant 2640 : i32
    %add3A_44 = arith.addi %add3A_43, %mul3A_2 : i32
    %dma_start3A_45 = arith.constant 160 : i32
    %dma_start3A_46 = tpu.memref_slice %arg6[%dma_start3A_45] : memref<1024xi32, #tpu.memory_space<vmem>> -> memref<32xi32, #tpu.memory_space<vmem>>
    %dma_start3A_47 = tpu.memref_slice %arg4[%add3A_44] : memref<16896xi32, #tpu.memory_space<hbm>> -> memref<32xi32, #tpu.memory_space<hbm>>
    %dma_start3A_48 = arith.constant 160 : i32
    %dma_start3A_49 = tpu.memref_slice %arg6[%dma_start3A_48] : memref<1024xi32, #tpu.memory_space<vmem>> -> memref<32xi32, #tpu.memory_space<vmem>>
    %dma_start3A_50 = tpu.memref_slice %arg4[%add3A_44] : memref<16896xi32, #tpu.memory_space<hbm>> -> memref<32xi32, #tpu.memory_space<hbm>>
    tpu.enqueue_dma source(%dma_start3A_50 : memref<32xi32, #tpu.memory_space<hbm>>) target(%dma_start3A_49 : memref<32xi32, #tpu.memory_space<vmem>>) target_semaphore(%arg12 : memref<!tpu.dma_semaphore, #tpu.memory_space<semaphore_mem>>)
    %add3A_51 = arith.constant 3168 : i32
    %add3A_52 = arith.addi %add3A_51, %mul3A_2 : i32
    %dma_start3A_53 = arith.constant 192 : i32
    %dma_start3A_54 = tpu.memref_slice %arg6[%dma_start3A_53] : memref<1024xi32, #tpu.memory_space<vmem>> -> memref<32xi32, #tpu.memory_space<vmem>>
    %dma_start3A_55 = tpu.memref_slice %arg4[%add3A_52] : memref<16896xi32, #tpu.memory_space<hbm>> -> memref<32xi32, #tpu.memory_space<hbm>>
    %dma_start3A_56 = arith.constant 192 : i32
    %dma_start3A_57 = tpu.memref_slice %arg6[%dma_start3A_56] : memref<1024xi32, #tpu.memory_space<vmem>> -> memref<32xi32, #tpu.memory_space<vmem>>
    %dma_start3A_58 = tpu.memref_slice %arg4[%add3A_52] : memref<16896xi32, #tpu.memory_space<hbm>> -> memref<32xi32, #tpu.memory_space<hbm>>
    tpu.enqueue_dma source(%dma_start3A_58 : memref<32xi32, #tpu.memory_space<hbm>>) target(%dma_start3A_57 : memref<32xi32, #tpu.memory_space<vmem>>) target_semaphore(%arg12 : memref<!tpu.dma_semaphore, #tpu.memory_space<semaphore_mem>>)
    %add3A_59 = arith.constant 3696 : i32
    %add3A_60 = arith.addi %add3A_59, %mul3A_2 : i32
    %dma_start3A_61 = arith.constant 224 : i32
    %dma_start3A_62 = tpu.memref_slice %arg6[%dma_start3A_61] : memref<1024xi32, #tpu.memory_space<vmem>> -> memref<32xi32, #tpu.memory_space<vmem>>
    %dma_start3A_63 = tpu.memref_slice %arg4[%add3A_60] : memref<16896xi32, #tpu.memory_space<hbm>> -> memref<32xi32, #tpu.memory_space<hbm>>
    %dma_start3A_64 = arith.constant 224 : i32
    %dma_start3A_65 = tpu.memref_slice %arg6[%dma_start3A_64] : memref<1024xi32, #tpu.memory_space<vmem>> -> memref<32xi32, #tpu.memory_space<vmem>>
    %dma_start3A_66 = tpu.memref_slice %arg4[%add3A_60] : memref<16896xi32, #tpu.memory_space<hbm>> -> memref<32xi32, #tpu.memory_space<hbm>>
    tpu.enqueue_dma source(%dma_start3A_66 : memref<32xi32, #tpu.memory_space<hbm>>) target(%dma_start3A_65 : memref<32xi32, #tpu.memory_space<vmem>>) target_semaphore(%arg12 : memref<!tpu.dma_semaphore, #tpu.memory_space<semaphore_mem>>)
    %add3A_67 = arith.constant 4224 : i32
    %add3A_68 = arith.addi %add3A_67, %mul3A_2 : i32
    %dma_start3A_69 = arith.constant 256 : i32
    %dma_start3A_70 = tpu.memref_slice %arg6[%dma_start3A_69] : memref<1024xi32, #tpu.memory_space<vmem>> -> memref<32xi32, #tpu.memory_space<vmem>>
    %dma_start3A_71 = tpu.memref_slice %arg4[%add3A_68] : memref<16896xi32, #tpu.memory_space<hbm>> -> memref<32xi32, #tpu.memory_space<hbm>>
    %dma_start3A_72 = arith.constant 256 : i32
    %dma_start3A_73 = tpu.memref_slice %arg6[%dma_start3A_72] : memref<1024xi32, #tpu.memory_space<vmem>> -> memref<32xi32, #tpu.memory_space<vmem>>
    %dma_start3A_74 = tpu.memref_slice %arg4[%add3A_68] : memref<16896xi32, #tpu.memory_space<hbm>> -> memref<32xi32, #tpu.memory_space<hbm>>
    tpu.enqueue_dma source(%dma_start3A_74 : memref<32xi32, #tpu.memory_space<hbm>>) target(%dma_start3A_73 : memref<32xi32, #tpu.memory_space<vmem>>) target_semaphore(%arg12 : memref<!tpu.dma_semaphore, #tpu.memory_space<semaphore_mem>>)
    %add3A_75 = arith.constant 4752 : i32
    %add3A_76 = arith.addi %add3A_75, %mul3A_2 : i32
    %dma_start3A_77 = arith.constant 288 : i32
    %dma_start3A_78 = tpu.memref_slice %arg6[%dma_start3A_77] : memref<1024xi32, #tpu.memory_space<vmem>> -> memref<32xi32, #tpu.memory_space<vmem>>
    %dma_start3A_79 = tpu.memref_slice %arg4[%add3A_76] : memref<16896xi32, #tpu.memory_space<hbm>> -> memref<32xi32, #tpu.memory_space<hbm>>
    %dma_start3A_80 = arith.constant 288 : i32
    %dma_start3A_81 = tpu.memref_slice %arg6[%dma_start3A_80] : memref<1024xi32, #tpu.memory_space<vmem>> -> memref<32xi32, #tpu.memory_space<vmem>>
    %dma_start3A_82 = tpu.memref_slice %arg4[%add3A_76] : memref<16896xi32, #tpu.memory_space<hbm>> -> memref<32xi32, #tpu.memory_space<hbm>>
    tpu.enqueue_dma source(%dma_start3A_82 : memref<32xi32, #tpu.memory_space<hbm>>) target(%dma_start3A_81 : memref<32xi32, #tpu.memory_space<vmem>>) target_semaphore(%arg12 : memref<!tpu.dma_semaphore, #tpu.memory_space<semaphore_mem>>)
    %add3A_83 = arith.constant 5280 : i32
    %add3A_84 = arith.addi %add3A_83, %mul3A_2 : i32
    %dma_start3A_85 = arith.constant 320 : i32
    %dma_start3A_86 = tpu.memref_slice %arg6[%dma_start3A_85] : memref<1024xi32, #tpu.memory_space<vmem>> -> memref<32xi32, #tpu.memory_space<vmem>>
    %dma_start3A_87 = tpu.memref_slice %arg4[%add3A_84] : memref<16896xi32, #tpu.memory_space<hbm>> -> memref<32xi32, #tpu.memory_space<hbm>>
    %dma_start3A_88 = arith.constant 320 : i32
    %dma_start3A_89 = tpu.memref_slice %arg6[%dma_start3A_88] : memref<1024xi32, #tpu.memory_space<vmem>> -> memref<32xi32, #tpu.memory_space<vmem>>
    %dma_start3A_90 = tpu.memref_slice %arg4[%add3A_84] : memref<16896xi32, #tpu.memory_space<hbm>> -> memref<32xi32, #tpu.memory_space<hbm>>
    tpu.enqueue_dma source(%dma_start3A_90 : memref<32xi32, #tpu.memory_space<hbm>>) target(%dma_start3A_89 : memref<32xi32, #tpu.memory_space<vmem>>) target_semaphore(%arg12 : memref<!tpu.dma_semaphore, #tpu.memory_space<semaphore_mem>>)
    %add3A_91 = arith.constant 5808 : i32
    %add3A_92 = arith.addi %add3A_91, %mul3A_2 : i32
    %dma_start3A_93 = arith.constant 352 : i32
    %dma_start3A_94 = tpu.memref_slice %arg6[%dma_start3A_93] : memref<1024xi32, #tpu.memory_space<vmem>> -> memref<32xi32, #tpu.memory_space<vmem>>
    %dma_start3A_95 = tpu.memref_slice %arg4[%add3A_92] : memref<16896xi32, #tpu.memory_space<hbm>> -> memref<32xi32, #tpu.memory_space<hbm>>
    %dma_start3A_96 = arith.constant 352 : i32
    %dma_start3A_97 = tpu.memref_slice %arg6[%dma_start3A_96] : memref<1024xi32, #tpu.memory_space<vmem>> -> memref<32xi32, #tpu.memory_space<vmem>>
    %dma_start3A_98 = tpu.memref_slice %arg4[%add3A_92] : memref<16896xi32, #tpu.memory_space<hbm>> -> memref<32xi32, #tpu.memory_space<hbm>>
    tpu.enqueue_dma source(%dma_start3A_98 : memref<32xi32, #tpu.memory_space<hbm>>) target(%dma_start3A_97 : memref<32xi32, #tpu.memory_space<vmem>>) target_semaphore(%arg12 : memref<!tpu.dma_semaphore, #tpu.memory_space<semaphore_mem>>)
    %add3A_99 = arith.constant 6336 : i32
    %add3A_100 = arith.addi %add3A_99, %mul3A_2 : i32
    %dma_start3A_101 = arith.constant 384 : i32
    %dma_start3A_102 = tpu.memref_slice %arg6[%dma_start3A_101] : memref<1024xi32, #tpu.memory_space<vmem>> -> memref<32xi32, #tpu.memory_space<vmem>>
    %dma_start3A_103 = tpu.memref_slice %arg4[%add3A_100] : memref<16896xi32, #tpu.memory_space<hbm>> -> memref<32xi32, #tpu.memory_space<hbm>>
    %dma_start3A_104 = arith.constant 384 : i32
    %dma_start3A_105 = tpu.memref_slice %arg6[%dma_start3A_104] : memref<1024xi32, #tpu.memory_space<vmem>> -> memref<32xi32, #tpu.memory_space<vmem>>
    %dma_start3A_106 = tpu.memref_slice %arg4[%add3A_100] : memref<16896xi32, #tpu.memory_space<hbm>> -> memref<32xi32, #tpu.memory_space<hbm>>
    tpu.enqueue_dma source(%dma_start3A_106 : memref<32xi32, #tpu.memory_space<hbm>>) target(%dma_start3A_105 : memref<32xi32, #tpu.memory_space<vmem>>) target_semaphore(%arg12 : memref<!tpu.dma_semaphore, #tpu.memory_space<semaphore_mem>>)
    %add3A_107 = arith.constant 6864 : i32
    %add3A_108 = arith.addi %add3A_107, %mul3A_2 : i32
    %dma_start3A_109 = arith.constant 416 : i32
    %dma_start3A_110 = tpu.memref_slice %arg6[%dma_start3A_109] : memref<1024xi32, #tpu.memory_space<vmem>> -> memref<32xi32, #tpu.memory_space<vmem>>
    %dma_start3A_111 = tpu.memref_slice %arg4[%add3A_108] : memref<16896xi32, #tpu.memory_space<hbm>> -> memref<32xi32, #tpu.memory_space<hbm>>
    %dma_start3A_112 = arith.constant 416 : i32
    %dma_start3A_113 = tpu.memref_slice %arg6[%dma_start3A_112] : memref<1024xi32, #tpu.memory_space<vmem>> -> memref<32xi32, #tpu.memory_space<vmem>>
    %dma_start3A_114 = tpu.memref_slice %arg4[%add3A_108] : memref<16896xi32, #tpu.memory_space<hbm>> -> memref<32xi32, #tpu.memory_space<hbm>>
    tpu.enqueue_dma source(%dma_start3A_114 : memref<32xi32, #tpu.memory_space<hbm>>) target(%dma_start3A_113 : memref<32xi32, #tpu.memory_space<vmem>>) target_semaphore(%arg12 : memref<!tpu.dma_semaphore, #tpu.memory_space<semaphore_mem>>)
    %add3A_115 = arith.constant 7392 : i32
    %add3A_116 = arith.addi %add3A_115, %mul3A_2 : i32
    %dma_start3A_117 = arith.constant 448 : i32
    %dma_start3A_118 = tpu.memref_slice %arg6[%dma_start3A_117] : memref<1024xi32, #tpu.memory_space<vmem>> -> memref<32xi32, #tpu.memory_space<vmem>>
    %dma_start3A_119 = tpu.memref_slice %arg4[%add3A_116] : memref<16896xi32, #tpu.memory_space<hbm>> -> memref<32xi32, #tpu.memory_space<hbm>>
    %dma_start3A_120 = arith.constant 448 : i32
    %dma_start3A_121 = tpu.memref_slice %arg6[%dma_start3A_120] : memref<1024xi32, #tpu.memory_space<vmem>> -> memref<32xi32, #tpu.memory_space<vmem>>
    %dma_start3A_122 = tpu.memref_slice %arg4[%add3A_116] : memref<16896xi32, #tpu.memory_space<hbm>> -> memref<32xi32, #tpu.memory_space<hbm>>
    tpu.enqueue_dma source(%dma_start3A_122 : memref<32xi32, #tpu.memory_space<hbm>>) target(%dma_start3A_121 : memref<32xi32, #tpu.memory_space<vmem>>) target_semaphore(%arg12 : memref<!tpu.dma_semaphore, #tpu.memory_space<semaphore_mem>>)
    %add3A_123 = arith.constant 7920 : i32
    %add3A_124 = arith.addi %add3A_123, %mul3A_2 : i32
    %dma_start3A_125 = arith.constant 480 : i32
    %dma_start3A_126 = tpu.memref_slice %arg6[%dma_start3A_125] : memref<1024xi32, #tpu.memory_space<vmem>> -> memref<32xi32, #tpu.memory_space<vmem>>
    %dma_start3A_127 = tpu.memref_slice %arg4[%add3A_124] : memref<16896xi32, #tpu.memory_space<hbm>> -> memref<32xi32, #tpu.memory_space<hbm>>
    %dma_start3A_128 = arith.constant 480 : i32
    %dma_start3A_129 = tpu.memref_slice %arg6[%dma_start3A_128] : memref<1024xi32, #tpu.memory_space<vmem>> -> memref<32xi32, #tpu.memory_space<vmem>>
    %dma_start3A_130 = tpu.memref_slice %arg4[%add3A_124] : memref<16896xi32, #tpu.memory_space<hbm>> -> memref<32xi32, #tpu.memory_space<hbm>>
    tpu.enqueue_dma source(%dma_start3A_130 : memref<32xi32, #tpu.memory_space<hbm>>) target(%dma_start3A_129 : memref<32xi32, #tpu.memory_space<vmem>>) target_semaphore(%arg12 : memref<!tpu.dma_semaphore, #tpu.memory_space<semaphore_mem>>)
    %add3A_131 = arith.constant 8448 : i32
    %add3A_132 = arith.addi %add3A_131, %mul3A_2 : i32
    %dma_start3A_133 = arith.constant 512 : i32
    %dma_start3A_134 = tpu.memref_slice %arg6[%dma_start3A_133] : memref<1024xi32, #tpu.memory_space<vmem>> -> memref<32xi32, #tpu.memory_space<vmem>>
    %dma_start3A_135 = tpu.memref_slice %arg4[%add3A_132] : memref<16896xi32, #tpu.memory_space<hbm>> -> memref<32xi32, #tpu.memory_space<hbm>>
    %dma_start3A_136 = arith.constant 512 : i32
    %dma_start3A_137 = tpu.memref_slice %arg6[%dma_start3A_136] : memref<1024xi32, #tpu.memory_space<vmem>> -> memref<32xi32, #tpu.memory_space<vmem>>
    %dma_start3A_138 = tpu.memref_slice %arg4[%add3A_132] : memref<16896xi32, #tpu.memory_space<hbm>> -> memref<32xi32, #tpu.memory_space<hbm>>
    tpu.enqueue_dma source(%dma_start3A_138 : memref<32xi32, #tpu.memory_space<hbm>>) target(%dma_start3A_137 : memref<32xi32, #tpu.memory_space<vmem>>) target_semaphore(%arg12 : memref<!tpu.dma_semaphore, #tpu.memory_space<semaphore_mem>>)
    %add3A_139 = arith.constant 8976 : i32
    %add3A_140 = arith.addi %add3A_139, %mul3A_2 : i32
    %dma_start3A_141 = arith.constant 544 : i32
    %dma_start3A_142 = tpu.memref_slice %arg6[%dma_start3A_141] : memref<1024xi32, #tpu.memory_space<vmem>> -> memref<32xi32, #tpu.memory_space<vmem>>
    %dma_start3A_143 = tpu.memref_slice %arg4[%add3A_140] : memref<16896xi32, #tpu.memory_space<hbm>> -> memref<32xi32, #tpu.memory_space<hbm>>
    %dma_start3A_144 = arith.constant 544 : i32
    %dma_start3A_145 = tpu.memref_slice %arg6[%dma_start3A_144] : memref<1024xi32, #tpu.memory_space<vmem>> -> memref<32xi32, #tpu.memory_space<vmem>>
    %dma_start3A_146 = tpu.memref_slice %arg4[%add3A_140] : memref<16896xi32, #tpu.memory_space<hbm>> -> memref<32xi32, #tpu.memory_space<hbm>>
    tpu.enqueue_dma source(%dma_start3A_146 : memref<32xi32, #tpu.memory_space<hbm>>) target(%dma_start3A_145 : memref<32xi32, #tpu.memory_space<vmem>>) target_semaphore(%arg12 : memref<!tpu.dma_semaphore, #tpu.memory_space<semaphore_mem>>)
    %add3A_147 = arith.constant 9504 : i32
    %add3A_148 = arith.addi %add3A_147, %mul3A_2 : i32
    %dma_start3A_149 = arith.constant 576 : i32
    %dma_start3A_150 = tpu.memref_slice %arg6[%dma_start3A_149] : memref<1024xi32, #tpu.memory_space<vmem>> -> memref<32xi32, #tpu.memory_space<vmem>>
    %dma_start3A_151 = tpu.memref_slice %arg4[%add3A_148] : memref<16896xi32, #tpu.memory_space<hbm>> -> memref<32xi32, #tpu.memory_space<hbm>>
    %dma_start3A_152 = arith.constant 576 : i32
    %dma_start3A_153 = tpu.memref_slice %arg6[%dma_start3A_152] : memref<1024xi32, #tpu.memory_space<vmem>> -> memref<32xi32, #tpu.memory_space<vmem>>
    %dma_start3A_154 = tpu.memref_slice %arg4[%add3A_148] : memref<16896xi32, #tpu.memory_space<hbm>> -> memref<32xi32, #tpu.memory_space<hbm>>
    tpu.enqueue_dma source(%dma_start3A_154 : memref<32xi32, #tpu.memory_space<hbm>>) target(%dma_start3A_153 : memref<32xi32, #tpu.memory_space<vmem>>) target_semaphore(%arg12 : memref<!tpu.dma_semaphore, #tpu.memory_space<semaphore_mem>>)
    %add3A_155 = arith.constant 10032 : i32
    %add3A_156 = arith.addi %add3A_155, %mul3A_2 : i32
    %dma_start3A_157 = arith.constant 608 : i32
    %dma_start3A_158 = tpu.memref_slice %arg6[%dma_start3A_157] : memref<1024xi32, #tpu.memory_space<vmem>> -> memref<32xi32, #tpu.memory_space<vmem>>
    %dma_start3A_159 = tpu.memref_slice %arg4[%add3A_156] : memref<16896xi32, #tpu.memory_space<hbm>> -> memref<32xi32, #tpu.memory_space<hbm>>
    %dma_start3A_160 = arith.constant 608 : i32
    %dma_start3A_161 = tpu.memref_slice %arg6[%dma_start3A_160] : memref<1024xi32, #tpu.memory_space<vmem>> -> memref<32xi32, #tpu.memory_space<vmem>>
    %dma_start3A_162 = tpu.memref_slice %arg4[%add3A_156] : memref<16896xi32, #tpu.memory_space<hbm>> -> memref<32xi32, #tpu.memory_space<hbm>>
    tpu.enqueue_dma source(%dma_start3A_162 : memref<32xi32, #tpu.memory_space<hbm>>) target(%dma_start3A_161 : memref<32xi32, #tpu.memory_space<vmem>>) target_semaphore(%arg12 : memref<!tpu.dma_semaphore, #tpu.memory_space<semaphore_mem>>)
    %add3A_163 = arith.constant 10560 : i32
    %add3A_164 = arith.addi %add3A_163, %mul3A_2 : i32
    %dma_start3A_165 = arith.constant 640 : i32
    %dma_start3A_166 = tpu.memref_slice %arg6[%dma_start3A_165] : memref<1024xi32, #tpu.memory_space<vmem>> -> memref<32xi32, #tpu.memory_space<vmem>>
    %dma_start3A_167 = tpu.memref_slice %arg4[%add3A_164] : memref<16896xi32, #tpu.memory_space<hbm>> -> memref<32xi32, #tpu.memory_space<hbm>>
    %dma_start3A_168 = arith.constant 640 : i32
    %dma_start3A_169 = tpu.memref_slice %arg6[%dma_start3A_168] : memref<1024xi32, #tpu.memory_space<vmem>> -> memref<32xi32, #tpu.memory_space<vmem>>
    %dma_start3A_170 = tpu.memref_slice %arg4[%add3A_164] : memref<16896xi32, #tpu.memory_space<hbm>> -> memref<32xi32, #tpu.memory_space<hbm>>
    tpu.enqueue_dma source(%dma_start3A_170 : memref<32xi32, #tpu.memory_space<hbm>>) target(%dma_start3A_169 : memref<32xi32, #tpu.memory_space<vmem>>) target_semaphore(%arg12 : memref<!tpu.dma_semaphore, #tpu.memory_space<semaphore_mem>>)
    %add3A_171 = arith.constant 11088 : i32
    %add3A_172 = arith.addi %add3A_171, %mul3A_2 : i32
    %dma_start3A_173 = arith.constant 672 : i32
    %dma_start3A_174 = tpu.memref_slice %arg6[%dma_start3A_173] : memref<1024xi32, #tpu.memory_space<vmem>> -> memref<32xi32, #tpu.memory_space<vmem>>
    %dma_start3A_175 = tpu.memref_slice %arg4[%add3A_172] : memref<16896xi32, #tpu.memory_space<hbm>> -> memref<32xi32, #tpu.memory_space<hbm>>
    %dma_start3A_176 = arith.constant 672 : i32
    %dma_start3A_177 = tpu.memref_slice %arg6[%dma_start3A_176] : memref<1024xi32, #tpu.memory_space<vmem>> -> memref<32xi32, #tpu.memory_space<vmem>>
    %dma_start3A_178 = tpu.memref_slice %arg4[%add3A_172] : memref<16896xi32, #tpu.memory_space<hbm>> -> memref<32xi32, #tpu.memory_space<hbm>>
    tpu.enqueue_dma source(%dma_start3A_178 : memref<32xi32, #tpu.memory_space<hbm>>) target(%dma_start3A_177 : memref<32xi32, #tpu.memory_space<vmem>>) target_semaphore(%arg12 : memref<!tpu.dma_semaphore, #tpu.memory_space<semaphore_mem>>)
    %add3A_179 = arith.constant 11616 : i32
    %add3A_180 = arith.addi %add3A_179, %mul3A_2 : i32
    %dma_start3A_181 = arith.constant 704 : i32
    %dma_start3A_182 = tpu.memref_slice %arg6[%dma_start3A_181] : memref<1024xi32, #tpu.memory_space<vmem>> -> memref<32xi32, #tpu.memory_space<vmem>>
    %dma_start3A_183 = tpu.memref_slice %arg4[%add3A_180] : memref<16896xi32, #tpu.memory_space<hbm>> -> memref<32xi32, #tpu.memory_space<hbm>>
    %dma_start3A_184 = arith.constant 704 : i32
    %dma_start3A_185 = tpu.memref_slice %arg6[%dma_start3A_184] : memref<1024xi32, #tpu.memory_space<vmem>> -> memref<32xi32, #tpu.memory_space<vmem>>
    %dma_start3A_186 = tpu.memref_slice %arg4[%add3A_180] : memref<16896xi32, #tpu.memory_space<hbm>> -> memref<32xi32, #tpu.memory_space<hbm>>
    tpu.enqueue_dma source(%dma_start3A_186 : memref<32xi32, #tpu.memory_space<hbm>>) target(%dma_start3A_185 : memref<32xi32, #tpu.memory_space<vmem>>) target_semaphore(%arg12 : memref<!tpu.dma_semaphore, #tpu.memory_space<semaphore_mem>>)
    %add3A_187 = arith.constant 12144 : i32
    %add3A_188 = arith.addi %add3A_187, %mul3A_2 : i32
    %dma_start3A_189 = arith.constant 736 : i32
    %dma_start3A_190 = tpu.memref_slice %arg6[%dma_start3A_189] : memref<1024xi32, #tpu.memory_space<vmem>> -> memref<32xi32, #tpu.memory_space<vmem>>
    %dma_start3A_191 = tpu.memref_slice %arg4[%add3A_188] : memref<16896xi32, #tpu.memory_space<hbm>> -> memref<32xi32, #tpu.memory_space<hbm>>
    %dma_start3A_192 = arith.constant 736 : i32
    %dma_start3A_193 = tpu.memref_slice %arg6[%dma_start3A_192] : memref<1024xi32, #tpu.memory_space<vmem>> -> memref<32xi32, #tpu.memory_space<vmem>>
    %dma_start3A_194 = tpu.memref_slice %arg4[%add3A_188] : memref<16896xi32, #tpu.memory_space<hbm>> -> memref<32xi32, #tpu.memory_space<hbm>>
    tpu.enqueue_dma source(%dma_start3A_194 : memref<32xi32, #tpu.memory_space<hbm>>) target(%dma_start3A_193 : memref<32xi32, #tpu.memory_space<vmem>>) target_semaphore(%arg12 : memref<!tpu.dma_semaphore, #tpu.memory_space<semaphore_mem>>)
    %add3A_195 = arith.constant 12672 : i32
    %add3A_196 = arith.addi %add3A_195, %mul3A_2 : i32
    %dma_start3A_197 = arith.constant 768 : i32
    %dma_start3A_198 = tpu.memref_slice %arg6[%dma_start3A_197] : memref<1024xi32, #tpu.memory_space<vmem>> -> memref<32xi32, #tpu.memory_space<vmem>>
    %dma_start3A_199 = tpu.memref_slice %arg4[%add3A_196] : memref<16896xi32, #tpu.memory_space<hbm>> -> memref<32xi32, #tpu.memory_space<hbm>>
    %dma_start3A_200 = arith.constant 768 : i32
    %dma_start3A_201 = tpu.memref_slice %arg6[%dma_start3A_200] : memref<1024xi32, #tpu.memory_space<vmem>> -> memref<32xi32, #tpu.memory_space<vmem>>
    %dma_start3A_202 = tpu.memref_slice %arg4[%add3A_196] : memref<16896xi32, #tpu.memory_space<hbm>> -> memref<32xi32, #tpu.memory_space<hbm>>
    tpu.enqueue_dma source(%dma_start3A_202 : memref<32xi32, #tpu.memory_space<hbm>>) target(%dma_start3A_201 : memref<32xi32, #tpu.memory_space<vmem>>) target_semaphore(%arg12 : memref<!tpu.dma_semaphore, #tpu.memory_space<semaphore_mem>>)
    %add3A_203 = arith.constant 13200 : i32
    %add3A_204 = arith.addi %add3A_203, %mul3A_2 : i32
    %dma_start3A_205 = arith.constant 800 : i32
    %dma_start3A_206 = tpu.memref_slice %arg6[%dma_start3A_205] : memref<1024xi32, #tpu.memory_space<vmem>> -> memref<32xi32, #tpu.memory_space<vmem>>
    %dma_start3A_207 = tpu.memref_slice %arg4[%add3A_204] : memref<16896xi32, #tpu.memory_space<hbm>> -> memref<32xi32, #tpu.memory_space<hbm>>
    %dma_start3A_208 = arith.constant 800 : i32
    %dma_start3A_209 = tpu.memref_slice %arg6[%dma_start3A_208] : memref<1024xi32, #tpu.memory_space<vmem>> -> memref<32xi32, #tpu.memory_space<vmem>>
    %dma_start3A_210 = tpu.memref_slice %arg4[%add3A_204] : memref<16896xi32, #tpu.memory_space<hbm>> -> memref<32xi32, #tpu.memory_space<hbm>>
    tpu.enqueue_dma source(%dma_start3A_210 : memref<32xi32, #tpu.memory_space<hbm>>) target(%dma_start3A_209 : memref<32xi32, #tpu.memory_space<vmem>>) target_semaphore(%arg12 : memref<!tpu.dma_semaphore, #tpu.memory_space<semaphore_mem>>)
    %add3A_211 = arith.constant 13728 : i32
    %add3A_212 = arith.addi %add3A_211, %mul3A_2 : i32
    %dma_start3A_213 = arith.constant 832 : i32
    %dma_start3A_214 = tpu.memref_slice %arg6[%dma_start3A_213] : memref<1024xi32, #tpu.memory_space<vmem>> -> memref<32xi32, #tpu.memory_space<vmem>>
    %dma_start3A_215 = tpu.memref_slice %arg4[%add3A_212] : memref<16896xi32, #tpu.memory_space<hbm>> -> memref<32xi32, #tpu.memory_space<hbm>>
    %dma_start3A_216 = arith.constant 832 : i32
    %dma_start3A_217 = tpu.memref_slice %arg6[%dma_start3A_216] : memref<1024xi32, #tpu.memory_space<vmem>> -> memref<32xi32, #tpu.memory_space<vmem>>
    %dma_start3A_218 = tpu.memref_slice %arg4[%add3A_212] : memref<16896xi32, #tpu.memory_space<hbm>> -> memref<32xi32, #tpu.memory_space<hbm>>
    tpu.enqueue_dma source(%dma_start3A_218 : memref<32xi32, #tpu.memory_space<hbm>>) target(%dma_start3A_217 : memref<32xi32, #tpu.memory_space<vmem>>) target_semaphore(%arg12 : memref<!tpu.dma_semaphore, #tpu.memory_space<semaphore_mem>>)
    %add3A_219 = arith.constant 14256 : i32
    %add3A_220 = arith.addi %add3A_219, %mul3A_2 : i32
    %dma_start3A_221 = arith.constant 864 : i32
    %dma_start3A_222 = tpu.memref_slice %arg6[%dma_start3A_221] : memref<1024xi32, #tpu.memory_space<vmem>> -> memref<32xi32, #tpu.memory_space<vmem>>
    %dma_start3A_223 = tpu.memref_slice %arg4[%add3A_220] : memref<16896xi32, #tpu.memory_space<hbm>> -> memref<32xi32, #tpu.memory_space<hbm>>
    %dma_start3A_224 = arith.constant 864 : i32
    %dma_start3A_225 = tpu.memref_slice %arg6[%dma_start3A_224] : memref<1024xi32, #tpu.memory_space<vmem>> -> memref<32xi32, #tpu.memory_space<vmem>>
    %dma_start3A_226 = tpu.memref_slice %arg4[%add3A_220] : memref<16896xi32, #tpu.memory_space<hbm>> -> memref<32xi32, #tpu.memory_space<hbm>>
    tpu.enqueue_dma source(%dma_start3A_226 : memref<32xi32, #tpu.memory_space<hbm>>) target(%dma_start3A_225 : memref<32xi32, #tpu.memory_space<vmem>>) target_semaphore(%arg12 : memref<!tpu.dma_semaphore, #tpu.memory_space<semaphore_mem>>)
    %add3A_227 = arith.constant 14784 : i32
    %add3A_228 = arith.addi %add3A_227, %mul3A_2 : i32
    %dma_start3A_229 = arith.constant 896 : i32
    %dma_start3A_230 = tpu.memref_slice %arg6[%dma_start3A_229] : memref<1024xi32, #tpu.memory_space<vmem>> -> memref<32xi32, #tpu.memory_space<vmem>>
    %dma_start3A_231 = tpu.memref_slice %arg4[%add3A_228] : memref<16896xi32, #tpu.memory_space<hbm>> -> memref<32xi32, #tpu.memory_space<hbm>>
    %dma_start3A_232 = arith.constant 896 : i32
    %dma_start3A_233 = tpu.memref_slice %arg6[%dma_start3A_232] : memref<1024xi32, #tpu.memory_space<vmem>> -> memref<32xi32, #tpu.memory_space<vmem>>
    %dma_start3A_234 = tpu.memref_slice %arg4[%add3A_228] : memref<16896xi32, #tpu.memory_space<hbm>> -> memref<32xi32, #tpu.memory_space<hbm>>
    tpu.enqueue_dma source(%dma_start3A_234 : memref<32xi32, #tpu.memory_space<hbm>>) target(%dma_start3A_233 : memref<32xi32, #tpu.memory_space<vmem>>) target_semaphore(%arg12 : memref<!tpu.dma_semaphore, #tpu.memory_space<semaphore_mem>>)
    %add3A_235 = arith.constant 15312 : i32
    %add3A_236 = arith.addi %add3A_235, %mul3A_2 : i32
    %dma_start3A_237 = arith.constant 928 : i32
    %dma_start3A_238 = tpu.memref_slice %arg6[%dma_start3A_237] : memref<1024xi32, #tpu.memory_space<vmem>> -> memref<32xi32, #tpu.memory_space<vmem>>
    %dma_start3A_239 = tpu.memref_slice %arg4[%add3A_236] : memref<16896xi32, #tpu.memory_space<hbm>> -> memref<32xi32, #tpu.memory_space<hbm>>
    %dma_start3A_240 = arith.constant 928 : i32
    %dma_start3A_241 = tpu.memref_slice %arg6[%dma_start3A_240] : memref<1024xi32, #tpu.memory_space<vmem>> -> memref<32xi32, #tpu.memory_space<vmem>>
    %dma_start3A_242 = tpu.memref_slice %arg4[%add3A_236] : memref<16896xi32, #tpu.memory_space<hbm>> -> memref<32xi32, #tpu.memory_space<hbm>>
    tpu.enqueue_dma source(%dma_start3A_242 : memref<32xi32, #tpu.memory_space<hbm>>) target(%dma_start3A_241 : memref<32xi32, #tpu.memory_space<vmem>>) target_semaphore(%arg12 : memref<!tpu.dma_semaphore, #tpu.memory_space<semaphore_mem>>)
    %add3A_243 = arith.constant 15840 : i32
    %add3A_244 = arith.addi %add3A_243, %mul3A_2 : i32
    %dma_start3A_245 = arith.constant 960 : i32
    %dma_start3A_246 = tpu.memref_slice %arg6[%dma_start3A_245] : memref<1024xi32, #tpu.memory_space<vmem>> -> memref<32xi32, #tpu.memory_space<vmem>>
    %dma_start3A_247 = tpu.memref_slice %arg4[%add3A_244] : memref<16896xi32, #tpu.memory_space<hbm>> -> memref<32xi32, #tpu.memory_space<hbm>>
    %dma_start3A_248 = arith.constant 960 : i32
    %dma_start3A_249 = tpu.memref_slice %arg6[%dma_start3A_248] : memref<1024xi32, #tpu.memory_space<vmem>> -> memref<32xi32, #tpu.memory_space<vmem>>
    %dma_start3A_250 = tpu.memref_slice %arg4[%add3A_244] : memref<16896xi32, #tpu.memory_space<hbm>> -> memref<32xi32, #tpu.memory_space<hbm>>
    tpu.enqueue_dma source(%dma_start3A_250 : memref<32xi32, #tpu.memory_space<hbm>>) target(%dma_start3A_249 : memref<32xi32, #tpu.memory_space<vmem>>) target_semaphore(%arg12 : memref<!tpu.dma_semaphore, #tpu.memory_space<semaphore_mem>>)
    %add3A_251 = arith.constant 16368 : i32
    %add3A_252 = arith.addi %add3A_251, %mul3A_2 : i32
    %dma_start3A_253 = arith.constant 992 : i32
    %dma_start3A_254 = tpu.memref_slice %arg6[%dma_start3A_253] : memref<1024xi32, #tpu.memory_space<vmem>> -> memref<32xi32, #tpu.memory_space<vmem>>
    %dma_start3A_255 = tpu.memref_slice %arg4[%add3A_252] : memref<16896xi32, #tpu.memory_space<hbm>> -> memref<32xi32, #tpu.memory_space<hbm>>
    %dma_start3A_256 = arith.constant 992 : i32
    %dma_start3A_257 = tpu.memref_slice %arg6[%dma_start3A_256] : memref<1024xi32, #tpu.memory_space<vmem>> -> memref<32xi32, #tpu.memory_space<vmem>>
    %dma_start3A_258 = tpu.memref_slice %arg4[%add3A_252] : memref<16896xi32, #tpu.memory_space<hbm>> -> memref<32xi32, #tpu.memory_space<hbm>>
    tpu.enqueue_dma source(%dma_start3A_258 : memref<32xi32, #tpu.memory_space<hbm>>) target(%dma_start3A_257 : memref<32xi32, #tpu.memory_space<vmem>>) target_semaphore(%arg12 : memref<!tpu.dma_semaphore, #tpu.memory_space<semaphore_mem>>)
    %add3A_259 = arith.constant 0 : i32
    %add3A_260 = arith.addi %add3A_259, %mul3A_2 : i32
    %dma_wait3A = arith.constant 0 : i32
    %dma_wait3A_261 = tpu.memref_slice %arg6[%dma_wait3A] : memref<1024xi32, #tpu.memory_space<vmem>> -> memref<32xi32, #tpu.memory_space<vmem>>
    %dma_wait3A_262 = tpu.memref_slice %arg4[%add3A_260] : memref<16896xi32, #tpu.memory_space<hbm>> -> memref<32xi32, #tpu.memory_space<hbm>>
    %dma_wait3A_263 = arith.constant 0 : i32
    %dma_wait3A_264 = tpu.memref_slice %arg6[%dma_wait3A_263] : memref<1024xi32, #tpu.memory_space<vmem>> -> memref<32xi32, #tpu.memory_space<vmem>>
    %dma_wait3A_265 = tpu.memref_slice %arg4[%add3A_260] : memref<16896xi32, #tpu.memory_space<hbm>> -> memref<32xi32, #tpu.memory_space<hbm>>
    tpu.wait_dma2 semaphore(%arg12 : memref<!tpu.dma_semaphore, #tpu.memory_space<semaphore_mem>>) src(%dma_wait3A_265 : memref<32xi32, #tpu.memory_space<hbm>>) dst(%dma_wait3A_264 : memref<32xi32, #tpu.memory_space<vmem>>)
    %add3A_266 = arith.constant 528 : i32
    %add3A_267 = arith.addi %add3A_266, %mul3A_2 : i32
    %dma_wait3A_268 = arith.constant 32 : i32
    %dma_wait3A_269 = tpu.memref_slice %arg6[%dma_wait3A_268] : memref<1024xi32, #tpu.memory_space<vmem>> -> memref<32xi32, #tpu.memory_space<vmem>>
    %dma_wait3A_270 = tpu.memref_slice %arg4[%add3A_267] : memref<16896xi32, #tpu.memory_space<hbm>> -> memref<32xi32, #tpu.memory_space<hbm>>
    %dma_wait3A_271 = arith.constant 32 : i32
    %dma_wait3A_272 = tpu.memref_slice %arg6[%dma_wait3A_271] : memref<1024xi32, #tpu.memory_space<vmem>> -> memref<32xi32, #tpu.memory_space<vmem>>
    %dma_wait3A_273 = tpu.memref_slice %arg4[%add3A_267] : memref<16896xi32, #tpu.memory_space<hbm>> -> memref<32xi32, #tpu.memory_space<hbm>>
    tpu.wait_dma2 semaphore(%arg12 : memref<!tpu.dma_semaphore, #tpu.memory_space<semaphore_mem>>) src(%dma_wait3A_273 : memref<32xi32, #tpu.memory_space<hbm>>) dst(%dma_wait3A_272 : memref<32xi32, #tpu.memory_space<vmem>>)
    %add3A_274 = arith.constant 1056 : i32
    %add3A_275 = arith.addi %add3A_274, %mul3A_2 : i32
    %dma_wait3A_276 = arith.constant 64 : i32
    %dma_wait3A_277 = tpu.memref_slice %arg6[%dma_wait3A_276] : memref<1024xi32, #tpu.memory_space<vmem>> -> memref<32xi32, #tpu.memory_space<vmem>>
    %dma_wait3A_278 = tpu.memref_slice %arg4[%add3A_275] : memref<16896xi32, #tpu.memory_space<hbm>> -> memref<32xi32, #tpu.memory_space<hbm>>
    %dma_wait3A_279 = arith.constant 64 : i32
    %dma_wait3A_280 = tpu.memref_slice %arg6[%dma_wait3A_279] : memref<1024xi32, #tpu.memory_space<vmem>> -> memref<32xi32, #tpu.memory_space<vmem>>
    %dma_wait3A_281 = tpu.memref_slice %arg4[%add3A_275] : memref<16896xi32, #tpu.memory_space<hbm>> -> memref<32xi32, #tpu.memory_space<hbm>>
    tpu.wait_dma2 semaphore(%arg12 : memref<!tpu.dma_semaphore, #tpu.memory_space<semaphore_mem>>) src(%dma_wait3A_281 : memref<32xi32, #tpu.memory_space<hbm>>) dst(%dma_wait3A_280 : memref<32xi32, #tpu.memory_space<vmem>>)
    %add3A_282 = arith.constant 1584 : i32
    %add3A_283 = arith.addi %add3A_282, %mul3A_2 : i32
    %dma_wait3A_284 = arith.constant 96 : i32
    %dma_wait3A_285 = tpu.memref_slice %arg6[%dma_wait3A_284] : memref<1024xi32, #tpu.memory_space<vmem>> -> memref<32xi32, #tpu.memory_space<vmem>>
    %dma_wait3A_286 = tpu.memref_slice %arg4[%add3A_283] : memref<16896xi32, #tpu.memory_space<hbm>> -> memref<32xi32, #tpu.memory_space<hbm>>
    %dma_wait3A_287 = arith.constant 96 : i32
    %dma_wait3A_288 = tpu.memref_slice %arg6[%dma_wait3A_287] : memref<1024xi32, #tpu.memory_space<vmem>> -> memref<32xi32, #tpu.memory_space<vmem>>
    %dma_wait3A_289 = tpu.memref_slice %arg4[%add3A_283] : memref<16896xi32, #tpu.memory_space<hbm>> -> memref<32xi32, #tpu.memory_space<hbm>>
    tpu.wait_dma2 semaphore(%arg12 : memref<!tpu.dma_semaphore, #tpu.memory_space<semaphore_mem>>) src(%dma_wait3A_289 : memref<32xi32, #tpu.memory_space<hbm>>) dst(%dma_wait3A_288 : memref<32xi32, #tpu.memory_space<vmem>>)
    %add3A_290 = arith.constant 2112 : i32
    %add3A_291 = arith.addi %add3A_290, %mul3A_2 : i32
    %dma_wait3A_292 = arith.constant 128 : i32
    %dma_wait3A_293 = tpu.memref_slice %arg6[%dma_wait3A_292] : memref<1024xi32, #tpu.memory_space<vmem>> -> memref<32xi32, #tpu.memory_space<vmem>>
    %dma_wait3A_294 = tpu.memref_slice %arg4[%add3A_291] : memref<16896xi32, #tpu.memory_space<hbm>> -> memref<32xi32, #tpu.memory_space<hbm>>
    %dma_wait3A_295 = arith.constant 128 : i32
    %dma_wait3A_296 = tpu.memref_slice %arg6[%dma_wait3A_295] : memref<1024xi32, #tpu.memory_space<vmem>> -> memref<32xi32, #tpu.memory_space<vmem>>
    %dma_wait3A_297 = tpu.memref_slice %arg4[%add3A_291] : memref<16896xi32, #tpu.memory_space<hbm>> -> memref<32xi32, #tpu.memory_space<hbm>>
    tpu.wait_dma2 semaphore(%arg12 : memref<!tpu.dma_semaphore, #tpu.memory_space<semaphore_mem>>) src(%dma_wait3A_297 : memref<32xi32, #tpu.memory_space<hbm>>) dst(%dma_wait3A_296 : memref<32xi32, #tpu.memory_space<vmem>>)
    %add3A_298 = arith.constant 2640 : i32
    %add3A_299 = arith.addi %add3A_298, %mul3A_2 : i32
    %dma_wait3A_300 = arith.constant 160 : i32
    %dma_wait3A_301 = tpu.memref_slice %arg6[%dma_wait3A_300] : memref<1024xi32, #tpu.memory_space<vmem>> -> memref<32xi32, #tpu.memory_space<vmem>>
    %dma_wait3A_302 = tpu.memref_slice %arg4[%add3A_299] : memref<16896xi32, #tpu.memory_space<hbm>> -> memref<32xi32, #tpu.memory_space<hbm>>
    %dma_wait3A_303 = arith.constant 160 : i32
    %dma_wait3A_304 = tpu.memref_slice %arg6[%dma_wait3A_303] : memref<1024xi32, #tpu.memory_space<vmem>> -> memref<32xi32, #tpu.memory_space<vmem>>
    %dma_wait3A_305 = tpu.memref_slice %arg4[%add3A_299] : memref<16896xi32, #tpu.memory_space<hbm>> -> memref<32xi32, #tpu.memory_space<hbm>>
    tpu.wait_dma2 semaphore(%arg12 : memref<!tpu.dma_semaphore, #tpu.memory_space<semaphore_mem>>) src(%dma_wait3A_305 : memref<32xi32, #tpu.memory_space<hbm>>) dst(%dma_wait3A_304 : memref<32xi32, #tpu.memory_space<vmem>>)
    %add3A_306 = arith.constant 3168 : i32
    %add3A_307 = arith.addi %add3A_306, %mul3A_2 : i32
    %dma_wait3A_308 = arith.constant 192 : i32
    %dma_wait3A_309 = tpu.memref_slice %arg6[%dma_wait3A_308] : memref<1024xi32, #tpu.memory_space<vmem>> -> memref<32xi32, #tpu.memory_space<vmem>>
    %dma_wait3A_310 = tpu.memref_slice %arg4[%add3A_307] : memref<16896xi32, #tpu.memory_space<hbm>> -> memref<32xi32, #tpu.memory_space<hbm>>
    %dma_wait3A_311 = arith.constant 192 : i32
    %dma_wait3A_312 = tpu.memref_slice %arg6[%dma_wait3A_311] : memref<1024xi32, #tpu.memory_space<vmem>> -> memref<32xi32, #tpu.memory_space<vmem>>
    %dma_wait3A_313 = tpu.memref_slice %arg4[%add3A_307] : memref<16896xi32, #tpu.memory_space<hbm>> -> memref<32xi32, #tpu.memory_space<hbm>>
    tpu.wait_dma2 semaphore(%arg12 : memref<!tpu.dma_semaphore, #tpu.memory_space<semaphore_mem>>) src(%dma_wait3A_313 : memref<32xi32, #tpu.memory_space<hbm>>) dst(%dma_wait3A_312 : memref<32xi32, #tpu.memory_space<vmem>>)
    %add3A_314 = arith.constant 3696 : i32
    %add3A_315 = arith.addi %add3A_314, %mul3A_2 : i32
    %dma_wait3A_316 = arith.constant 224 : i32
    %dma_wait3A_317 = tpu.memref_slice %arg6[%dma_wait3A_316] : memref<1024xi32, #tpu.memory_space<vmem>> -> memref<32xi32, #tpu.memory_space<vmem>>
    %dma_wait3A_318 = tpu.memref_slice %arg4[%add3A_315] : memref<16896xi32, #tpu.memory_space<hbm>> -> memref<32xi32, #tpu.memory_space<hbm>>
    %dma_wait3A_319 = arith.constant 224 : i32
    %dma_wait3A_320 = tpu.memref_slice %arg6[%dma_wait3A_319] : memref<1024xi32, #tpu.memory_space<vmem>> -> memref<32xi32, #tpu.memory_space<vmem>>
    %dma_wait3A_321 = tpu.memref_slice %arg4[%add3A_315] : memref<16896xi32, #tpu.memory_space<hbm>> -> memref<32xi32, #tpu.memory_space<hbm>>
    tpu.wait_dma2 semaphore(%arg12 : memref<!tpu.dma_semaphore, #tpu.memory_space<semaphore_mem>>) src(%dma_wait3A_321 : memref<32xi32, #tpu.memory_space<hbm>>) dst(%dma_wait3A_320 : memref<32xi32, #tpu.memory_space<vmem>>)
    %add3A_322 = arith.constant 4224 : i32
    %add3A_323 = arith.addi %add3A_322, %mul3A_2 : i32
    %dma_wait3A_324 = arith.constant 256 : i32
    %dma_wait3A_325 = tpu.memref_slice %arg6[%dma_wait3A_324] : memref<1024xi32, #tpu.memory_space<vmem>> -> memref<32xi32, #tpu.memory_space<vmem>>
    %dma_wait3A_326 = tpu.memref_slice %arg4[%add3A_323] : memref<16896xi32, #tpu.memory_space<hbm>> -> memref<32xi32, #tpu.memory_space<hbm>>
    %dma_wait3A_327 = arith.constant 256 : i32
    %dma_wait3A_328 = tpu.memref_slice %arg6[%dma_wait3A_327] : memref<1024xi32, #tpu.memory_space<vmem>> -> memref<32xi32, #tpu.memory_space<vmem>>
    %dma_wait3A_329 = tpu.memref_slice %arg4[%add3A_323] : memref<16896xi32, #tpu.memory_space<hbm>> -> memref<32xi32, #tpu.memory_space<hbm>>
    tpu.wait_dma2 semaphore(%arg12 : memref<!tpu.dma_semaphore, #tpu.memory_space<semaphore_mem>>) src(%dma_wait3A_329 : memref<32xi32, #tpu.memory_space<hbm>>) dst(%dma_wait3A_328 : memref<32xi32, #tpu.memory_space<vmem>>)
    %add3A_330 = arith.constant 4752 : i32
    %add3A_331 = arith.addi %add3A_330, %mul3A_2 : i32
    %dma_wait3A_332 = arith.constant 288 : i32
    %dma_wait3A_333 = tpu.memref_slice %arg6[%dma_wait3A_332] : memref<1024xi32, #tpu.memory_space<vmem>> -> memref<32xi32, #tpu.memory_space<vmem>>
    %dma_wait3A_334 = tpu.memref_slice %arg4[%add3A_331] : memref<16896xi32, #tpu.memory_space<hbm>> -> memref<32xi32, #tpu.memory_space<hbm>>
    %dma_wait3A_335 = arith.constant 288 : i32
    %dma_wait3A_336 = tpu.memref_slice %arg6[%dma_wait3A_335] : memref<1024xi32, #tpu.memory_space<vmem>> -> memref<32xi32, #tpu.memory_space<vmem>>
    %dma_wait3A_337 = tpu.memref_slice %arg4[%add3A_331] : memref<16896xi32, #tpu.memory_space<hbm>> -> memref<32xi32, #tpu.memory_space<hbm>>
    tpu.wait_dma2 semaphore(%arg12 : memref<!tpu.dma_semaphore, #tpu.memory_space<semaphore_mem>>) src(%dma_wait3A_337 : memref<32xi32, #tpu.memory_space<hbm>>) dst(%dma_wait3A_336 : memref<32xi32, #tpu.memory_space<vmem>>)
    %add3A_338 = arith.constant 5280 : i32
    %add3A_339 = arith.addi %add3A_338, %mul3A_2 : i32
    %dma_wait3A_340 = arith.constant 320 : i32
    %dma_wait3A_341 = tpu.memref_slice %arg6[%dma_wait3A_340] : memref<1024xi32, #tpu.memory_space<vmem>> -> memref<32xi32, #tpu.memory_space<vmem>>
    %dma_wait3A_342 = tpu.memref_slice %arg4[%add3A_339] : memref<16896xi32, #tpu.memory_space<hbm>> -> memref<32xi32, #tpu.memory_space<hbm>>
    %dma_wait3A_343 = arith.constant 320 : i32
    %dma_wait3A_344 = tpu.memref_slice %arg6[%dma_wait3A_343] : memref<1024xi32, #tpu.memory_space<vmem>> -> memref<32xi32, #tpu.memory_space<vmem>>
    %dma_wait3A_345 = tpu.memref_slice %arg4[%add3A_339] : memref<16896xi32, #tpu.memory_space<hbm>> -> memref<32xi32, #tpu.memory_space<hbm>>
    tpu.wait_dma2 semaphore(%arg12 : memref<!tpu.dma_semaphore, #tpu.memory_space<semaphore_mem>>) src(%dma_wait3A_345 : memref<32xi32, #tpu.memory_space<hbm>>) dst(%dma_wait3A_344 : memref<32xi32, #tpu.memory_space<vmem>>)
    %add3A_346 = arith.constant 5808 : i32
    %add3A_347 = arith.addi %add3A_346, %mul3A_2 : i32
    %dma_wait3A_348 = arith.constant 352 : i32
    %dma_wait3A_349 = tpu.memref_slice %arg6[%dma_wait3A_348] : memref<1024xi32, #tpu.memory_space<vmem>> -> memref<32xi32, #tpu.memory_space<vmem>>
    %dma_wait3A_350 = tpu.memref_slice %arg4[%add3A_347] : memref<16896xi32, #tpu.memory_space<hbm>> -> memref<32xi32, #tpu.memory_space<hbm>>
    %dma_wait3A_351 = arith.constant 352 : i32
    %dma_wait3A_352 = tpu.memref_slice %arg6[%dma_wait3A_351] : memref<1024xi32, #tpu.memory_space<vmem>> -> memref<32xi32, #tpu.memory_space<vmem>>
    %dma_wait3A_353 = tpu.memref_slice %arg4[%add3A_347] : memref<16896xi32, #tpu.memory_space<hbm>> -> memref<32xi32, #tpu.memory_space<hbm>>
    tpu.wait_dma2 semaphore(%arg12 : memref<!tpu.dma_semaphore, #tpu.memory_space<semaphore_mem>>) src(%dma_wait3A_353 : memref<32xi32, #tpu.memory_space<hbm>>) dst(%dma_wait3A_352 : memref<32xi32, #tpu.memory_space<vmem>>)
    %add3A_354 = arith.constant 6336 : i32
    %add3A_355 = arith.addi %add3A_354, %mul3A_2 : i32
    %dma_wait3A_356 = arith.constant 384 : i32
    %dma_wait3A_357 = tpu.memref_slice %arg6[%dma_wait3A_356] : memref<1024xi32, #tpu.memory_space<vmem>> -> memref<32xi32, #tpu.memory_space<vmem>>
    %dma_wait3A_358 = tpu.memref_slice %arg4[%add3A_355] : memref<16896xi32, #tpu.memory_space<hbm>> -> memref<32xi32, #tpu.memory_space<hbm>>
    %dma_wait3A_359 = arith.constant 384 : i32
    %dma_wait3A_360 = tpu.memref_slice %arg6[%dma_wait3A_359] : memref<1024xi32, #tpu.memory_space<vmem>> -> memref<32xi32, #tpu.memory_space<vmem>>
    %dma_wait3A_361 = tpu.memref_slice %arg4[%add3A_355] : memref<16896xi32, #tpu.memory_space<hbm>> -> memref<32xi32, #tpu.memory_space<hbm>>
    tpu.wait_dma2 semaphore(%arg12 : memref<!tpu.dma_semaphore, #tpu.memory_space<semaphore_mem>>) src(%dma_wait3A_361 : memref<32xi32, #tpu.memory_space<hbm>>) dst(%dma_wait3A_360 : memref<32xi32, #tpu.memory_space<vmem>>)
    %add3A_362 = arith.constant 6864 : i32
    %add3A_363 = arith.addi %add3A_362, %mul3A_2 : i32
    %dma_wait3A_364 = arith.constant 416 : i32
    %dma_wait3A_365 = tpu.memref_slice %arg6[%dma_wait3A_364] : memref<1024xi32, #tpu.memory_space<vmem>> -> memref<32xi32, #tpu.memory_space<vmem>>
    %dma_wait3A_366 = tpu.memref_slice %arg4[%add3A_363] : memref<16896xi32, #tpu.memory_space<hbm>> -> memref<32xi32, #tpu.memory_space<hbm>>
    %dma_wait3A_367 = arith.constant 416 : i32
    %dma_wait3A_368 = tpu.memref_slice %arg6[%dma_wait3A_367] : memref<1024xi32, #tpu.memory_space<vmem>> -> memref<32xi32, #tpu.memory_space<vmem>>
    %dma_wait3A_369 = tpu.memref_slice %arg4[%add3A_363] : memref<16896xi32, #tpu.memory_space<hbm>> -> memref<32xi32, #tpu.memory_space<hbm>>
    tpu.wait_dma2 semaphore(%arg12 : memref<!tpu.dma_semaphore, #tpu.memory_space<semaphore_mem>>) src(%dma_wait3A_369 : memref<32xi32, #tpu.memory_space<hbm>>) dst(%dma_wait3A_368 : memref<32xi32, #tpu.memory_space<vmem>>)
    %add3A_370 = arith.constant 7392 : i32
    %add3A_371 = arith.addi %add3A_370, %mul3A_2 : i32
    %dma_wait3A_372 = arith.constant 448 : i32
    %dma_wait3A_373 = tpu.memref_slice %arg6[%dma_wait3A_372] : memref<1024xi32, #tpu.memory_space<vmem>> -> memref<32xi32, #tpu.memory_space<vmem>>
    %dma_wait3A_374 = tpu.memref_slice %arg4[%add3A_371] : memref<16896xi32, #tpu.memory_space<hbm>> -> memref<32xi32, #tpu.memory_space<hbm>>
    %dma_wait3A_375 = arith.constant 448 : i32
    %dma_wait3A_376 = tpu.memref_slice %arg6[%dma_wait3A_375] : memref<1024xi32, #tpu.memory_space<vmem>> -> memref<32xi32, #tpu.memory_space<vmem>>
    %dma_wait3A_377 = tpu.memref_slice %arg4[%add3A_371] : memref<16896xi32, #tpu.memory_space<hbm>> -> memref<32xi32, #tpu.memory_space<hbm>>
    tpu.wait_dma2 semaphore(%arg12 : memref<!tpu.dma_semaphore, #tpu.memory_space<semaphore_mem>>) src(%dma_wait3A_377 : memref<32xi32, #tpu.memory_space<hbm>>) dst(%dma_wait3A_376 : memref<32xi32, #tpu.memory_space<vmem>>)
    %add3A_378 = arith.constant 7920 : i32
    %add3A_379 = arith.addi %add3A_378, %mul3A_2 : i32
    %dma_wait3A_380 = arith.constant 480 : i32
    %dma_wait3A_381 = tpu.memref_slice %arg6[%dma_wait3A_380] : memref<1024xi32, #tpu.memory_space<vmem>> -> memref<32xi32, #tpu.memory_space<vmem>>
    %dma_wait3A_382 = tpu.memref_slice %arg4[%add3A_379] : memref<16896xi32, #tpu.memory_space<hbm>> -> memref<32xi32, #tpu.memory_space<hbm>>
    %dma_wait3A_383 = arith.constant 480 : i32
    %dma_wait3A_384 = tpu.memref_slice %arg6[%dma_wait3A_383] : memref<1024xi32, #tpu.memory_space<vmem>> -> memref<32xi32, #tpu.memory_space<vmem>>
    %dma_wait3A_385 = tpu.memref_slice %arg4[%add3A_379] : memref<16896xi32, #tpu.memory_space<hbm>> -> memref<32xi32, #tpu.memory_space<hbm>>
    tpu.wait_dma2 semaphore(%arg12 : memref<!tpu.dma_semaphore, #tpu.memory_space<semaphore_mem>>) src(%dma_wait3A_385 : memref<32xi32, #tpu.memory_space<hbm>>) dst(%dma_wait3A_384 : memref<32xi32, #tpu.memory_space<vmem>>)
    %add3A_386 = arith.constant 8448 : i32
    %add3A_387 = arith.addi %add3A_386, %mul3A_2 : i32
    %dma_wait3A_388 = arith.constant 512 : i32
    %dma_wait3A_389 = tpu.memref_slice %arg6[%dma_wait3A_388] : memref<1024xi32, #tpu.memory_space<vmem>> -> memref<32xi32, #tpu.memory_space<vmem>>
    %dma_wait3A_390 = tpu.memref_slice %arg4[%add3A_387] : memref<16896xi32, #tpu.memory_space<hbm>> -> memref<32xi32, #tpu.memory_space<hbm>>
    %dma_wait3A_391 = arith.constant 512 : i32
    %dma_wait3A_392 = tpu.memref_slice %arg6[%dma_wait3A_391] : memref<1024xi32, #tpu.memory_space<vmem>> -> memref<32xi32, #tpu.memory_space<vmem>>
    %dma_wait3A_393 = tpu.memref_slice %arg4[%add3A_387] : memref<16896xi32, #tpu.memory_space<hbm>> -> memref<32xi32, #tpu.memory_space<hbm>>
    tpu.wait_dma2 semaphore(%arg12 : memref<!tpu.dma_semaphore, #tpu.memory_space<semaphore_mem>>) src(%dma_wait3A_393 : memref<32xi32, #tpu.memory_space<hbm>>) dst(%dma_wait3A_392 : memref<32xi32, #tpu.memory_space<vmem>>)
    %add3A_394 = arith.constant 8976 : i32
    %add3A_395 = arith.addi %add3A_394, %mul3A_2 : i32
    %dma_wait3A_396 = arith.constant 544 : i32
    %dma_wait3A_397 = tpu.memref_slice %arg6[%dma_wait3A_396] : memref<1024xi32, #tpu.memory_space<vmem>> -> memref<32xi32, #tpu.memory_space<vmem>>
    %dma_wait3A_398 = tpu.memref_slice %arg4[%add3A_395] : memref<16896xi32, #tpu.memory_space<hbm>> -> memref<32xi32, #tpu.memory_space<hbm>>
    %dma_wait3A_399 = arith.constant 544 : i32
    %dma_wait3A_400 = tpu.memref_slice %arg6[%dma_wait3A_399] : memref<1024xi32, #tpu.memory_space<vmem>> -> memref<32xi32, #tpu.memory_space<vmem>>
    %dma_wait3A_401 = tpu.memref_slice %arg4[%add3A_395] : memref<16896xi32, #tpu.memory_space<hbm>> -> memref<32xi32, #tpu.memory_space<hbm>>
    tpu.wait_dma2 semaphore(%arg12 : memref<!tpu.dma_semaphore, #tpu.memory_space<semaphore_mem>>) src(%dma_wait3A_401 : memref<32xi32, #tpu.memory_space<hbm>>) dst(%dma_wait3A_400 : memref<32xi32, #tpu.memory_space<vmem>>)
    %add3A_402 = arith.constant 9504 : i32
    %add3A_403 = arith.addi %add3A_402, %mul3A_2 : i32
    %dma_wait3A_404 = arith.constant 576 : i32
    %dma_wait3A_405 = tpu.memref_slice %arg6[%dma_wait3A_404] : memref<1024xi32, #tpu.memory_space<vmem>> -> memref<32xi32, #tpu.memory_space<vmem>>
    %dma_wait3A_406 = tpu.memref_slice %arg4[%add3A_403] : memref<16896xi32, #tpu.memory_space<hbm>> -> memref<32xi32, #tpu.memory_space<hbm>>
    %dma_wait3A_407 = arith.constant 576 : i32
    %dma_wait3A_408 = tpu.memref_slice %arg6[%dma_wait3A_407] : memref<1024xi32, #tpu.memory_space<vmem>> -> memref<32xi32, #tpu.memory_space<vmem>>
    %dma_wait3A_409 = tpu.memref_slice %arg4[%add3A_403] : memref<16896xi32, #tpu.memory_space<hbm>> -> memref<32xi32, #tpu.memory_space<hbm>>
    tpu.wait_dma2 semaphore(%arg12 : memref<!tpu.dma_semaphore, #tpu.memory_space<semaphore_mem>>) src(%dma_wait3A_409 : memref<32xi32, #tpu.memory_space<hbm>>) dst(%dma_wait3A_408 : memref<32xi32, #tpu.memory_space<vmem>>)
    %add3A_410 = arith.constant 10032 : i32
    %add3A_411 = arith.addi %add3A_410, %mul3A_2 : i32
    %dma_wait3A_412 = arith.constant 608 : i32
    %dma_wait3A_413 = tpu.memref_slice %arg6[%dma_wait3A_412] : memref<1024xi32, #tpu.memory_space<vmem>> -> memref<32xi32, #tpu.memory_space<vmem>>
    %dma_wait3A_414 = tpu.memref_slice %arg4[%add3A_411] : memref<16896xi32, #tpu.memory_space<hbm>> -> memref<32xi32, #tpu.memory_space<hbm>>
    %dma_wait3A_415 = arith.constant 608 : i32
    %dma_wait3A_416 = tpu.memref_slice %arg6[%dma_wait3A_415] : memref<1024xi32, #tpu.memory_space<vmem>> -> memref<32xi32, #tpu.memory_space<vmem>>
    %dma_wait3A_417 = tpu.memref_slice %arg4[%add3A_411] : memref<16896xi32, #tpu.memory_space<hbm>> -> memref<32xi32, #tpu.memory_space<hbm>>
    tpu.wait_dma2 semaphore(%arg12 : memref<!tpu.dma_semaphore, #tpu.memory_space<semaphore_mem>>) src(%dma_wait3A_417 : memref<32xi32, #tpu.memory_space<hbm>>) dst(%dma_wait3A_416 : memref<32xi32, #tpu.memory_space<vmem>>)
    %add3A_418 = arith.constant 10560 : i32
    %add3A_419 = arith.addi %add3A_418, %mul3A_2 : i32
    %dma_wait3A_420 = arith.constant 640 : i32
    %dma_wait3A_421 = tpu.memref_slice %arg6[%dma_wait3A_420] : memref<1024xi32, #tpu.memory_space<vmem>> -> memref<32xi32, #tpu.memory_space<vmem>>
    %dma_wait3A_422 = tpu.memref_slice %arg4[%add3A_419] : memref<16896xi32, #tpu.memory_space<hbm>> -> memref<32xi32, #tpu.memory_space<hbm>>
    %dma_wait3A_423 = arith.constant 640 : i32
    %dma_wait3A_424 = tpu.memref_slice %arg6[%dma_wait3A_423] : memref<1024xi32, #tpu.memory_space<vmem>> -> memref<32xi32, #tpu.memory_space<vmem>>
    %dma_wait3A_425 = tpu.memref_slice %arg4[%add3A_419] : memref<16896xi32, #tpu.memory_space<hbm>> -> memref<32xi32, #tpu.memory_space<hbm>>
    tpu.wait_dma2 semaphore(%arg12 : memref<!tpu.dma_semaphore, #tpu.memory_space<semaphore_mem>>) src(%dma_wait3A_425 : memref<32xi32, #tpu.memory_space<hbm>>) dst(%dma_wait3A_424 : memref<32xi32, #tpu.memory_space<vmem>>)
    %add3A_426 = arith.constant 11088 : i32
    %add3A_427 = arith.addi %add3A_426, %mul3A_2 : i32
    %dma_wait3A_428 = arith.constant 672 : i32
    %dma_wait3A_429 = tpu.memref_slice %arg6[%dma_wait3A_428] : memref<1024xi32, #tpu.memory_space<vmem>> -> memref<32xi32, #tpu.memory_space<vmem>>
    %dma_wait3A_430 = tpu.memref_slice %arg4[%add3A_427] : memref<16896xi32, #tpu.memory_space<hbm>> -> memref<32xi32, #tpu.memory_space<hbm>>
    %dma_wait3A_431 = arith.constant 672 : i32
    %dma_wait3A_432 = tpu.memref_slice %arg6[%dma_wait3A_431] : memref<1024xi32, #tpu.memory_space<vmem>> -> memref<32xi32, #tpu.memory_space<vmem>>
    %dma_wait3A_433 = tpu.memref_slice %arg4[%add3A_427] : memref<16896xi32, #tpu.memory_space<hbm>> -> memref<32xi32, #tpu.memory_space<hbm>>
    tpu.wait_dma2 semaphore(%arg12 : memref<!tpu.dma_semaphore, #tpu.memory_space<semaphore_mem>>) src(%dma_wait3A_433 : memref<32xi32, #tpu.memory_space<hbm>>) dst(%dma_wait3A_432 : memref<32xi32, #tpu.memory_space<vmem>>)
    %add3A_434 = arith.constant 11616 : i32
    %add3A_435 = arith.addi %add3A_434, %mul3A_2 : i32
    %dma_wait3A_436 = arith.constant 704 : i32
    %dma_wait3A_437 = tpu.memref_slice %arg6[%dma_wait3A_436] : memref<1024xi32, #tpu.memory_space<vmem>> -> memref<32xi32, #tpu.memory_space<vmem>>
    %dma_wait3A_438 = tpu.memref_slice %arg4[%add3A_435] : memref<16896xi32, #tpu.memory_space<hbm>> -> memref<32xi32, #tpu.memory_space<hbm>>
    %dma_wait3A_439 = arith.constant 704 : i32
    %dma_wait3A_440 = tpu.memref_slice %arg6[%dma_wait3A_439] : memref<1024xi32, #tpu.memory_space<vmem>> -> memref<32xi32, #tpu.memory_space<vmem>>
    %dma_wait3A_441 = tpu.memref_slice %arg4[%add3A_435] : memref<16896xi32, #tpu.memory_space<hbm>> -> memref<32xi32, #tpu.memory_space<hbm>>
    tpu.wait_dma2 semaphore(%arg12 : memref<!tpu.dma_semaphore, #tpu.memory_space<semaphore_mem>>) src(%dma_wait3A_441 : memref<32xi32, #tpu.memory_space<hbm>>) dst(%dma_wait3A_440 : memref<32xi32, #tpu.memory_space<vmem>>)
    %add3A_442 = arith.constant 12144 : i32
    %add3A_443 = arith.addi %add3A_442, %mul3A_2 : i32
    %dma_wait3A_444 = arith.constant 736 : i32
    %dma_wait3A_445 = tpu.memref_slice %arg6[%dma_wait3A_444] : memref<1024xi32, #tpu.memory_space<vmem>> -> memref<32xi32, #tpu.memory_space<vmem>>
    %dma_wait3A_446 = tpu.memref_slice %arg4[%add3A_443] : memref<16896xi32, #tpu.memory_space<hbm>> -> memref<32xi32, #tpu.memory_space<hbm>>
    %dma_wait3A_447 = arith.constant 736 : i32
    %dma_wait3A_448 = tpu.memref_slice %arg6[%dma_wait3A_447] : memref<1024xi32, #tpu.memory_space<vmem>> -> memref<32xi32, #tpu.memory_space<vmem>>
    %dma_wait3A_449 = tpu.memref_slice %arg4[%add3A_443] : memref<16896xi32, #tpu.memory_space<hbm>> -> memref<32xi32, #tpu.memory_space<hbm>>
    tpu.wait_dma2 semaphore(%arg12 : memref<!tpu.dma_semaphore, #tpu.memory_space<semaphore_mem>>) src(%dma_wait3A_449 : memref<32xi32, #tpu.memory_space<hbm>>) dst(%dma_wait3A_448 : memref<32xi32, #tpu.memory_space<vmem>>)
    %add3A_450 = arith.constant 12672 : i32
    %add3A_451 = arith.addi %add3A_450, %mul3A_2 : i32
    %dma_wait3A_452 = arith.constant 768 : i32
    %dma_wait3A_453 = tpu.memref_slice %arg6[%dma_wait3A_452] : memref<1024xi32, #tpu.memory_space<vmem>> -> memref<32xi32, #tpu.memory_space<vmem>>
    %dma_wait3A_454 = tpu.memref_slice %arg4[%add3A_451] : memref<16896xi32, #tpu.memory_space<hbm>> -> memref<32xi32, #tpu.memory_space<hbm>>
    %dma_wait3A_455 = arith.constant 768 : i32
    %dma_wait3A_456 = tpu.memref_slice %arg6[%dma_wait3A_455] : memref<1024xi32, #tpu.memory_space<vmem>> -> memref<32xi32, #tpu.memory_space<vmem>>
    %dma_wait3A_457 = tpu.memref_slice %arg4[%add3A_451] : memref<16896xi32, #tpu.memory_space<hbm>> -> memref<32xi32, #tpu.memory_space<hbm>>
    tpu.wait_dma2 semaphore(%arg12 : memref<!tpu.dma_semaphore, #tpu.memory_space<semaphore_mem>>) src(%dma_wait3A_457 : memref<32xi32, #tpu.memory_space<hbm>>) dst(%dma_wait3A_456 : memref<32xi32, #tpu.memory_space<vmem>>)
    %add3A_458 = arith.constant 13200 : i32
    %add3A_459 = arith.addi %add3A_458, %mul3A_2 : i32
    %dma_wait3A_460 = arith.constant 800 : i32
    %dma_wait3A_461 = tpu.memref_slice %arg6[%dma_wait3A_460] : memref<1024xi32, #tpu.memory_space<vmem>> -> memref<32xi32, #tpu.memory_space<vmem>>
    %dma_wait3A_462 = tpu.memref_slice %arg4[%add3A_459] : memref<16896xi32, #tpu.memory_space<hbm>> -> memref<32xi32, #tpu.memory_space<hbm>>
    %dma_wait3A_463 = arith.constant 800 : i32
    %dma_wait3A_464 = tpu.memref_slice %arg6[%dma_wait3A_463] : memref<1024xi32, #tpu.memory_space<vmem>> -> memref<32xi32, #tpu.memory_space<vmem>>
    %dma_wait3A_465 = tpu.memref_slice %arg4[%add3A_459] : memref<16896xi32, #tpu.memory_space<hbm>> -> memref<32xi32, #tpu.memory_space<hbm>>
    tpu.wait_dma2 semaphore(%arg12 : memref<!tpu.dma_semaphore, #tpu.memory_space<semaphore_mem>>) src(%dma_wait3A_465 : memref<32xi32, #tpu.memory_space<hbm>>) dst(%dma_wait3A_464 : memref<32xi32, #tpu.memory_space<vmem>>)
    %add3A_466 = arith.constant 13728 : i32
    %add3A_467 = arith.addi %add3A_466, %mul3A_2 : i32
    %dma_wait3A_468 = arith.constant 832 : i32
    %dma_wait3A_469 = tpu.memref_slice %arg6[%dma_wait3A_468] : memref<1024xi32, #tpu.memory_space<vmem>> -> memref<32xi32, #tpu.memory_space<vmem>>
    %dma_wait3A_470 = tpu.memref_slice %arg4[%add3A_467] : memref<16896xi32, #tpu.memory_space<hbm>> -> memref<32xi32, #tpu.memory_space<hbm>>
    %dma_wait3A_471 = arith.constant 832 : i32
    %dma_wait3A_472 = tpu.memref_slice %arg6[%dma_wait3A_471] : memref<1024xi32, #tpu.memory_space<vmem>> -> memref<32xi32, #tpu.memory_space<vmem>>
    %dma_wait3A_473 = tpu.memref_slice %arg4[%add3A_467] : memref<16896xi32, #tpu.memory_space<hbm>> -> memref<32xi32, #tpu.memory_space<hbm>>
    tpu.wait_dma2 semaphore(%arg12 : memref<!tpu.dma_semaphore, #tpu.memory_space<semaphore_mem>>) src(%dma_wait3A_473 : memref<32xi32, #tpu.memory_space<hbm>>) dst(%dma_wait3A_472 : memref<32xi32, #tpu.memory_space<vmem>>)
    %add3A_474 = arith.constant 14256 : i32
    %add3A_475 = arith.addi %add3A_474, %mul3A_2 : i32
    %dma_wait3A_476 = arith.constant 864 : i32
    %dma_wait3A_477 = tpu.memref_slice %arg6[%dma_wait3A_476] : memref<1024xi32, #tpu.memory_space<vmem>> -> memref<32xi32, #tpu.memory_space<vmem>>
    %dma_wait3A_478 = tpu.memref_slice %arg4[%add3A_475] : memref<16896xi32, #tpu.memory_space<hbm>> -> memref<32xi32, #tpu.memory_space<hbm>>
    %dma_wait3A_479 = arith.constant 864 : i32
    %dma_wait3A_480 = tpu.memref_slice %arg6[%dma_wait3A_479] : memref<1024xi32, #tpu.memory_space<vmem>> -> memref<32xi32, #tpu.memory_space<vmem>>
    %dma_wait3A_481 = tpu.memref_slice %arg4[%add3A_475] : memref<16896xi32, #tpu.memory_space<hbm>> -> memref<32xi32, #tpu.memory_space<hbm>>
    tpu.wait_dma2 semaphore(%arg12 : memref<!tpu.dma_semaphore, #tpu.memory_space<semaphore_mem>>) src(%dma_wait3A_481 : memref<32xi32, #tpu.memory_space<hbm>>) dst(%dma_wait3A_480 : memref<32xi32, #tpu.memory_space<vmem>>)
    %add3A_482 = arith.constant 14784 : i32
    %add3A_483 = arith.addi %add3A_482, %mul3A_2 : i32
    %dma_wait3A_484 = arith.constant 896 : i32
    %dma_wait3A_485 = tpu.memref_slice %arg6[%dma_wait3A_484] : memref<1024xi32, #tpu.memory_space<vmem>> -> memref<32xi32, #tpu.memory_space<vmem>>
    %dma_wait3A_486 = tpu.memref_slice %arg4[%add3A_483] : memref<16896xi32, #tpu.memory_space<hbm>> -> memref<32xi32, #tpu.memory_space<hbm>>
    %dma_wait3A_487 = arith.constant 896 : i32
    %dma_wait3A_488 = tpu.memref_slice %arg6[%dma_wait3A_487] : memref<1024xi32, #tpu.memory_space<vmem>> -> memref<32xi32, #tpu.memory_space<vmem>>
    %dma_wait3A_489 = tpu.memref_slice %arg4[%add3A_483] : memref<16896xi32, #tpu.memory_space<hbm>> -> memref<32xi32, #tpu.memory_space<hbm>>
    tpu.wait_dma2 semaphore(%arg12 : memref<!tpu.dma_semaphore, #tpu.memory_space<semaphore_mem>>) src(%dma_wait3A_489 : memref<32xi32, #tpu.memory_space<hbm>>) dst(%dma_wait3A_488 : memref<32xi32, #tpu.memory_space<vmem>>)
    %add3A_490 = arith.constant 15312 : i32
    %add3A_491 = arith.addi %add3A_490, %mul3A_2 : i32
    %dma_wait3A_492 = arith.constant 928 : i32
    %dma_wait3A_493 = tpu.memref_slice %arg6[%dma_wait3A_492] : memref<1024xi32, #tpu.memory_space<vmem>> -> memref<32xi32, #tpu.memory_space<vmem>>
    %dma_wait3A_494 = tpu.memref_slice %arg4[%add3A_491] : memref<16896xi32, #tpu.memory_space<hbm>> -> memref<32xi32, #tpu.memory_space<hbm>>
    %dma_wait3A_495 = arith.constant 928 : i32
    %dma_wait3A_496 = tpu.memref_slice %arg6[%dma_wait3A_495] : memref<1024xi32, #tpu.memory_space<vmem>> -> memref<32xi32, #tpu.memory_space<vmem>>
    %dma_wait3A_497 = tpu.memref_slice %arg4[%add3A_491] : memref<16896xi32, #tpu.memory_space<hbm>> -> memref<32xi32, #tpu.memory_space<hbm>>
    tpu.wait_dma2 semaphore(%arg12 : memref<!tpu.dma_semaphore, #tpu.memory_space<semaphore_mem>>) src(%dma_wait3A_497 : memref<32xi32, #tpu.memory_space<hbm>>) dst(%dma_wait3A_496 : memref<32xi32, #tpu.memory_space<vmem>>)
    %add3A_498 = arith.constant 15840 : i32
    %add3A_499 = arith.addi %add3A_498, %mul3A_2 : i32
    %dma_wait3A_500 = arith.constant 960 : i32
    %dma_wait3A_501 = tpu.memref_slice %arg6[%dma_wait3A_500] : memref<1024xi32, #tpu.memory_space<vmem>> -> memref<32xi32, #tpu.memory_space<vmem>>
    %dma_wait3A_502 = tpu.memref_slice %arg4[%add3A_499] : memref<16896xi32, #tpu.memory_space<hbm>> -> memref<32xi32, #tpu.memory_space<hbm>>
    %dma_wait3A_503 = arith.constant 960 : i32
    %dma_wait3A_504 = tpu.memref_slice %arg6[%dma_wait3A_503] : memref<1024xi32, #tpu.memory_space<vmem>> -> memref<32xi32, #tpu.memory_space<vmem>>
    %dma_wait3A_505 = tpu.memref_slice %arg4[%add3A_499] : memref<16896xi32, #tpu.memory_space<hbm>> -> memref<32xi32, #tpu.memory_space<hbm>>
    tpu.wait_dma2 semaphore(%arg12 : memref<!tpu.dma_semaphore, #tpu.memory_space<semaphore_mem>>) src(%dma_wait3A_505 : memref<32xi32, #tpu.memory_space<hbm>>) dst(%dma_wait3A_504 : memref<32xi32, #tpu.memory_space<vmem>>)
    %add3A_506 = arith.constant 16368 : i32
    %add3A_507 = arith.addi %add3A_506, %mul3A_2 : i32
    %dma_wait3A_508 = arith.constant 992 : i32
    %dma_wait3A_509 = tpu.memref_slice %arg6[%dma_wait3A_508] : memref<1024xi32, #tpu.memory_space<vmem>> -> memref<32xi32, #tpu.memory_space<vmem>>
    %dma_wait3A_510 = tpu.memref_slice %arg4[%add3A_507] : memref<16896xi32, #tpu.memory_space<hbm>> -> memref<32xi32, #tpu.memory_space<hbm>>
    %dma_wait3A_511 = arith.constant 992 : i32
    %dma_wait3A_512 = tpu.memref_slice %arg6[%dma_wait3A_511] : memref<1024xi32, #tpu.memory_space<vmem>> -> memref<32xi32, #tpu.memory_space<vmem>>
    %dma_wait3A_513 = tpu.memref_slice %arg4[%add3A_507] : memref<16896xi32, #tpu.memory_space<hbm>> -> memref<32xi32, #tpu.memory_space<hbm>>
    tpu.wait_dma2 semaphore(%arg12 : memref<!tpu.dma_semaphore, #tpu.memory_space<semaphore_mem>>) src(%dma_wait3A_513 : memref<32xi32, #tpu.memory_space<hbm>>) dst(%dma_wait3A_512 : memref<32xi32, #tpu.memory_space<vmem>>)
    %add3A_514 = arith.constant 0 : i32
    %add3A_515 = arith.addi %mul3A_2, %add3A_514 : i32
    %mul3A_516 = arith.constant 8 : i32
    %mul3A_517 = arith.muli %add3A_515, %mul3A_516 : i32
    %multiple_of3A = tpu.assume_multiple %mul3A_517, 8 : i32
    %dma_start3A_518 = arith.constant 0 : i32
    %dma_start3A_519 = tpu.memref_slice %arg2[%multiple_of3A, %dma_start3A_518] : memref<4096x4096xf32, #tpu.memory_space<hbm>> -> memref<8x4096xf32, #tpu.memory_space<hbm>>
    %dma_start3A_520 = arith.constant 0 : i32
    %dma_start3A_521 = tpu.memref_slice %arg2[%multiple_of3A, %dma_start3A_520] : memref<4096x4096xf32, #tpu.memory_space<hbm>> -> memref<8x4096xf32, #tpu.memory_space<hbm>>
    tpu.enqueue_dma source(%dma_start3A_521 : memref<8x4096xf32, #tpu.memory_space<hbm>>) target(%arg7 : memref<8x4096xf32, #tpu.memory_space<vmem>>) target_semaphore(%arg13 : memref<!tpu.dma_semaphore, #tpu.memory_space<semaphore_mem>>)
    %scan3A = arith.constant 0 : i32
    %scan3A_522 = arith.constant 0 : i32
    %scan3A_523 = arith.constant 8 : i32
    %scan3A_524 = arith.addi %scan3A_522, %scan3A_523 : i32
    %scan3A_525 = arith.constant 1 : i32
    %scan3A_526 = scf.for %scan3A_546 = %scan3A_522 to %scan3A_524 step %scan3A_525 iter_args(%scan3A_547 = %scan3A) -> (i32)  : i32 {
      %mul3A_548 = arith.constant 2 : i32
      %mul3A_549 = arith.muli %mul3A_548, %scan3A_546 : i32
      %add3A_550 = arith.constant 1 : i32
      %add3A_551 = arith.addi %mul3A_549, %add3A_550 : i32
      %gt3A = arith.constant 0 : i32
      %gt3A_552 = arith.cmpi sgt, %scan3A_546, %gt3A : i32
      %convert_element_type3A = arith.extui %gt3A_552 : i1 to i32
      %cond3A = arith.constant 0 : i32
      %cond3A_553 = arith.cmpi ne, %convert_element_type3A, %cond3A : i32
      scf.if %cond3A_553 {
        %sub3A = arith.constant 2 : i32
        %sub3A_647 = arith.subi %add3A_551, %sub3A : i32
        %add3A_648 = arith.addi %mul3A_2, %sub3A_647 : i32
        %mul3A_649 = arith.constant 8 : i32
        %mul3A_650 = arith.muli %add3A_648, %mul3A_649 : i32
        %multiple_of3A_651 = tpu.assume_multiple %mul3A_650, 8 : i32
        %dma_wait3A_652 = arith.constant 0 : i32
        %dma_wait3A_653 = tpu.memref_slice %arg5[%multiple_of3A_651, %dma_wait3A_652] : memref<4096x4096xf32, #tpu.memory_space<hbm>> -> memref<8x4096xf32, #tpu.memory_space<hbm>>
        %dma_wait3A_654 = arith.constant 0 : i32
        %dma_wait3A_655 = tpu.memref_slice %arg5[%multiple_of3A_651, %dma_wait3A_654] : memref<4096x4096xf32, #tpu.memory_space<hbm>> -> memref<8x4096xf32, #tpu.memory_space<hbm>>
        tpu.wait_dma2 semaphore(%arg16 : memref<!tpu.dma_semaphore, #tpu.memory_space<semaphore_mem>>) src(%arg8 : memref<8x4096xf32, #tpu.memory_space<vmem>>) dst(%dma_wait3A_655 : memref<8x4096xf32, #tpu.memory_space<hbm>>)
      } else {
      }
      %add3A_554 = arith.addi %mul3A_2, %add3A_551 : i32
      %mul3A_555 = arith.constant 8 : i32
      %mul3A_556 = arith.muli %add3A_554, %mul3A_555 : i32
      %multiple_of3A_557 = tpu.assume_multiple %mul3A_556, 8 : i32
      %dma_start3A_558 = arith.constant 0 : i32
      %dma_start3A_559 = tpu.memref_slice %arg2[%multiple_of3A_557, %dma_start3A_558] : memref<4096x4096xf32, #tpu.memory_space<hbm>> -> memref<8x4096xf32, #tpu.memory_space<hbm>>
      %dma_start3A_560 = arith.constant 0 : i32
      %dma_start3A_561 = tpu.memref_slice %arg2[%multiple_of3A_557, %dma_start3A_560] : memref<4096x4096xf32, #tpu.memory_space<hbm>> -> memref<8x4096xf32, #tpu.memory_space<hbm>>
      tpu.enqueue_dma source(%dma_start3A_561 : memref<8x4096xf32, #tpu.memory_space<hbm>>) target(%arg8 : memref<8x4096xf32, #tpu.memory_space<vmem>>) target_semaphore(%arg14 : memref<!tpu.dma_semaphore, #tpu.memory_space<semaphore_mem>>)
      %scan3A_562 = arith.constant 0 : i32
      %scan3A_563 = arith.constant 0 : i32
      %scan3A_564 = arith.constant 32 : i32
      %scan3A_565 = arith.addi %scan3A_563, %scan3A_564 : i32
      %scan3A_566 = arith.constant 1 : i32
      %scan3A_567 = scf.for %scan3A_647 = %scan3A_563 to %scan3A_565 step %scan3A_566 iter_args(%scan3A_648 = %scan3A_562) -> (i32)  : i32 {
        %mul3A_649 = arith.constant 32 : i32
        %mul3A_650 = arith.muli %scan3A_647, %mul3A_649 : i32
        %and3A = arith.constant 16 : i32
        %and3A_651 = arith.andi %mul3A_549, %and3A : i32
        %add3A_652 = arith.addi %mul3A_650, %and3A_651 : i32
        %get3A = arith.index_cast %add3A_652 : i32 to index
        %get3A_653 = tpu.vector_load %arg6[%get3A] {strides = array<i32>} : memref<1024xi32, #tpu.memory_space<vmem>>, vector<16xi32>,
        %and3A_654 = arith.constant 15 : i32
        %and3A_655 = arith.andi %mul3A_549, %and3A_654 : i32
        %eq3A = vector.broadcast %and3A_655 : i32 to vector<16xi32>
        %eq3A_656 = arith.cmpi eq, %iota3A, %eq3A : vector<16xi32>
        %jit3A = arith.constant 0 : i32
        %broadcast_in_dim3A_657 = vector.broadcast %jit3A : i32 to vector<16xi32>
        %select_n3A = arith.select %eq3A_656, %get3A_653, %broadcast_in_dim3A_657 : vector<16xi1>, vector<16xi32>
        %reduce_sum3A = arith.constant true
        %reduce_sum3A_658 = vector.broadcast %reduce_sum3A : i1 to vector<16xi1>
        %reduce_sum3A_659 = tpu.scan <sum>, %select_n3A masked %reduce_sum3A_658 : vector<16xi32>, vector<16xi1> -> vector<16xi32>
        %reduce_sum3A_660 = vector.extract %reduce_sum3A_659[15] : i32 from vector<16xi32>
        %mul3A_661 = arith.constant 32 : i32
        %mul3A_662 = arith.muli %scan3A_647, %mul3A_661 : i32
        %add3A_663 = arith.constant 1 : i32
        %add3A_664 = arith.addi %mul3A_549, %add3A_663 : i32
        %and3A_665 = arith.constant 16 : i32
        %and3A_666 = arith.andi %add3A_664, %and3A_665 : i32
        %add3A_667 = arith.addi %mul3A_662, %and3A_666 : i32
        %get3A_668 = arith.index_cast %add3A_667 : i32 to index
        %get3A_669 = tpu.vector_load %arg6[%get3A_668] {strides = array<i32>} : memref<1024xi32, #tpu.memory_space<vmem>>, vector<16xi32>,
        %and3A_670 = arith.constant 15 : i32
        %and3A_671 = arith.andi %add3A_664, %and3A_670 : i32
        %eq3A_672 = vector.broadcast %and3A_671 : i32 to vector<16xi32>
        %eq3A_673 = arith.cmpi eq, %iota3A, %eq3A_672 : vector<16xi32>
        %jit3A_674 = arith.constant 0 : i32
        %broadcast_in_dim3A_675 = vector.broadcast %jit3A_674 : i32 to vector<16xi32>
        %select_n3A_676 = arith.select %eq3A_673, %get3A_669, %broadcast_in_dim3A_675 : vector<16xi1>, vector<16xi32>
        %reduce_sum3A_677 = arith.constant true
        %reduce_sum3A_678 = vector.broadcast %reduce_sum3A_677 : i1 to vector<16xi1>
        %reduce_sum3A_679 = tpu.scan <sum>, %select_n3A_676 masked %reduce_sum3A_678 : vector<16xi32>, vector<16xi1> -> vector<16xi32>
        %reduce_sum3A_680 = vector.extract %reduce_sum3A_679[15] : i32 from vector<16xi32>
        %and3A_681 = arith.constant -8 : i32
        %and3A_682 = arith.andi %reduce_sum3A_660, %and3A_681 : i32
        %eq3A_683 = arith.constant 0 : i32
        %eq3A_684 = vector.broadcast %eq3A_683 : i32 to vector<16xi32>
        %eq3A_685 = arith.cmpi eq, %iota3A, %eq3A_684 : vector<16xi32>
        %jit3A_686 = arith.constant 0 : i32
        %broadcast_in_dim3A_687 = vector.broadcast %scan3A_647 : i32 to vector<16xi32>
        %broadcast_in_dim3A_688 = vector.broadcast %jit3A_686 : i32 to vector<16xi32>
        %select_n3A_689 = arith.select %eq3A_685, %broadcast_in_dim3A_687, %broadcast_in_dim3A_688 : vector<16xi1>, vector<16xi32>
        %broadcast_in_dim3A_690 = arith.constant 0 : i32
        %broadcast_in_dim3A_691 = vector.broadcast %broadcast_in_dim3A_690 : i32 to vector<16xi32>
        %add3A_692 = vector.broadcast %reduce_sum3A_660 : i32 to vector<16xi32>
        %add3A_693 = arith.addi %broadcast_in_dim3A_691, %add3A_692 : vector<16xi32>
        %eq3A_694 = arith.constant 0 : i32
        %eq3A_695 = vector.broadcast %eq3A_694 : i32 to vector<16xi32>
        %eq3A_696 = arith.cmpi eq, %iota3A, %eq3A_695 : vector<16xi32>
        tpu.vector_store_idx %arg10[%select_n3A_689], %add3A_693 masked %eq3A_696 : memref<32xi32, #tpu.memory_space<vmem>>[vector<16xi32>], vector<16xi32>, vector<16xi1>
        %eq3A_697 = arith.constant 0 : i32
        %eq3A_698 = vector.broadcast %eq3A_697 : i32 to vector<16xi32>
        %eq3A_699 = arith.cmpi eq, %iota3A, %eq3A_698 : vector<16xi32>
        %jit3A_700 = arith.constant 0 : i32
        %broadcast_in_dim3A_701 = vector.broadcast %scan3A_647 : i32 to vector<16xi32>
        %broadcast_in_dim3A_702 = vector.broadcast %jit3A_700 : i32 to vector<16xi32>
        %select_n3A_703 = arith.select %eq3A_699, %broadcast_in_dim3A_701, %broadcast_in_dim3A_702 : vector<16xi1>, vector<16xi32>
        %broadcast_in_dim3A_704 = arith.constant 0 : i32
        %broadcast_in_dim3A_705 = vector.broadcast %broadcast_in_dim3A_704 : i32 to vector<16xi32>
        %add3A_706 = vector.broadcast %reduce_sum3A_680 : i32 to vector<16xi32>
        %add3A_707 = arith.addi %broadcast_in_dim3A_705, %add3A_706 : vector<16xi32>
        %eq3A_708 = arith.constant 0 : i32
        %eq3A_709 = vector.broadcast %eq3A_708 : i32 to vector<16xi32>
        %eq3A_710 = arith.cmpi eq, %iota3A, %eq3A_709 : vector<16xi32>
        tpu.vector_store_idx %arg11[%select_n3A_703], %add3A_707 masked %eq3A_710 : memref<32xi32, #tpu.memory_space<vmem>>[vector<16xi32>], vector<16xi32>, vector<16xi1>
        %mul3A_711 = arith.constant 31616 : i32
        %mul3A_712 = arith.muli %scan3A_647, %mul3A_711 : i32
        %add3A_713 = arith.addi %mul3A_712, %and3A_682 : i32
        %multiple_of3A_714 = tpu.assume_multiple %add3A_713, 8 : i32
        %dma_start3A_715 = arith.constant 0 : i32
        %dma_start3A_716 = tpu.memref_slice %arg9[%scan3A_647, %dma_start3A_715] : memref<32x128xi32, #tpu.memory_space<vmem>> -> memref<1x128xi32, #tpu.memory_space<vmem>>
        %dma_start3A_717 = tpu.memref_squeeze %dma_start3A_716 : memref<1x128xi32, #tpu.memory_space<vmem>> -> memref<128xi32, #tpu.memory_space<vmem>>
        %dma_start3A_718 = tpu.memref_slice %arg3[%multiple_of3A_714] : memref<1011712xi32, #tpu.memory_space<hbm>> -> memref<128xi32, #tpu.memory_space<hbm>>
        %dma_start3A_719 = arith.constant 0 : i32
        %dma_start3A_720 = tpu.memref_slice %arg9[%scan3A_647, %dma_start3A_719] : memref<32x128xi32, #tpu.memory_space<vmem>> -> memref<1x128xi32, #tpu.memory_space<vmem>>
        %dma_start3A_721 = tpu.memref_squeeze %dma_start3A_720 : memref<1x128xi32, #tpu.memory_space<vmem>> -> memref<128xi32, #tpu.memory_space<vmem>>
        %dma_start3A_722 = tpu.memref_slice %arg3[%multiple_of3A_714] : memref<1011712xi32, #tpu.memory_space<hbm>> -> memref<128xi32, #tpu.memory_space<hbm>>
        tpu.enqueue_dma source(%dma_start3A_722 : memref<128xi32, #tpu.memory_space<hbm>>) target(%dma_start3A_721 : memref<128xi32, #tpu.memory_space<vmem>>) target_semaphore(%arg12 : memref<!tpu.dma_semaphore, #tpu.memory_space<semaphore_mem>>)
        %scan3A_723 = arith.constant 0 : i32
        scf.yield %scan3A_723 : i32
      }
      %scan3A_568 = arith.constant 32 : i32
      %scan3A_569 = arith.constant 0 : i32
      %scan3A_570 = arith.constant 0 : i32
      %scan3A_571 = arith.constant 32 : i32
      %scan3A_572 = arith.addi %scan3A_570, %scan3A_571 : i32
      %scan3A_573 = arith.constant 1 : i32
      %scan3A_574 = scf.for %scan3A_647 = %scan3A_570 to %scan3A_572 step %scan3A_573 iter_args(%scan3A_648 = %scan3A_569) -> (i32)  : i32 {
        %and3A = arith.constant 16 : i32
        %and3A_649 = arith.andi %scan3A_647, %and3A : i32
        %add3A_650 = arith.constant 0 : i32
        %add3A_651 = arith.addi %add3A_650, %and3A_649 : i32
        %get3A = arith.index_cast %add3A_651 : i32 to index
        %get3A_652 = tpu.vector_load %arg10[%get3A] {strides = array<i32>} : memref<32xi32, #tpu.memory_space<vmem>>, vector<16xi32>,
        %and3A_653 = arith.constant 15 : i32
        %and3A_654 = arith.andi %scan3A_647, %and3A_653 : i32
        %eq3A = vector.broadcast %and3A_654 : i32 to vector<16xi32>
        %eq3A_655 = arith.cmpi eq, %iota3A, %eq3A : vector<16xi32>
        %jit3A = arith.constant 0 : i32
        %broadcast_in_dim3A_656 = vector.broadcast %jit3A : i32 to vector<16xi32>
        %select_n3A = arith.select %eq3A_655, %get3A_652, %broadcast_in_dim3A_656 : vector<16xi1>, vector<16xi32>
        %reduce_sum3A = arith.constant true
        %reduce_sum3A_657 = vector.broadcast %reduce_sum3A : i1 to vector<16xi1>
        %reduce_sum3A_658 = tpu.scan <sum>, %select_n3A masked %reduce_sum3A_657 : vector<16xi32>, vector<16xi1> -> vector<16xi32>
        %reduce_sum3A_659 = vector.extract %reduce_sum3A_658[15] : i32 from vector<16xi32>
        %and3A_660 = arith.constant -8 : i32
        %and3A_661 = arith.andi %reduce_sum3A_659, %and3A_660 : i32
        %mul3A_662 = arith.constant 31616 : i32
        %mul3A_663 = arith.muli %scan3A_647, %mul3A_662 : i32
        %add3A_664 = arith.addi %mul3A_663, %and3A_661 : i32
        %multiple_of3A_665 = tpu.assume_multiple %add3A_664, 8 : i32
        %dma_wait3A_666 = arith.constant 0 : i32
        %dma_wait3A_667 = tpu.memref_slice %arg9[%scan3A_647, %dma_wait3A_666] : memref<32x128xi32, #tpu.memory_space<vmem>> -> memref<1x128xi32, #tpu.memory_space<vmem>>
        %dma_wait3A_668 = tpu.memref_squeeze %dma_wait3A_667 : memref<1x128xi32, #tpu.memory_space<vmem>> -> memref<128xi32, #tpu.memory_space<vmem>>
        %dma_wait3A_669 = tpu.memref_slice %arg3[%multiple_of3A_665] : memref<1011712xi32, #tpu.memory_space<hbm>> -> memref<128xi32, #tpu.memory_space<hbm>>
        %dma_wait3A_670 = arith.constant 0 : i32
        %dma_wait3A_671 = tpu.memref_slice %arg9[%scan3A_647, %dma_wait3A_670] : memref<32x128xi32, #tpu.memory_space<vmem>> -> memref<1x128xi32, #tpu.memory_space<vmem>>
        %dma_wait3A_672 = tpu.memref_squeeze %dma_wait3A_671 : memref<1x128xi32, #tpu.memory_space<vmem>> -> memref<128xi32, #tpu.memory_space<vmem>>
        %dma_wait3A_673 = tpu.memref_slice %arg3[%multiple_of3A_665] : memref<1011712xi32, #tpu.memory_space<hbm>> -> memref<128xi32, #tpu.memory_space<hbm>>
        tpu.wait_dma2 semaphore(%arg12 : memref<!tpu.dma_semaphore, #tpu.memory_space<semaphore_mem>>) src(%dma_wait3A_673 : memref<128xi32, #tpu.memory_space<hbm>>) dst(%dma_wait3A_672 : memref<128xi32, #tpu.memory_space<vmem>>)
        %scan3A_674 = arith.constant 0 : i32
        scf.yield %scan3A_674 : i32
      }
      %scan3A_575 = arith.constant 32 : i32
      %add3A_576 = arith.addi %mul3A_2, %mul3A_549 : i32
      %mul3A_577 = arith.constant 8 : i32
      %mul3A_578 = arith.muli %add3A_576, %mul3A_577 : i32
      %multiple_of3A_579 = tpu.assume_multiple %mul3A_578, 8 : i32
      %dma_wait3A_580 = arith.constant 0 : i32
      %dma_wait3A_581 = tpu.memref_slice %arg2[%multiple_of3A_579, %dma_wait3A_580] : memref<4096x4096xf32, #tpu.memory_space<hbm>> -> memref<8x4096xf32, #tpu.memory_space<hbm>>
      %dma_wait3A_582 = arith.constant 0 : i32
      %dma_wait3A_583 = tpu.memref_slice %arg2[%multiple_of3A_579, %dma_wait3A_582] : memref<4096x4096xf32, #tpu.memory_space<hbm>> -> memref<8x4096xf32, #tpu.memory_space<hbm>>
      tpu.wait_dma2 semaphore(%arg13 : memref<!tpu.dma_semaphore, #tpu.memory_space<semaphore_mem>>) src(%dma_wait3A_583 : memref<8x4096xf32, #tpu.memory_space<hbm>>) dst(%arg7 : memref<8x4096xf32, #tpu.memory_space<vmem>>)
      %add3A_584 = arith.addi %mul3A_2, %mul3A_549 : i32
      %mul3A_585 = arith.constant 32768 : i32
      %mul3A_586 = arith.muli %add3A_584, %mul3A_585 : i32
      %scan3A_587 = arith.constant 0 : i32
      %scan3A_588 = arith.constant 0 : i32
      %scan3A_589 = arith.constant 32 : i32
      %scan3A_590 = arith.addi %scan3A_588, %scan3A_589 : i32
      %scan3A_591 = arith.constant 1 : i32
      %scan3A_592 = scf.for %scan3A_647 = %scan3A_588 to %scan3A_590 step %scan3A_591 iter_args(%scan3A_648 = %scan3A_587) -> (i32)  : i32 {
        %and3A = arith.constant 16 : i32
        %and3A_649 = arith.andi %scan3A_647, %and3A : i32
        %add3A_650 = arith.constant 0 : i32
        %add3A_651 = arith.addi %add3A_650, %and3A_649 : i32
        %get3A = arith.index_cast %add3A_651 : i32 to index
        %get3A_652 = tpu.vector_load %arg10[%get3A] {strides = array<i32>} : memref<32xi32, #tpu.memory_space<vmem>>, vector<16xi32>,
        %and3A_653 = arith.constant 15 : i32
        %and3A_654 = arith.andi %scan3A_647, %and3A_653 : i32
        %eq3A = vector.broadcast %and3A_654 : i32 to vector<16xi32>
        %eq3A_655 = arith.cmpi eq, %iota3A, %eq3A : vector<16xi32>
        %jit3A = arith.constant 0 : i32
        %broadcast_in_dim3A_656 = vector.broadcast %jit3A : i32 to vector<16xi32>
        %select_n3A = arith.select %eq3A_655, %get3A_652, %broadcast_in_dim3A_656 : vector<16xi1>, vector<16xi32>
        %reduce_sum3A = arith.constant true
        %reduce_sum3A_657 = vector.broadcast %reduce_sum3A : i1 to vector<16xi1>
        %reduce_sum3A_658 = tpu.scan <sum>, %select_n3A masked %reduce_sum3A_657 : vector<16xi32>, vector<16xi1> -> vector<16xi32>
        %reduce_sum3A_659 = vector.extract %reduce_sum3A_658[15] : i32 from vector<16xi32>
        %and3A_660 = arith.constant 16 : i32
        %and3A_661 = arith.andi %scan3A_647, %and3A_660 : i32
        %add3A_662 = arith.constant 0 : i32
        %add3A_663 = arith.addi %add3A_662, %and3A_661 : i32
        %get3A_664 = arith.index_cast %add3A_663 : i32 to index
        %get3A_665 = tpu.vector_load %arg11[%get3A_664] {strides = array<i32>} : memref<32xi32, #tpu.memory_space<vmem>>, vector<16xi32>,
        %and3A_666 = arith.constant 15 : i32
        %and3A_667 = arith.andi %scan3A_647, %and3A_666 : i32
        %eq3A_668 = vector.broadcast %and3A_667 : i32 to vector<16xi32>
        %eq3A_669 = arith.cmpi eq, %iota3A, %eq3A_668 : vector<16xi32>
        %jit3A_670 = arith.constant 0 : i32
        %broadcast_in_dim3A_671 = vector.broadcast %jit3A_670 : i32 to vector<16xi32>
        %select_n3A_672 = arith.select %eq3A_669, %get3A_665, %broadcast_in_dim3A_671 : vector<16xi1>, vector<16xi32>
        %reduce_sum3A_673 = arith.constant true
        %reduce_sum3A_674 = vector.broadcast %reduce_sum3A_673 : i1 to vector<16xi1>
        %reduce_sum3A_675 = tpu.scan <sum>, %select_n3A_672 masked %reduce_sum3A_674 : vector<16xi32>, vector<16xi1> -> vector<16xi32>
        %reduce_sum3A_676 = vector.extract %reduce_sum3A_675[15] : i32 from vector<16xi32>
        %and3A_677 = arith.constant -8 : i32
        %and3A_678 = arith.andi %reduce_sum3A_659, %and3A_677 : i32
        %sub3A = arith.subi %reduce_sum3A_676, %and3A_678 : i32
        %add3A_679 = arith.constant 127 : i32
        %add3A_680 = arith.addi %sub3A, %add3A_679 : i32
        %shift_right_logical3A = arith.constant 7 : i32
        %shift_right_logical3A_681 = arith.shrui %add3A_680, %shift_right_logical3A : i32
        %while3A = arith.constant 0 : i32
        %while3A_682 = arith.constant 0 : i32
        %while3A_683 = arith.subi %shift_right_logical3A_681, %while3A : i32
        %while3A_684 = arith.addi %while3A, %while3A_683 : i32
        %while3A_685 = arith.constant 1 : i32
        %while3A_686 = arith.divsi %while3A_683, %while3A_685 : i32
        %while3A_687 = arith.muli %while3A_686, %while3A_685 : i32
        %while3A_688 = arith.addi %while3A, %while3A_687 : i32
        %while3A_689 = arith.constant 1 : i32
        %while3A_690 = scf.for %while3A_694 = %while3A to %while3A_688 step %while3A_689 iter_args(%while3A_695 = %while3A_682) -> (i32)  : i32 {
          %mul3A_696 = arith.constant 128 : i32
          %mul3A_697 = arith.muli %while3A_694, %mul3A_696 : i32
          %add3A_698 = arith.addi %and3A_678, %mul3A_697 : i32
          %gt3A_699 = arith.constant 0 : i32
          %gt3A_700 = arith.cmpi sgt, %while3A_694, %gt3A_699 : i32
          %convert_element_type3A_701 = arith.extui %gt3A_700 : i1 to i32
          %cond3A_702 = arith.constant 0 : i32
          %cond3A_703 = arith.cmpi ne, %convert_element_type3A_701, %cond3A_702 : i32
          scf.if %cond3A_703 {
            %mul3A_888 = arith.constant 31616 : i32
            %mul3A_889 = arith.muli %scan3A_647, %mul3A_888 : i32
            %add3A_890 = arith.addi %mul3A_889, %add3A_698 : i32
            %multiple_of3A_891 = tpu.assume_multiple %add3A_890, 8 : i32
            %dma_start3A_892 = arith.constant 0 : i32
            %dma_start3A_893 = tpu.memref_slice %arg9[%scan3A_647, %dma_start3A_892] : memref<32x128xi32, #tpu.memory_space<vmem>> -> memref<1x128xi32, #tpu.memory_space<vmem>>
            %dma_start3A_894 = tpu.memref_squeeze %dma_start3A_893 : memref<1x128xi32, #tpu.memory_space<vmem>> -> memref<128xi32, #tpu.memory_space<vmem>>
            %dma_start3A_895 = tpu.memref_slice %arg3[%multiple_of3A_891] : memref<1011712xi32, #tpu.memory_space<hbm>> -> memref<128xi32, #tpu.memory_space<hbm>>
            %dma_start3A_896 = arith.constant 0 : i32
            %dma_start3A_897 = tpu.memref_slice %arg9[%scan3A_647, %dma_start3A_896] : memref<32x128xi32, #tpu.memory_space<vmem>> -> memref<1x128xi32, #tpu.memory_space<vmem>>
            %dma_start3A_898 = tpu.memref_squeeze %dma_start3A_897 : memref<1x128xi32, #tpu.memory_space<vmem>> -> memref<128xi32, #tpu.memory_space<vmem>>
            %dma_start3A_899 = tpu.memref_slice %arg3[%multiple_of3A_891] : memref<1011712xi32, #tpu.memory_space<hbm>> -> memref<128xi32, #tpu.memory_space<hbm>>
            tpu.enqueue_dma source(%dma_start3A_899 : memref<128xi32, #tpu.memory_space<hbm>>) target(%dma_start3A_898 : memref<128xi32, #tpu.memory_space<vmem>>) target_semaphore(%arg12 : memref<!tpu.dma_semaphore, #tpu.memory_space<semaphore_mem>>)
            %dma_wait3A_900 = arith.constant 0 : i32
            %dma_wait3A_901 = tpu.memref_slice %arg9[%scan3A_647, %dma_wait3A_900] : memref<32x128xi32, #tpu.memory_space<vmem>> -> memref<1x128xi32, #tpu.memory_space<vmem>>
            %dma_wait3A_902 = tpu.memref_squeeze %dma_wait3A_901 : memref<1x128xi32, #tpu.memory_space<vmem>> -> memref<128xi32, #tpu.memory_space<vmem>>
            %dma_wait3A_903 = tpu.memref_slice %arg3[%multiple_of3A_891] : memref<1011712xi32, #tpu.memory_space<hbm>> -> memref<128xi32, #tpu.memory_space<hbm>>
            %dma_wait3A_904 = arith.constant 0 : i32
            %dma_wait3A_905 = tpu.memref_slice %arg9[%scan3A_647, %dma_wait3A_904] : memref<32x128xi32, #tpu.memory_space<vmem>> -> memref<1x128xi32, #tpu.memory_space<vmem>>
            %dma_wait3A_906 = tpu.memref_squeeze %dma_wait3A_905 : memref<1x128xi32, #tpu.memory_space<vmem>> -> memref<128xi32, #tpu.memory_space<vmem>>
            %dma_wait3A_907 = tpu.memref_slice %arg3[%multiple_of3A_891] : memref<1011712xi32, #tpu.memory_space<hbm>> -> memref<128xi32, #tpu.memory_space<hbm>>
            tpu.wait_dma2 semaphore(%arg12 : memref<!tpu.dma_semaphore, #tpu.memory_space<semaphore_mem>>) src(%dma_wait3A_907 : memref<128xi32, #tpu.memory_space<hbm>>) dst(%dma_wait3A_906 : memref<128xi32, #tpu.memory_space<vmem>>)
          } else {
          }
          %add3A_704 = arith.constant 0 : i32
          %add3A_705 = arith.addi %add3A_698, %add3A_704 : i32
          %add3A_706 = vector.broadcast %add3A_705 : i32 to vector<16xi32>
          %add3A_707 = arith.addi %add3A_706, %iota3A : vector<16xi32>
          %get3A_708 = arith.index_cast %scan3A_647 : i32 to index
          %get3A_709 = arith.constant 0 : index
          %get3A_710 = tpu.vector_load %arg9[%get3A_708, %get3A_709] {strides = array<i32>} : memref<32x128xi32, #tpu.memory_space<vmem>>, vector<16xi32>,
          %ge3A = vector.broadcast %reduce_sum3A_659 : i32 to vector<16xi32>
          %ge3A_711 = arith.cmpi sge, %add3A_707, %ge3A : vector<16xi32>
          %lt3A_712 = vector.broadcast %reduce_sum3A_676 : i32 to vector<16xi32>
          %lt3A_713 = arith.cmpi slt, %add3A_707, %lt3A_712 : vector<16xi32>
          %and3A_714 = arith.andi %ge3A_711, %lt3A_713 : vector<16xi1>
          %sub3A_715 = vector.broadcast %mul3A_586 : i32 to vector<16xi32>
          %sub3A_716 = arith.subi %get3A_710, %sub3A_715 : vector<16xi32>
          %jit3A_717 = arith.constant 0 : i32
          %broadcast_in_dim3A_718 = vector.broadcast %jit3A_717 : i32 to vector<16xi32>
          %select_n3A_719 = arith.select %and3A_714, %sub3A_716, %broadcast_in_dim3A_718 : vector<16xi1>, vector<16xi32>
          %shift_right_logical3A_720 = arith.constant 12 : i32
          %shift_right_logical3A_721 = vector.broadcast %shift_right_logical3A_720 : i32 to vector<16xi32>
          %shift_right_logical3A_722 = arith.shrui %select_n3A_719, %shift_right_logical3A_721 : vector<16xi32>
          %and3A_723 = arith.constant 4095 : i32
          %and3A_724 = vector.broadcast %and3A_723 : i32 to vector<16xi32>
          %and3A_725 = arith.andi %select_n3A_719, %and3A_724 : vector<16xi32>
          tpu.vector_store_idx %arg7[%shift_right_logical3A_722, %and3A_725], %broadcast_in_dim3A_3 masked %and3A_714 : memref<8x4096xf32, #tpu.memory_space<vmem>>[vector<16xi32>, vector<16xi32>], vector<16xf32>, vector<16xi1>
          %add3A_726 = arith.constant 16 : i32
          %add3A_727 = arith.addi %add3A_698, %add3A_726 : i32
          %add3A_728 = vector.broadcast %add3A_727 : i32 to vector<16xi32>
          %add3A_729 = arith.addi %add3A_728, %iota3A : vector<16xi32>
          %get3A_730 = arith.index_cast %scan3A_647 : i32 to index
          %get3A_731 = arith.constant 16 : index
          %get3A_732 = tpu.vector_load %arg9[%get3A_730, %get3A_731] {strides = array<i32>} : memref<32x128xi32, #tpu.memory_space<vmem>>, vector<16xi32>,
          %ge3A_733 = vector.broadcast %reduce_sum3A_659 : i32 to vector<16xi32>
          %ge3A_734 = arith.cmpi sge, %add3A_729, %ge3A_733 : vector<16xi32>
          %lt3A_735 = vector.broadcast %reduce_sum3A_676 : i32 to vector<16xi32>
          %lt3A_736 = arith.cmpi slt, %add3A_729, %lt3A_735 : vector<16xi32>
          %and3A_737 = arith.andi %ge3A_734, %lt3A_736 : vector<16xi1>
          %sub3A_738 = vector.broadcast %mul3A_586 : i32 to vector<16xi32>
          %sub3A_739 = arith.subi %get3A_732, %sub3A_738 : vector<16xi32>
          %jit3A_740 = arith.constant 0 : i32
          %broadcast_in_dim3A_741 = vector.broadcast %jit3A_740 : i32 to vector<16xi32>
          %select_n3A_742 = arith.select %and3A_737, %sub3A_739, %broadcast_in_dim3A_741 : vector<16xi1>, vector<16xi32>
          %shift_right_logical3A_743 = arith.constant 12 : i32
          %shift_right_logical3A_744 = vector.broadcast %shift_right_logical3A_743 : i32 to vector<16xi32>
          %shift_right_logical3A_745 = arith.shrui %select_n3A_742, %shift_right_logical3A_744 : vector<16xi32>
          %and3A_746 = arith.constant 4095 : i32
          %and3A_747 = vector.broadcast %and3A_746 : i32 to vector<16xi32>
          %and3A_748 = arith.andi %select_n3A_742, %and3A_747 : vector<16xi32>
          tpu.vector_store_idx %arg7[%shift_right_logical3A_745, %and3A_748], %broadcast_in_dim3A_3 masked %and3A_737 : memref<8x4096xf32, #tpu.memory_space<vmem>>[vector<16xi32>, vector<16xi32>], vector<16xf32>, vector<16xi1>
          %add3A_749 = arith.constant 32 : i32
          %add3A_750 = arith.addi %add3A_698, %add3A_749 : i32
          %add3A_751 = vector.broadcast %add3A_750 : i32 to vector<16xi32>
          %add3A_752 = arith.addi %add3A_751, %iota3A : vector<16xi32>
          %get3A_753 = arith.index_cast %scan3A_647 : i32 to index
          %get3A_754 = arith.constant 32 : index
          %get3A_755 = tpu.vector_load %arg9[%get3A_753, %get3A_754] {strides = array<i32>} : memref<32x128xi32, #tpu.memory_space<vmem>>, vector<16xi32>,
          %ge3A_756 = vector.broadcast %reduce_sum3A_659 : i32 to vector<16xi32>
          %ge3A_757 = arith.cmpi sge, %add3A_752, %ge3A_756 : vector<16xi32>
          %lt3A_758 = vector.broadcast %reduce_sum3A_676 : i32 to vector<16xi32>
          %lt3A_759 = arith.cmpi slt, %add3A_752, %lt3A_758 : vector<16xi32>
          %and3A_760 = arith.andi %ge3A_757, %lt3A_759 : vector<16xi1>
          %sub3A_761 = vector.broadcast %mul3A_586 : i32 to vector<16xi32>
          %sub3A_762 = arith.subi %get3A_755, %sub3A_761 : vector<16xi32>
          %jit3A_763 = arith.constant 0 : i32
          %broadcast_in_dim3A_764 = vector.broadcast %jit3A_763 : i32 to vector<16xi32>
          %select_n3A_765 = arith.select %and3A_760, %sub3A_762, %broadcast_in_dim3A_764 : vector<16xi1>, vector<16xi32>
          %shift_right_logical3A_766 = arith.constant 12 : i32
          %shift_right_logical3A_767 = vector.broadcast %shift_right_logical3A_766 : i32 to vector<16xi32>
          %shift_right_logical3A_768 = arith.shrui %select_n3A_765, %shift_right_logical3A_767 : vector<16xi32>
          %and3A_769 = arith.constant 4095 : i32
          %and3A_770 = vector.broadcast %and3A_769 : i32 to vector<16xi32>
          %and3A_771 = arith.andi %select_n3A_765, %and3A_770 : vector<16xi32>
          tpu.vector_store_idx %arg7[%shift_right_logical3A_768, %and3A_771], %broadcast_in_dim3A_3 masked %and3A_760 : memref<8x4096xf32, #tpu.memory_space<vmem>>[vector<16xi32>, vector<16xi32>], vector<16xf32>, vector<16xi1>
          %add3A_772 = arith.constant 48 : i32
          %add3A_773 = arith.addi %add3A_698, %add3A_772 : i32
          %add3A_774 = vector.broadcast %add3A_773 : i32 to vector<16xi32>
          %add3A_775 = arith.addi %add3A_774, %iota3A : vector<16xi32>
          %get3A_776 = arith.index_cast %scan3A_647 : i32 to index
          %get3A_777 = arith.constant 48 : index
          %get3A_778 = tpu.vector_load %arg9[%get3A_776, %get3A_777] {strides = array<i32>} : memref<32x128xi32, #tpu.memory_space<vmem>>, vector<16xi32>,
          %ge3A_779 = vector.broadcast %reduce_sum3A_659 : i32 to vector<16xi32>
          %ge3A_780 = arith.cmpi sge, %add3A_775, %ge3A_779 : vector<16xi32>
          %lt3A_781 = vector.broadcast %reduce_sum3A_676 : i32 to vector<16xi32>
          %lt3A_782 = arith.cmpi slt, %add3A_775, %lt3A_781 : vector<16xi32>
          %and3A_783 = arith.andi %ge3A_780, %lt3A_782 : vector<16xi1>
          %sub3A_784 = vector.broadcast %mul3A_586 : i32 to vector<16xi32>
          %sub3A_785 = arith.subi %get3A_778, %sub3A_784 : vector<16xi32>
          %jit3A_786 = arith.constant 0 : i32
          %broadcast_in_dim3A_787 = vector.broadcast %jit3A_786 : i32 to vector<16xi32>
          %select_n3A_788 = arith.select %and3A_783, %sub3A_785, %broadcast_in_dim3A_787 : vector<16xi1>, vector<16xi32>
          %shift_right_logical3A_789 = arith.constant 12 : i32
          %shift_right_logical3A_790 = vector.broadcast %shift_right_logical3A_789 : i32 to vector<16xi32>
          %shift_right_logical3A_791 = arith.shrui %select_n3A_788, %shift_right_logical3A_790 : vector<16xi32>
          %and3A_792 = arith.constant 4095 : i32
          %and3A_793 = vector.broadcast %and3A_792 : i32 to vector<16xi32>
          %and3A_794 = arith.andi %select_n3A_788, %and3A_793 : vector<16xi32>
          tpu.vector_store_idx %arg7[%shift_right_logical3A_791, %and3A_794], %broadcast_in_dim3A_3 masked %and3A_783 : memref<8x4096xf32, #tpu.memory_space<vmem>>[vector<16xi32>, vector<16xi32>], vector<16xf32>, vector<16xi1>
          %add3A_795 = arith.constant 64 : i32
          %add3A_796 = arith.addi %add3A_698, %add3A_795 : i32
          %add3A_797 = vector.broadcast %add3A_796 : i32 to vector<16xi32>
          %add3A_798 = arith.addi %add3A_797, %iota3A : vector<16xi32>
          %get3A_799 = arith.index_cast %scan3A_647 : i32 to index
          %get3A_800 = arith.constant 64 : index
          %get3A_801 = tpu.vector_load %arg9[%get3A_799, %get3A_800] {strides = array<i32>} : memref<32x128xi32, #tpu.memory_space<vmem>>, vector<16xi32>,
          %ge3A_802 = vector.broadcast %reduce_sum3A_659 : i32 to vector<16xi32>
          %ge3A_803 = arith.cmpi sge, %add3A_798, %ge3A_802 : vector<16xi32>
          %lt3A_804 = vector.broadcast %reduce_sum3A_676 : i32 to vector<16xi32>
          %lt3A_805 = arith.cmpi slt, %add3A_798, %lt3A_804 : vector<16xi32>
          %and3A_806 = arith.andi %ge3A_803, %lt3A_805 : vector<16xi1>
          %sub3A_807 = vector.broadcast %mul3A_586 : i32 to vector<16xi32>
          %sub3A_808 = arith.subi %get3A_801, %sub3A_807 : vector<16xi32>
          %jit3A_809 = arith.constant 0 : i32
          %broadcast_in_dim3A_810 = vector.broadcast %jit3A_809 : i32 to vector<16xi32>
          %select_n3A_811 = arith.select %and3A_806, %sub3A_808, %broadcast_in_dim3A_810 : vector<16xi1>, vector<16xi32>
          %shift_right_logical3A_812 = arith.constant 12 : i32
          %shift_right_logical3A_813 = vector.broadcast %shift_right_logical3A_812 : i32 to vector<16xi32>
          %shift_right_logical3A_814 = arith.shrui %select_n3A_811, %shift_right_logical3A_813 : vector<16xi32>
          %and3A_815 = arith.constant 4095 : i32
          %and3A_816 = vector.broadcast %and3A_815 : i32 to vector<16xi32>
          %and3A_817 = arith.andi %select_n3A_811, %and3A_816 : vector<16xi32>
          tpu.vector_store_idx %arg7[%shift_right_logical3A_814, %and3A_817], %broadcast_in_dim3A_3 masked %and3A_806 : memref<8x4096xf32, #tpu.memory_space<vmem>>[vector<16xi32>, vector<16xi32>], vector<16xf32>, vector<16xi1>
          %add3A_818 = arith.constant 80 : i32
          %add3A_819 = arith.addi %add3A_698, %add3A_818 : i32
          %add3A_820 = vector.broadcast %add3A_819 : i32 to vector<16xi32>
          %add3A_821 = arith.addi %add3A_820, %iota3A : vector<16xi32>
          %get3A_822 = arith.index_cast %scan3A_647 : i32 to index
          %get3A_823 = arith.constant 80 : index
          %get3A_824 = tpu.vector_load %arg9[%get3A_822, %get3A_823] {strides = array<i32>} : memref<32x128xi32, #tpu.memory_space<vmem>>, vector<16xi32>,
          %ge3A_825 = vector.broadcast %reduce_sum3A_659 : i32 to vector<16xi32>
          %ge3A_826 = arith.cmpi sge, %add3A_821, %ge3A_825 : vector<16xi32>
          %lt3A_827 = vector.broadcast %reduce_sum3A_676 : i32 to vector<16xi32>
          %lt3A_828 = arith.cmpi slt, %add3A_821, %lt3A_827 : vector<16xi32>
          %and3A_829 = arith.andi %ge3A_826, %lt3A_828 : vector<16xi1>
          %sub3A_830 = vector.broadcast %mul3A_586 : i32 to vector<16xi32>
          %sub3A_831 = arith.subi %get3A_824, %sub3A_830 : vector<16xi32>
          %jit3A_832 = arith.constant 0 : i32
          %broadcast_in_dim3A_833 = vector.broadcast %jit3A_832 : i32 to vector<16xi32>
          %select_n3A_834 = arith.select %and3A_829, %sub3A_831, %broadcast_in_dim3A_833 : vector<16xi1>, vector<16xi32>
          %shift_right_logical3A_835 = arith.constant 12 : i32
          %shift_right_logical3A_836 = vector.broadcast %shift_right_logical3A_835 : i32 to vector<16xi32>
          %shift_right_logical3A_837 = arith.shrui %select_n3A_834, %shift_right_logical3A_836 : vector<16xi32>
          %and3A_838 = arith.constant 4095 : i32
          %and3A_839 = vector.broadcast %and3A_838 : i32 to vector<16xi32>
          %and3A_840 = arith.andi %select_n3A_834, %and3A_839 : vector<16xi32>
          tpu.vector_store_idx %arg7[%shift_right_logical3A_837, %and3A_840], %broadcast_in_dim3A_3 masked %and3A_829 : memref<8x4096xf32, #tpu.memory_space<vmem>>[vector<16xi32>, vector<16xi32>], vector<16xf32>, vector<16xi1>
          %add3A_841 = arith.constant 96 : i32
          %add3A_842 = arith.addi %add3A_698, %add3A_841 : i32
          %add3A_843 = vector.broadcast %add3A_842 : i32 to vector<16xi32>
          %add3A_844 = arith.addi %add3A_843, %iota3A : vector<16xi32>
          %get3A_845 = arith.index_cast %scan3A_647 : i32 to index
          %get3A_846 = arith.constant 96 : index
          %get3A_847 = tpu.vector_load %arg9[%get3A_845, %get3A_846] {strides = array<i32>} : memref<32x128xi32, #tpu.memory_space<vmem>>, vector<16xi32>,
          %ge3A_848 = vector.broadcast %reduce_sum3A_659 : i32 to vector<16xi32>
          %ge3A_849 = arith.cmpi sge, %add3A_844, %ge3A_848 : vector<16xi32>
          %lt3A_850 = vector.broadcast %reduce_sum3A_676 : i32 to vector<16xi32>
          %lt3A_851 = arith.cmpi slt, %add3A_844, %lt3A_850 : vector<16xi32>
          %and3A_852 = arith.andi %ge3A_849, %lt3A_851 : vector<16xi1>
          %sub3A_853 = vector.broadcast %mul3A_586 : i32 to vector<16xi32>
          %sub3A_854 = arith.subi %get3A_847, %sub3A_853 : vector<16xi32>
          %jit3A_855 = arith.constant 0 : i32
          %broadcast_in_dim3A_856 = vector.broadcast %jit3A_855 : i32 to vector<16xi32>
          %select_n3A_857 = arith.select %and3A_852, %sub3A_854, %broadcast_in_dim3A_856 : vector<16xi1>, vector<16xi32>
          %shift_right_logical3A_858 = arith.constant 12 : i32
          %shift_right_logical3A_859 = vector.broadcast %shift_right_logical3A_858 : i32 to vector<16xi32>
          %shift_right_logical3A_860 = arith.shrui %select_n3A_857, %shift_right_logical3A_859 : vector<16xi32>
          %and3A_861 = arith.constant 4095 : i32
          %and3A_862 = vector.broadcast %and3A_861 : i32 to vector<16xi32>
          %and3A_863 = arith.andi %select_n3A_857, %and3A_862 : vector<16xi32>
          tpu.vector_store_idx %arg7[%shift_right_logical3A_860, %and3A_863], %broadcast_in_dim3A_3 masked %and3A_852 : memref<8x4096xf32, #tpu.memory_space<vmem>>[vector<16xi32>, vector<16xi32>], vector<16xf32>, vector<16xi1>
          %add3A_864 = arith.constant 112 : i32
          %add3A_865 = arith.addi %add3A_698, %add3A_864 : i32
          %add3A_866 = vector.broadcast %add3A_865 : i32 to vector<16xi32>
          %add3A_867 = arith.addi %add3A_866, %iota3A : vector<16xi32>
          %get3A_868 = arith.index_cast %scan3A_647 : i32 to index
          %get3A_869 = arith.constant 112 : index
          %get3A_870 = tpu.vector_load %arg9[%get3A_868, %get3A_869] {strides = array<i32>} : memref<32x128xi32, #tpu.memory_space<vmem>>, vector<16xi32>,
          %ge3A_871 = vector.broadcast %reduce_sum3A_659 : i32 to vector<16xi32>
          %ge3A_872 = arith.cmpi sge, %add3A_867, %ge3A_871 : vector<16xi32>
          %lt3A_873 = vector.broadcast %reduce_sum3A_676 : i32 to vector<16xi32>
          %lt3A_874 = arith.cmpi slt, %add3A_867, %lt3A_873 : vector<16xi32>
          %and3A_875 = arith.andi %ge3A_872, %lt3A_874 : vector<16xi1>
          %sub3A_876 = vector.broadcast %mul3A_586 : i32 to vector<16xi32>
          %sub3A_877 = arith.subi %get3A_870, %sub3A_876 : vector<16xi32>
          %jit3A_878 = arith.constant 0 : i32
          %broadcast_in_dim3A_879 = vector.broadcast %jit3A_878 : i32 to vector<16xi32>
          %select_n3A_880 = arith.select %and3A_875, %sub3A_877, %broadcast_in_dim3A_879 : vector<16xi1>, vector<16xi32>
          %shift_right_logical3A_881 = arith.constant 12 : i32
          %shift_right_logical3A_882 = vector.broadcast %shift_right_logical3A_881 : i32 to vector<16xi32>
          %shift_right_logical3A_883 = arith.shrui %select_n3A_880, %shift_right_logical3A_882 : vector<16xi32>
          %and3A_884 = arith.constant 4095 : i32
          %and3A_885 = vector.broadcast %and3A_884 : i32 to vector<16xi32>
          %and3A_886 = arith.andi %select_n3A_880, %and3A_885 : vector<16xi32>
          tpu.vector_store_idx %arg7[%shift_right_logical3A_883, %and3A_886], %broadcast_in_dim3A_3 masked %and3A_875 : memref<8x4096xf32, #tpu.memory_space<vmem>>[vector<16xi32>, vector<16xi32>], vector<16xf32>, vector<16xi1>
          %while3A_887 = arith.constant 0 : i32
          scf.yield %while3A_887 : i32
        }
        %while3A_691 = arith.constant 1 : i32
        %while3A_692 = scf.for %while3A_694 = %while3A_688 to %while3A_684 step %while3A_691 iter_args(%while3A_695 = %while3A_690) -> (i32)  : i32 {
          %mul3A_696 = arith.constant 128 : i32
          %mul3A_697 = arith.muli %while3A_694, %mul3A_696 : i32
          %add3A_698 = arith.addi %and3A_678, %mul3A_697 : i32
          %gt3A_699 = arith.constant 0 : i32
          %gt3A_700 = arith.cmpi sgt, %while3A_694, %gt3A_699 : i32
          %convert_element_type3A_701 = arith.extui %gt3A_700 : i1 to i32
          %cond3A_702 = arith.constant 0 : i32
          %cond3A_703 = arith.cmpi ne, %convert_element_type3A_701, %cond3A_702 : i32
          scf.if %cond3A_703 {
            %mul3A_888 = arith.constant 31616 : i32
            %mul3A_889 = arith.muli %scan3A_647, %mul3A_888 : i32
            %add3A_890 = arith.addi %mul3A_889, %add3A_698 : i32
            %multiple_of3A_891 = tpu.assume_multiple %add3A_890, 8 : i32
            %dma_start3A_892 = arith.constant 0 : i32
            %dma_start3A_893 = tpu.memref_slice %arg9[%scan3A_647, %dma_start3A_892] : memref<32x128xi32, #tpu.memory_space<vmem>> -> memref<1x128xi32, #tpu.memory_space<vmem>>
            %dma_start3A_894 = tpu.memref_squeeze %dma_start3A_893 : memref<1x128xi32, #tpu.memory_space<vmem>> -> memref<128xi32, #tpu.memory_space<vmem>>
            %dma_start3A_895 = tpu.memref_slice %arg3[%multiple_of3A_891] : memref<1011712xi32, #tpu.memory_space<hbm>> -> memref<128xi32, #tpu.memory_space<hbm>>
            %dma_start3A_896 = arith.constant 0 : i32
            %dma_start3A_897 = tpu.memref_slice %arg9[%scan3A_647, %dma_start3A_896] : memref<32x128xi32, #tpu.memory_space<vmem>> -> memref<1x128xi32, #tpu.memory_space<vmem>>
            %dma_start3A_898 = tpu.memref_squeeze %dma_start3A_897 : memref<1x128xi32, #tpu.memory_space<vmem>> -> memref<128xi32, #tpu.memory_space<vmem>>
            %dma_start3A_899 = tpu.memref_slice %arg3[%multiple_of3A_891] : memref<1011712xi32, #tpu.memory_space<hbm>> -> memref<128xi32, #tpu.memory_space<hbm>>
            tpu.enqueue_dma source(%dma_start3A_899 : memref<128xi32, #tpu.memory_space<hbm>>) target(%dma_start3A_898 : memref<128xi32, #tpu.memory_space<vmem>>) target_semaphore(%arg12 : memref<!tpu.dma_semaphore, #tpu.memory_space<semaphore_mem>>)
            %dma_wait3A_900 = arith.constant 0 : i32
            %dma_wait3A_901 = tpu.memref_slice %arg9[%scan3A_647, %dma_wait3A_900] : memref<32x128xi32, #tpu.memory_space<vmem>> -> memref<1x128xi32, #tpu.memory_space<vmem>>
            %dma_wait3A_902 = tpu.memref_squeeze %dma_wait3A_901 : memref<1x128xi32, #tpu.memory_space<vmem>> -> memref<128xi32, #tpu.memory_space<vmem>>
            %dma_wait3A_903 = tpu.memref_slice %arg3[%multiple_of3A_891] : memref<1011712xi32, #tpu.memory_space<hbm>> -> memref<128xi32, #tpu.memory_space<hbm>>
            %dma_wait3A_904 = arith.constant 0 : i32
            %dma_wait3A_905 = tpu.memref_slice %arg9[%scan3A_647, %dma_wait3A_904] : memref<32x128xi32, #tpu.memory_space<vmem>> -> memref<1x128xi32, #tpu.memory_space<vmem>>
            %dma_wait3A_906 = tpu.memref_squeeze %dma_wait3A_905 : memref<1x128xi32, #tpu.memory_space<vmem>> -> memref<128xi32, #tpu.memory_space<vmem>>
            %dma_wait3A_907 = tpu.memref_slice %arg3[%multiple_of3A_891] : memref<1011712xi32, #tpu.memory_space<hbm>> -> memref<128xi32, #tpu.memory_space<hbm>>
            tpu.wait_dma2 semaphore(%arg12 : memref<!tpu.dma_semaphore, #tpu.memory_space<semaphore_mem>>) src(%dma_wait3A_907 : memref<128xi32, #tpu.memory_space<hbm>>) dst(%dma_wait3A_906 : memref<128xi32, #tpu.memory_space<vmem>>)
          } else {
          }
          %add3A_704 = arith.constant 0 : i32
          %add3A_705 = arith.addi %add3A_698, %add3A_704 : i32
          %add3A_706 = vector.broadcast %add3A_705 : i32 to vector<16xi32>
          %add3A_707 = arith.addi %add3A_706, %iota3A : vector<16xi32>
          %get3A_708 = arith.index_cast %scan3A_647 : i32 to index
          %get3A_709 = arith.constant 0 : index
          %get3A_710 = tpu.vector_load %arg9[%get3A_708, %get3A_709] {strides = array<i32>} : memref<32x128xi32, #tpu.memory_space<vmem>>, vector<16xi32>,
          %ge3A = vector.broadcast %reduce_sum3A_659 : i32 to vector<16xi32>
          %ge3A_711 = arith.cmpi sge, %add3A_707, %ge3A : vector<16xi32>
          %lt3A_712 = vector.broadcast %reduce_sum3A_676 : i32 to vector<16xi32>
          %lt3A_713 = arith.cmpi slt, %add3A_707, %lt3A_712 : vector<16xi32>
          %and3A_714 = arith.andi %ge3A_711, %lt3A_713 : vector<16xi1>
          %sub3A_715 = vector.broadcast %mul3A_586 : i32 to vector<16xi32>
          %sub3A_716 = arith.subi %get3A_710, %sub3A_715 : vector<16xi32>
          %jit3A_717 = arith.constant 0 : i32
          %broadcast_in_dim3A_718 = vector.broadcast %jit3A_717 : i32 to vector<16xi32>
          %select_n3A_719 = arith.select %and3A_714, %sub3A_716, %broadcast_in_dim3A_718 : vector<16xi1>, vector<16xi32>
          %shift_right_logical3A_720 = arith.constant 12 : i32
          %shift_right_logical3A_721 = vector.broadcast %shift_right_logical3A_720 : i32 to vector<16xi32>
          %shift_right_logical3A_722 = arith.shrui %select_n3A_719, %shift_right_logical3A_721 : vector<16xi32>
          %and3A_723 = arith.constant 4095 : i32
          %and3A_724 = vector.broadcast %and3A_723 : i32 to vector<16xi32>
          %and3A_725 = arith.andi %select_n3A_719, %and3A_724 : vector<16xi32>
          tpu.vector_store_idx %arg7[%shift_right_logical3A_722, %and3A_725], %broadcast_in_dim3A_3 masked %and3A_714 : memref<8x4096xf32, #tpu.memory_space<vmem>>[vector<16xi32>, vector<16xi32>], vector<16xf32>, vector<16xi1>
          %add3A_726 = arith.constant 16 : i32
          %add3A_727 = arith.addi %add3A_698, %add3A_726 : i32
          %add3A_728 = vector.broadcast %add3A_727 : i32 to vector<16xi32>
          %add3A_729 = arith.addi %add3A_728, %iota3A : vector<16xi32>
          %get3A_730 = arith.index_cast %scan3A_647 : i32 to index
          %get3A_731 = arith.constant 16 : index
          %get3A_732 = tpu.vector_load %arg9[%get3A_730, %get3A_731] {strides = array<i32>} : memref<32x128xi32, #tpu.memory_space<vmem>>, vector<16xi32>,
          %ge3A_733 = vector.broadcast %reduce_sum3A_659 : i32 to vector<16xi32>
          %ge3A_734 = arith.cmpi sge, %add3A_729, %ge3A_733 : vector<16xi32>
          %lt3A_735 = vector.broadcast %reduce_sum3A_676 : i32 to vector<16xi32>
          %lt3A_736 = arith.cmpi slt, %add3A_729, %lt3A_735 : vector<16xi32>
          %and3A_737 = arith.andi %ge3A_734, %lt3A_736 : vector<16xi1>
          %sub3A_738 = vector.broadcast %mul3A_586 : i32 to vector<16xi32>
          %sub3A_739 = arith.subi %get3A_732, %sub3A_738 : vector<16xi32>
          %jit3A_740 = arith.constant 0 : i32
          %broadcast_in_dim3A_741 = vector.broadcast %jit3A_740 : i32 to vector<16xi32>
          %select_n3A_742 = arith.select %and3A_737, %sub3A_739, %broadcast_in_dim3A_741 : vector<16xi1>, vector<16xi32>
          %shift_right_logical3A_743 = arith.constant 12 : i32
          %shift_right_logical3A_744 = vector.broadcast %shift_right_logical3A_743 : i32 to vector<16xi32>
          %shift_right_logical3A_745 = arith.shrui %select_n3A_742, %shift_right_logical3A_744 : vector<16xi32>
          %and3A_746 = arith.constant 4095 : i32
          %and3A_747 = vector.broadcast %and3A_746 : i32 to vector<16xi32>
          %and3A_748 = arith.andi %select_n3A_742, %and3A_747 : vector<16xi32>
          tpu.vector_store_idx %arg7[%shift_right_logical3A_745, %and3A_748], %broadcast_in_dim3A_3 masked %and3A_737 : memref<8x4096xf32, #tpu.memory_space<vmem>>[vector<16xi32>, vector<16xi32>], vector<16xf32>, vector<16xi1>
          %add3A_749 = arith.constant 32 : i32
          %add3A_750 = arith.addi %add3A_698, %add3A_749 : i32
          %add3A_751 = vector.broadcast %add3A_750 : i32 to vector<16xi32>
          %add3A_752 = arith.addi %add3A_751, %iota3A : vector<16xi32>
          %get3A_753 = arith.index_cast %scan3A_647 : i32 to index
          %get3A_754 = arith.constant 32 : index
          %get3A_755 = tpu.vector_load %arg9[%get3A_753, %get3A_754] {strides = array<i32>} : memref<32x128xi32, #tpu.memory_space<vmem>>, vector<16xi32>,
          %ge3A_756 = vector.broadcast %reduce_sum3A_659 : i32 to vector<16xi32>
          %ge3A_757 = arith.cmpi sge, %add3A_752, %ge3A_756 : vector<16xi32>
          %lt3A_758 = vector.broadcast %reduce_sum3A_676 : i32 to vector<16xi32>
          %lt3A_759 = arith.cmpi slt, %add3A_752, %lt3A_758 : vector<16xi32>
          %and3A_760 = arith.andi %ge3A_757, %lt3A_759 : vector<16xi1>
          %sub3A_761 = vector.broadcast %mul3A_586 : i32 to vector<16xi32>
          %sub3A_762 = arith.subi %get3A_755, %sub3A_761 : vector<16xi32>
          %jit3A_763 = arith.constant 0 : i32
          %broadcast_in_dim3A_764 = vector.broadcast %jit3A_763 : i32 to vector<16xi32>
          %select_n3A_765 = arith.select %and3A_760, %sub3A_762, %broadcast_in_dim3A_764 : vector<16xi1>, vector<16xi32>
          %shift_right_logical3A_766 = arith.constant 12 : i32
          %shift_right_logical3A_767 = vector.broadcast %shift_right_logical3A_766 : i32 to vector<16xi32>
          %shift_right_logical3A_768 = arith.shrui %select_n3A_765, %shift_right_logical3A_767 : vector<16xi32>
          %and3A_769 = arith.constant 4095 : i32
          %and3A_770 = vector.broadcast %and3A_769 : i32 to vector<16xi32>
          %and3A_771 = arith.andi %select_n3A_765, %and3A_770 : vector<16xi32>
          tpu.vector_store_idx %arg7[%shift_right_logical3A_768, %and3A_771], %broadcast_in_dim3A_3 masked %and3A_760 : memref<8x4096xf32, #tpu.memory_space<vmem>>[vector<16xi32>, vector<16xi32>], vector<16xf32>, vector<16xi1>
          %add3A_772 = arith.constant 48 : i32
          %add3A_773 = arith.addi %add3A_698, %add3A_772 : i32
          %add3A_774 = vector.broadcast %add3A_773 : i32 to vector<16xi32>
          %add3A_775 = arith.addi %add3A_774, %iota3A : vector<16xi32>
          %get3A_776 = arith.index_cast %scan3A_647 : i32 to index
          %get3A_777 = arith.constant 48 : index
          %get3A_778 = tpu.vector_load %arg9[%get3A_776, %get3A_777] {strides = array<i32>} : memref<32x128xi32, #tpu.memory_space<vmem>>, vector<16xi32>,
          %ge3A_779 = vector.broadcast %reduce_sum3A_659 : i32 to vector<16xi32>
          %ge3A_780 = arith.cmpi sge, %add3A_775, %ge3A_779 : vector<16xi32>
          %lt3A_781 = vector.broadcast %reduce_sum3A_676 : i32 to vector<16xi32>
          %lt3A_782 = arith.cmpi slt, %add3A_775, %lt3A_781 : vector<16xi32>
          %and3A_783 = arith.andi %ge3A_780, %lt3A_782 : vector<16xi1>
          %sub3A_784 = vector.broadcast %mul3A_586 : i32 to vector<16xi32>
          %sub3A_785 = arith.subi %get3A_778, %sub3A_784 : vector<16xi32>
          %jit3A_786 = arith.constant 0 : i32
          %broadcast_in_dim3A_787 = vector.broadcast %jit3A_786 : i32 to vector<16xi32>
          %select_n3A_788 = arith.select %and3A_783, %sub3A_785, %broadcast_in_dim3A_787 : vector<16xi1>, vector<16xi32>
          %shift_right_logical3A_789 = arith.constant 12 : i32
          %shift_right_logical3A_790 = vector.broadcast %shift_right_logical3A_789 : i32 to vector<16xi32>
          %shift_right_logical3A_791 = arith.shrui %select_n3A_788, %shift_right_logical3A_790 : vector<16xi32>
          %and3A_792 = arith.constant 4095 : i32
          %and3A_793 = vector.broadcast %and3A_792 : i32 to vector<16xi32>
          %and3A_794 = arith.andi %select_n3A_788, %and3A_793 : vector<16xi32>
          tpu.vector_store_idx %arg7[%shift_right_logical3A_791, %and3A_794], %broadcast_in_dim3A_3 masked %and3A_783 : memref<8x4096xf32, #tpu.memory_space<vmem>>[vector<16xi32>, vector<16xi32>], vector<16xf32>, vector<16xi1>
          %add3A_795 = arith.constant 64 : i32
          %add3A_796 = arith.addi %add3A_698, %add3A_795 : i32
          %add3A_797 = vector.broadcast %add3A_796 : i32 to vector<16xi32>
          %add3A_798 = arith.addi %add3A_797, %iota3A : vector<16xi32>
          %get3A_799 = arith.index_cast %scan3A_647 : i32 to index
          %get3A_800 = arith.constant 64 : index
          %get3A_801 = tpu.vector_load %arg9[%get3A_799, %get3A_800] {strides = array<i32>} : memref<32x128xi32, #tpu.memory_space<vmem>>, vector<16xi32>,
          %ge3A_802 = vector.broadcast %reduce_sum3A_659 : i32 to vector<16xi32>
          %ge3A_803 = arith.cmpi sge, %add3A_798, %ge3A_802 : vector<16xi32>
          %lt3A_804 = vector.broadcast %reduce_sum3A_676 : i32 to vector<16xi32>
          %lt3A_805 = arith.cmpi slt, %add3A_798, %lt3A_804 : vector<16xi32>
          %and3A_806 = arith.andi %ge3A_803, %lt3A_805 : vector<16xi1>
          %sub3A_807 = vector.broadcast %mul3A_586 : i32 to vector<16xi32>
          %sub3A_808 = arith.subi %get3A_801, %sub3A_807 : vector<16xi32>
          %jit3A_809 = arith.constant 0 : i32
          %broadcast_in_dim3A_810 = vector.broadcast %jit3A_809 : i32 to vector<16xi32>
          %select_n3A_811 = arith.select %and3A_806, %sub3A_808, %broadcast_in_dim3A_810 : vector<16xi1>, vector<16xi32>
          %shift_right_logical3A_812 = arith.constant 12 : i32
          %shift_right_logical3A_813 = vector.broadcast %shift_right_logical3A_812 : i32 to vector<16xi32>
          %shift_right_logical3A_814 = arith.shrui %select_n3A_811, %shift_right_logical3A_813 : vector<16xi32>
          %and3A_815 = arith.constant 4095 : i32
          %and3A_816 = vector.broadcast %and3A_815 : i32 to vector<16xi32>
          %and3A_817 = arith.andi %select_n3A_811, %and3A_816 : vector<16xi32>
          tpu.vector_store_idx %arg7[%shift_right_logical3A_814, %and3A_817], %broadcast_in_dim3A_3 masked %and3A_806 : memref<8x4096xf32, #tpu.memory_space<vmem>>[vector<16xi32>, vector<16xi32>], vector<16xf32>, vector<16xi1>
          %add3A_818 = arith.constant 80 : i32
          %add3A_819 = arith.addi %add3A_698, %add3A_818 : i32
          %add3A_820 = vector.broadcast %add3A_819 : i32 to vector<16xi32>
          %add3A_821 = arith.addi %add3A_820, %iota3A : vector<16xi32>
          %get3A_822 = arith.index_cast %scan3A_647 : i32 to index
          %get3A_823 = arith.constant 80 : index
          %get3A_824 = tpu.vector_load %arg9[%get3A_822, %get3A_823] {strides = array<i32>} : memref<32x128xi32, #tpu.memory_space<vmem>>, vector<16xi32>,
          %ge3A_825 = vector.broadcast %reduce_sum3A_659 : i32 to vector<16xi32>
          %ge3A_826 = arith.cmpi sge, %add3A_821, %ge3A_825 : vector<16xi32>
          %lt3A_827 = vector.broadcast %reduce_sum3A_676 : i32 to vector<16xi32>
          %lt3A_828 = arith.cmpi slt, %add3A_821, %lt3A_827 : vector<16xi32>
          %and3A_829 = arith.andi %ge3A_826, %lt3A_828 : vector<16xi1>
          %sub3A_830 = vector.broadcast %mul3A_586 : i32 to vector<16xi32>
          %sub3A_831 = arith.subi %get3A_824, %sub3A_830 : vector<16xi32>
          %jit3A_832 = arith.constant 0 : i32
          %broadcast_in_dim3A_833 = vector.broadcast %jit3A_832 : i32 to vector<16xi32>
          %select_n3A_834 = arith.select %and3A_829, %sub3A_831, %broadcast_in_dim3A_833 : vector<16xi1>, vector<16xi32>
          %shift_right_logical3A_835 = arith.constant 12 : i32
          %shift_right_logical3A_836 = vector.broadcast %shift_right_logical3A_835 : i32 to vector<16xi32>
          %shift_right_logical3A_837 = arith.shrui %select_n3A_834, %shift_right_logical3A_836 : vector<16xi32>
          %and3A_838 = arith.constant 4095 : i32
          %and3A_839 = vector.broadcast %and3A_838 : i32 to vector<16xi32>
          %and3A_840 = arith.andi %select_n3A_834, %and3A_839 : vector<16xi32>
          tpu.vector_store_idx %arg7[%shift_right_logical3A_837, %and3A_840], %broadcast_in_dim3A_3 masked %and3A_829 : memref<8x4096xf32, #tpu.memory_space<vmem>>[vector<16xi32>, vector<16xi32>], vector<16xf32>, vector<16xi1>
          %add3A_841 = arith.constant 96 : i32
          %add3A_842 = arith.addi %add3A_698, %add3A_841 : i32
          %add3A_843 = vector.broadcast %add3A_842 : i32 to vector<16xi32>
          %add3A_844 = arith.addi %add3A_843, %iota3A : vector<16xi32>
          %get3A_845 = arith.index_cast %scan3A_647 : i32 to index
          %get3A_846 = arith.constant 96 : index
          %get3A_847 = tpu.vector_load %arg9[%get3A_845, %get3A_846] {strides = array<i32>} : memref<32x128xi32, #tpu.memory_space<vmem>>, vector<16xi32>,
          %ge3A_848 = vector.broadcast %reduce_sum3A_659 : i32 to vector<16xi32>
          %ge3A_849 = arith.cmpi sge, %add3A_844, %ge3A_848 : vector<16xi32>
          %lt3A_850 = vector.broadcast %reduce_sum3A_676 : i32 to vector<16xi32>
          %lt3A_851 = arith.cmpi slt, %add3A_844, %lt3A_850 : vector<16xi32>
          %and3A_852 = arith.andi %ge3A_849, %lt3A_851 : vector<16xi1>
          %sub3A_853 = vector.broadcast %mul3A_586 : i32 to vector<16xi32>
          %sub3A_854 = arith.subi %get3A_847, %sub3A_853 : vector<16xi32>
          %jit3A_855 = arith.constant 0 : i32
          %broadcast_in_dim3A_856 = vector.broadcast %jit3A_855 : i32 to vector<16xi32>
          %select_n3A_857 = arith.select %and3A_852, %sub3A_854, %broadcast_in_dim3A_856 : vector<16xi1>, vector<16xi32>
          %shift_right_logical3A_858 = arith.constant 12 : i32
          %shift_right_logical3A_859 = vector.broadcast %shift_right_logical3A_858 : i32 to vector<16xi32>
          %shift_right_logical3A_860 = arith.shrui %select_n3A_857, %shift_right_logical3A_859 : vector<16xi32>
          %and3A_861 = arith.constant 4095 : i32
          %and3A_862 = vector.broadcast %and3A_861 : i32 to vector<16xi32>
          %and3A_863 = arith.andi %select_n3A_857, %and3A_862 : vector<16xi32>
          tpu.vector_store_idx %arg7[%shift_right_logical3A_860, %and3A_863], %broadcast_in_dim3A_3 masked %and3A_852 : memref<8x4096xf32, #tpu.memory_space<vmem>>[vector<16xi32>, vector<16xi32>], vector<16xf32>, vector<16xi1>
          %add3A_864 = arith.constant 112 : i32
          %add3A_865 = arith.addi %add3A_698, %add3A_864 : i32
          %add3A_866 = vector.broadcast %add3A_865 : i32 to vector<16xi32>
          %add3A_867 = arith.addi %add3A_866, %iota3A : vector<16xi32>
          %get3A_868 = arith.index_cast %scan3A_647 : i32 to index
          %get3A_869 = arith.constant 112 : index
          %get3A_870 = tpu.vector_load %arg9[%get3A_868, %get3A_869] {strides = array<i32>} : memref<32x128xi32, #tpu.memory_space<vmem>>, vector<16xi32>,
          %ge3A_871 = vector.broadcast %reduce_sum3A_659 : i32 to vector<16xi32>
          %ge3A_872 = arith.cmpi sge, %add3A_867, %ge3A_871 : vector<16xi32>
          %lt3A_873 = vector.broadcast %reduce_sum3A_676 : i32 to vector<16xi32>
          %lt3A_874 = arith.cmpi slt, %add3A_867, %lt3A_873 : vector<16xi32>
          %and3A_875 = arith.andi %ge3A_872, %lt3A_874 : vector<16xi1>
          %sub3A_876 = vector.broadcast %mul3A_586 : i32 to vector<16xi32>
          %sub3A_877 = arith.subi %get3A_870, %sub3A_876 : vector<16xi32>
          %jit3A_878 = arith.constant 0 : i32
          %broadcast_in_dim3A_879 = vector.broadcast %jit3A_878 : i32 to vector<16xi32>
          %select_n3A_880 = arith.select %and3A_875, %sub3A_877, %broadcast_in_dim3A_879 : vector<16xi1>, vector<16xi32>
          %shift_right_logical3A_881 = arith.constant 12 : i32
          %shift_right_logical3A_882 = vector.broadcast %shift_right_logical3A_881 : i32 to vector<16xi32>
          %shift_right_logical3A_883 = arith.shrui %select_n3A_880, %shift_right_logical3A_882 : vector<16xi32>
          %and3A_884 = arith.constant 4095 : i32
          %and3A_885 = vector.broadcast %and3A_884 : i32 to vector<16xi32>
          %and3A_886 = arith.andi %select_n3A_880, %and3A_885 : vector<16xi32>
          tpu.vector_store_idx %arg7[%shift_right_logical3A_883, %and3A_886], %broadcast_in_dim3A_3 masked %and3A_875 : memref<8x4096xf32, #tpu.memory_space<vmem>>[vector<16xi32>, vector<16xi32>], vector<16xf32>, vector<16xi1>
          %while3A_887 = arith.constant 0 : i32
          scf.yield %while3A_887 : i32
        }
        %scan3A_693 = arith.constant 0 : i32
        scf.yield %scan3A_693 : i32
      }
      %scan3A_593 = arith.constant 32 : i32
      %add3A_594 = arith.addi %mul3A_2, %mul3A_549 : i32
      %mul3A_595 = arith.constant 8 : i32
      %mul3A_596 = arith.muli %add3A_594, %mul3A_595 : i32
      %multiple_of3A_597 = tpu.assume_multiple %mul3A_596, 8 : i32
      %dma_start3A_598 = arith.constant 0 : i32
      %dma_start3A_599 = tpu.memref_slice %arg5[%multiple_of3A_597, %dma_start3A_598] : memref<4096x4096xf32, #tpu.memory_space<hbm>> -> memref<8x4096xf32, #tpu.memory_space<hbm>>
      %dma_start3A_600 = arith.constant 0 : i32
      %dma_start3A_601 = tpu.memref_slice %arg5[%multiple_of3A_597, %dma_start3A_600] : memref<4096x4096xf32, #tpu.memory_space<hbm>> -> memref<8x4096xf32, #tpu.memory_space<hbm>>
      tpu.enqueue_dma source(%arg7 : memref<8x4096xf32, #tpu.memory_space<vmem>>) target(%dma_start3A_601 : memref<8x4096xf32, #tpu.memory_space<hbm>>) target_semaphore(%arg15 : memref<!tpu.dma_semaphore, #tpu.memory_space<semaphore_mem>>)
      %scan3A_602 = arith.constant 0 : i32
      %scan3A_603 = arith.constant 0 : i32
      %scan3A_604 = arith.constant 32 : i32
      %scan3A_605 = arith.addi %scan3A_603, %scan3A_604 : i32
      %scan3A_606 = arith.constant 1 : i32
      %scan3A_607 = scf.for %scan3A_647 = %scan3A_603 to %scan3A_605 step %scan3A_606 iter_args(%scan3A_648 = %scan3A_602) -> (i32)  : i32 {
        %mul3A_649 = arith.constant 32 : i32
        %mul3A_650 = arith.muli %scan3A_647, %mul3A_649 : i32
        %and3A = arith.constant 16 : i32
        %and3A_651 = arith.andi %add3A_551, %and3A : i32
        %add3A_652 = arith.addi %mul3A_650, %and3A_651 : i32
        %get3A = arith.index_cast %add3A_652 : i32 to index
        %get3A_653 = tpu.vector_load %arg6[%get3A] {strides = array<i32>} : memref<1024xi32, #tpu.memory_space<vmem>>, vector<16xi32>,
        %and3A_654 = arith.constant 15 : i32
        %and3A_655 = arith.andi %add3A_551, %and3A_654 : i32
        %eq3A = vector.broadcast %and3A_655 : i32 to vector<16xi32>
        %eq3A_656 = arith.cmpi eq, %iota3A, %eq3A : vector<16xi32>
        %jit3A = arith.constant 0 : i32
        %broadcast_in_dim3A_657 = vector.broadcast %jit3A : i32 to vector<16xi32>
        %select_n3A = arith.select %eq3A_656, %get3A_653, %broadcast_in_dim3A_657 : vector<16xi1>, vector<16xi32>
        %reduce_sum3A = arith.constant true
        %reduce_sum3A_658 = vector.broadcast %reduce_sum3A : i1 to vector<16xi1>
        %reduce_sum3A_659 = tpu.scan <sum>, %select_n3A masked %reduce_sum3A_658 : vector<16xi32>, vector<16xi1> -> vector<16xi32>
        %reduce_sum3A_660 = vector.extract %reduce_sum3A_659[15] : i32 from vector<16xi32>
        %mul3A_661 = arith.constant 32 : i32
        %mul3A_662 = arith.muli %scan3A_647, %mul3A_661 : i32
        %add3A_663 = arith.constant 1 : i32
        %add3A_664 = arith.addi %add3A_551, %add3A_663 : i32
        %and3A_665 = arith.constant 16 : i32
        %and3A_666 = arith.andi %add3A_664, %and3A_665 : i32
        %add3A_667 = arith.addi %mul3A_662, %and3A_666 : i32
        %get3A_668 = arith.index_cast %add3A_667 : i32 to index
        %get3A_669 = tpu.vector_load %arg6[%get3A_668] {strides = array<i32>} : memref<1024xi32, #tpu.memory_space<vmem>>, vector<16xi32>,
        %and3A_670 = arith.constant 15 : i32
        %and3A_671 = arith.andi %add3A_664, %and3A_670 : i32
        %eq3A_672 = vector.broadcast %and3A_671 : i32 to vector<16xi32>
        %eq3A_673 = arith.cmpi eq, %iota3A, %eq3A_672 : vector<16xi32>
        %jit3A_674 = arith.constant 0 : i32
        %broadcast_in_dim3A_675 = vector.broadcast %jit3A_674 : i32 to vector<16xi32>
        %select_n3A_676 = arith.select %eq3A_673, %get3A_669, %broadcast_in_dim3A_675 : vector<16xi1>, vector<16xi32>
        %reduce_sum3A_677 = arith.constant true
        %reduce_sum3A_678 = vector.broadcast %reduce_sum3A_677 : i1 to vector<16xi1>
        %reduce_sum3A_679 = tpu.scan <sum>, %select_n3A_676 masked %reduce_sum3A_678 : vector<16xi32>, vector<16xi1> -> vector<16xi32>
        %reduce_sum3A_680 = vector.extract %reduce_sum3A_679[15] : i32 from vector<16xi32>
        %and3A_681 = arith.constant -8 : i32
        %and3A_682 = arith.andi %reduce_sum3A_660, %and3A_681 : i32
        %eq3A_683 = arith.constant 0 : i32
        %eq3A_684 = vector.broadcast %eq3A_683 : i32 to vector<16xi32>
        %eq3A_685 = arith.cmpi eq, %iota3A, %eq3A_684 : vector<16xi32>
        %jit3A_686 = arith.constant 0 : i32
        %broadcast_in_dim3A_687 = vector.broadcast %scan3A_647 : i32 to vector<16xi32>
        %broadcast_in_dim3A_688 = vector.broadcast %jit3A_686 : i32 to vector<16xi32>
        %select_n3A_689 = arith.select %eq3A_685, %broadcast_in_dim3A_687, %broadcast_in_dim3A_688 : vector<16xi1>, vector<16xi32>
        %broadcast_in_dim3A_690 = arith.constant 0 : i32
        %broadcast_in_dim3A_691 = vector.broadcast %broadcast_in_dim3A_690 : i32 to vector<16xi32>
        %add3A_692 = vector.broadcast %reduce_sum3A_660 : i32 to vector<16xi32>
        %add3A_693 = arith.addi %broadcast_in_dim3A_691, %add3A_692 : vector<16xi32>
        %eq3A_694 = arith.constant 0 : i32
        %eq3A_695 = vector.broadcast %eq3A_694 : i32 to vector<16xi32>
        %eq3A_696 = arith.cmpi eq, %iota3A, %eq3A_695 : vector<16xi32>
        tpu.vector_store_idx %arg10[%select_n3A_689], %add3A_693 masked %eq3A_696 : memref<32xi32, #tpu.memory_space<vmem>>[vector<16xi32>], vector<16xi32>, vector<16xi1>
        %eq3A_697 = arith.constant 0 : i32
        %eq3A_698 = vector.broadcast %eq3A_697 : i32 to vector<16xi32>
        %eq3A_699 = arith.cmpi eq, %iota3A, %eq3A_698 : vector<16xi32>
        %jit3A_700 = arith.constant 0 : i32
        %broadcast_in_dim3A_701 = vector.broadcast %scan3A_647 : i32 to vector<16xi32>
        %broadcast_in_dim3A_702 = vector.broadcast %jit3A_700 : i32 to vector<16xi32>
        %select_n3A_703 = arith.select %eq3A_699, %broadcast_in_dim3A_701, %broadcast_in_dim3A_702 : vector<16xi1>, vector<16xi32>
        %broadcast_in_dim3A_704 = arith.constant 0 : i32
        %broadcast_in_dim3A_705 = vector.broadcast %broadcast_in_dim3A_704 : i32 to vector<16xi32>
        %add3A_706 = vector.broadcast %reduce_sum3A_680 : i32 to vector<16xi32>
        %add3A_707 = arith.addi %broadcast_in_dim3A_705, %add3A_706 : vector<16xi32>
        %eq3A_708 = arith.constant 0 : i32
        %eq3A_709 = vector.broadcast %eq3A_708 : i32 to vector<16xi32>
        %eq3A_710 = arith.cmpi eq, %iota3A, %eq3A_709 : vector<16xi32>
        tpu.vector_store_idx %arg11[%select_n3A_703], %add3A_707 masked %eq3A_710 : memref<32xi32, #tpu.memory_space<vmem>>[vector<16xi32>], vector<16xi32>, vector<16xi1>
        %mul3A_711 = arith.constant 31616 : i32
        %mul3A_712 = arith.muli %scan3A_647, %mul3A_711 : i32
        %add3A_713 = arith.addi %mul3A_712, %and3A_682 : i32
        %multiple_of3A_714 = tpu.assume_multiple %add3A_713, 8 : i32
        %dma_start3A_715 = arith.constant 0 : i32
        %dma_start3A_716 = tpu.memref_slice %arg9[%scan3A_647, %dma_start3A_715] : memref<32x128xi32, #tpu.memory_space<vmem>> -> memref<1x128xi32, #tpu.memory_space<vmem>>
        %dma_start3A_717 = tpu.memref_squeeze %dma_start3A_716 : memref<1x128xi32, #tpu.memory_space<vmem>> -> memref<128xi32, #tpu.memory_space<vmem>>
        %dma_start3A_718 = tpu.memref_slice %arg3[%multiple_of3A_714] : memref<1011712xi32, #tpu.memory_space<hbm>> -> memref<128xi32, #tpu.memory_space<hbm>>
        %dma_start3A_719 = arith.constant 0 : i32
        %dma_start3A_720 = tpu.memref_slice %arg9[%scan3A_647, %dma_start3A_719] : memref<32x128xi32, #tpu.memory_space<vmem>> -> memref<1x128xi32, #tpu.memory_space<vmem>>
        %dma_start3A_721 = tpu.memref_squeeze %dma_start3A_720 : memref<1x128xi32, #tpu.memory_space<vmem>> -> memref<128xi32, #tpu.memory_space<vmem>>
        %dma_start3A_722 = tpu.memref_slice %arg3[%multiple_of3A_714] : memref<1011712xi32, #tpu.memory_space<hbm>> -> memref<128xi32, #tpu.memory_space<hbm>>
        tpu.enqueue_dma source(%dma_start3A_722 : memref<128xi32, #tpu.memory_space<hbm>>) target(%dma_start3A_721 : memref<128xi32, #tpu.memory_space<vmem>>) target_semaphore(%arg12 : memref<!tpu.dma_semaphore, #tpu.memory_space<semaphore_mem>>)
        %scan3A_723 = arith.constant 0 : i32
        scf.yield %scan3A_723 : i32
      }
      %scan3A_608 = arith.constant 32 : i32
      %scan3A_609 = arith.constant 0 : i32
      %scan3A_610 = arith.constant 0 : i32
      %scan3A_611 = arith.constant 32 : i32
      %scan3A_612 = arith.addi %scan3A_610, %scan3A_611 : i32
      %scan3A_613 = arith.constant 1 : i32
      %scan3A_614 = scf.for %scan3A_647 = %scan3A_610 to %scan3A_612 step %scan3A_613 iter_args(%scan3A_648 = %scan3A_609) -> (i32)  : i32 {
        %and3A = arith.constant 16 : i32
        %and3A_649 = arith.andi %scan3A_647, %and3A : i32
        %add3A_650 = arith.constant 0 : i32
        %add3A_651 = arith.addi %add3A_650, %and3A_649 : i32
        %get3A = arith.index_cast %add3A_651 : i32 to index
        %get3A_652 = tpu.vector_load %arg10[%get3A] {strides = array<i32>} : memref<32xi32, #tpu.memory_space<vmem>>, vector<16xi32>,
        %and3A_653 = arith.constant 15 : i32
        %and3A_654 = arith.andi %scan3A_647, %and3A_653 : i32
        %eq3A = vector.broadcast %and3A_654 : i32 to vector<16xi32>
        %eq3A_655 = arith.cmpi eq, %iota3A, %eq3A : vector<16xi32>
        %jit3A = arith.constant 0 : i32
        %broadcast_in_dim3A_656 = vector.broadcast %jit3A : i32 to vector<16xi32>
        %select_n3A = arith.select %eq3A_655, %get3A_652, %broadcast_in_dim3A_656 : vector<16xi1>, vector<16xi32>
        %reduce_sum3A = arith.constant true
        %reduce_sum3A_657 = vector.broadcast %reduce_sum3A : i1 to vector<16xi1>
        %reduce_sum3A_658 = tpu.scan <sum>, %select_n3A masked %reduce_sum3A_657 : vector<16xi32>, vector<16xi1> -> vector<16xi32>
        %reduce_sum3A_659 = vector.extract %reduce_sum3A_658[15] : i32 from vector<16xi32>
        %and3A_660 = arith.constant -8 : i32
        %and3A_661 = arith.andi %reduce_sum3A_659, %and3A_660 : i32
        %mul3A_662 = arith.constant 31616 : i32
        %mul3A_663 = arith.muli %scan3A_647, %mul3A_662 : i32
        %add3A_664 = arith.addi %mul3A_663, %and3A_661 : i32
        %multiple_of3A_665 = tpu.assume_multiple %add3A_664, 8 : i32
        %dma_wait3A_666 = arith.constant 0 : i32
        %dma_wait3A_667 = tpu.memref_slice %arg9[%scan3A_647, %dma_wait3A_666] : memref<32x128xi32, #tpu.memory_space<vmem>> -> memref<1x128xi32, #tpu.memory_space<vmem>>
        %dma_wait3A_668 = tpu.memref_squeeze %dma_wait3A_667 : memref<1x128xi32, #tpu.memory_space<vmem>> -> memref<128xi32, #tpu.memory_space<vmem>>
        %dma_wait3A_669 = tpu.memref_slice %arg3[%multiple_of3A_665] : memref<1011712xi32, #tpu.memory_space<hbm>> -> memref<128xi32, #tpu.memory_space<hbm>>
        %dma_wait3A_670 = arith.constant 0 : i32
        %dma_wait3A_671 = tpu.memref_slice %arg9[%scan3A_647, %dma_wait3A_670] : memref<32x128xi32, #tpu.memory_space<vmem>> -> memref<1x128xi32, #tpu.memory_space<vmem>>
        %dma_wait3A_672 = tpu.memref_squeeze %dma_wait3A_671 : memref<1x128xi32, #tpu.memory_space<vmem>> -> memref<128xi32, #tpu.memory_space<vmem>>
        %dma_wait3A_673 = tpu.memref_slice %arg3[%multiple_of3A_665] : memref<1011712xi32, #tpu.memory_space<hbm>> -> memref<128xi32, #tpu.memory_space<hbm>>
        tpu.wait_dma2 semaphore(%arg12 : memref<!tpu.dma_semaphore, #tpu.memory_space<semaphore_mem>>) src(%dma_wait3A_673 : memref<128xi32, #tpu.memory_space<hbm>>) dst(%dma_wait3A_672 : memref<128xi32, #tpu.memory_space<vmem>>)
        %scan3A_674 = arith.constant 0 : i32
        scf.yield %scan3A_674 : i32
      }
      %scan3A_615 = arith.constant 32 : i32
      %lt3A = arith.constant 7 : i32
      %lt3A_616 = arith.cmpi slt, %scan3A_546, %lt3A : i32
      %convert_element_type3A_617 = arith.extui %lt3A_616 : i1 to i32
      %cond3A_618 = arith.constant 0 : i32
      %cond3A_619 = arith.cmpi ne, %convert_element_type3A_617, %cond3A_618 : i32
      scf.if %cond3A_619 {
        %add3A_647 = arith.addi %mul3A_2, %mul3A_549 : i32
        %mul3A_648 = arith.constant 8 : i32
        %mul3A_649 = arith.muli %add3A_647, %mul3A_648 : i32
        %multiple_of3A_650 = tpu.assume_multiple %mul3A_649, 8 : i32
        %dma_wait3A_651 = arith.constant 0 : i32
        %dma_wait3A_652 = tpu.memref_slice %arg5[%multiple_of3A_650, %dma_wait3A_651] : memref<4096x4096xf32, #tpu.memory_space<hbm>> -> memref<8x4096xf32, #tpu.memory_space<hbm>>
        %dma_wait3A_653 = arith.constant 0 : i32
        %dma_wait3A_654 = tpu.memref_slice %arg5[%multiple_of3A_650, %dma_wait3A_653] : memref<4096x4096xf32, #tpu.memory_space<hbm>> -> memref<8x4096xf32, #tpu.memory_space<hbm>>
        tpu.wait_dma2 semaphore(%arg15 : memref<!tpu.dma_semaphore, #tpu.memory_space<semaphore_mem>>) src(%arg7 : memref<8x4096xf32, #tpu.memory_space<vmem>>) dst(%dma_wait3A_654 : memref<8x4096xf32, #tpu.memory_space<hbm>>)
        %add3A_655 = arith.constant 2 : i32
        %add3A_656 = arith.addi %mul3A_549, %add3A_655 : i32
        %add3A_657 = arith.addi %mul3A_2, %add3A_656 : i32
        %mul3A_658 = arith.constant 8 : i32
        %mul3A_659 = arith.muli %add3A_657, %mul3A_658 : i32
        %multiple_of3A_660 = tpu.assume_multiple %mul3A_659, 8 : i32
        %dma_start3A_661 = arith.constant 0 : i32
        %dma_start3A_662 = tpu.memref_slice %arg2[%multiple_of3A_660, %dma_start3A_661] : memref<4096x4096xf32, #tpu.memory_space<hbm>> -> memref<8x4096xf32, #tpu.memory_space<hbm>>
        %dma_start3A_663 = arith.constant 0 : i32
        %dma_start3A_664 = tpu.memref_slice %arg2[%multiple_of3A_660, %dma_start3A_663] : memref<4096x4096xf32, #tpu.memory_space<hbm>> -> memref<8x4096xf32, #tpu.memory_space<hbm>>
        tpu.enqueue_dma source(%dma_start3A_664 : memref<8x4096xf32, #tpu.memory_space<hbm>>) target(%arg7 : memref<8x4096xf32, #tpu.memory_space<vmem>>) target_semaphore(%arg13 : memref<!tpu.dma_semaphore, #tpu.memory_space<semaphore_mem>>)
      } else {
      }
      %add3A_620 = arith.addi %mul3A_2, %add3A_551 : i32
      %mul3A_621 = arith.constant 8 : i32
      %mul3A_622 = arith.muli %add3A_620, %mul3A_621 : i32
      %multiple_of3A_623 = tpu.assume_multiple %mul3A_622, 8 : i32
      %dma_wait3A_624 = arith.constant 0 : i32
      %dma_wait3A_625 = tpu.memref_slice %arg2[%multiple_of3A_623, %dma_wait3A_624] : memref<4096x4096xf32, #tpu.memory_space<hbm>> -> memref<8x4096xf32, #tpu.memory_space<hbm>>
      %dma_wait3A_626 = arith.constant 0 : i32
      %dma_wait3A_627 = tpu.memref_slice %arg2[%multiple_of3A_623, %dma_wait3A_626] : memref<4096x4096xf32, #tpu.memory_space<hbm>> -> memref<8x4096xf32, #tpu.memory_space<hbm>>
      tpu.wait_dma2 semaphore(%arg14 : memref<!tpu.dma_semaphore, #tpu.memory_space<semaphore_mem>>) src(%dma_wait3A_627 : memref<8x4096xf32, #tpu.memory_space<hbm>>) dst(%arg8 : memref<8x4096xf32, #tpu.memory_space<vmem>>)
      %add3A_628 = arith.addi %mul3A_2, %add3A_551 : i32
      %mul3A_629 = arith.constant 32768 : i32
      %mul3A_630 = arith.muli %add3A_628, %mul3A_629 : i32
      %scan3A_631 = arith.constant 0 : i32
      %scan3A_632 = arith.constant 0 : i32
      %scan3A_633 = arith.constant 32 : i32
      %scan3A_634 = arith.addi %scan3A_632, %scan3A_633 : i32
      %scan3A_635 = arith.constant 1 : i32
      %scan3A_636 = scf.for %scan3A_647 = %scan3A_632 to %scan3A_634 step %scan3A_635 iter_args(%scan3A_648 = %scan3A_631) -> (i32)  : i32 {
        %and3A = arith.constant 16 : i32
        %and3A_649 = arith.andi %scan3A_647, %and3A : i32
        %add3A_650 = arith.constant 0 : i32
        %add3A_651 = arith.addi %add3A_650, %and3A_649 : i32
        %get3A = arith.index_cast %add3A_651 : i32 to index
        %get3A_652 = tpu.vector_load %arg10[%get3A] {strides = array<i32>} : memref<32xi32, #tpu.memory_space<vmem>>, vector<16xi32>,
        %and3A_653 = arith.constant 15 : i32
        %and3A_654 = arith.andi %scan3A_647, %and3A_653 : i32
        %eq3A = vector.broadcast %and3A_654 : i32 to vector<16xi32>
        %eq3A_655 = arith.cmpi eq, %iota3A, %eq3A : vector<16xi32>
        %jit3A = arith.constant 0 : i32
        %broadcast_in_dim3A_656 = vector.broadcast %jit3A : i32 to vector<16xi32>
        %select_n3A = arith.select %eq3A_655, %get3A_652, %broadcast_in_dim3A_656 : vector<16xi1>, vector<16xi32>
        %reduce_sum3A = arith.constant true
        %reduce_sum3A_657 = vector.broadcast %reduce_sum3A : i1 to vector<16xi1>
        %reduce_sum3A_658 = tpu.scan <sum>, %select_n3A masked %reduce_sum3A_657 : vector<16xi32>, vector<16xi1> -> vector<16xi32>
        %reduce_sum3A_659 = vector.extract %reduce_sum3A_658[15] : i32 from vector<16xi32>
        %and3A_660 = arith.constant 16 : i32
        %and3A_661 = arith.andi %scan3A_647, %and3A_660 : i32
        %add3A_662 = arith.constant 0 : i32
        %add3A_663 = arith.addi %add3A_662, %and3A_661 : i32
        %get3A_664 = arith.index_cast %add3A_663 : i32 to index
        %get3A_665 = tpu.vector_load %arg11[%get3A_664] {strides = array<i32>} : memref<32xi32, #tpu.memory_space<vmem>>, vector<16xi32>,
        %and3A_666 = arith.constant 15 : i32
        %and3A_667 = arith.andi %scan3A_647, %and3A_666 : i32
        %eq3A_668 = vector.broadcast %and3A_667 : i32 to vector<16xi32>
        %eq3A_669 = arith.cmpi eq, %iota3A, %eq3A_668 : vector<16xi32>
        %jit3A_670 = arith.constant 0 : i32
        %broadcast_in_dim3A_671 = vector.broadcast %jit3A_670 : i32 to vector<16xi32>
        %select_n3A_672 = arith.select %eq3A_669, %get3A_665, %broadcast_in_dim3A_671 : vector<16xi1>, vector<16xi32>
        %reduce_sum3A_673 = arith.constant true
        %reduce_sum3A_674 = vector.broadcast %reduce_sum3A_673 : i1 to vector<16xi1>
        %reduce_sum3A_675 = tpu.scan <sum>, %select_n3A_672 masked %reduce_sum3A_674 : vector<16xi32>, vector<16xi1> -> vector<16xi32>
        %reduce_sum3A_676 = vector.extract %reduce_sum3A_675[15] : i32 from vector<16xi32>
        %and3A_677 = arith.constant -8 : i32
        %and3A_678 = arith.andi %reduce_sum3A_659, %and3A_677 : i32
        %sub3A = arith.subi %reduce_sum3A_676, %and3A_678 : i32
        %add3A_679 = arith.constant 127 : i32
        %add3A_680 = arith.addi %sub3A, %add3A_679 : i32
        %shift_right_logical3A = arith.constant 7 : i32
        %shift_right_logical3A_681 = arith.shrui %add3A_680, %shift_right_logical3A : i32
        %while3A = arith.constant 0 : i32
        %while3A_682 = arith.constant 0 : i32
        %while3A_683 = arith.subi %shift_right_logical3A_681, %while3A : i32
        %while3A_684 = arith.addi %while3A, %while3A_683 : i32
        %while3A_685 = arith.constant 1 : i32
        %while3A_686 = arith.divsi %while3A_683, %while3A_685 : i32
        %while3A_687 = arith.muli %while3A_686, %while3A_685 : i32
        %while3A_688 = arith.addi %while3A, %while3A_687 : i32
        %while3A_689 = arith.constant 1 : i32
        %while3A_690 = scf.for %while3A_694 = %while3A to %while3A_688 step %while3A_689 iter_args(%while3A_695 = %while3A_682) -> (i32)  : i32 {
          %mul3A_696 = arith.constant 128 : i32
          %mul3A_697 = arith.muli %while3A_694, %mul3A_696 : i32
          %add3A_698 = arith.addi %and3A_678, %mul3A_697 : i32
          %gt3A_699 = arith.constant 0 : i32
          %gt3A_700 = arith.cmpi sgt, %while3A_694, %gt3A_699 : i32
          %convert_element_type3A_701 = arith.extui %gt3A_700 : i1 to i32
          %cond3A_702 = arith.constant 0 : i32
          %cond3A_703 = arith.cmpi ne, %convert_element_type3A_701, %cond3A_702 : i32
          scf.if %cond3A_703 {
            %mul3A_888 = arith.constant 31616 : i32
            %mul3A_889 = arith.muli %scan3A_647, %mul3A_888 : i32
            %add3A_890 = arith.addi %mul3A_889, %add3A_698 : i32
            %multiple_of3A_891 = tpu.assume_multiple %add3A_890, 8 : i32
            %dma_start3A_892 = arith.constant 0 : i32
            %dma_start3A_893 = tpu.memref_slice %arg9[%scan3A_647, %dma_start3A_892] : memref<32x128xi32, #tpu.memory_space<vmem>> -> memref<1x128xi32, #tpu.memory_space<vmem>>
            %dma_start3A_894 = tpu.memref_squeeze %dma_start3A_893 : memref<1x128xi32, #tpu.memory_space<vmem>> -> memref<128xi32, #tpu.memory_space<vmem>>
            %dma_start3A_895 = tpu.memref_slice %arg3[%multiple_of3A_891] : memref<1011712xi32, #tpu.memory_space<hbm>> -> memref<128xi32, #tpu.memory_space<hbm>>
            %dma_start3A_896 = arith.constant 0 : i32
            %dma_start3A_897 = tpu.memref_slice %arg9[%scan3A_647, %dma_start3A_896] : memref<32x128xi32, #tpu.memory_space<vmem>> -> memref<1x128xi32, #tpu.memory_space<vmem>>
            %dma_start3A_898 = tpu.memref_squeeze %dma_start3A_897 : memref<1x128xi32, #tpu.memory_space<vmem>> -> memref<128xi32, #tpu.memory_space<vmem>>
            %dma_start3A_899 = tpu.memref_slice %arg3[%multiple_of3A_891] : memref<1011712xi32, #tpu.memory_space<hbm>> -> memref<128xi32, #tpu.memory_space<hbm>>
            tpu.enqueue_dma source(%dma_start3A_899 : memref<128xi32, #tpu.memory_space<hbm>>) target(%dma_start3A_898 : memref<128xi32, #tpu.memory_space<vmem>>) target_semaphore(%arg12 : memref<!tpu.dma_semaphore, #tpu.memory_space<semaphore_mem>>)
            %dma_wait3A_900 = arith.constant 0 : i32
            %dma_wait3A_901 = tpu.memref_slice %arg9[%scan3A_647, %dma_wait3A_900] : memref<32x128xi32, #tpu.memory_space<vmem>> -> memref<1x128xi32, #tpu.memory_space<vmem>>
            %dma_wait3A_902 = tpu.memref_squeeze %dma_wait3A_901 : memref<1x128xi32, #tpu.memory_space<vmem>> -> memref<128xi32, #tpu.memory_space<vmem>>
            %dma_wait3A_903 = tpu.memref_slice %arg3[%multiple_of3A_891] : memref<1011712xi32, #tpu.memory_space<hbm>> -> memref<128xi32, #tpu.memory_space<hbm>>
            %dma_wait3A_904 = arith.constant 0 : i32
            %dma_wait3A_905 = tpu.memref_slice %arg9[%scan3A_647, %dma_wait3A_904] : memref<32x128xi32, #tpu.memory_space<vmem>> -> memref<1x128xi32, #tpu.memory_space<vmem>>
            %dma_wait3A_906 = tpu.memref_squeeze %dma_wait3A_905 : memref<1x128xi32, #tpu.memory_space<vmem>> -> memref<128xi32, #tpu.memory_space<vmem>>
            %dma_wait3A_907 = tpu.memref_slice %arg3[%multiple_of3A_891] : memref<1011712xi32, #tpu.memory_space<hbm>> -> memref<128xi32, #tpu.memory_space<hbm>>
            tpu.wait_dma2 semaphore(%arg12 : memref<!tpu.dma_semaphore, #tpu.memory_space<semaphore_mem>>) src(%dma_wait3A_907 : memref<128xi32, #tpu.memory_space<hbm>>) dst(%dma_wait3A_906 : memref<128xi32, #tpu.memory_space<vmem>>)
          } else {
          }
          %add3A_704 = arith.constant 0 : i32
          %add3A_705 = arith.addi %add3A_698, %add3A_704 : i32
          %add3A_706 = vector.broadcast %add3A_705 : i32 to vector<16xi32>
          %add3A_707 = arith.addi %add3A_706, %iota3A : vector<16xi32>
          %get3A_708 = arith.index_cast %scan3A_647 : i32 to index
          %get3A_709 = arith.constant 0 : index
          %get3A_710 = tpu.vector_load %arg9[%get3A_708, %get3A_709] {strides = array<i32>} : memref<32x128xi32, #tpu.memory_space<vmem>>, vector<16xi32>,
          %ge3A = vector.broadcast %reduce_sum3A_659 : i32 to vector<16xi32>
          %ge3A_711 = arith.cmpi sge, %add3A_707, %ge3A : vector<16xi32>
          %lt3A_712 = vector.broadcast %reduce_sum3A_676 : i32 to vector<16xi32>
          %lt3A_713 = arith.cmpi slt, %add3A_707, %lt3A_712 : vector<16xi32>
          %and3A_714 = arith.andi %ge3A_711, %lt3A_713 : vector<16xi1>
          %sub3A_715 = vector.broadcast %mul3A_630 : i32 to vector<16xi32>
          %sub3A_716 = arith.subi %get3A_710, %sub3A_715 : vector<16xi32>
          %jit3A_717 = arith.constant 0 : i32
          %broadcast_in_dim3A_718 = vector.broadcast %jit3A_717 : i32 to vector<16xi32>
          %select_n3A_719 = arith.select %and3A_714, %sub3A_716, %broadcast_in_dim3A_718 : vector<16xi1>, vector<16xi32>
          %shift_right_logical3A_720 = arith.constant 12 : i32
          %shift_right_logical3A_721 = vector.broadcast %shift_right_logical3A_720 : i32 to vector<16xi32>
          %shift_right_logical3A_722 = arith.shrui %select_n3A_719, %shift_right_logical3A_721 : vector<16xi32>
          %and3A_723 = arith.constant 4095 : i32
          %and3A_724 = vector.broadcast %and3A_723 : i32 to vector<16xi32>
          %and3A_725 = arith.andi %select_n3A_719, %and3A_724 : vector<16xi32>
          tpu.vector_store_idx %arg8[%shift_right_logical3A_722, %and3A_725], %broadcast_in_dim3A_3 masked %and3A_714 : memref<8x4096xf32, #tpu.memory_space<vmem>>[vector<16xi32>, vector<16xi32>], vector<16xf32>, vector<16xi1>
          %add3A_726 = arith.constant 16 : i32
          %add3A_727 = arith.addi %add3A_698, %add3A_726 : i32
          %add3A_728 = vector.broadcast %add3A_727 : i32 to vector<16xi32>
          %add3A_729 = arith.addi %add3A_728, %iota3A : vector<16xi32>
          %get3A_730 = arith.index_cast %scan3A_647 : i32 to index
          %get3A_731 = arith.constant 16 : index
          %get3A_732 = tpu.vector_load %arg9[%get3A_730, %get3A_731] {strides = array<i32>} : memref<32x128xi32, #tpu.memory_space<vmem>>, vector<16xi32>,
          %ge3A_733 = vector.broadcast %reduce_sum3A_659 : i32 to vector<16xi32>
          %ge3A_734 = arith.cmpi sge, %add3A_729, %ge3A_733 : vector<16xi32>
          %lt3A_735 = vector.broadcast %reduce_sum3A_676 : i32 to vector<16xi32>
          %lt3A_736 = arith.cmpi slt, %add3A_729, %lt3A_735 : vector<16xi32>
          %and3A_737 = arith.andi %ge3A_734, %lt3A_736 : vector<16xi1>
          %sub3A_738 = vector.broadcast %mul3A_630 : i32 to vector<16xi32>
          %sub3A_739 = arith.subi %get3A_732, %sub3A_738 : vector<16xi32>
          %jit3A_740 = arith.constant 0 : i32
          %broadcast_in_dim3A_741 = vector.broadcast %jit3A_740 : i32 to vector<16xi32>
          %select_n3A_742 = arith.select %and3A_737, %sub3A_739, %broadcast_in_dim3A_741 : vector<16xi1>, vector<16xi32>
          %shift_right_logical3A_743 = arith.constant 12 : i32
          %shift_right_logical3A_744 = vector.broadcast %shift_right_logical3A_743 : i32 to vector<16xi32>
          %shift_right_logical3A_745 = arith.shrui %select_n3A_742, %shift_right_logical3A_744 : vector<16xi32>
          %and3A_746 = arith.constant 4095 : i32
          %and3A_747 = vector.broadcast %and3A_746 : i32 to vector<16xi32>
          %and3A_748 = arith.andi %select_n3A_742, %and3A_747 : vector<16xi32>
          tpu.vector_store_idx %arg8[%shift_right_logical3A_745, %and3A_748], %broadcast_in_dim3A_3 masked %and3A_737 : memref<8x4096xf32, #tpu.memory_space<vmem>>[vector<16xi32>, vector<16xi32>], vector<16xf32>, vector<16xi1>
          %add3A_749 = arith.constant 32 : i32
          %add3A_750 = arith.addi %add3A_698, %add3A_749 : i32
          %add3A_751 = vector.broadcast %add3A_750 : i32 to vector<16xi32>
          %add3A_752 = arith.addi %add3A_751, %iota3A : vector<16xi32>
          %get3A_753 = arith.index_cast %scan3A_647 : i32 to index
          %get3A_754 = arith.constant 32 : index
          %get3A_755 = tpu.vector_load %arg9[%get3A_753, %get3A_754] {strides = array<i32>} : memref<32x128xi32, #tpu.memory_space<vmem>>, vector<16xi32>,
          %ge3A_756 = vector.broadcast %reduce_sum3A_659 : i32 to vector<16xi32>
          %ge3A_757 = arith.cmpi sge, %add3A_752, %ge3A_756 : vector<16xi32>
          %lt3A_758 = vector.broadcast %reduce_sum3A_676 : i32 to vector<16xi32>
          %lt3A_759 = arith.cmpi slt, %add3A_752, %lt3A_758 : vector<16xi32>
          %and3A_760 = arith.andi %ge3A_757, %lt3A_759 : vector<16xi1>
          %sub3A_761 = vector.broadcast %mul3A_630 : i32 to vector<16xi32>
          %sub3A_762 = arith.subi %get3A_755, %sub3A_761 : vector<16xi32>
          %jit3A_763 = arith.constant 0 : i32
          %broadcast_in_dim3A_764 = vector.broadcast %jit3A_763 : i32 to vector<16xi32>
          %select_n3A_765 = arith.select %and3A_760, %sub3A_762, %broadcast_in_dim3A_764 : vector<16xi1>, vector<16xi32>
          %shift_right_logical3A_766 = arith.constant 12 : i32
          %shift_right_logical3A_767 = vector.broadcast %shift_right_logical3A_766 : i32 to vector<16xi32>
          %shift_right_logical3A_768 = arith.shrui %select_n3A_765, %shift_right_logical3A_767 : vector<16xi32>
          %and3A_769 = arith.constant 4095 : i32
          %and3A_770 = vector.broadcast %and3A_769 : i32 to vector<16xi32>
          %and3A_771 = arith.andi %select_n3A_765, %and3A_770 : vector<16xi32>
          tpu.vector_store_idx %arg8[%shift_right_logical3A_768, %and3A_771], %broadcast_in_dim3A_3 masked %and3A_760 : memref<8x4096xf32, #tpu.memory_space<vmem>>[vector<16xi32>, vector<16xi32>], vector<16xf32>, vector<16xi1>
          %add3A_772 = arith.constant 48 : i32
          %add3A_773 = arith.addi %add3A_698, %add3A_772 : i32
          %add3A_774 = vector.broadcast %add3A_773 : i32 to vector<16xi32>
          %add3A_775 = arith.addi %add3A_774, %iota3A : vector<16xi32>
          %get3A_776 = arith.index_cast %scan3A_647 : i32 to index
          %get3A_777 = arith.constant 48 : index
          %get3A_778 = tpu.vector_load %arg9[%get3A_776, %get3A_777] {strides = array<i32>} : memref<32x128xi32, #tpu.memory_space<vmem>>, vector<16xi32>,
          %ge3A_779 = vector.broadcast %reduce_sum3A_659 : i32 to vector<16xi32>
          %ge3A_780 = arith.cmpi sge, %add3A_775, %ge3A_779 : vector<16xi32>
          %lt3A_781 = vector.broadcast %reduce_sum3A_676 : i32 to vector<16xi32>
          %lt3A_782 = arith.cmpi slt, %add3A_775, %lt3A_781 : vector<16xi32>
          %and3A_783 = arith.andi %ge3A_780, %lt3A_782 : vector<16xi1>
          %sub3A_784 = vector.broadcast %mul3A_630 : i32 to vector<16xi32>
          %sub3A_785 = arith.subi %get3A_778, %sub3A_784 : vector<16xi32>
          %jit3A_786 = arith.constant 0 : i32
          %broadcast_in_dim3A_787 = vector.broadcast %jit3A_786 : i32 to vector<16xi32>
          %select_n3A_788 = arith.select %and3A_783, %sub3A_785, %broadcast_in_dim3A_787 : vector<16xi1>, vector<16xi32>
          %shift_right_logical3A_789 = arith.constant 12 : i32
          %shift_right_logical3A_790 = vector.broadcast %shift_right_logical3A_789 : i32 to vector<16xi32>
          %shift_right_logical3A_791 = arith.shrui %select_n3A_788, %shift_right_logical3A_790 : vector<16xi32>
          %and3A_792 = arith.constant 4095 : i32
          %and3A_793 = vector.broadcast %and3A_792 : i32 to vector<16xi32>
          %and3A_794 = arith.andi %select_n3A_788, %and3A_793 : vector<16xi32>
          tpu.vector_store_idx %arg8[%shift_right_logical3A_791, %and3A_794], %broadcast_in_dim3A_3 masked %and3A_783 : memref<8x4096xf32, #tpu.memory_space<vmem>>[vector<16xi32>, vector<16xi32>], vector<16xf32>, vector<16xi1>
          %add3A_795 = arith.constant 64 : i32
          %add3A_796 = arith.addi %add3A_698, %add3A_795 : i32
          %add3A_797 = vector.broadcast %add3A_796 : i32 to vector<16xi32>
          %add3A_798 = arith.addi %add3A_797, %iota3A : vector<16xi32>
          %get3A_799 = arith.index_cast %scan3A_647 : i32 to index
          %get3A_800 = arith.constant 64 : index
          %get3A_801 = tpu.vector_load %arg9[%get3A_799, %get3A_800] {strides = array<i32>} : memref<32x128xi32, #tpu.memory_space<vmem>>, vector<16xi32>,
          %ge3A_802 = vector.broadcast %reduce_sum3A_659 : i32 to vector<16xi32>
          %ge3A_803 = arith.cmpi sge, %add3A_798, %ge3A_802 : vector<16xi32>
          %lt3A_804 = vector.broadcast %reduce_sum3A_676 : i32 to vector<16xi32>
          %lt3A_805 = arith.cmpi slt, %add3A_798, %lt3A_804 : vector<16xi32>
          %and3A_806 = arith.andi %ge3A_803, %lt3A_805 : vector<16xi1>
          %sub3A_807 = vector.broadcast %mul3A_630 : i32 to vector<16xi32>
          %sub3A_808 = arith.subi %get3A_801, %sub3A_807 : vector<16xi32>
          %jit3A_809 = arith.constant 0 : i32
          %broadcast_in_dim3A_810 = vector.broadcast %jit3A_809 : i32 to vector<16xi32>
          %select_n3A_811 = arith.select %and3A_806, %sub3A_808, %broadcast_in_dim3A_810 : vector<16xi1>, vector<16xi32>
          %shift_right_logical3A_812 = arith.constant 12 : i32
          %shift_right_logical3A_813 = vector.broadcast %shift_right_logical3A_812 : i32 to vector<16xi32>
          %shift_right_logical3A_814 = arith.shrui %select_n3A_811, %shift_right_logical3A_813 : vector<16xi32>
          %and3A_815 = arith.constant 4095 : i32
          %and3A_816 = vector.broadcast %and3A_815 : i32 to vector<16xi32>
          %and3A_817 = arith.andi %select_n3A_811, %and3A_816 : vector<16xi32>
          tpu.vector_store_idx %arg8[%shift_right_logical3A_814, %and3A_817], %broadcast_in_dim3A_3 masked %and3A_806 : memref<8x4096xf32, #tpu.memory_space<vmem>>[vector<16xi32>, vector<16xi32>], vector<16xf32>, vector<16xi1>
          %add3A_818 = arith.constant 80 : i32
          %add3A_819 = arith.addi %add3A_698, %add3A_818 : i32
          %add3A_820 = vector.broadcast %add3A_819 : i32 to vector<16xi32>
          %add3A_821 = arith.addi %add3A_820, %iota3A : vector<16xi32>
          %get3A_822 = arith.index_cast %scan3A_647 : i32 to index
          %get3A_823 = arith.constant 80 : index
          %get3A_824 = tpu.vector_load %arg9[%get3A_822, %get3A_823] {strides = array<i32>} : memref<32x128xi32, #tpu.memory_space<vmem>>, vector<16xi32>,
          %ge3A_825 = vector.broadcast %reduce_sum3A_659 : i32 to vector<16xi32>
          %ge3A_826 = arith.cmpi sge, %add3A_821, %ge3A_825 : vector<16xi32>
          %lt3A_827 = vector.broadcast %reduce_sum3A_676 : i32 to vector<16xi32>
          %lt3A_828 = arith.cmpi slt, %add3A_821, %lt3A_827 : vector<16xi32>
          %and3A_829 = arith.andi %ge3A_826, %lt3A_828 : vector<16xi1>
          %sub3A_830 = vector.broadcast %mul3A_630 : i32 to vector<16xi32>
          %sub3A_831 = arith.subi %get3A_824, %sub3A_830 : vector<16xi32>
          %jit3A_832 = arith.constant 0 : i32
          %broadcast_in_dim3A_833 = vector.broadcast %jit3A_832 : i32 to vector<16xi32>
          %select_n3A_834 = arith.select %and3A_829, %sub3A_831, %broadcast_in_dim3A_833 : vector<16xi1>, vector<16xi32>
          %shift_right_logical3A_835 = arith.constant 12 : i32
          %shift_right_logical3A_836 = vector.broadcast %shift_right_logical3A_835 : i32 to vector<16xi32>
          %shift_right_logical3A_837 = arith.shrui %select_n3A_834, %shift_right_logical3A_836 : vector<16xi32>
          %and3A_838 = arith.constant 4095 : i32
          %and3A_839 = vector.broadcast %and3A_838 : i32 to vector<16xi32>
          %and3A_840 = arith.andi %select_n3A_834, %and3A_839 : vector<16xi32>
          tpu.vector_store_idx %arg8[%shift_right_logical3A_837, %and3A_840], %broadcast_in_dim3A_3 masked %and3A_829 : memref<8x4096xf32, #tpu.memory_space<vmem>>[vector<16xi32>, vector<16xi32>], vector<16xf32>, vector<16xi1>
          %add3A_841 = arith.constant 96 : i32
          %add3A_842 = arith.addi %add3A_698, %add3A_841 : i32
          %add3A_843 = vector.broadcast %add3A_842 : i32 to vector<16xi32>
          %add3A_844 = arith.addi %add3A_843, %iota3A : vector<16xi32>
          %get3A_845 = arith.index_cast %scan3A_647 : i32 to index
          %get3A_846 = arith.constant 96 : index
          %get3A_847 = tpu.vector_load %arg9[%get3A_845, %get3A_846] {strides = array<i32>} : memref<32x128xi32, #tpu.memory_space<vmem>>, vector<16xi32>,
          %ge3A_848 = vector.broadcast %reduce_sum3A_659 : i32 to vector<16xi32>
          %ge3A_849 = arith.cmpi sge, %add3A_844, %ge3A_848 : vector<16xi32>
          %lt3A_850 = vector.broadcast %reduce_sum3A_676 : i32 to vector<16xi32>
          %lt3A_851 = arith.cmpi slt, %add3A_844, %lt3A_850 : vector<16xi32>
          %and3A_852 = arith.andi %ge3A_849, %lt3A_851 : vector<16xi1>
          %sub3A_853 = vector.broadcast %mul3A_630 : i32 to vector<16xi32>
          %sub3A_854 = arith.subi %get3A_847, %sub3A_853 : vector<16xi32>
          %jit3A_855 = arith.constant 0 : i32
          %broadcast_in_dim3A_856 = vector.broadcast %jit3A_855 : i32 to vector<16xi32>
          %select_n3A_857 = arith.select %and3A_852, %sub3A_854, %broadcast_in_dim3A_856 : vector<16xi1>, vector<16xi32>
          %shift_right_logical3A_858 = arith.constant 12 : i32
          %shift_right_logical3A_859 = vector.broadcast %shift_right_logical3A_858 : i32 to vector<16xi32>
          %shift_right_logical3A_860 = arith.shrui %select_n3A_857, %shift_right_logical3A_859 : vector<16xi32>
          %and3A_861 = arith.constant 4095 : i32
          %and3A_862 = vector.broadcast %and3A_861 : i32 to vector<16xi32>
          %and3A_863 = arith.andi %select_n3A_857, %and3A_862 : vector<16xi32>
          tpu.vector_store_idx %arg8[%shift_right_logical3A_860, %and3A_863], %broadcast_in_dim3A_3 masked %and3A_852 : memref<8x4096xf32, #tpu.memory_space<vmem>>[vector<16xi32>, vector<16xi32>], vector<16xf32>, vector<16xi1>
          %add3A_864 = arith.constant 112 : i32
          %add3A_865 = arith.addi %add3A_698, %add3A_864 : i32
          %add3A_866 = vector.broadcast %add3A_865 : i32 to vector<16xi32>
          %add3A_867 = arith.addi %add3A_866, %iota3A : vector<16xi32>
          %get3A_868 = arith.index_cast %scan3A_647 : i32 to index
          %get3A_869 = arith.constant 112 : index
          %get3A_870 = tpu.vector_load %arg9[%get3A_868, %get3A_869] {strides = array<i32>} : memref<32x128xi32, #tpu.memory_space<vmem>>, vector<16xi32>,
          %ge3A_871 = vector.broadcast %reduce_sum3A_659 : i32 to vector<16xi32>
          %ge3A_872 = arith.cmpi sge, %add3A_867, %ge3A_871 : vector<16xi32>
          %lt3A_873 = vector.broadcast %reduce_sum3A_676 : i32 to vector<16xi32>
          %lt3A_874 = arith.cmpi slt, %add3A_867, %lt3A_873 : vector<16xi32>
          %and3A_875 = arith.andi %ge3A_872, %lt3A_874 : vector<16xi1>
          %sub3A_876 = vector.broadcast %mul3A_630 : i32 to vector<16xi32>
          %sub3A_877 = arith.subi %get3A_870, %sub3A_876 : vector<16xi32>
          %jit3A_878 = arith.constant 0 : i32
          %broadcast_in_dim3A_879 = vector.broadcast %jit3A_878 : i32 to vector<16xi32>
          %select_n3A_880 = arith.select %and3A_875, %sub3A_877, %broadcast_in_dim3A_879 : vector<16xi1>, vector<16xi32>
          %shift_right_logical3A_881 = arith.constant 12 : i32
          %shift_right_logical3A_882 = vector.broadcast %shift_right_logical3A_881 : i32 to vector<16xi32>
          %shift_right_logical3A_883 = arith.shrui %select_n3A_880, %shift_right_logical3A_882 : vector<16xi32>
          %and3A_884 = arith.constant 4095 : i32
          %and3A_885 = vector.broadcast %and3A_884 : i32 to vector<16xi32>
          %and3A_886 = arith.andi %select_n3A_880, %and3A_885 : vector<16xi32>
          tpu.vector_store_idx %arg8[%shift_right_logical3A_883, %and3A_886], %broadcast_in_dim3A_3 masked %and3A_875 : memref<8x4096xf32, #tpu.memory_space<vmem>>[vector<16xi32>, vector<16xi32>], vector<16xf32>, vector<16xi1>
          %while3A_887 = arith.constant 0 : i32
          scf.yield %while3A_887 : i32
        }
        %while3A_691 = arith.constant 1 : i32
        %while3A_692 = scf.for %while3A_694 = %while3A_688 to %while3A_684 step %while3A_691 iter_args(%while3A_695 = %while3A_690) -> (i32)  : i32 {
          %mul3A_696 = arith.constant 128 : i32
          %mul3A_697 = arith.muli %while3A_694, %mul3A_696 : i32
          %add3A_698 = arith.addi %and3A_678, %mul3A_697 : i32
          %gt3A_699 = arith.constant 0 : i32
          %gt3A_700 = arith.cmpi sgt, %while3A_694, %gt3A_699 : i32
          %convert_element_type3A_701 = arith.extui %gt3A_700 : i1 to i32
          %cond3A_702 = arith.constant 0 : i32
          %cond3A_703 = arith.cmpi ne, %convert_element_type3A_701, %cond3A_702 : i32
          scf.if %cond3A_703 {
            %mul3A_888 = arith.constant 31616 : i32
            %mul3A_889 = arith.muli %scan3A_647, %mul3A_888 : i32
            %add3A_890 = arith.addi %mul3A_889, %add3A_698 : i32
            %multiple_of3A_891 = tpu.assume_multiple %add3A_890, 8 : i32
            %dma_start3A_892 = arith.constant 0 : i32
            %dma_start3A_893 = tpu.memref_slice %arg9[%scan3A_647, %dma_start3A_892] : memref<32x128xi32, #tpu.memory_space<vmem>> -> memref<1x128xi32, #tpu.memory_space<vmem>>
            %dma_start3A_894 = tpu.memref_squeeze %dma_start3A_893 : memref<1x128xi32, #tpu.memory_space<vmem>> -> memref<128xi32, #tpu.memory_space<vmem>>
            %dma_start3A_895 = tpu.memref_slice %arg3[%multiple_of3A_891] : memref<1011712xi32, #tpu.memory_space<hbm>> -> memref<128xi32, #tpu.memory_space<hbm>>
            %dma_start3A_896 = arith.constant 0 : i32
            %dma_start3A_897 = tpu.memref_slice %arg9[%scan3A_647, %dma_start3A_896] : memref<32x128xi32, #tpu.memory_space<vmem>> -> memref<1x128xi32, #tpu.memory_space<vmem>>
            %dma_start3A_898 = tpu.memref_squeeze %dma_start3A_897 : memref<1x128xi32, #tpu.memory_space<vmem>> -> memref<128xi32, #tpu.memory_space<vmem>>
            %dma_start3A_899 = tpu.memref_slice %arg3[%multiple_of3A_891] : memref<1011712xi32, #tpu.memory_space<hbm>> -> memref<128xi32, #tpu.memory_space<hbm>>
            tpu.enqueue_dma source(%dma_start3A_899 : memref<128xi32, #tpu.memory_space<hbm>>) target(%dma_start3A_898 : memref<128xi32, #tpu.memory_space<vmem>>) target_semaphore(%arg12 : memref<!tpu.dma_semaphore, #tpu.memory_space<semaphore_mem>>)
            %dma_wait3A_900 = arith.constant 0 : i32
            %dma_wait3A_901 = tpu.memref_slice %arg9[%scan3A_647, %dma_wait3A_900] : memref<32x128xi32, #tpu.memory_space<vmem>> -> memref<1x128xi32, #tpu.memory_space<vmem>>
            %dma_wait3A_902 = tpu.memref_squeeze %dma_wait3A_901 : memref<1x128xi32, #tpu.memory_space<vmem>> -> memref<128xi32, #tpu.memory_space<vmem>>
            %dma_wait3A_903 = tpu.memref_slice %arg3[%multiple_of3A_891] : memref<1011712xi32, #tpu.memory_space<hbm>> -> memref<128xi32, #tpu.memory_space<hbm>>
            %dma_wait3A_904 = arith.constant 0 : i32
            %dma_wait3A_905 = tpu.memref_slice %arg9[%scan3A_647, %dma_wait3A_904] : memref<32x128xi32, #tpu.memory_space<vmem>> -> memref<1x128xi32, #tpu.memory_space<vmem>>
            %dma_wait3A_906 = tpu.memref_squeeze %dma_wait3A_905 : memref<1x128xi32, #tpu.memory_space<vmem>> -> memref<128xi32, #tpu.memory_space<vmem>>
            %dma_wait3A_907 = tpu.memref_slice %arg3[%multiple_of3A_891] : memref<1011712xi32, #tpu.memory_space<hbm>> -> memref<128xi32, #tpu.memory_space<hbm>>
            tpu.wait_dma2 semaphore(%arg12 : memref<!tpu.dma_semaphore, #tpu.memory_space<semaphore_mem>>) src(%dma_wait3A_907 : memref<128xi32, #tpu.memory_space<hbm>>) dst(%dma_wait3A_906 : memref<128xi32, #tpu.memory_space<vmem>>)
          } else {
          }
          %add3A_704 = arith.constant 0 : i32
          %add3A_705 = arith.addi %add3A_698, %add3A_704 : i32
          %add3A_706 = vector.broadcast %add3A_705 : i32 to vector<16xi32>
          %add3A_707 = arith.addi %add3A_706, %iota3A : vector<16xi32>
          %get3A_708 = arith.index_cast %scan3A_647 : i32 to index
          %get3A_709 = arith.constant 0 : index
          %get3A_710 = tpu.vector_load %arg9[%get3A_708, %get3A_709] {strides = array<i32>} : memref<32x128xi32, #tpu.memory_space<vmem>>, vector<16xi32>,
          %ge3A = vector.broadcast %reduce_sum3A_659 : i32 to vector<16xi32>
          %ge3A_711 = arith.cmpi sge, %add3A_707, %ge3A : vector<16xi32>
          %lt3A_712 = vector.broadcast %reduce_sum3A_676 : i32 to vector<16xi32>
          %lt3A_713 = arith.cmpi slt, %add3A_707, %lt3A_712 : vector<16xi32>
          %and3A_714 = arith.andi %ge3A_711, %lt3A_713 : vector<16xi1>
          %sub3A_715 = vector.broadcast %mul3A_630 : i32 to vector<16xi32>
          %sub3A_716 = arith.subi %get3A_710, %sub3A_715 : vector<16xi32>
          %jit3A_717 = arith.constant 0 : i32
          %broadcast_in_dim3A_718 = vector.broadcast %jit3A_717 : i32 to vector<16xi32>
          %select_n3A_719 = arith.select %and3A_714, %sub3A_716, %broadcast_in_dim3A_718 : vector<16xi1>, vector<16xi32>
          %shift_right_logical3A_720 = arith.constant 12 : i32
          %shift_right_logical3A_721 = vector.broadcast %shift_right_logical3A_720 : i32 to vector<16xi32>
          %shift_right_logical3A_722 = arith.shrui %select_n3A_719, %shift_right_logical3A_721 : vector<16xi32>
          %and3A_723 = arith.constant 4095 : i32
          %and3A_724 = vector.broadcast %and3A_723 : i32 to vector<16xi32>
          %and3A_725 = arith.andi %select_n3A_719, %and3A_724 : vector<16xi32>
          tpu.vector_store_idx %arg8[%shift_right_logical3A_722, %and3A_725], %broadcast_in_dim3A_3 masked %and3A_714 : memref<8x4096xf32, #tpu.memory_space<vmem>>[vector<16xi32>, vector<16xi32>], vector<16xf32>, vector<16xi1>
          %add3A_726 = arith.constant 16 : i32
          %add3A_727 = arith.addi %add3A_698, %add3A_726 : i32
          %add3A_728 = vector.broadcast %add3A_727 : i32 to vector<16xi32>
          %add3A_729 = arith.addi %add3A_728, %iota3A : vector<16xi32>
          %get3A_730 = arith.index_cast %scan3A_647 : i32 to index
          %get3A_731 = arith.constant 16 : index
          %get3A_732 = tpu.vector_load %arg9[%get3A_730, %get3A_731] {strides = array<i32>} : memref<32x128xi32, #tpu.memory_space<vmem>>, vector<16xi32>,
          %ge3A_733 = vector.broadcast %reduce_sum3A_659 : i32 to vector<16xi32>
          %ge3A_734 = arith.cmpi sge, %add3A_729, %ge3A_733 : vector<16xi32>
          %lt3A_735 = vector.broadcast %reduce_sum3A_676 : i32 to vector<16xi32>
          %lt3A_736 = arith.cmpi slt, %add3A_729, %lt3A_735 : vector<16xi32>
          %and3A_737 = arith.andi %ge3A_734, %lt3A_736 : vector<16xi1>
          %sub3A_738 = vector.broadcast %mul3A_630 : i32 to vector<16xi32>
          %sub3A_739 = arith.subi %get3A_732, %sub3A_738 : vector<16xi32>
          %jit3A_740 = arith.constant 0 : i32
          %broadcast_in_dim3A_741 = vector.broadcast %jit3A_740 : i32 to vector<16xi32>
          %select_n3A_742 = arith.select %and3A_737, %sub3A_739, %broadcast_in_dim3A_741 : vector<16xi1>, vector<16xi32>
          %shift_right_logical3A_743 = arith.constant 12 : i32
          %shift_right_logical3A_744 = vector.broadcast %shift_right_logical3A_743 : i32 to vector<16xi32>
          %shift_right_logical3A_745 = arith.shrui %select_n3A_742, %shift_right_logical3A_744 : vector<16xi32>
          %and3A_746 = arith.constant 4095 : i32
          %and3A_747 = vector.broadcast %and3A_746 : i32 to vector<16xi32>
          %and3A_748 = arith.andi %select_n3A_742, %and3A_747 : vector<16xi32>
          tpu.vector_store_idx %arg8[%shift_right_logical3A_745, %and3A_748], %broadcast_in_dim3A_3 masked %and3A_737 : memref<8x4096xf32, #tpu.memory_space<vmem>>[vector<16xi32>, vector<16xi32>], vector<16xf32>, vector<16xi1>
          %add3A_749 = arith.constant 32 : i32
          %add3A_750 = arith.addi %add3A_698, %add3A_749 : i32
          %add3A_751 = vector.broadcast %add3A_750 : i32 to vector<16xi32>
          %add3A_752 = arith.addi %add3A_751, %iota3A : vector<16xi32>
          %get3A_753 = arith.index_cast %scan3A_647 : i32 to index
          %get3A_754 = arith.constant 32 : index
          %get3A_755 = tpu.vector_load %arg9[%get3A_753, %get3A_754] {strides = array<i32>} : memref<32x128xi32, #tpu.memory_space<vmem>>, vector<16xi32>,
          %ge3A_756 = vector.broadcast %reduce_sum3A_659 : i32 to vector<16xi32>
          %ge3A_757 = arith.cmpi sge, %add3A_752, %ge3A_756 : vector<16xi32>
          %lt3A_758 = vector.broadcast %reduce_sum3A_676 : i32 to vector<16xi32>
          %lt3A_759 = arith.cmpi slt, %add3A_752, %lt3A_758 : vector<16xi32>
          %and3A_760 = arith.andi %ge3A_757, %lt3A_759 : vector<16xi1>
          %sub3A_761 = vector.broadcast %mul3A_630 : i32 to vector<16xi32>
          %sub3A_762 = arith.subi %get3A_755, %sub3A_761 : vector<16xi32>
          %jit3A_763 = arith.constant 0 : i32
          %broadcast_in_dim3A_764 = vector.broadcast %jit3A_763 : i32 to vector<16xi32>
          %select_n3A_765 = arith.select %and3A_760, %sub3A_762, %broadcast_in_dim3A_764 : vector<16xi1>, vector<16xi32>
          %shift_right_logical3A_766 = arith.constant 12 : i32
          %shift_right_logical3A_767 = vector.broadcast %shift_right_logical3A_766 : i32 to vector<16xi32>
          %shift_right_logical3A_768 = arith.shrui %select_n3A_765, %shift_right_logical3A_767 : vector<16xi32>
          %and3A_769 = arith.constant 4095 : i32
          %and3A_770 = vector.broadcast %and3A_769 : i32 to vector<16xi32>
          %and3A_771 = arith.andi %select_n3A_765, %and3A_770 : vector<16xi32>
          tpu.vector_store_idx %arg8[%shift_right_logical3A_768, %and3A_771], %broadcast_in_dim3A_3 masked %and3A_760 : memref<8x4096xf32, #tpu.memory_space<vmem>>[vector<16xi32>, vector<16xi32>], vector<16xf32>, vector<16xi1>
          %add3A_772 = arith.constant 48 : i32
          %add3A_773 = arith.addi %add3A_698, %add3A_772 : i32
          %add3A_774 = vector.broadcast %add3A_773 : i32 to vector<16xi32>
          %add3A_775 = arith.addi %add3A_774, %iota3A : vector<16xi32>
          %get3A_776 = arith.index_cast %scan3A_647 : i32 to index
          %get3A_777 = arith.constant 48 : index
          %get3A_778 = tpu.vector_load %arg9[%get3A_776, %get3A_777] {strides = array<i32>} : memref<32x128xi32, #tpu.memory_space<vmem>>, vector<16xi32>,
          %ge3A_779 = vector.broadcast %reduce_sum3A_659 : i32 to vector<16xi32>
          %ge3A_780 = arith.cmpi sge, %add3A_775, %ge3A_779 : vector<16xi32>
          %lt3A_781 = vector.broadcast %reduce_sum3A_676 : i32 to vector<16xi32>
          %lt3A_782 = arith.cmpi slt, %add3A_775, %lt3A_781 : vector<16xi32>
          %and3A_783 = arith.andi %ge3A_780, %lt3A_782 : vector<16xi1>
          %sub3A_784 = vector.broadcast %mul3A_630 : i32 to vector<16xi32>
          %sub3A_785 = arith.subi %get3A_778, %sub3A_784 : vector<16xi32>
          %jit3A_786 = arith.constant 0 : i32
          %broadcast_in_dim3A_787 = vector.broadcast %jit3A_786 : i32 to vector<16xi32>
          %select_n3A_788 = arith.select %and3A_783, %sub3A_785, %broadcast_in_dim3A_787 : vector<16xi1>, vector<16xi32>
          %shift_right_logical3A_789 = arith.constant 12 : i32
          %shift_right_logical3A_790 = vector.broadcast %shift_right_logical3A_789 : i32 to vector<16xi32>
          %shift_right_logical3A_791 = arith.shrui %select_n3A_788, %shift_right_logical3A_790 : vector<16xi32>
          %and3A_792 = arith.constant 4095 : i32
          %and3A_793 = vector.broadcast %and3A_792 : i32 to vector<16xi32>
          %and3A_794 = arith.andi %select_n3A_788, %and3A_793 : vector<16xi32>
          tpu.vector_store_idx %arg8[%shift_right_logical3A_791, %and3A_794], %broadcast_in_dim3A_3 masked %and3A_783 : memref<8x4096xf32, #tpu.memory_space<vmem>>[vector<16xi32>, vector<16xi32>], vector<16xf32>, vector<16xi1>
          %add3A_795 = arith.constant 64 : i32
          %add3A_796 = arith.addi %add3A_698, %add3A_795 : i32
          %add3A_797 = vector.broadcast %add3A_796 : i32 to vector<16xi32>
          %add3A_798 = arith.addi %add3A_797, %iota3A : vector<16xi32>
          %get3A_799 = arith.index_cast %scan3A_647 : i32 to index
          %get3A_800 = arith.constant 64 : index
          %get3A_801 = tpu.vector_load %arg9[%get3A_799, %get3A_800] {strides = array<i32>} : memref<32x128xi32, #tpu.memory_space<vmem>>, vector<16xi32>,
          %ge3A_802 = vector.broadcast %reduce_sum3A_659 : i32 to vector<16xi32>
          %ge3A_803 = arith.cmpi sge, %add3A_798, %ge3A_802 : vector<16xi32>
          %lt3A_804 = vector.broadcast %reduce_sum3A_676 : i32 to vector<16xi32>
          %lt3A_805 = arith.cmpi slt, %add3A_798, %lt3A_804 : vector<16xi32>
          %and3A_806 = arith.andi %ge3A_803, %lt3A_805 : vector<16xi1>
          %sub3A_807 = vector.broadcast %mul3A_630 : i32 to vector<16xi32>
          %sub3A_808 = arith.subi %get3A_801, %sub3A_807 : vector<16xi32>
          %jit3A_809 = arith.constant 0 : i32
          %broadcast_in_dim3A_810 = vector.broadcast %jit3A_809 : i32 to vector<16xi32>
          %select_n3A_811 = arith.select %and3A_806, %sub3A_808, %broadcast_in_dim3A_810 : vector<16xi1>, vector<16xi32>
          %shift_right_logical3A_812 = arith.constant 12 : i32
          %shift_right_logical3A_813 = vector.broadcast %shift_right_logical3A_812 : i32 to vector<16xi32>
          %shift_right_logical3A_814 = arith.shrui %select_n3A_811, %shift_right_logical3A_813 : vector<16xi32>
          %and3A_815 = arith.constant 4095 : i32
          %and3A_816 = vector.broadcast %and3A_815 : i32 to vector<16xi32>
          %and3A_817 = arith.andi %select_n3A_811, %and3A_816 : vector<16xi32>
          tpu.vector_store_idx %arg8[%shift_right_logical3A_814, %and3A_817], %broadcast_in_dim3A_3 masked %and3A_806 : memref<8x4096xf32, #tpu.memory_space<vmem>>[vector<16xi32>, vector<16xi32>], vector<16xf32>, vector<16xi1>
          %add3A_818 = arith.constant 80 : i32
          %add3A_819 = arith.addi %add3A_698, %add3A_818 : i32
          %add3A_820 = vector.broadcast %add3A_819 : i32 to vector<16xi32>
          %add3A_821 = arith.addi %add3A_820, %iota3A : vector<16xi32>
          %get3A_822 = arith.index_cast %scan3A_647 : i32 to index
          %get3A_823 = arith.constant 80 : index
          %get3A_824 = tpu.vector_load %arg9[%get3A_822, %get3A_823] {strides = array<i32>} : memref<32x128xi32, #tpu.memory_space<vmem>>, vector<16xi32>,
          %ge3A_825 = vector.broadcast %reduce_sum3A_659 : i32 to vector<16xi32>
          %ge3A_826 = arith.cmpi sge, %add3A_821, %ge3A_825 : vector<16xi32>
          %lt3A_827 = vector.broadcast %reduce_sum3A_676 : i32 to vector<16xi32>
          %lt3A_828 = arith.cmpi slt, %add3A_821, %lt3A_827 : vector<16xi32>
          %and3A_829 = arith.andi %ge3A_826, %lt3A_828 : vector<16xi1>
          %sub3A_830 = vector.broadcast %mul3A_630 : i32 to vector<16xi32>
          %sub3A_831 = arith.subi %get3A_824, %sub3A_830 : vector<16xi32>
          %jit3A_832 = arith.constant 0 : i32
          %broadcast_in_dim3A_833 = vector.broadcast %jit3A_832 : i32 to vector<16xi32>
          %select_n3A_834 = arith.select %and3A_829, %sub3A_831, %broadcast_in_dim3A_833 : vector<16xi1>, vector<16xi32>
          %shift_right_logical3A_835 = arith.constant 12 : i32
          %shift_right_logical3A_836 = vector.broadcast %shift_right_logical3A_835 : i32 to vector<16xi32>
          %shift_right_logical3A_837 = arith.shrui %select_n3A_834, %shift_right_logical3A_836 : vector<16xi32>
          %and3A_838 = arith.constant 4095 : i32
          %and3A_839 = vector.broadcast %and3A_838 : i32 to vector<16xi32>
          %and3A_840 = arith.andi %select_n3A_834, %and3A_839 : vector<16xi32>
          tpu.vector_store_idx %arg8[%shift_right_logical3A_837, %and3A_840], %broadcast_in_dim3A_3 masked %and3A_829 : memref<8x4096xf32, #tpu.memory_space<vmem>>[vector<16xi32>, vector<16xi32>], vector<16xf32>, vector<16xi1>
          %add3A_841 = arith.constant 96 : i32
          %add3A_842 = arith.addi %add3A_698, %add3A_841 : i32
          %add3A_843 = vector.broadcast %add3A_842 : i32 to vector<16xi32>
          %add3A_844 = arith.addi %add3A_843, %iota3A : vector<16xi32>
          %get3A_845 = arith.index_cast %scan3A_647 : i32 to index
          %get3A_846 = arith.constant 96 : index
          %get3A_847 = tpu.vector_load %arg9[%get3A_845, %get3A_846] {strides = array<i32>} : memref<32x128xi32, #tpu.memory_space<vmem>>, vector<16xi32>,
          %ge3A_848 = vector.broadcast %reduce_sum3A_659 : i32 to vector<16xi32>
          %ge3A_849 = arith.cmpi sge, %add3A_844, %ge3A_848 : vector<16xi32>
          %lt3A_850 = vector.broadcast %reduce_sum3A_676 : i32 to vector<16xi32>
          %lt3A_851 = arith.cmpi slt, %add3A_844, %lt3A_850 : vector<16xi32>
          %and3A_852 = arith.andi %ge3A_849, %lt3A_851 : vector<16xi1>
          %sub3A_853 = vector.broadcast %mul3A_630 : i32 to vector<16xi32>
          %sub3A_854 = arith.subi %get3A_847, %sub3A_853 : vector<16xi32>
          %jit3A_855 = arith.constant 0 : i32
          %broadcast_in_dim3A_856 = vector.broadcast %jit3A_855 : i32 to vector<16xi32>
          %select_n3A_857 = arith.select %and3A_852, %sub3A_854, %broadcast_in_dim3A_856 : vector<16xi1>, vector<16xi32>
          %shift_right_logical3A_858 = arith.constant 12 : i32
          %shift_right_logical3A_859 = vector.broadcast %shift_right_logical3A_858 : i32 to vector<16xi32>
          %shift_right_logical3A_860 = arith.shrui %select_n3A_857, %shift_right_logical3A_859 : vector<16xi32>
          %and3A_861 = arith.constant 4095 : i32
          %and3A_862 = vector.broadcast %and3A_861 : i32 to vector<16xi32>
          %and3A_863 = arith.andi %select_n3A_857, %and3A_862 : vector<16xi32>
          tpu.vector_store_idx %arg8[%shift_right_logical3A_860, %and3A_863], %broadcast_in_dim3A_3 masked %and3A_852 : memref<8x4096xf32, #tpu.memory_space<vmem>>[vector<16xi32>, vector<16xi32>], vector<16xf32>, vector<16xi1>
          %add3A_864 = arith.constant 112 : i32
          %add3A_865 = arith.addi %add3A_698, %add3A_864 : i32
          %add3A_866 = vector.broadcast %add3A_865 : i32 to vector<16xi32>
          %add3A_867 = arith.addi %add3A_866, %iota3A : vector<16xi32>
          %get3A_868 = arith.index_cast %scan3A_647 : i32 to index
          %get3A_869 = arith.constant 112 : index
          %get3A_870 = tpu.vector_load %arg9[%get3A_868, %get3A_869] {strides = array<i32>} : memref<32x128xi32, #tpu.memory_space<vmem>>, vector<16xi32>,
          %ge3A_871 = vector.broadcast %reduce_sum3A_659 : i32 to vector<16xi32>
          %ge3A_872 = arith.cmpi sge, %add3A_867, %ge3A_871 : vector<16xi32>
          %lt3A_873 = vector.broadcast %reduce_sum3A_676 : i32 to vector<16xi32>
          %lt3A_874 = arith.cmpi slt, %add3A_867, %lt3A_873 : vector<16xi32>
          %and3A_875 = arith.andi %ge3A_872, %lt3A_874 : vector<16xi1>
          %sub3A_876 = vector.broadcast %mul3A_630 : i32 to vector<16xi32>
          %sub3A_877 = arith.subi %get3A_870, %sub3A_876 : vector<16xi32>
          %jit3A_878 = arith.constant 0 : i32
          %broadcast_in_dim3A_879 = vector.broadcast %jit3A_878 : i32 to vector<16xi32>
          %select_n3A_880 = arith.select %and3A_875, %sub3A_877, %broadcast_in_dim3A_879 : vector<16xi1>, vector<16xi32>
          %shift_right_logical3A_881 = arith.constant 12 : i32
          %shift_right_logical3A_882 = vector.broadcast %shift_right_logical3A_881 : i32 to vector<16xi32>
          %shift_right_logical3A_883 = arith.shrui %select_n3A_880, %shift_right_logical3A_882 : vector<16xi32>
          %and3A_884 = arith.constant 4095 : i32
          %and3A_885 = vector.broadcast %and3A_884 : i32 to vector<16xi32>
          %and3A_886 = arith.andi %select_n3A_880, %and3A_885 : vector<16xi32>
          tpu.vector_store_idx %arg8[%shift_right_logical3A_883, %and3A_886], %broadcast_in_dim3A_3 masked %and3A_875 : memref<8x4096xf32, #tpu.memory_space<vmem>>[vector<16xi32>, vector<16xi32>], vector<16xf32>, vector<16xi1>
          %while3A_887 = arith.constant 0 : i32
          scf.yield %while3A_887 : i32
        }
        %scan3A_693 = arith.constant 0 : i32
        scf.yield %scan3A_693 : i32
      }
      %scan3A_637 = arith.constant 32 : i32
      %add3A_638 = arith.addi %mul3A_2, %add3A_551 : i32
      %mul3A_639 = arith.constant 8 : i32
      %mul3A_640 = arith.muli %add3A_638, %mul3A_639 : i32
      %multiple_of3A_641 = tpu.assume_multiple %mul3A_640, 8 : i32
      %dma_start3A_642 = arith.constant 0 : i32
      %dma_start3A_643 = tpu.memref_slice %arg5[%multiple_of3A_641, %dma_start3A_642] : memref<4096x4096xf32, #tpu.memory_space<hbm>> -> memref<8x4096xf32, #tpu.memory_space<hbm>>
      %dma_start3A_644 = arith.constant 0 : i32
      %dma_start3A_645 = tpu.memref_slice %arg5[%multiple_of3A_641, %dma_start3A_644] : memref<4096x4096xf32, #tpu.memory_space<hbm>> -> memref<8x4096xf32, #tpu.memory_space<hbm>>
      tpu.enqueue_dma source(%arg8 : memref<8x4096xf32, #tpu.memory_space<vmem>>) target(%dma_start3A_645 : memref<8x4096xf32, #tpu.memory_space<hbm>>) target_semaphore(%arg16 : memref<!tpu.dma_semaphore, #tpu.memory_space<semaphore_mem>>)
      %scan3A_646 = arith.constant 0 : i32
      scf.yield %scan3A_646 : i32
    }
    %scan3A_527 = arith.constant 8 : i32
    %add3A_528 = arith.constant 14 : i32
    %add3A_529 = arith.addi %mul3A_2, %add3A_528 : i32
    %mul3A_530 = arith.constant 8 : i32
    %mul3A_531 = arith.muli %add3A_529, %mul3A_530 : i32
    %multiple_of3A_532 = tpu.assume_multiple %mul3A_531, 8 : i32
    %dma_wait3A_533 = arith.constant 0 : i32
    %dma_wait3A_534 = tpu.memref_slice %arg5[%multiple_of3A_532, %dma_wait3A_533] : memref<4096x4096xf32, #tpu.memory_space<hbm>> -> memref<8x4096xf32, #tpu.memory_space<hbm>>
    %dma_wait3A_535 = arith.constant 0 : i32
    %dma_wait3A_536 = tpu.memref_slice %arg5[%multiple_of3A_532, %dma_wait3A_535] : memref<4096x4096xf32, #tpu.memory_space<hbm>> -> memref<8x4096xf32, #tpu.memory_space<hbm>>
    tpu.wait_dma2 semaphore(%arg15 : memref<!tpu.dma_semaphore, #tpu.memory_space<semaphore_mem>>) src(%arg7 : memref<8x4096xf32, #tpu.memory_space<vmem>>) dst(%dma_wait3A_536 : memref<8x4096xf32, #tpu.memory_space<hbm>>)
    %add3A_537 = arith.constant 15 : i32
    %add3A_538 = arith.addi %mul3A_2, %add3A_537 : i32
    %mul3A_539 = arith.constant 8 : i32
    %mul3A_540 = arith.muli %add3A_538, %mul3A_539 : i32
    %multiple_of3A_541 = tpu.assume_multiple %mul3A_540, 8 : i32
    %dma_wait3A_542 = arith.constant 0 : i32
    %dma_wait3A_543 = tpu.memref_slice %arg5[%multiple_of3A_541, %dma_wait3A_542] : memref<4096x4096xf32, #tpu.memory_space<hbm>> -> memref<8x4096xf32, #tpu.memory_space<hbm>>
    %dma_wait3A_544 = arith.constant 0 : i32
    %dma_wait3A_545 = tpu.memref_slice %arg5[%multiple_of3A_541, %dma_wait3A_544] : memref<4096x4096xf32, #tpu.memory_space<hbm>> -> memref<8x4096xf32, #tpu.memory_space<hbm>>
    tpu.wait_dma2 semaphore(%arg16 : memref<!tpu.dma_semaphore, #tpu.memory_space<semaphore_mem>>) src(%arg8 : memref<8x4096xf32, #tpu.memory_space<vmem>>) dst(%dma_wait3A_545 : memref<8x4096xf32, #tpu.memory_space<hbm>>)
    return
  }
}

</mosaic_0001>

<sc_bundles>
// kernel: kernel.4.cloned.1.call-start
scs
__scs_entry_jumppad:
0x0: {  	(pc) =	sbr.rel $0x88, $3  }
0x1: {  	(tag) =	ssettag $0x0;
	lr =	simm.s32 $0x1  }
0x2: {  	[smem:$0x3F9E] =	sst lr;
	_ =	strace $0xD0000000  }
0x3: {  	_ = 	snop  }
0x4: {  	_ = 	snop  }
0x5: {  	_ = 	snop  }
0x6: {  	_ = 	snop  }
0x7: {  	_ = 	snop  }
__scs_overlays_trampoline_lowered:
0x8: {  	[smem:$0x3FAD] =	sst s0  }
0x9: {  	[smem:$0x3FAE] =	sst s1  }
0xa: {  	[smem:$0x3FAF] =	sst s2  }
0xb: {  	[smem:$0x3FB0] =	sst s3  }
0xc: {  	[smem:$0x3FB1] =	sst s4  }
0xd: {  	[smem:$0x3FB2] =	sst s5  }
0xe: {  	[smem:$0x3FB3] =	sst s6  }
0xf: {  	[smem:$0x3FB4] =	sst s7  }
0x10: {  	[smem:$0x3FB5] =	sst s8  }
0x11: {  	[smem:$0x3FB6] =	sst s9;
	s0 =	simm.s32 @!p0 $0x0  }
0x12: {  	s1 =	sld [smem:$0x3F9C];
	s0 =	simm.s32 @p0 $0x1  }
0x13: {  	[smem:$0x3FB7] =	sst s0;
	s0 =	simm.s32 @!p1 $0x0  }
0x14: {  	s2 =	sld [smem:$0x3F9B];
	s0 =	simm.s32 @p1 $0x1  }
0x15: {  	[smem:$0x3FB8] =	sst s0;
	s0 =	simm.s32 @!p2 $0x0  }
0x16: {  	s3 =	sld [smem:$0x3FDB];
	s0 =	simm.s32 @p2 $0x1  }
0x17: {  	s4 =	simm.s32 $0x1BF5;
	[smem:$0x3FBA] =	sst s0  }
0x18: {  	s0 =	sld [smem:$0x3F9D];
	_ =	swait.ge [sflag:s4], $0x0  }
0x19: {  	s7 =	sld [smem:$0x3F9E]  }
0x1a: {  	s8 =	sadd.s32 $0xFFFFE003, lr  }
0x1b: {  	s9 =	sadd.s32 $0xFFFFFEF7, lr;
	s5 =	simm.s32 $0xFFFFFFFF;
	p2 =	slt.u32 s8, $0xFFFFF086  }
0x1c: {  	p1 =	slt.u32 s9, $0xF7A;
	s5 =	simm.s32 @!p2 $0x0  }
0x1d: {  	s5 =	simm.s32 @p1 $0x1;
	p0 =	seq.s32 s7, s2  }
0x1e: {  	s7 =	smul.u32 @!p0 $0xF7A, s2;
	p2 =	seq.s32 @!p0 s5, $0x0  }
0x1f: {  	s9 =	smul.u32 $0xF7A, s1;
	s8 =	simm.s32 @!p0 $0x1BF5;
	p2 =	por !p2, p0  }
0x20: {  	[sflag:s8] =	ssyncset.s32 @!p0 $0xFFFFF086;
	s6 =	sadd.s32 @!p0 s3, s7;
	s7 =	simm.s32 @!p0 $0x108  }
0x21: {  	s3 =	sadd.s32 s3, s9;
	s6 =	sadd.s32 @!p0 $0x88, s6;
	s7 =	simm.s32 @p2 $0x1082  }
0x22: {  	[simem:s7], [sflag:s8] =	dma.local @!p0 [hbm:s6], $0xF7A  }
0x23: {  	s9 =	sor.u32 $0xD0000000, s2;
	s6 =	simm.s32 $0x108;
	_ =	swait.ge @!p0 [sflag:s8], $0x0  }
0x24: {  	s3 =	sadd.s32 $0x88, s3;
	s6 =	simm.s32 @!p1 $0x1082;
	[sflag:s4] =	ssyncset.s32 $0xFFFFF086  }
0x25: {  	[simem:s6], [sflag:s4] =	dma.local [hbm:s3], $0xF7A  }
0x26: {  	[smem:$0x3F9E] =	sst s1;
	(tag) =	ssettag s2;
	_ =	strace s9  }
0x27: {  	s1 =	sld [smem:$0x3FAE]  }
0x28: {  	s2 =	sld [smem:$0x3FAF]  }
0x29: {  	s4 =	sld [smem:$0x3FB1]  }
0x2a: {  	p0 =	seq.s32 s5, $0x0;
	s5 =	sld [smem:$0x3FB2]  }
0x2b: {  	s6 =	sld [smem:$0x3FB3]  }
0x2c: {  	s7 =	sld [smem:$0x3FB4]  }
0x2d: {  	s3 =	simm.s32 $0x108;
	s8 =	sld [smem:$0x3FB5]  }
0x2e: {  	s3 =	simm.s32 @!p0 $0x1082;
	s9 =	sld [smem:$0x3FB6]  }
0x2f: {  	lr =	sadd.s32 s0, s3;
	s0 =	sld [smem:$0x3FAD]  }
0x30: {  	s3 =	sld [smem:$0x3FB0]  }
0x31: {  	[smem:$0x3FB9] =	sst s10  }
0x32: {  	s10 =	sld [smem:$0x3FB7];
	_ =	sdelay $0x3  }
0x33: {  	p0 =	seq.s32 s10, $0x1;
	s10 =	sld [smem:$0x3FB9];
	_ =	sdelay $0x3  }
0x34: {  	[smem:$0x3FB9] =	sst s10  }
0x35: {  	s10 =	sld [smem:$0x3FB8];
	_ =	sdelay $0x3  }
0x36: {  	p1 =	seq.s32 s10, $0x1;
	s10 =	sld [smem:$0x3FB9];
	_ =	sdelay $0x3  }
0x37: {  	[smem:$0x3FB9] =	sst s10  }
0x38: {  	s10 =	sld [smem:$0x3FBA]  }
0x39: {  	_ = 	snop;
	(pc) =	sbr.ind lr, $3  }
0x3a: {  	_ = 	snop  }
0x3b: {  	_ = 	snop  }
0x3c: {  	p2 =	seq.s32 s10, $0x1;
	s10 =	sld [smem:$0x3FB9]  }
0x3d: {  	_ =	shalt  }
0x3e: {  	_ =	shalt  }
0x3f: {  	_ =	shalt  }
0x40: {  	_ =	shalt  }
0x41: {  	_ =	shalt  }
0x42: {  	_ =	shalt  }
0x43: {  	_ =	shalt  }
0x44: {  	_ =	shalt  }
0x45: {  	_ =	shalt  }
0x46: {  	_ =	shalt  }
0x47: {  	_ =	shalt  }
0x48: {  	_ =	shalt  }
0x49: {  	_ =	shalt  }
0x4a: {  	_ =	shalt  }
0x4b: {  	_ =	shalt  }
0x4c: {  	_ =	shalt  }
0x4d: {  	_ =	shalt  }
0x4e: {  	_ =	shalt  }
0x4f: {  	_ =	shalt  }
0x50: {  	_ =	shalt  }
0x51: {  	_ =	shalt  }
0x52: {  	_ =	shalt  }
0x53: {  	_ =	shalt  }
0x54: {  	_ =	shalt  }
0x55: {  	_ =	shalt  }
0x56: {  	_ =	shalt  }
0x57: {  	_ =	shalt  }
0x58: {  	_ =	shalt  }
0x59: {  	_ =	shalt  }
0x5a: {  	_ =	shalt  }
0x5b: {  	_ =	shalt  }
0x5c: {  	_ =	shalt  }
0x5d: {  	_ =	shalt  }
0x5e: {  	_ =	shalt  }
0x5f: {  	_ =	shalt  }
0x60: {  	_ =	shalt  }
0x61: {  	_ =	shalt  }
0x62: {  	_ =	shalt  }
0x63: {  	_ =	shalt  }
0x64: {  	_ =	shalt  }
0x65: {  	_ =	shalt  }
0x66: {  	_ =	shalt  }
0x67: {  	_ =	shalt  }
0x68: {  	_ =	shalt  }
0x69: {  	_ =	shalt  }
0x6a: {  	_ =	shalt  }
0x6b: {  	_ =	shalt  }
0x6c: {  	_ =	shalt  }
0x6d: {  	_ =	shalt  }
0x6e: {  	_ =	shalt  }
0x6f: {  	_ =	shalt  }
0x70: {  	_ =	shalt  }
0x71: {  	_ =	shalt  }
0x72: {  	_ =	shalt  }
0x73: {  	_ =	shalt  }
0x74: {  	_ =	shalt  }
0x75: {  	_ =	shalt  }
0x76: {  	_ =	shalt  }
0x77: {  	_ =	shalt  }
0x78: {  	_ =	shalt  }
0x79: {  	_ =	shalt  }
0x7a: {  	_ =	shalt  }
0x7b: {  	_ =	shalt  }
0x7c: {  	_ =	shalt  }
0x7d: {  	_ =	shalt  }
0x7e: {  	_ =	shalt  }
0x7f: {  	_ =	shalt  }
0x80: {  	_ =	shalt  }
0x81: {  	_ =	shalt  }
0x82: {  	_ =	shalt  }
0x83: {  	_ =	shalt  }
0x84: {  	_ =	shalt  }
0x85: {  	_ =	shalt  }
0x86: {  	_ =	shalt  }
0x87: {  	_ =	shalt  }
.Lfunc_end0:
.L_simem_size_0:
called_computation_lowered:
.L_overlay_start_0:
0x88: {  	s2 =	sld [smem:$0x3FD9]  }
0x89: {  	s3 =	sld [smem:$0x3FFE];
	_ =	sdelay $0x1  }
0x8a: {  	s1 =	srdreg.scid  }
0x8b: {  	s0 =	sand.u32 $0x1, s1  }
0x8c: {  	s17 =	sshll.u32 s0, $0xA;
	s2 =	sadd.s32 s3, s2  }
0x8d: {  	s2 =	sadd.s32 s2, s17  }
0x8e: {  	[smem:$0x3FC5] =	sst s2  }
0x8f: {  	_ = 	snop  }
0x90: {  	s2 =	sld [smem:$0x3FD0];
	(tm) =	ssettm $0x1  }
0x91: {  	s18 =	sld [smem:$0x3FFB];
	_ =	sdelay $0x3  }
0x92: {  	_ =	strace s18  }
0x93: {  	s3 =	sld [smem:$0x3FFC];
	_ =	sdelay $0x3  }
0x94: {  	_ =	strace s3  }
0x95: {  	s3 =	sld [smem:$0x3FFD];
	_ =	sdelay $0x3  }
0x96: {  	_ =	strace s3  }
0x97: {  	_ =	strace $0x8FFFFFFF  }
0x98: {  	s19 =	sld [smem:$0x3FDB];
	_ =	sdelay $0x1  }
0x99: {  	s4 =	simm.s32 $_scs_section_size  }
0x9a: {  	s5 =	simm.s32 $_size__tile_overlayer_lowered;
	s6 =	simm.s32 $_tile_overlayer_lowered  }
0x9b: {  	s22 =	simm.s32 $0x1BFF;
	s21 =	sshll.u32 s6, $0x1;
	s3 =	sadd.s32 s4, s19  }
0x9c: {  	s7 =	simm.s32 $0x0;
	s20 =	sshll.u32 s5, $0x1;
	s5 =	sadd.s32 s21, s3  }
0x9d: {  	[timem:s7], [sflag:s22] =	dma.local [hbm:s5], s20  }
0x9e: {  	_ =	swait.ge [sflag:s22], s20  }
0x9f: {  	s4 =	ssub.s32 $0x0, s20;
	[sflag:s22] =	ssyncset.done $0x0  }
0xa0: {  	[sflag:s22] =	ssyncadd.s32 s4;
	_ =	sdelay $0x1  }
0xa1: {  	s23 =	simm.s32 $0x1B8B  }
0xa2: {  	_ =	swait.ge [sflag:s23], $0x1  }
0xa3: {  	[sflag:s23] =	ssyncset.done $0x0  }
0xa4: {  	s25 =	simm.s32 $0x1B8E;
	s24 =	sld [smem:$0x3FFE];
	[sflag:s23] =	ssyncadd.s32 $0xFFFFFFFF  }
0xa5: {  	s26 =	simm.s32 $execute0_lowered;
	[smem:$0x3FD2] =	sst s25  }
0xa6: {  	s5 =	sshll.u32 s26, $0x1;
	_ =	strace $0x80000046;
	[dreg:$0x1] =	wrdreg $0xFFFFFFFF  }
0xa7: {  	s28 =	simm.s32 $_size_execute0_lowered;
	s3 =	sadd.s32 s3, s5;
	[dreg:$0x0] =	wrdreg $0x0  }
0xa8: {  	s5 =	sshll.u32 s28, $0x1;
	[dreg:$0x2] =	wrdreg s3  }
0xa9: {  	[dreg:$0x3] =	wrdreg s5  }
0xaa: {  	[dreg:$0x4] =	wrdreg $0xC0  }
0xab: {  	_ =	task [dreg:s7], $0x5FFFF  }
0xac: {  	[dreg:$0x1] =	wrdreg $0xFFFFFFFF  }
0xad: {  	[dreg:$0x0] =	wrdreg $0x60  }
0xae: {  	[dreg:$0x2] =	wrdreg s2  }
0xaf: {  	[dreg:$0x3] =	wrdreg s24  }
0xb0: {  	[dreg:$0x4] =	wrdreg $0x9  }
0xb1: {  	_ =	task.clear_ibuf [dreg:s7], $0x5FFFF;
	_ =	strace $0x90000046  }
0xb2: {  	s29 =	simm.s32 $0x9;
	_ =	strace $0x80000048  }
0xb3: {  	_ =	swait.ge [sflag:s29], $0x1  }
0xb4: {  	[sflag:s29] =	ssyncadd.s32 $0xFFFFFFFF  }
0xb5: {  	_ =	strace $0x90000048  }
0xb6: {  	_ =	sfence  }
0xb7: {  	s30 =	sld [smem:$0x0];
	_ =	sdelay $0x2  }
0xb8: {  	s31 =	sshll.u32 s1, $0xD;
	s1 =	sshrl.u32 s1, $0x2  }
0xb9: {  	s3 =	sand.u32 $0x4000, s31;
	s1 =	sadd.s32 s1, s30  }
0xba: {  	s0 =	sor.u32 s3, s0;
	s1 =	sshll.u32 s1, $0x11  }
0xbb: {  	s0 =	sor.u32 s1, s0  }
0xbc: {  	s0 =	sadd.s32 $0x8F2B, s0  }
0xbd: {  	[sflag:s0] =	ssyncadd.remote.s32 $0x1  }
0xbe: {  	_ =	sfence.sel $0xFFFF  }
0xbf: {  	[dreg:$0x0] =	wrdreg $0xFFFFFFFF;
	(pc) =	sbr.abs _section_cstart, $3  }
0xc0: {  	[dreg:$0x1] =	wrdreg $0xFFFFFFFF  }
0xc1: {  	_ =	task.clear_ibuf [dreg:s7], $0x2FFFF;
	_ =	strace $0x9FFFFFFF  }
0xc2: {  	(tm) =	ssettm $0x7FFFFFFF  }
0xc3: {  	_ =	shalt  }
tec
execute0_lowered:
.L_overlay_start_1:
0x0: {  	(tag) =	ssettag $0x1  }
0x1: {  	s0 =	rddreg [dreg:$0x0]  }
0x2: {  	s1 =	rddreg [dreg:$0x1]  }
0x3: {  	s3 =	srdreg.scid;
	s2 =	stileid.u32;
	s5 =	simm.s32 $0x0  }
0x4: {  	s19 =	simm.s32 $0x3E00;
	s20 =	simm.s32 $0x5D00;
	s21 =	simm.s32 $0x7C00  }
0x5: {  	s22 =	simm.s32 $0x9B00;
	s23 =	simm.s32 $0x1;
	s24 =	simm.s32 $0x1B000  }
0x6: {  	s25 =	simm.s32 $0x1D000;
	s3 =	sand.u32 $0x1, s3;
	s4 =	sshll.u32 s2, $0x1  }
0x7: {  	s26 =	simm.s32 $0x13500;
	s28 =	simm.s32 $0x2;
	s4 =	sor.u32 s3, s4  }
0x8: {  	s29 =	simm.s32 $0x0;
	[smem:$0x7FF] =	sst s5;
	s30 =	smul.u32 $0xF70, s4  }
0x9: {  	s10 =	sadd.s32 $0x1EC00, s1;
	s11 =	sadd.s32 $0xF600, s1;
	s6 =	smul.u32 $0x42, s4  }
0xa: {  	s13 =	sadd.s32 $0x3D800, s1;
	s3 =	ssub.s32 $0x2, s3;
	s4 =	smul.u32 $0x3D80, s4  }
0xb: {  	s14 =	sadd.s32 $0x2E200, s1;
	_ =	strace $0x80000047;
	s31 =	sshrl.u32 s3, $0x1  }
0xc: {  	s17 =	ssub.s32 s3, s31;
	s15 =	sadd.s32 s30, s1;
	s8 =	sshrl.u32 s4, $0x3  }
0xd: {  	s16 =	sadd.s32 s6, s1;
	s17 =	smax.u32 s17, $0x1;
	s3 =	sadd.s32 s0, s8  }
0xe: {  	s4 =	sadd.s32 s10, s8;
	s5 =	sadd.s32 s11, s8;
	s6 =	sadd.s32 s1, s8  }
0xf: {  	s7 =	sadd.s32 s13, s8;
	s18 =	sadd.s32 $0x3D8, s8;
	s8 =	sadd.s32 s14, s8  }
0x10: {  	s15 =	sadd.s32 $0x4CE00, s15;
	s16 =	sadd.s32 $0x6BC00, s16;
	s9 =	sadd.s32 s0, s18  }
0x11: {  	v0 =	vimm.s32 $0x0;
	v1 =	vlaneseq.u32;
	vm0 =	vcmask $0x300;
	s10 =	sadd.s32 s10, s18;
	s11 =	sadd.s32 s11, s18;
	s12 =	sadd.s32 s1, s18  }
0x12: {  	v2 =	vimm.s32 $0x1;
	v3 =	vmul.u32 $0x10, v1;
	v4 =	vsel vm0, $0x200, v0;
	s13 =	sadd.s32 s13, s18;
	s14 =	sadd.s32 s14, s18;
	s18 =	simm.s32 $0x1F00  }
.LBB2_1:
0x13: {  	s0 =	simm.s32 $0x0;
	s1 =	simm.s32 $0x200  }
.LBB2_2:
0x14: {  	p0 =	sne.s32 s1, $0x7E00;
	[tilespmem:s0+$0x1B070] =	vst v0  }
0x15: {  	[tilespmem:s0+$0x1B000] =	vst v0  }
0x16: {  	[tilespmem:s0+$0x1B010] =	vst v0  }
.Ltmp0:
0x17: {  	[tilespmem:s0+$0x1B020] =	vst v0;
	(pc) =	sbr.rel @p0 .LBB2_2-.Ltmp0, $4  }
0x18: {  	[tilespmem:s0+$0x1B030] =	vst v0  }
0x19: {  	[tilespmem:s0+$0x1B040] =	vst v0  }
0x1a: {  	[tilespmem:s0+$0x1B050] =	vst v0  }
0x1b: {  	[tilespmem:s0+$0x1B060] =	vst v0;
	s0 =	sshra.s32 s1, $0x2;
	s1 =	sadd.s32 $0x200, s1  }
0x1c: {  	[tilespmem:s0+$0x1B070] =	vst v0  }
0x1d: {  	[tilespmem:s0+$0x1B000] =	vst v0  }
0x1e: {  	[tilespmem:s0+$0x1B010] =	vst v0  }
0x1f: {  	[tilespmem:s0+$0x1B020] =	vst v0  }
0x20: {  	[tilespmem:s0+$0x1B030] =	vst v0  }
0x21: {  	[tilespmem:s0+$0x1B040] =	vst v0  }
0x22: {  	[tilespmem:s0+$0x1B050] =	vst v0  }
0x23: {  	[tilespmem:s0+$0x1B060] =	vst v0;
	s30 =	simm.s32 $0x0  }
0x24: {  	[tilespmem:s30], [sflag:$0x1] =	stream.linear.gather [hbm4b:s3+s30], $0x1EC0, $0x38;
	[tilespmem:$0x1D280] =	vst v63  }
0x25: {  	_ = 	snop  }
0x26: {  	[tilespmem:s18], [sflag:$0x1] =	stream.linear.gather [hbm4b:s4+s30], $0x1EC0, $0x38;
	[tilespmem:$0x1D280] =	vst v63  }
0x27: {  	_ = 	snop  }
0x28: {  	[tilespmem:s19], [sflag:$0x1] =	stream.linear.gather [hbm4b:s5+s30], $0x1EC0, $0x38;
	[tilespmem:$0x1D280] =	vst v63  }
0x29: {  	_ = 	snop  }
0x2a: {  	[tilespmem:s20], [sflag:$0x1] =	stream.linear.gather [hbm4b:s6+s30], $0x1EC0, $0x38;
	[tilespmem:$0x1D280] =	vst v63  }
0x2b: {  	_ = 	snop  }
0x2c: {  	[tilespmem:s21], [sflag:$0x1] =	stream.linear.gather [hbm4b:s7+s30], $0x1EC0, $0x38;
	[tilespmem:$0x1D280] =	vst v63  }
0x2d: {  	_ = 	snop  }
0x2e: {  	[tilespmem:s22], [sflag:$0x1] =	stream.linear.gather [hbm4b:s8+s30], $0x1EC0, $0x38;
	[tilespmem:$0x1D280] =	vst v63  }
0x2f: {  	_ =	swait.ge [sflag:s23], $0x1EC0  }
0x30: {  	[sflag:s23] =	ssyncset.done $0x0  }
0x31: {  	[sflag:s23] =	ssyncadd.s32 $0xFFFFE140  }
0x32: {  	_ =	swait.ge [sflag:s23], $0x1EC0  }
0x33: {  	[sflag:s23] =	ssyncset.done $0x0  }
0x34: {  	[sflag:s23] =	ssyncadd.s32 $0xFFFFE140  }
0x35: {  	_ =	swait.ge [sflag:s23], $0x1EC0  }
0x36: {  	[sflag:s23] =	ssyncset.done $0x0  }
0x37: {  	[sflag:s23] =	ssyncadd.s32 $0xFFFFE140  }
0x38: {  	_ =	swait.ge [sflag:s23], $0x1EC0  }
0x39: {  	[sflag:s23] =	ssyncset.done $0x0  }
0x3a: {  	[sflag:s23] =	ssyncadd.s32 $0xFFFFE140  }
0x3b: {  	_ =	swait.ge [sflag:s23], $0x1EC0  }
0x3c: {  	[sflag:s23] =	ssyncset.done $0x0  }
0x3d: {  	[sflag:s23] =	ssyncadd.s32 $0xFFFFE140  }
0x3e: {  	_ =	swait.ge [sflag:s23], $0x1EC0  }
0x3f: {  	[sflag:s23] =	ssyncset.done $0x0  }
0x40: {  	[sflag:s23] =	ssyncadd.s32 $0xFFFFE140  }
.LBB2_4:
0x41: {  	s0 =	sshra.s32 s30, $0x2  }
0x42: {  	v5 =	vld [tilespmem:s0+$0x9B00]  }
0x43: {  	v6 =	vld [tilespmem:s0+$0x7C00]  }
0x44: {  	v7 =	vld [tilespmem:s0+$0x0]  }
0x45: {  	v8 =	vld [tilespmem:s0+$0x1F00]  }
0x46: {  	v9 =	vld [tilespmem:s0+$0x3E00]  }
0x47: {  	v10 =	vld [tilespmem:s0+$0x5D00]  }
0x48: {  	v5 =	vsub.f32 v5, v6;
	_ =	sdelay $0x1  }
0x49: {  	v6 =	vshll.u32 v7, $0xC;
	v5 =	vand.u32 $0x7FFFFFFF, v5  }
0x4a: {  	vm0 =	vle.f32 v5, $5.000000000e-01;
	v5 =	vadd.s32 v8, v6;
	v6 =	vshll.u32 v9, $0xC  }
0x4b: {  	v5 =	vnsel vm0, $0xFFFFFFFF, v5;
	v6 =	vadd.s32 v10, v6  }
0x4c: {  	v6 =	vnsel vm0, $0xFFFFFFFF, v6;
	v7 =	vshra.s32 v5, $0xB  }
0x4d: {  	v7 =	vand.u32 $0xFFFFFFF0, v7;
	v54 =	vshra.s32 v6, $0xB  }
0x4e: {  	v7 =	vor.u32 v1, v7;
	v8 =	vand.u32 $0xFFFFFFF0, v54  }
0x4f: {  	v8 =	vor.u32 v1, v8;
	v7 =	vnsel vm0, $0x0, v7  }
0x50: {  	v8 =	vnsel vm0, $0x0, v8;
	_ =	sdelay $0x1  }
0x51: {  	[tilespmem:s0+$0xBA00] =	vst v5  }
0x52: {  	[tilespmem:s0+$0xD8C0] =	vst v6  }
0x53: {  	[tilespmem:v7+s24+$0x0] =	vst.idx.add.s32.msk vm0, v2  }
0x54: {  	[tilespmem:v8+s24+$0x0] =	vst.idx.add.s32.msk vm0, v2  }
0x55: {  	v5 =	vld [tilespmem:s0+$0x9B10]  }
0x56: {  	v6 =	vld [tilespmem:s0+$0x7C10]  }
0x57: {  	v7 =	vld [tilespmem:s0+$0x10]  }
0x58: {  	v8 =	vld [tilespmem:s0+$0x1F10]  }
0x59: {  	v55 =	vld [tilespmem:s0+$0x3E10]  }
0x5a: {  	v56 =	vld [tilespmem:s0+$0x5D10]  }
0x5b: {  	v5 =	vsub.f32 v5, v6;
	_ =	sdelay $0x1  }
0x5c: {  	v6 =	vshll.u32 v7, $0xC;
	v5 =	vand.u32 $0x7FFFFFFF, v5  }
0x5d: {  	vm13 =	vle.f32 v5, $5.000000000e-01;
	v5 =	vadd.s32 v8, v6;
	v6 =	vshll.u32 v55, $0xC  }
0x5e: {  	v5 =	vnsel vm13, $0xFFFFFFFF, v5;
	v6 =	vadd.s32 v56, v6  }
0x5f: {  	v6 =	vnsel vm13, $0xFFFFFFFF, v6;
	v7 =	vshra.s32 v5, $0xB  }
0x60: {  	v7 =	vand.u32 $0xFFFFFFF0, v7;
	v57 =	vshra.s32 v6, $0xB  }
0x61: {  	v7 =	vor.u32 v1, v7;
	v8 =	vand.u32 $0xFFFFFFF0, v57  }
0x62: {  	v8 =	vor.u32 v1, v8;
	v7 =	vnsel vm13, $0x0, v7  }
0x63: {  	v8 =	vnsel vm13, $0x0, v8;
	_ =	sdelay $0x1  }
0x64: {  	[tilespmem:s0+$0xBA10] =	vst v5  }
0x65: {  	[tilespmem:s0+$0xD8D0] =	vst v6  }
0x66: {  	[tilespmem:v7+s24+$0x0] =	vst.idx.add.s32.msk vm13, v2  }
0x67: {  	[tilespmem:v8+s24+$0x0] =	vst.idx.add.s32.msk vm13, v2  }
0x68: {  	v5 =	vld [tilespmem:s0+$0x9B20]  }
0x69: {  	v6 =	vld [tilespmem:s0+$0x7C20]  }
0x6a: {  	v7 =	vld [tilespmem:s0+$0x20]  }
0x6b: {  	v8 =	vld [tilespmem:s0+$0x1F20]  }
0x6c: {  	v58 =	vld [tilespmem:s0+$0x3E20]  }
0x6d: {  	v59 =	vld [tilespmem:s0+$0x5D20]  }
0x6e: {  	v5 =	vsub.f32 v5, v6;
	_ =	sdelay $0x1  }
0x6f: {  	v6 =	vshll.u32 v7, $0xC;
	v5 =	vand.u32 $0x7FFFFFFF, v5  }
0x70: {  	vm14 =	vle.f32 v5, $5.000000000e-01;
	v5 =	vadd.s32 v8, v6;
	v6 =	vshll.u32 v58, $0xC  }
0x71: {  	v5 =	vnsel vm14, $0xFFFFFFFF, v5;
	v6 =	vadd.s32 v59, v6  }
0x72: {  	v6 =	vnsel vm14, $0xFFFFFFFF, v6;
	v7 =	vshra.s32 v5, $0xB  }
0x73: {  	v7 =	vand.u32 $0xFFFFFFF0, v7;
	v60 =	vshra.s32 v6, $0xB  }
0x74: {  	v7 =	vor.u32 v1, v7;
	v8 =	vand.u32 $0xFFFFFFF0, v60  }
0x75: {  	v8 =	vor.u32 v1, v8;
	v7 =	vnsel vm14, $0x0, v7  }
0x76: {  	v8 =	vnsel vm14, $0x0, v8;
	_ =	sdelay $0x1  }
0x77: {  	[tilespmem:s0+$0xBA20] =	vst v5  }
0x78: {  	[tilespmem:s0+$0xD8E0] =	vst v6  }
0x79: {  	[tilespmem:v7+s24+$0x0] =	vst.idx.add.s32.msk vm14, v2  }
0x7a: {  	[tilespmem:v8+s24+$0x0] =	vst.idx.add.s32.msk vm14, v2  }
0x7b: {  	v5 =	vld [tilespmem:s0+$0x9B30]  }
0x7c: {  	v6 =	vld [tilespmem:s0+$0x7C30]  }
0x7d: {  	v7 =	vld [tilespmem:s0+$0x30]  }
0x7e: {  	v8 =	vld [tilespmem:s0+$0x1F30]  }
0x7f: {  	v61 =	vld [tilespmem:s0+$0x3E30]  }
0x80: {  	v62 =	vld [tilespmem:s0+$0x5D30]  }
0x81: {  	v5 =	vsub.f32 v5, v6;
	_ =	sdelay $0x1  }
0x82: {  	v6 =	vshll.u32 v7, $0xC;
	v5 =	vand.u32 $0x7FFFFFFF, v5  }
0x83: {  	vm15 =	vle.f32 v5, $5.000000000e-01;
	v5 =	vadd.s32 v8, v6;
	v6 =	vshll.u32 v61, $0xC  }
0x84: {  	v5 =	vnsel vm15, $0xFFFFFFFF, v5;
	v6 =	vadd.s32 v62, v6  }
0x85: {  	v6 =	vnsel vm15, $0xFFFFFFFF, v6;
	v7 =	vshra.s32 v5, $0xB  }
0x86: {  	v7 =	vand.u32 $0xFFFFFFF0, v7;
	v63 =	vshra.s32 v6, $0xB  }
0x87: {  	v7 =	vor.u32 v1, v7;
	v8 =	vand.u32 $0xFFFFFFF0, v63  }
0x88: {  	v8 =	vor.u32 v1, v8;
	v7 =	vnsel vm15, $0x0, v7  }
0x89: {  	p0 =	sne.s32 s30, $0x7A00;
	v8 =	vnsel vm15, $0x0, v8  }
.Ltmp1:
0x8a: {  	_ = 	snop;
	(pc) =	sbr.rel @p0 .LBB2_4-.Ltmp1, $4  }
0x8b: {  	[tilespmem:s0+$0xBA30] =	vst v5  }
0x8c: {  	[tilespmem:s0+$0xD8F0] =	vst v6  }
0x8d: {  	[tilespmem:v7+s24+$0x0] =	vst.idx.add.s32.msk vm15, v2  }
0x8e: {  	s30 =	sadd.s32 $0x100, s30;
	[tilespmem:v8+s24+$0x0] =	vst.idx.add.s32.msk vm15, v2  }
0x8f: {  	s30 =	simm.s32 $0x0  }
0x90: {  	[tilespmem:s30], [sflag:$0x1] =	stream.linear.gather [hbm4b:s9+s30], $0x1EC0, $0x38;
	[tilespmem:$0x1D280] =	vst v63  }
0x91: {  	_ = 	snop  }
0x92: {  	[tilespmem:s18], [sflag:$0x1] =	stream.linear.gather [hbm4b:s10+s30], $0x1EC0, $0x38;
	[tilespmem:$0x1D280] =	vst v63  }
0x93: {  	_ = 	snop  }
0x94: {  	[tilespmem:s19], [sflag:$0x1] =	stream.linear.gather [hbm4b:s11+s30], $0x1EC0, $0x38;
	[tilespmem:$0x1D280] =	vst v63  }
0x95: {  	_ = 	snop  }
0x96: {  	[tilespmem:s20], [sflag:$0x1] =	stream.linear.gather [hbm4b:s12+s30], $0x1EC0, $0x38;
	[tilespmem:$0x1D280] =	vst v63  }
0x97: {  	_ = 	snop  }
0x98: {  	[tilespmem:s21], [sflag:$0x1] =	stream.linear.gather [hbm4b:s13+s30], $0x1EC0, $0x38;
	[tilespmem:$0x1D280] =	vst v63  }
0x99: {  	_ = 	snop  }
0x9a: {  	[tilespmem:s22], [sflag:$0x1] =	stream.linear.gather [hbm4b:s14+s30], $0x1EC0, $0x38;
	[tilespmem:$0x1D280] =	vst v63  }
0x9b: {  	_ =	swait.ge [sflag:s23], $0x1EC0  }
0x9c: {  	[sflag:s23] =	ssyncset.done $0x0  }
0x9d: {  	[sflag:s23] =	ssyncadd.s32 $0xFFFFE140  }
0x9e: {  	_ =	swait.ge [sflag:s23], $0x1EC0  }
0x9f: {  	[sflag:s23] =	ssyncset.done $0x0  }
0xa0: {  	[sflag:s23] =	ssyncadd.s32 $0xFFFFE140  }
0xa1: {  	_ =	swait.ge [sflag:s23], $0x1EC0  }
0xa2: {  	[sflag:s23] =	ssyncset.done $0x0  }
0xa3: {  	[sflag:s23] =	ssyncadd.s32 $0xFFFFE140  }
0xa4: {  	_ =	swait.ge [sflag:s23], $0x1EC0  }
0xa5: {  	[sflag:s23] =	ssyncset.done $0x0  }
0xa6: {  	[sflag:s23] =	ssyncadd.s32 $0xFFFFE140  }
0xa7: {  	_ =	swait.ge [sflag:s23], $0x1EC0  }
0xa8: {  	[sflag:s23] =	ssyncset.done $0x0  }
0xa9: {  	[sflag:s23] =	ssyncadd.s32 $0xFFFFE140  }
0xaa: {  	_ =	swait.ge [sflag:s23], $0x1EC0  }
0xab: {  	[sflag:s23] =	ssyncset.done $0x0  }
0xac: {  	s31 =	simm.s32 $0x0;
	s0 =	simm.s32 $0x0;
	[sflag:s23] =	ssyncadd.s32 $0xFFFFE140  }
.LBB2_6:
0xad: {  	s1 =	sshra.s32 s0, $0x2  }
0xae: {  	v5 =	vld [tilespmem:s1+$0x9B00]  }
0xaf: {  	v6 =	vld [tilespmem:s1+$0x7C00]  }
0xb0: {  	v7 =	vld [tilespmem:s1+$0x0]  }
0xb1: {  	v8 =	vld [tilespmem:s1+$0x1F00]  }
0xb2: {  	v9 =	vld [tilespmem:s1+$0x3E00]  }
0xb3: {  	v10 =	vld [tilespmem:s1+$0x5D00]  }
0xb4: {  	v5 =	vsub.f32 v5, v6;
	_ =	sdelay $0x1  }
0xb5: {  	v6 =	vshll.u32 v7, $0xC;
	v5 =	vand.u32 $0x7FFFFFFF, v5  }
0xb6: {  	vm0 =	vle.f32 v5, $5.000000000e-01;
	v5 =	vadd.s32 v8, v6;
	v6 =	vshll.u32 v9, $0xC  }
0xb7: {  	v5 =	vnsel vm0, $0xFFFFFFFF, v5;
	v6 =	vadd.s32 v10, v6  }
0xb8: {  	v6 =	vnsel vm0, $0xFFFFFFFF, v6;
	v7 =	vshra.s32 v5, $0xB  }
0xb9: {  	v7 =	vand.u32 $0xFFFFFFF0, v7;
	v54 =	vshra.s32 v6, $0xB  }
0xba: {  	v7 =	vor.u32 v1, v7;
	v8 =	vand.u32 $0xFFFFFFF0, v54  }
0xbb: {  	v8 =	vor.u32 v1, v8;
	v7 =	vnsel vm0, $0x0, v7  }
0xbc: {  	v8 =	vnsel vm0, $0x0, v8  }
0xbd: {  	s2 =	sand.u32 $0x1FC0, s31  }
0xbe: {  	[tilespmem:s2+$0xF780] =	vst v5  }
0xbf: {  	[tilespmem:s1+$0x11640] =	vst v6  }
0xc0: {  	[tilespmem:v7+s24+$0x0] =	vst.idx.add.s32.msk vm0, v2  }
0xc1: {  	[tilespmem:v8+s24+$0x0] =	vst.idx.add.s32.msk vm0, v2  }
0xc2: {  	v5 =	vld [tilespmem:s1+$0x9B10]  }
0xc3: {  	v6 =	vld [tilespmem:s1+$0x7C10]  }
0xc4: {  	v7 =	vld [tilespmem:s1+$0x10]  }
0xc5: {  	v8 =	vld [tilespmem:s1+$0x1F10]  }
0xc6: {  	v55 =	vld [tilespmem:s1+$0x3E10]  }
0xc7: {  	v56 =	vld [tilespmem:s1+$0x5D10]  }
0xc8: {  	v5 =	vsub.f32 v5, v6;
	_ =	sdelay $0x1  }
0xc9: {  	v6 =	vshll.u32 v7, $0xC;
	v5 =	vand.u32 $0x7FFFFFFF, v5  }
0xca: {  	vm13 =	vle.f32 v5, $5.000000000e-01;
	v5 =	vadd.s32 v8, v6;
	v6 =	vshll.u32 v55, $0xC  }
0xcb: {  	v5 =	vnsel vm13, $0xFFFFFFFF, v5;
	v6 =	vadd.s32 v56, v6  }
0xcc: {  	v6 =	vnsel vm13, $0xFFFFFFFF, v6;
	v7 =	vshra.s32 v5, $0xB  }
0xcd: {  	v7 =	vand.u32 $0xFFFFFFF0, v7;
	v57 =	vshra.s32 v6, $0xB  }
0xce: {  	v7 =	vor.u32 v1, v7;
	v8 =	vand.u32 $0xFFFFFFF0, v57  }
0xcf: {  	v8 =	vor.u32 v1, v8;
	v7 =	vnsel vm13, $0x0, v7  }
0xd0: {  	v8 =	vnsel vm13, $0x0, v8;
	_ =	sdelay $0x1  }
0xd1: {  	[tilespmem:s1+$0xF790] =	vst v5  }
0xd2: {  	[tilespmem:s1+$0x11650] =	vst v6  }
0xd3: {  	[tilespmem:v7+s24+$0x0] =	vst.idx.add.s32.msk vm13, v2  }
0xd4: {  	[tilespmem:v8+s24+$0x0] =	vst.idx.add.s32.msk vm13, v2  }
0xd5: {  	v5 =	vld [tilespmem:s1+$0x9B20]  }
0xd6: {  	v6 =	vld [tilespmem:s1+$0x7C20]  }
0xd7: {  	v7 =	vld [tilespmem:s1+$0x20]  }
0xd8: {  	v8 =	vld [tilespmem:s1+$0x1F20]  }
0xd9: {  	v58 =	vld [tilespmem:s1+$0x3E20]  }
0xda: {  	v59 =	vld [tilespmem:s1+$0x5D20]  }
0xdb: {  	v5 =	vsub.f32 v5, v6;
	_ =	sdelay $0x1  }
0xdc: {  	v6 =	vshll.u32 v7, $0xC;
	v5 =	vand.u32 $0x7FFFFFFF, v5  }
0xdd: {  	vm14 =	vle.f32 v5, $5.000000000e-01;
	v5 =	vadd.s32 v8, v6;
	v6 =	vshll.u32 v58, $0xC  }
0xde: {  	v5 =	vnsel vm14, $0xFFFFFFFF, v5;
	v6 =	vadd.s32 v59, v6  }
0xdf: {  	v6 =	vnsel vm14, $0xFFFFFFFF, v6;
	v7 =	vshra.s32 v5, $0xB  }
0xe0: {  	v7 =	vand.u32 $0xFFFFFFF0, v7;
	v60 =	vshra.s32 v6, $0xB  }
0xe1: {  	v7 =	vor.u32 v1, v7;
	v8 =	vand.u32 $0xFFFFFFF0, v60  }
0xe2: {  	v8 =	vor.u32 v1, v8;
	v7 =	vnsel vm14, $0x0, v7  }
0xe3: {  	v8 =	vnsel vm14, $0x0, v8;
	_ =	sdelay $0x1  }
0xe4: {  	[tilespmem:s1+$0xF7A0] =	vst v5  }
0xe5: {  	[tilespmem:s1+$0x11660] =	vst v6  }
0xe6: {  	[tilespmem:v7+s24+$0x0] =	vst.idx.add.s32.msk vm14, v2  }
0xe7: {  	[tilespmem:v8+s24+$0x0] =	vst.idx.add.s32.msk vm14, v2  }
0xe8: {  	v5 =	vld [tilespmem:s1+$0x9B30]  }
0xe9: {  	v6 =	vld [tilespmem:s1+$0x7C30]  }
0xea: {  	v7 =	vld [tilespmem:s1+$0x30]  }
0xeb: {  	v8 =	vld [tilespmem:s1+$0x1F30]  }
0xec: {  	v61 =	vld [tilespmem:s1+$0x3E30]  }
0xed: {  	v62 =	vld [tilespmem:s1+$0x5D30]  }
0xee: {  	v5 =	vsub.f32 v5, v6;
	_ =	sdelay $0x1  }
0xef: {  	v6 =	vshll.u32 v7, $0xC;
	v5 =	vand.u32 $0x7FFFFFFF, v5  }
0xf0: {  	vm15 =	vle.f32 v5, $5.000000000e-01;
	v5 =	vadd.s32 v8, v6;
	v6 =	vshll.u32 v61, $0xC  }
0xf1: {  	v5 =	vnsel vm15, $0xFFFFFFFF, v5;
	v6 =	vadd.s32 v62, v6  }
0xf2: {  	v6 =	vnsel vm15, $0xFFFFFFFF, v6;
	v7 =	vshra.s32 v5, $0xB  }
0xf3: {  	v7 =	vand.u32 $0xFFFFFFF0, v7;
	v63 =	vshra.s32 v6, $0xB  }
0xf4: {  	v7 =	vor.u32 v1, v7;
	v8 =	vand.u32 $0xFFFFFFF0, v63  }
0xf5: {  	v8 =	vor.u32 v1, v8;
	v7 =	vnsel vm15, $0x0, v7  }
0xf6: {  	p0 =	sne.s32 s0, $0x7A00;
	v8 =	vnsel vm15, $0x0, v8  }
.Ltmp2:
0xf7: {  	_ = 	snop;
	(pc) =	sbr.rel @p0 .LBB2_6-.Ltmp2, $4  }
0xf8: {  	[tilespmem:s1+$0xF7B0] =	vst v5  }
0xf9: {  	[tilespmem:s1+$0x11670] =	vst v6  }
0xfa: {  	[tilespmem:v7+s24+$0x0] =	vst.idx.add.s32.msk vm15, v2  }
0xfb: {  	s31 =	sadd.s32 $0x40, s31;
	s0 =	sadd.s32 $0x100, s0;
	[tilespmem:v8+s24+$0x0] =	vst.idx.add.s32.msk vm15, v2  }
0xfc: {  	s0 =	simm.s32 $0x0  }
0xfd: {  	v5 =	vld [tilespmem:s0+$0x1B000];
	_ =	sdelay $0x4  }
0xfe: {  	(xrf0) =	vadd.scan.msk.s32 $0xffff, v5  }
0xff: {  	v6 =	vld [tilespmem:s0+$0x1B010];
	_ =	sdelay $0x4  }
0x100: {  	v7, _, _ =	vpop (xrf0);
	(xrf0) =	vadd.scan.msk.s32 $0xffff, v6  }
0x101: {  	v8 =	vld [tilespmem:s0+$0x1B020];
	(v2sf) =	vpush v7, $0xF;
	_ =	sdelay $0x4  }
0x102: {  	v9 =	vld [tilespmem:s0+$0x1B030];
	(xrf0) =	vadd.scan.msk.s32 $0xffff, v8;
	v10, _, _ =	vpop (xrf0)  }
0x103: {  	(v2sf) =	vpush v10, $0xF;
	_ =	sdelay $0x3  }
0x104: {  	v5 =	vsub.s32 s30, v5;
	(xrf0) =	vadd.scan.msk.s32 $0xffff, v9  }
0x105: {  	v5 =	vadd.s32 v7, v5;
	v11, _, _ =	vpop (xrf0)  }
0x106: {  	s30 =	simm.s32 $0x40;
	[tilespmem:s0+$0x1B000] =	vst v5;
	(v2sf) =	vpush v11, $0xF  }
0x107: {  	v5 =	vld [tilespmem:s30+$0x1B000];
	_ =	sdelay $0x1  }
0x108: {  	s1 =	spop (v2sf)  }
0x109: {  	v6 =	vsub.s32 v10, v6;
	v7, _, _ =	vpop (xrf0);
	s1 =	sadd.s32 $0x0, s1  }
0x10a: {  	(v2sf) =	vpush v7, $0xF;
	v6 =	vadd.s32 s1, v6  }
0x10b: {  	(xrf0) =	vadd.scan.msk.s32 $0xffff, v5;
	[tilespmem:s0+$0x1B010] =	vst v6  }
0x10c: {  	v10 =	vld [tilespmem:s30+$0x1B010];
	_ =	sdelay $0x1  }
0x10d: {  	s2 =	spop (v2sf)  }
0x10e: {  	v6 =	vsub.s32 v11, v8;
	s1 =	sadd.s32 s1, s2  }
0x10f: {  	v6 =	vadd.s32 s1, v6  }
0x110: {  	v8, _, _ =	vpop (xrf0);
	(xrf0) =	vadd.scan.msk.s32 $0xffff, v10;
	[tilespmem:s0+$0x1B020] =	vst v6  }
0x111: {  	(v2sf) =	vpush v8, $0xF;
	v6 =	vld [tilespmem:s30+$0x1B020];
	_ =	sdelay $0x1  }
0x112: {  	s2 =	spop (v2sf)  }
0x113: {  	v7 =	vsub.s32 v7, v9;
	s1 =	sadd.s32 s1, s2  }
0x114: {  	v7 =	vadd.s32 s1, v7  }
0x115: {  	[tilespmem:s0+$0x1B030] =	vst v7;
	v11, _, _ =	vpop (xrf0);
	(xrf0) =	vadd.scan.msk.s32 $0xffff, v6  }
0x116: {  	v7 =	vld [tilespmem:s30+$0x1B030];
	(v2sf) =	vpush v11, $0xF  }
0x117: {  	s0 =	simm.s32 $0x200;
	s31 =	spop (v2sf);
	v9 =	vsub.s32 v11, v10  }
.LBB2_8:
0x118: {  	p0 =	sne.s32 s0, $0x7F00  }
0x119: {  	s1 =	sadd.s32 s1, s31;
	s2 =	smov.u32 s0;
	s0 =	sadd.s32 $0x100, s0  }
0x11a: {  	v5 =	vsub.s32 s1, v5  }
0x11b: {  	v5 =	vadd.s32 v8, v5;
	v8, _, _ =	vpop (xrf0);
	(xrf0) =	vadd.scan.msk.s32 $0xffff, v7  }
0x11c: {  	s2 =	sshra.s32 s2, $0x2;
	[tilespmem:s30+$0x1B000] =	vst v5;
	v6 =	vsub.s32 v8, v6;
	(v2sf) =	vpush v8, $0xF  }
0x11d: {  	v5 =	vld [tilespmem:s2+$0x1B000];
	_ =	sdelay $0x1  }
0x11e: {  	s31 =	spop (v2sf)  }
0x11f: {  	s1 =	sadd.s32 s1, s31  }
0x120: {  	v8 =	vadd.s32 s1, v9;
	v9, _, _ =	vpop (xrf0)  }
0x121: {  	(xrf0) =	vadd.scan.msk.s32 $0xffff, v5;
	[tilespmem:s30+$0x1B010] =	vst v8;
	v7 =	vsub.s32 v9, v7;
	(v2sf) =	vpush v9, $0xF  }
0x122: {  	v9 =	vld [tilespmem:s2+$0x1B010];
	_ =	sdelay $0x1  }
0x123: {  	s31 =	spop (v2sf)  }
0x124: {  	s1 =	sadd.s32 s1, s31  }
0x125: {  	v6 =	vadd.s32 s1, v6  }
0x126: {  	v8, _, _ =	vpop (xrf0);
	(xrf0) =	vadd.scan.msk.s32 $0xffff, v9;
	[tilespmem:s30+$0x1B020] =	vst v6  }
0x127: {  	v6 =	vld [tilespmem:s2+$0x1B020];
	(v2sf) =	vpush v8, $0xF;
	_ =	sdelay $0x1  }
0x128: {  	s31 =	spop (v2sf)  }
0x129: {  	s1 =	sadd.s32 s1, s31  }
.Ltmp3:
0x12a: {  	v7 =	vadd.s32 s1, v7;
	(pc) =	sbr.rel @p0 .LBB2_8-.Ltmp3, $3  }
0x12b: {  	v10, _, _ =	vpop (xrf0);
	(xrf0) =	vadd.scan.msk.s32 $0xffff, v6;
	[tilespmem:s30+$0x1B030] =	vst v7;
	s30 =	smov.u32 s2  }
0x12c: {  	v9 =	vsub.s32 v10, v9;
	v7 =	vld [tilespmem:s30+$0x1B030];
	(v2sf) =	vpush v10, $0xF;
	_ =	sdelay $0x1  }
0x12d: {  	s31 =	spop (v2sf)  }
0x12e: {  	_ =	sdelay $0x1  }
0x12f: {  	v10, _, _ =	vpop (xrf0)  }
0x130: {  	(v2sf) =	vpush v10, $0xF;
	_ =	sdelay $0x1  }
0x131: {  	(xrf0) =	vadd.scan.msk.s32 $0xffff, v7;
	_ =	sdelay $0x5  }
0x132: {  	v11, _, _ =	vpop (xrf0)  }
0x133: {  	(v2sf) =	vpush v11, $0xF;
	_ =	sdelay $0x1  }
0x134: {  	s0 =	simm.s32 $0x0  }
0x135: {  	s1 =	sadd.s32 s1, s31;
	v12 =	vmov s0  }
0x136: {  	v5 =	vsub.s32 s1, v5;
	v12 =	vshll.u32 v12, $0x4;
	s2 =	spop (v2sf)  }
0x137: {  	v5 =	vadd.s32 v8, v5;
	v8 =	vor.u32 v3, v12;
	s0 =	sadd.s32 s1, s2;
	s31 =	spop (v2sf)  }
0x138: {  	[tilespmem:s30+$0x1B000] =	vst v5;
	v5 =	vsub.s32 v10, v6;
	v6 =	vadd.s32 s0, v9;
	s0 =	sadd.s32 s0, s31;
	s2 =	spop (v2sf)  }
0x139: {  	[tilespmem:s30+$0x1B010] =	vst v6;
	v6 =	vsub.s32 v11, v7;
	v5 =	vadd.s32 s0, v5;
	s0 =	sadd.s32 s0, s2  }
0x13a: {  	s31 =	simm.s32 $0x10;
	[tilespmem:s30+$0x1B020] =	vst v5;
	v5 =	vadd.s32 s0, v6  }
0x13b: {  	[tilespmem:s30+$0x1B030] =	vst v5;
	v5 =	vmov s31  }
0x13c: {  	v6 =	vld.idx.msk [tilespmem:v8+s24+$0x0], $0xffff;
	v5 =	vshll.u32 v5, $0x4  }
0x13d: {  	v5 =	vor.u32 v3, v5;
	_ =	sdelay $0x2  }
0x13e: {  	s1 =	simm.s32 $0x1D000  }
0x13f: {  	s30 =	simm.s32 $0x20;
	s2 =	spop (v2sf);
	[tilespmem:s1+$0x0] =	vst v6  }
0x140: {  	s0 =	sadd.s32 s0, s2;
	v6 =	vmov s30;
	s30 =	simm.s32 $0x30;
	v5 =	vld.idx.msk [tilespmem:v5+s24+$0x0], $0xffff  }
.LBB2_10:
0x141: {  	p0 =	sne.s32 s30, $0x1F0;
	v6 =	vshll.u32 v6, $0x4  }
0x142: {  	v7 =	vor.u32 v3, v6  }
.Ltmp4:
0x143: {  	(pc) =	sbr.rel @p0 .LBB2_10-.Ltmp4, $4  }
0x144: {  	_ = 	snop  }
0x145: {  	s1 =	sadd.s32 $0x10, s1  }
0x146: {  	[tilespmem:s1+$0x0] =	vst v5  }
0x147: {  	v6 =	vmov s30;
	s30 =	sadd.s32 $0x10, s30;
	v5 =	vld.idx.msk [tilespmem:v7+s24+$0x0], $0xffff  }
0x148: {  	v6 =	vshll.u32 v6, $0x4  }
0x149: {  	v6 =	vor.u32 v3, v6;
	_ =	sdelay $0x2  }
0x14a: {  	s1 =	sadd.s32 $0x10, s1  }
0x14b: {  	[tilespmem:s1+$0x0] =	vst v5  }
0x14c: {  	v5 =	vld.idx.msk [tilespmem:v6+s24+$0x0], $0xffff;
	_ =	sdelay $0x3  }
0x14d: {  	s1 =	sadd.s32 $0x10, s1  }
0x14e: {  	[tilespmem:s1+$0x0] =	vst v5;
	v5 =	vmov s0  }
0x14f: {  	s0 =	simm.s32 $0x0;
	[tilespmem:v4+s25+$0x0] =	vst.idx.msk $0x1, v5  }
.LBB2_12:
0x150: {  	s1 =	sshra.s32 s0, $0x2  }
0x151: {  	v5 =	vld [tilespmem:s1+$0xBA00];
	_ =	sdelay $0x4  }
0x152: {  	v6 =	vshra.s32 v5, $0xB  }
0x153: {  	v6 =	vand.u32 $0xFFFFFFF0, v6  }
0x154: {  	vm0 =	vgt.s32 v5, $0xFFFFFFFF;
	v6 =	vor.u32 v1, v6  }
0x155: {  	v6 =	vnsel vm0, $0x0, v6;
	_ =	sdelay $0x4  }
0x156: {  	v7 =	vld.idx.msk [tilespmem:v6+s24+$0x0], vm0;
	_ =	sdelay $0x4  }
0x157: {  	v7 =	vnsel vm0, $0x0, v7;
	_ =	sdelay $0x3  }
0x158: {  	[tilespmem:v6+s24+$0x0] =	vst.idx.add.s32.msk vm0, v2  }
0x159: {  	[tilespmem:v7+s26+$0x0] =	vst.idx.msk vm0, v5  }
0x15a: {  	v5 =	vld [tilespmem:s1+$0xBA10];
	_ =	sdelay $0x4  }
0x15b: {  	v6 =	vshra.s32 v5, $0xB  }
0x15c: {  	v6 =	vand.u32 $0xFFFFFFF0, v6  }
0x15d: {  	vm13 =	vgt.s32 v5, $0xFFFFFFFF;
	v6 =	vor.u32 v1, v6  }
0x15e: {  	v6 =	vnsel vm13, $0x0, v6;
	_ =	sdelay $0x4  }
0x15f: {  	v7 =	vld.idx.msk [tilespmem:v6+s24+$0x0], vm13;
	_ =	sdelay $0x4  }
0x160: {  	v7 =	vnsel vm13, $0x0, v7;
	_ =	sdelay $0x3  }
0x161: {  	[tilespmem:v6+s24+$0x0] =	vst.idx.add.s32.msk vm13, v2  }
0x162: {  	[tilespmem:v7+s26+$0x0] =	vst.idx.msk vm13, v5  }
0x163: {  	v5 =	vld [tilespmem:s1+$0xBA20];
	_ =	sdelay $0x4  }
0x164: {  	v6 =	vshra.s32 v5, $0xB  }
0x165: {  	v6 =	vand.u32 $0xFFFFFFF0, v6  }
0x166: {  	vm14 =	vgt.s32 v5, $0xFFFFFFFF;
	v6 =	vor.u32 v1, v6  }
0x167: {  	v6 =	vnsel vm14, $0x0, v6;
	_ =	sdelay $0x4  }
0x168: {  	v7 =	vld.idx.msk [tilespmem:v6+s24+$0x0], vm14;
	_ =	sdelay $0x4  }
0x169: {  	v7 =	vnsel vm14, $0x0, v7;
	_ =	sdelay $0x3  }
0x16a: {  	[tilespmem:v6+s24+$0x0] =	vst.idx.add.s32.msk vm14, v2  }
0x16b: {  	[tilespmem:v7+s26+$0x0] =	vst.idx.msk vm14, v5  }
0x16c: {  	v5 =	vld [tilespmem:s1+$0xBA30];
	_ =	sdelay $0x4  }
0x16d: {  	v6 =	vshra.s32 v5, $0xB  }
0x16e: {  	v6 =	vand.u32 $0xFFFFFFF0, v6  }
0x16f: {  	vm15 =	vgt.s32 v5, $0xFFFFFFFF;
	v6 =	vor.u32 v1, v6  }
0x170: {  	v6 =	vnsel vm15, $0x0, v6;
	_ =	sdelay $0x4  }
0x171: {  	v7 =	vld.idx.msk [tilespmem:v6+s24+$0x0], vm15;
	_ =	sdelay $0x4  }
0x172: {  	p0 =	sne.s32 s0, $0x1EB00;
	v7 =	vnsel vm15, $0x0, v7  }
.Ltmp5:
0x173: {  	_ = 	snop;
	(pc) =	sbr.rel @p0 .LBB2_12-.Ltmp5, $3  }
0x174: {  	_ =	sdelay $0x1  }
0x175: {  	[tilespmem:v6+s24+$0x0] =	vst.idx.add.s32.msk vm15, v2  }
0x176: {  	s0 =	sadd.s32 $0x100, s0;
	[tilespmem:v7+s26+$0x0] =	vst.idx.msk vm15, v5  }
0x177: {  	s0 =	simm.s32 $0x0  }
0x178: {  	[hbm4b:s15+s0] =	stream.linear.scatter [tilespmem:s26], [sflag:$0x2], $0x7B00, $0x38;
	[tilespmem:$0x1D280] =	vst v63  }
0x179: {  	s29 =	sadd.s32 $0x1, s29;
	_ =	swait.ge [sflag:s28], $0x7B00  }
0x17a: {  	p0 =	sne.s32 s29, s17;
	[sflag:s28] =	ssyncset.done $0x0  }
.Ltmp6:
0x17b: {  	[sflag:s28] =	ssyncadd.s32 $0xFFFF8500;
	(pc) =	sbr.rel @p0 .LBB2_1-.Ltmp6, $4  }
0x17c: {  	[hbm4b:s16+s0] =	stream.linear.scatter [tilespmem:s25], [sflag:$0x2], $0x210, $0x38;
	[tilespmem:$0x1D280] =	vst v63  }
0x17d: {  	_ =	swait.ge [sflag:s28], $0x210  }
0x17e: {  	[sflag:s28] =	ssyncset.done $0x0  }
0x17f: {  	[sflag:s28] =	ssyncadd.s32 $0xFFFFFDF0  }
0x180: {  	_ =	sfence.sel $0x180000  }
0x181: {  	[bflag:$0x0] =	sbarrier.arrive $0xFFFF  }
0x182: {  	_ =	strace $0x90000047  }
0x183: {  	s0 =	stileid.u32;
	[bflag:$0x2] =	sbarrier.arrive $0xFFFF  }
0x184: {  	p0 =	sne.s32 s0, $0x0;
	s0 =	rddreg [dreg:$0x2]  }
0x185: {  	s0 =	sadd.s32 @!p0 $0x100000, s0  }
0x186: {  	[sflag:s0] =	ssyncadd.tile.s32 @!p0 $0x1;
	_ =	shalt  }
.Lfunc_end2:
_tile_overlayer_lowered:
.L_overlay_start_2:
0x187: {  	(tag) =	ssettag $0x2  }
0x188: {  	s0 =	rddreg [dreg:$0x0];
	s2 =	stileid.u32  }
0x189: {  	s1 =	rddreg [dreg:$0x1];
	p0 =	sne.s32 s2, $0x0  }
0x18a: {  	s3 =	rddreg [dreg:$0x2];
	[bflag:$0x3] =	sbarrier.arrive $0xFFFF;
	s2 =	simm.s32 @!p0 $0x1C02  }
0x18b: {  	[timem:s3], [sflag:s2] =	dma.local @!p0 [hbm:s0], s1  }
0x18c: {  	s0 =	simm.s32 @!p0 $0x2  }
0x18d: {  	_ =	swait.ge @!p0 [sflag:s0], s1  }
0x18e: {  	s1 =	ssub.s32 @!p0 $0x0, s1;
	[sflag:s0] =	ssyncset.done @!p0 $0x0  }
0x18f: {  	[sflag:s0] =	ssyncadd.s32 @!p0 s1  }
0x190: {  	[bflag:$0x3] =	sbarrier.arrive $0xFFFF  }
0x191: {  	_ =	shalt  }

// kernel: kernel.7.cloned.1.call-start
scs
__scs_entry_jumppad:
0x0: {  	(pc) =	sbr.rel $0x88, $3  }
0x1: {  	(tag) =	ssettag $0x0;
	lr =	simm.s32 $0x1  }
0x2: {  	[smem:$0x3F9E] =	sst lr;
	_ =	strace $0xD0000000  }
0x3: {  	_ = 	snop  }
0x4: {  	_ = 	snop  }
0x5: {  	_ = 	snop  }
0x6: {  	_ = 	snop  }
0x7: {  	_ = 	snop  }
__scs_overlays_trampoline_lowered:
0x8: {  	[smem:$0x3FAD] =	sst s0  }
0x9: {  	[smem:$0x3FAE] =	sst s1  }
0xa: {  	[smem:$0x3FAF] =	sst s2  }
0xb: {  	[smem:$0x3FB0] =	sst s3  }
0xc: {  	[smem:$0x3FB1] =	sst s4  }
0xd: {  	[smem:$0x3FB2] =	sst s5  }
0xe: {  	[smem:$0x3FB3] =	sst s6  }
0xf: {  	[smem:$0x3FB4] =	sst s7  }
0x10: {  	[smem:$0x3FB5] =	sst s8  }
0x11: {  	[smem:$0x3FB6] =	sst s9;
	s0 =	simm.s32 @!p0 $0x0  }
0x12: {  	s1 =	sld [smem:$0x3F9C];
	s0 =	simm.s32 @p0 $0x1  }
0x13: {  	[smem:$0x3FB7] =	sst s0;
	s0 =	simm.s32 @!p1 $0x0  }
0x14: {  	s2 =	sld [smem:$0x3F9B];
	s0 =	simm.s32 @p1 $0x1  }
0x15: {  	[smem:$0x3FB8] =	sst s0;
	s0 =	simm.s32 @!p2 $0x0  }
0x16: {  	s3 =	sld [smem:$0x3FDB];
	s0 =	simm.s32 @p2 $0x1  }
0x17: {  	s4 =	simm.s32 $0x1BF5;
	[smem:$0x3FBA] =	sst s0  }
0x18: {  	s0 =	sld [smem:$0x3F9D];
	_ =	swait.ge [sflag:s4], $0x0  }
0x19: {  	s7 =	sld [smem:$0x3F9E]  }
0x1a: {  	s8 =	sadd.s32 $0xFFFFE003, lr  }
0x1b: {  	s9 =	sadd.s32 $0xFFFFFEF7, lr;
	s5 =	simm.s32 $0xFFFFFFFF;
	p2 =	slt.u32 s8, $0xFFFFF086  }
0x1c: {  	p1 =	slt.u32 s9, $0xF7A;
	s5 =	simm.s32 @!p2 $0x0  }
0x1d: {  	s5 =	simm.s32 @p1 $0x1;
	p0 =	seq.s32 s7, s2  }
0x1e: {  	s7 =	smul.u32 @!p0 $0xF7A, s2;
	p2 =	seq.s32 @!p0 s5, $0x0  }
0x1f: {  	s9 =	smul.u32 $0xF7A, s1;
	s8 =	simm.s32 @!p0 $0x1BF5;
	p2 =	por !p2, p0  }
0x20: {  	[sflag:s8] =	ssyncset.s32 @!p0 $0xFFFFF086;
	s6 =	sadd.s32 @!p0 s3, s7;
	s7 =	simm.s32 @!p0 $0x108  }
0x21: {  	s3 =	sadd.s32 s3, s9;
	s6 =	sadd.s32 @!p0 $0x88, s6;
	s7 =	simm.s32 @p2 $0x1082  }
0x22: {  	[simem:s7], [sflag:s8] =	dma.local @!p0 [hbm:s6], $0xF7A  }
0x23: {  	s9 =	sor.u32 $0xD0000000, s2;
	s6 =	simm.s32 $0x108;
	_ =	swait.ge @!p0 [sflag:s8], $0x0  }
0x24: {  	s3 =	sadd.s32 $0x88, s3;
	s6 =	simm.s32 @!p1 $0x1082;
	[sflag:s4] =	ssyncset.s32 $0xFFFFF086  }
0x25: {  	[simem:s6], [sflag:s4] =	dma.local [hbm:s3], $0xF7A  }
0x26: {  	[smem:$0x3F9E] =	sst s1;
	(tag) =	ssettag s2;
	_ =	strace s9  }
0x27: {  	s1 =	sld [smem:$0x3FAE]  }
0x28: {  	s2 =	sld [smem:$0x3FAF]  }
0x29: {  	s4 =	sld [smem:$0x3FB1]  }
0x2a: {  	p0 =	seq.s32 s5, $0x0;
	s5 =	sld [smem:$0x3FB2]  }
0x2b: {  	s6 =	sld [smem:$0x3FB3]  }
0x2c: {  	s7 =	sld [smem:$0x3FB4]  }
0x2d: {  	s3 =	simm.s32 $0x108;
	s8 =	sld [smem:$0x3FB5]  }
0x2e: {  	s3 =	simm.s32 @!p0 $0x1082;
	s9 =	sld [smem:$0x3FB6]  }
0x2f: {  	lr =	sadd.s32 s0, s3;
	s0 =	sld [smem:$0x3FAD]  }
0x30: {  	s3 =	sld [smem:$0x3FB0]  }
0x31: {  	[smem:$0x3FB9] =	sst s10  }
0x32: {  	s10 =	sld [smem:$0x3FB7];
	_ =	sdelay $0x3  }
0x33: {  	p0 =	seq.s32 s10, $0x1;
	s10 =	sld [smem:$0x3FB9];
	_ =	sdelay $0x3  }
0x34: {  	[smem:$0x3FB9] =	sst s10  }
0x35: {  	s10 =	sld [smem:$0x3FB8];
	_ =	sdelay $0x3  }
0x36: {  	p1 =	seq.s32 s10, $0x1;
	s10 =	sld [smem:$0x3FB9];
	_ =	sdelay $0x3  }
0x37: {  	[smem:$0x3FB9] =	sst s10  }
0x38: {  	s10 =	sld [smem:$0x3FBA]  }
0x39: {  	_ = 	snop;
	(pc) =	sbr.ind lr, $3  }
0x3a: {  	_ = 	snop  }
0x3b: {  	_ = 	snop  }
0x3c: {  	p2 =	seq.s32 s10, $0x1;
	s10 =	sld [smem:$0x3FB9]  }
0x3d: {  	_ =	shalt  }
0x3e: {  	_ =	shalt  }
0x3f: {  	_ =	shalt  }
0x40: {  	_ =	shalt  }
0x41: {  	_ =	shalt  }
0x42: {  	_ =	shalt  }
0x43: {  	_ =	shalt  }
0x44: {  	_ =	shalt  }
0x45: {  	_ =	shalt  }
0x46: {  	_ =	shalt  }
0x47: {  	_ =	shalt  }
0x48: {  	_ =	shalt  }
0x49: {  	_ =	shalt  }
0x4a: {  	_ =	shalt  }
0x4b: {  	_ =	shalt  }
0x4c: {  	_ =	shalt  }
0x4d: {  	_ =	shalt  }
0x4e: {  	_ =	shalt  }
0x4f: {  	_ =	shalt  }
0x50: {  	_ =	shalt  }
0x51: {  	_ =	shalt  }
0x52: {  	_ =	shalt  }
0x53: {  	_ =	shalt  }
0x54: {  	_ =	shalt  }
0x55: {  	_ =	shalt  }
0x56: {  	_ =	shalt  }
0x57: {  	_ =	shalt  }
0x58: {  	_ =	shalt  }
0x59: {  	_ =	shalt  }
0x5a: {  	_ =	shalt  }
0x5b: {  	_ =	shalt  }
0x5c: {  	_ =	shalt  }
0x5d: {  	_ =	shalt  }
0x5e: {  	_ =	shalt  }
0x5f: {  	_ =	shalt  }
0x60: {  	_ =	shalt  }
0x61: {  	_ =	shalt  }
0x62: {  	_ =	shalt  }
0x63: {  	_ =	shalt  }
0x64: {  	_ =	shalt  }
0x65: {  	_ =	shalt  }
0x66: {  	_ =	shalt  }
0x67: {  	_ =	shalt  }
0x68: {  	_ =	shalt  }
0x69: {  	_ =	shalt  }
0x6a: {  	_ =	shalt  }
0x6b: {  	_ =	shalt  }
0x6c: {  	_ =	shalt  }
0x6d: {  	_ =	shalt  }
0x6e: {  	_ =	shalt  }
0x6f: {  	_ =	shalt  }
0x70: {  	_ =	shalt  }
0x71: {  	_ =	shalt  }
0x72: {  	_ =	shalt  }
0x73: {  	_ =	shalt  }
0x74: {  	_ =	shalt  }
0x75: {  	_ =	shalt  }
0x76: {  	_ =	shalt  }
0x77: {  	_ =	shalt  }
0x78: {  	_ =	shalt  }
0x79: {  	_ =	shalt  }
0x7a: {  	_ =	shalt  }
0x7b: {  	_ =	shalt  }
0x7c: {  	_ =	shalt  }
0x7d: {  	_ =	shalt  }
0x7e: {  	_ =	shalt  }
0x7f: {  	_ =	shalt  }
0x80: {  	_ =	shalt  }
0x81: {  	_ =	shalt  }
0x82: {  	_ =	shalt  }
0x83: {  	_ =	shalt  }
0x84: {  	_ =	shalt  }
0x85: {  	_ =	shalt  }
0x86: {  	_ =	shalt  }
0x87: {  	_ =	shalt  }
.Lfunc_end0:
.L_simem_size_0:
called_computation.1_lowered:
.L_overlay_start_0:
0x88: {  	s2 =	sld [smem:$0x3FD9]  }
0x89: {  	s3 =	sld [smem:$0x3FFE];
	_ =	sdelay $0x1  }
0x8a: {  	s1 =	srdreg.scid  }
0x8b: {  	s0 =	sand.u32 $0x1, s1  }
0x8c: {  	s17 =	sshll.u32 s0, $0xA;
	s2 =	sadd.s32 s3, s2  }
0x8d: {  	s2 =	sadd.s32 s2, s17  }
0x8e: {  	[smem:$0x3FC5] =	sst s2  }
0x8f: {  	_ = 	snop  }
0x90: {  	s2 =	sld [smem:$0x3FC9]  }
0x91: {  	s18 =	sld [smem:$0x3FD0];
	(tm) =	ssettm $0x1  }
0x92: {  	s4 =	sld [smem:$0x3FFB];
	_ =	sdelay $0x3  }
0x93: {  	_ =	strace s4  }
0x94: {  	s4 =	sld [smem:$0x3FFC];
	_ =	sdelay $0x3  }
0x95: {  	_ =	strace s4  }
0x96: {  	s4 =	sld [smem:$0x3FFD];
	_ =	sdelay $0x3  }
0x97: {  	_ =	strace s4  }
0x98: {  	_ =	strace $0x8FFFFFFF  }
0x99: {  	s19 =	sld [smem:$0x3FDB];
	_ =	sdelay $0x1  }
0x9a: {  	s5 =	simm.s32 $_scs_section_size  }
0x9b: {  	s6 =	simm.s32 $_size__tile_overlayer_lowered;
	s7 =	simm.s32 $_tile_overlayer_lowered  }
0x9c: {  	s22 =	simm.s32 $0x1BFF;
	s21 =	sshll.u32 s7, $0x1;
	s4 =	sadd.s32 s5, s19  }
0x9d: {  	s8 =	simm.s32 $0x0;
	s20 =	sshll.u32 s6, $0x1;
	s6 =	sadd.s32 s21, s4  }
0x9e: {  	[timem:s8], [sflag:s22] =	dma.local [hbm:s6], s20  }
0x9f: {  	_ =	swait.ge [sflag:s22], s20  }
0xa0: {  	s5 =	ssub.s32 $0x0, s20;
	[sflag:s22] =	ssyncset.done $0x0  }
0xa1: {  	[sflag:s22] =	ssyncadd.s32 s5;
	_ =	sdelay $0x1  }
0xa2: {  	s23 =	simm.s32 $0x1B8B  }
0xa3: {  	_ =	swait.ge [sflag:s23], $0x1  }
0xa4: {  	[sflag:s23] =	ssyncset.done $0x0  }
0xa5: {  	s25 =	simm.s32 $0x1B8E;
	s24 =	sld [smem:$0x3FFE];
	[sflag:s23] =	ssyncadd.s32 $0xFFFFFFFF  }
0xa6: {  	s26 =	simm.s32 $execute0_lowered;
	[smem:$0x3FD2] =	sst s25  }
0xa7: {  	s6 =	sshll.u32 s26, $0x1;
	_ =	strace $0x80000049;
	[dreg:$0x1] =	wrdreg $0xFFFFFFFF  }
0xa8: {  	s28 =	simm.s32 $_size_execute0_lowered;
	s4 =	sadd.s32 s4, s6;
	[dreg:$0x0] =	wrdreg $0x0  }
0xa9: {  	s6 =	sshll.u32 s28, $0x1;
	[dreg:$0x2] =	wrdreg s4  }
0xaa: {  	[dreg:$0x3] =	wrdreg s6  }
0xab: {  	[dreg:$0x4] =	wrdreg $0xC0  }
0xac: {  	_ =	task [dreg:s8], $0x5FFFF  }
0xad: {  	[dreg:$0x1] =	wrdreg $0xFFFFFFFF  }
0xae: {  	[dreg:$0x0] =	wrdreg $0x60  }
0xaf: {  	[dreg:$0x2] =	wrdreg s2  }
0xb0: {  	[dreg:$0x3] =	wrdreg s24  }
0xb1: {  	[dreg:$0x4] =	wrdreg s18  }
0xb2: {  	[dreg:$0x5] =	wrdreg $0x9  }
0xb3: {  	_ =	task.clear_ibuf [dreg:s8], $0x6FFFF;
	_ =	strace $0x90000049  }
0xb4: {  	s29 =	simm.s32 $0x9;
	_ =	strace $0x8000004B  }
0xb5: {  	_ =	swait.ge [sflag:s29], $0x1  }
0xb6: {  	[sflag:s29] =	ssyncadd.s32 $0xFFFFFFFF  }
0xb7: {  	_ =	strace $0x9000004B  }
0xb8: {  	_ =	sfence  }
0xb9: {  	s30 =	sld [smem:$0x0];
	_ =	sdelay $0x2  }
0xba: {  	s31 =	sshll.u32 s1, $0xD;
	s1 =	sshrl.u32 s1, $0x2  }
0xbb: {  	s3 =	sand.u32 $0x4000, s31;
	s1 =	sadd.s32 s1, s30  }
0xbc: {  	s0 =	sor.u32 s3, s0;
	s1 =	sshll.u32 s1, $0x11  }
0xbd: {  	s0 =	sor.u32 s1, s0  }
0xbe: {  	s0 =	sadd.s32 $0x8F2B, s0  }
0xbf: {  	[sflag:s0] =	ssyncadd.remote.s32 $0x1  }
0xc0: {  	_ =	sfence.sel $0xFFFF  }
0xc1: {  	[dreg:$0x0] =	wrdreg $0xFFFFFFFF;
	(pc) =	sbr.abs _section_cstart, $3  }
0xc2: {  	[dreg:$0x1] =	wrdreg $0xFFFFFFFF  }
0xc3: {  	_ =	task.clear_ibuf [dreg:s8], $0x2FFFF;
	_ =	strace $0x9FFFFFFF  }
0xc4: {  	(tm) =	ssettm $0x7FFFFFFF  }
0xc5: {  	_ =	shalt  }
tec
execute0_lowered:
.L_overlay_start_1:
0x0: {  	(tag) =	ssettag $0x1  }
0x1: {  	s1 =	rddreg [dreg:$0x0]  }
0x2: {  	s2 =	srdreg.scid;
	s5 =	stileid.u32  }
0x3: {  	s0 =	rddreg [dreg:$0x1];
	s2 =	sand.u32 $0x1, s2;
	s5 =	sshll.u32 s5, $0x1  }
0x4: {  	s3 =	rddreg [dreg:$0x2];
	s7 =	sor.u32 s2, s5  }
0x5: {  	s4 =	simm.s32 $0x0;
	s5 =	sadd.s32 $0x4CE00, s0;
	s6 =	sshll.u32 s7, $0x4  }
0x6: {  	s0 =	sadd.s32 $0x6BC00, s0;
	s10 =	sshll.u32 s7, $0x1;
	s8 =	sshrl.u32 s6, $0x3  }
0x7: {  	[smem:$0x7FF] =	sst s4;
	s8 =	sadd.s32 s0, s8;
	s0 =	sadd.s32 s0, s10  }
0x8: {  	_ =	strace $0x8000004A;
	[dreg:$0x4] =	wrdreg s0;
	s20 =	sadd.s32 $0x42, s8  }
0x9: {  	s21 =	sadd.s32 $0x84, s8;
	[dreg:$0x5] =	wrdreg s20  }
0xa: {  	s22 =	sadd.s32 $0xC6, s8;
	[dreg:$0x6] =	wrdreg s21  }
0xb: {  	s23 =	sadd.s32 $0x108, s8;
	[dreg:$0x7] =	wrdreg s22  }
0xc: {  	s24 =	sadd.s32 $0x14A, s8;
	[dreg:$0x8] =	wrdreg s23  }
0xd: {  	s25 =	sadd.s32 $0x18C, s8;
	[dreg:$0x9] =	wrdreg s24  }
0xe: {  	s26 =	sadd.s32 $0x1CE, s8;
	[dreg:$0xa] =	wrdreg s25  }
0xf: {  	s28 =	sadd.s32 $0x210, s8;
	[dreg:$0xb] =	wrdreg s26  }
0x10: {  	s29 =	sadd.s32 $0x252, s8;
	[dreg:$0xc] =	wrdreg s28  }
0x11: {  	s2 =	ssub.s32 $0x2, s2;
	s30 =	sadd.s32 $0x294, s8;
	[dreg:$0xd] =	wrdreg s29  }
0x12: {  	s9 =	sshrl.u32 s2, $0x1;
	s31 =	sadd.s32 $0x2D6, s8;
	[dreg:$0xe] =	wrdreg s30  }
0x13: {  	s2 =	ssub.s32 s2, s9;
	s9 =	sadd.s32 $0x318, s8;
	[dreg:$0xf] =	wrdreg s31  }
0x14: {  	s10 =	sadd.s32 $0x35A, s8;
	[dreg:$0x10] =	wrdreg s9  }
0x15: {  	s11 =	sadd.s32 $0x39C, s8;
	[dreg:$0x11] =	wrdreg s10  }
0x16: {  	s12 =	sadd.s32 $0x3DE, s8;
	[dreg:$0x12] =	wrdreg s11  }
0x17: {  	s14 =	sadd.s32 $0x420, s8;
	[dreg:$0x13] =	wrdreg s12  }
0x18: {  	s15 =	sadd.s32 $0x462, s8;
	[dreg:$0x14] =	wrdreg s14  }
0x19: {  	s16 =	sadd.s32 $0x4A4, s8;
	[dreg:$0x15] =	wrdreg s15  }
0x1a: {  	s17 =	sadd.s32 $0x4E6, s8;
	[dreg:$0x16] =	wrdreg s16  }
0x1b: {  	s18 =	sadd.s32 $0x528, s8;
	[dreg:$0x17] =	wrdreg s17  }
0x1c: {  	s13 =	sshll.u32 s7, $0x10;
	s19 =	sadd.s32 $0x56A, s8;
	[dreg:$0x18] =	wrdreg s18  }
0x1d: {  	s0 =	sadd.s32 s1, s13;
	[dreg:$0x19] =	wrdreg s19  }
0x1e: {  	s20 =	sadd.s32 $0x5AC, s8;
	[smem:$0x7FC] =	sst s0  }
0x1f: {  	s21 =	sadd.s32 $0x5EE, s8;
	[dreg:$0x1a] =	wrdreg s20  }
0x20: {  	s22 =	sadd.s32 $0x630, s8;
	[dreg:$0x1b] =	wrdreg s21  }
0x21: {  	s23 =	sadd.s32 $0x672, s8;
	[dreg:$0x1c] =	wrdreg s22  }
0x22: {  	s24 =	sadd.s32 $0x6B4, s8;
	[dreg:$0x1d] =	wrdreg s23  }
0x23: {  	s25 =	sadd.s32 $0x6F6, s8;
	s26 =	sadd.s32 $0x738, s8;
	[dreg:$0x1e] =	wrdreg s24  }
0x24: {  	s28 =	sadd.s32 $0x77A, s8;
	s29 =	sadd.s32 $0x7BC, s8;
	[dreg:$0x1f] =	wrdreg s25  }
0x25: {  	s30 =	sadd.s32 $0x7FE, s8;
	s31 =	smax.u32 s2, $0x1;
	[smem:$0x7F8] =	sst s26  }
.Ltmp0:
0x26: {  	s15 =	sor.u32 $0x2, s6;
	[smem:$0x7F9] =	sst s28;
	(pc) =	sbr.rel .LBB2_1-.Ltmp0, $4  }
0x27: {  	s16 =	simm.s32 $0x1;
	s17 =	simm.s32 $0x400;
	[smem:$0x7FA] =	sst s29  }
0x28: {  	s18 =	simm.s32 $0x8400;
	s19 =	simm.s32 $0x11400;
	[smem:$0x7FB] =	sst s30  }
0x29: {  	[smem:$0x7FD] =	sst s31;
	s20 =	simm.s32 $0x11480;
	s21 =	simm.s32 $0x2  }
0x2a: {  	v0 =	vlaneseq.u32;
	vm0 =	vcmask $0x300;
	v1 =	vimm.f32 $0.0e+00;
	s22 =	simm.s32 $0x3;
	s24 =	simm.s32 $0x5;
	s25 =	simm.s32 $0x0  }
.LBB2_17:
0x2b: {  	s0 =	simm.s32 $0x4  }
0x2c: {  	_ =	swait.ge [sflag:s0], $0x8000  }
0x2d: {  	[sflag:s0] =	ssyncset.done $0x0  }
0x2e: {  	[sflag:s0] =	ssyncadd.s32 $0xFFFF8000  }
0x2f: {  	_ =	swait.ge [sflag:s24], $0x8000  }
0x30: {  	s31 =	sld [smem:$0x7FD];
	_ =	sdelay $0x1  }
0x31: {  	s25 =	sadd.s32 $0x1, s25  }
0x32: {  	p0 =	sne.s32 s25, s31  }
.Ltmp1:
0x33: {  	_ = 	snop;
	(pc) =	sbr.rel @!p0 .LBB2_18-.Ltmp1, $3  }
0x34: {  	_ =	sdelay $0x1  }
0x35: {  	[sflag:s24] =	ssyncset.done $0x0  }
0x36: {  	[sflag:s24] =	ssyncadd.s32 $0xFFFF8000  }
.LBB2_1:
0x37: {  	s0 =	rddreg [dreg:$0x4]  }
0x38: {  	s13 =	rddreg [dreg:$0x5]  }
0x39: {  	[tilespmem:s4], [sflag:$0x1] =	stream.linear.gather [hbm4b:s0+s4], $0x20, $0x38;
	[tilespmem:$0x11500] =	vst v63  }
0x3a: {  	s2 =	simm.s32 $0x20;
	s14 =	rddreg [dreg:$0x6]  }
0x3b: {  	[tilespmem:s2], [sflag:$0x1] =	stream.linear.gather [hbm4b:s13+s4], $0x20, $0x38;
	[tilespmem:$0x11500] =	vst v63  }
0x3c: {  	s23 =	simm.s32 $0x40;
	s26 =	rddreg [dreg:$0x7]  }
0x3d: {  	[tilespmem:s23], [sflag:$0x1] =	stream.linear.gather [hbm4b:s14+s4], $0x20, $0x38;
	[tilespmem:$0x11500] =	vst v63  }
0x3e: {  	s29 =	simm.s32 $0x60;
	s30 =	rddreg [dreg:$0x8]  }
0x3f: {  	[tilespmem:s29], [sflag:$0x1] =	stream.linear.gather [hbm4b:s26+s4], $0x20, $0x38;
	[tilespmem:$0x11500] =	vst v63  }
0x40: {  	s31 =	simm.s32 $0x80;
	s8 =	rddreg [dreg:$0xa]  }
0x41: {  	[tilespmem:s31], [sflag:$0x1] =	stream.linear.gather [hbm4b:s30+s4], $0x20, $0x38;
	[tilespmem:$0x11500] =	vst v63  }
0x42: {  	s7 =	simm.s32 $0xA0;
	s2 =	rddreg [dreg:$0x9]  }
0x43: {  	[tilespmem:s7], [sflag:$0x1] =	stream.linear.gather [hbm4b:s2+s4], $0x20, $0x38;
	[tilespmem:$0x11500] =	vst v63  }
0x44: {  	s9 =	simm.s32 $0xC0;
	s10 =	rddreg [dreg:$0xb]  }
0x45: {  	[tilespmem:s9], [sflag:$0x1] =	stream.linear.gather [hbm4b:s8+s4], $0x20, $0x38;
	[tilespmem:$0x11500] =	vst v63  }
0x46: {  	s11 =	simm.s32 $0xE0;
	s12 =	rddreg [dreg:$0xc]  }
0x47: {  	[tilespmem:s11], [sflag:$0x1] =	stream.linear.gather [hbm4b:s10+s4], $0x20, $0x38;
	[tilespmem:$0x11500] =	vst v63  }
0x48: {  	s13 =	simm.s32 $0x100;
	s14 =	rddreg [dreg:$0xd]  }
0x49: {  	[tilespmem:s13], [sflag:$0x1] =	stream.linear.gather [hbm4b:s12+s4], $0x20, $0x38;
	[tilespmem:$0x11500] =	vst v63  }
0x4a: {  	s23 =	simm.s32 $0x120;
	s26 =	rddreg [dreg:$0xe]  }
0x4b: {  	[tilespmem:s23], [sflag:$0x1] =	stream.linear.gather [hbm4b:s14+s4], $0x20, $0x38;
	[tilespmem:$0x11500] =	vst v63  }
0x4c: {  	s29 =	simm.s32 $0x140;
	s30 =	rddreg [dreg:$0xf]  }
0x4d: {  	[tilespmem:s29], [sflag:$0x1] =	stream.linear.gather [hbm4b:s26+s4], $0x20, $0x38;
	[tilespmem:$0x11500] =	vst v63  }
0x4e: {  	s31 =	simm.s32 $0x160;
	s2 =	rddreg [dreg:$0x10]  }
0x4f: {  	[tilespmem:s31], [sflag:$0x1] =	stream.linear.gather [hbm4b:s30+s4], $0x20, $0x38;
	[tilespmem:$0x11500] =	vst v63  }
0x50: {  	s7 =	simm.s32 $0x180;
	s8 =	rddreg [dreg:$0x11]  }
0x51: {  	[tilespmem:s7], [sflag:$0x1] =	stream.linear.gather [hbm4b:s2+s4], $0x20, $0x38;
	[tilespmem:$0x11500] =	vst v63  }
0x52: {  	s9 =	simm.s32 $0x1A0;
	s10 =	rddreg [dreg:$0x12]  }
0x53: {  	[tilespmem:s9], [sflag:$0x1] =	stream.linear.gather [hbm4b:s8+s4], $0x20, $0x38;
	[tilespmem:$0x11500] =	vst v63  }
0x54: {  	s11 =	simm.s32 $0x1C0;
	s12 =	rddreg [dreg:$0x13]  }
0x55: {  	[tilespmem:s11], [sflag:$0x1] =	stream.linear.gather [hbm4b:s10+s4], $0x20, $0x38;
	[tilespmem:$0x11500] =	vst v63  }
0x56: {  	s13 =	simm.s32 $0x1E0;
	s14 =	rddreg [dreg:$0x14]  }
0x57: {  	[tilespmem:s13], [sflag:$0x1] =	stream.linear.gather [hbm4b:s12+s4], $0x20, $0x38;
	[tilespmem:$0x11500] =	vst v63  }
0x58: {  	s23 =	simm.s32 $0x200;
	s26 =	rddreg [dreg:$0x15]  }
0x59: {  	[tilespmem:s23], [sflag:$0x1] =	stream.linear.gather [hbm4b:s14+s4], $0x20, $0x38;
	[tilespmem:$0x11500] =	vst v63  }
0x5a: {  	s29 =	simm.s32 $0x220;
	s30 =	rddreg [dreg:$0x16]  }
0x5b: {  	[tilespmem:s29], [sflag:$0x1] =	stream.linear.gather [hbm4b:s26+s4], $0x20, $0x38;
	[tilespmem:$0x11500] =	vst v63  }
0x5c: {  	s31 =	simm.s32 $0x240;
	s2 =	rddreg [dreg:$0x17]  }
0x5d: {  	[tilespmem:s31], [sflag:$0x1] =	stream.linear.gather [hbm4b:s30+s4], $0x20, $0x38;
	[tilespmem:$0x11500] =	vst v63  }
0x5e: {  	s7 =	simm.s32 $0x260;
	s8 =	rddreg [dreg:$0x18]  }
0x5f: {  	[tilespmem:s7], [sflag:$0x1] =	stream.linear.gather [hbm4b:s2+s4], $0x20, $0x38;
	[tilespmem:$0x11500] =	vst v63  }
0x60: {  	s9 =	simm.s32 $0x280;
	s10 =	rddreg [dreg:$0x19]  }
0x61: {  	[tilespmem:s9], [sflag:$0x1] =	stream.linear.gather [hbm4b:s8+s4], $0x20, $0x38;
	[tilespmem:$0x11500] =	vst v63  }
0x62: {  	s11 =	simm.s32 $0x2A0;
	s12 =	rddreg [dreg:$0x1a]  }
0x63: {  	[tilespmem:s11], [sflag:$0x1] =	stream.linear.gather [hbm4b:s10+s4], $0x20, $0x38;
	[tilespmem:$0x11500] =	vst v63  }
0x64: {  	s13 =	simm.s32 $0x2C0;
	s14 =	rddreg [dreg:$0x1b]  }
0x65: {  	[tilespmem:s13], [sflag:$0x1] =	stream.linear.gather [hbm4b:s12+s4], $0x20, $0x38;
	[tilespmem:$0x11500] =	vst v63  }
0x66: {  	s23 =	simm.s32 $0x2E0;
	s26 =	rddreg [dreg:$0x1c]  }
0x67: {  	[tilespmem:s23], [sflag:$0x1] =	stream.linear.gather [hbm4b:s14+s4], $0x20, $0x38;
	[tilespmem:$0x11500] =	vst v63  }
0x68: {  	s29 =	simm.s32 $0x300;
	s30 =	rddreg [dreg:$0x1d]  }
0x69: {  	[tilespmem:s29], [sflag:$0x1] =	stream.linear.gather [hbm4b:s26+s4], $0x20, $0x38;
	[tilespmem:$0x11500] =	vst v63  }
0x6a: {  	s31 =	simm.s32 $0x320;
	s7 =	rddreg [dreg:$0x1e]  }
0x6b: {  	[tilespmem:s31], [sflag:$0x1] =	stream.linear.gather [hbm4b:s30+s4], $0x20, $0x38;
	[tilespmem:$0x11500] =	vst v63  }
0x6c: {  	s8 =	simm.s32 $0x340;
	s9 =	rddreg [dreg:$0x1f]  }
0x6d: {  	[tilespmem:s8], [sflag:$0x1] =	stream.linear.gather [hbm4b:s7+s4], $0x20, $0x38;
	[tilespmem:$0x11500] =	vst v63  }
0x6e: {  	s10 =	simm.s32 $0x360;
	s11 =	sld [smem:$0x7F8]  }
0x6f: {  	[tilespmem:s10], [sflag:$0x1] =	stream.linear.gather [hbm4b:s9+s4], $0x20, $0x38;
	[tilespmem:$0x11500] =	vst v63  }
0x70: {  	s12 =	simm.s32 $0x380;
	s13 =	sld [smem:$0x7F9]  }
0x71: {  	[tilespmem:s12], [sflag:$0x1] =	stream.linear.gather [hbm4b:s11+s4], $0x20, $0x38;
	[tilespmem:$0x11500] =	vst v63  }
0x72: {  	s14 =	simm.s32 $0x3A0;
	s23 =	sld [smem:$0x7FA]  }
0x73: {  	[tilespmem:s14], [sflag:$0x1] =	stream.linear.gather [hbm4b:s13+s4], $0x20, $0x38;
	[tilespmem:$0x11500] =	vst v63  }
0x74: {  	s26 =	simm.s32 $0x3C0;
	s29 =	sld [smem:$0x7FB]  }
0x75: {  	[tilespmem:s26], [sflag:$0x1] =	stream.linear.gather [hbm4b:s23+s4], $0x20, $0x38;
	[tilespmem:$0x11500] =	vst v63  }
0x76: {  	s30 =	simm.s32 $0x3E0  }
0x77: {  	[tilespmem:s30], [sflag:$0x1] =	stream.linear.gather [hbm4b:s29+s4], $0x20, $0x38;
	[tilespmem:$0x11500] =	vst v63  }
0x78: {  	_ =	swait.ge [sflag:s16], $0x20  }
0x79: {  	[sflag:s16] =	ssyncset.done $0x0  }
0x7a: {  	[sflag:s16] =	ssyncadd.s32 $0xFFFFFFE0  }
0x7b: {  	_ =	swait.ge [sflag:s16], $0x20  }
0x7c: {  	[sflag:s16] =	ssyncset.done $0x0  }
0x7d: {  	[sflag:s16] =	ssyncadd.s32 $0xFFFFFFE0  }
0x7e: {  	_ =	swait.ge [sflag:s16], $0x20  }
0x7f: {  	[sflag:s16] =	ssyncset.done $0x0  }
0x80: {  	[sflag:s16] =	ssyncadd.s32 $0xFFFFFFE0  }
0x81: {  	_ =	swait.ge [sflag:s16], $0x20  }
0x82: {  	[sflag:s16] =	ssyncset.done $0x0  }
0x83: {  	[sflag:s16] =	ssyncadd.s32 $0xFFFFFFE0  }
0x84: {  	_ =	swait.ge [sflag:s16], $0x20  }
0x85: {  	[sflag:s16] =	ssyncset.done $0x0  }
0x86: {  	[sflag:s16] =	ssyncadd.s32 $0xFFFFFFE0  }
0x87: {  	_ =	swait.ge [sflag:s16], $0x20  }
0x88: {  	[sflag:s16] =	ssyncset.done $0x0  }
0x89: {  	[sflag:s16] =	ssyncadd.s32 $0xFFFFFFE0  }
0x8a: {  	_ =	swait.ge [sflag:s16], $0x20  }
0x8b: {  	[sflag:s16] =	ssyncset.done $0x0  }
0x8c: {  	[sflag:s16] =	ssyncadd.s32 $0xFFFFFFE0  }
0x8d: {  	_ =	swait.ge [sflag:s16], $0x20  }
0x8e: {  	[sflag:s16] =	ssyncset.done $0x0  }
0x8f: {  	[sflag:s16] =	ssyncadd.s32 $0xFFFFFFE0  }
0x90: {  	_ =	swait.ge [sflag:s16], $0x20  }
0x91: {  	[sflag:s16] =	ssyncset.done $0x0  }
0x92: {  	[sflag:s16] =	ssyncadd.s32 $0xFFFFFFE0  }
0x93: {  	_ =	swait.ge [sflag:s16], $0x20  }
0x94: {  	[sflag:s16] =	ssyncset.done $0x0  }
0x95: {  	[sflag:s16] =	ssyncadd.s32 $0xFFFFFFE0  }
0x96: {  	_ =	swait.ge [sflag:s16], $0x20  }
0x97: {  	[sflag:s16] =	ssyncset.done $0x0  }
0x98: {  	[sflag:s16] =	ssyncadd.s32 $0xFFFFFFE0  }
0x99: {  	_ =	swait.ge [sflag:s16], $0x20  }
0x9a: {  	[sflag:s16] =	ssyncset.done $0x0  }
0x9b: {  	[sflag:s16] =	ssyncadd.s32 $0xFFFFFFE0  }
0x9c: {  	_ =	swait.ge [sflag:s16], $0x20  }
0x9d: {  	[sflag:s16] =	ssyncset.done $0x0  }
0x9e: {  	[sflag:s16] =	ssyncadd.s32 $0xFFFFFFE0  }
0x9f: {  	_ =	swait.ge [sflag:s16], $0x20  }
0xa0: {  	[sflag:s16] =	ssyncset.done $0x0  }
0xa1: {  	[sflag:s16] =	ssyncadd.s32 $0xFFFFFFE0  }
0xa2: {  	_ =	swait.ge [sflag:s16], $0x20  }
0xa3: {  	[sflag:s16] =	ssyncset.done $0x0  }
0xa4: {  	[sflag:s16] =	ssyncadd.s32 $0xFFFFFFE0  }
0xa5: {  	_ =	swait.ge [sflag:s16], $0x20  }
0xa6: {  	[sflag:s16] =	ssyncset.done $0x0  }
0xa7: {  	[sflag:s16] =	ssyncadd.s32 $0xFFFFFFE0  }
0xa8: {  	_ =	swait.ge [sflag:s16], $0x20  }
0xa9: {  	[sflag:s16] =	ssyncset.done $0x0  }
0xaa: {  	[sflag:s16] =	ssyncadd.s32 $0xFFFFFFE0  }
0xab: {  	_ =	swait.ge [sflag:s16], $0x20  }
0xac: {  	[sflag:s16] =	ssyncset.done $0x0  }
0xad: {  	[sflag:s16] =	ssyncadd.s32 $0xFFFFFFE0  }
0xae: {  	_ =	swait.ge [sflag:s16], $0x20  }
0xaf: {  	[sflag:s16] =	ssyncset.done $0x0  }
0xb0: {  	[sflag:s16] =	ssyncadd.s32 $0xFFFFFFE0  }
0xb1: {  	_ =	swait.ge [sflag:s16], $0x20  }
0xb2: {  	[sflag:s16] =	ssyncset.done $0x0  }
0xb3: {  	[sflag:s16] =	ssyncadd.s32 $0xFFFFFFE0  }
0xb4: {  	_ =	swait.ge [sflag:s16], $0x20  }
0xb5: {  	[sflag:s16] =	ssyncset.done $0x0  }
0xb6: {  	[sflag:s16] =	ssyncadd.s32 $0xFFFFFFE0  }
0xb7: {  	_ =	swait.ge [sflag:s16], $0x20  }
0xb8: {  	[sflag:s16] =	ssyncset.done $0x0  }
0xb9: {  	[sflag:s16] =	ssyncadd.s32 $0xFFFFFFE0  }
0xba: {  	_ =	swait.ge [sflag:s16], $0x20  }
0xbb: {  	[sflag:s16] =	ssyncset.done $0x0  }
0xbc: {  	[sflag:s16] =	ssyncadd.s32 $0xFFFFFFE0  }
0xbd: {  	_ =	swait.ge [sflag:s16], $0x20  }
0xbe: {  	[sflag:s16] =	ssyncset.done $0x0  }
0xbf: {  	[sflag:s16] =	ssyncadd.s32 $0xFFFFFFE0  }
0xc0: {  	_ =	swait.ge [sflag:s16], $0x20  }
0xc1: {  	[sflag:s16] =	ssyncset.done $0x0  }
0xc2: {  	[sflag:s16] =	ssyncadd.s32 $0xFFFFFFE0  }
0xc3: {  	_ =	swait.ge [sflag:s16], $0x20  }
0xc4: {  	[sflag:s16] =	ssyncset.done $0x0  }
0xc5: {  	[sflag:s16] =	ssyncadd.s32 $0xFFFFFFE0  }
0xc6: {  	_ =	swait.ge [sflag:s16], $0x20  }
0xc7: {  	[sflag:s16] =	ssyncset.done $0x0  }
0xc8: {  	[sflag:s16] =	ssyncadd.s32 $0xFFFFFFE0  }
0xc9: {  	_ =	swait.ge [sflag:s16], $0x20  }
0xca: {  	[sflag:s16] =	ssyncset.done $0x0  }
0xcb: {  	[sflag:s16] =	ssyncadd.s32 $0xFFFFFFE0  }
0xcc: {  	_ =	swait.ge [sflag:s16], $0x20  }
0xcd: {  	[sflag:s16] =	ssyncset.done $0x0  }
0xce: {  	[sflag:s16] =	ssyncadd.s32 $0xFFFFFFE0  }
0xcf: {  	_ =	swait.ge [sflag:s16], $0x20  }
0xd0: {  	[sflag:s16] =	ssyncset.done $0x0  }
0xd1: {  	[sflag:s16] =	ssyncadd.s32 $0xFFFFFFE0  }
0xd2: {  	_ =	swait.ge [sflag:s16], $0x20  }
0xd3: {  	[sflag:s16] =	ssyncset.done $0x0  }
0xd4: {  	[sflag:s16] =	ssyncadd.s32 $0xFFFFFFE0  }
.Ltmp2:
0xd5: {  	_ =	swait.ge [sflag:s16], $0x20;
	(pc) =	sbr.rel .LBB2_2-.Ltmp2, $4  }
0xd6: {  	s31 =	sld [smem:$0x7FC]  }
0xd7: {  	[sflag:s16] =	ssyncset.done $0x0  }
0xd8: {  	s28 =	simm.s32 $0x0;
	s26 =	simm.s32 $0x2;
	[sflag:s16] =	ssyncadd.s32 $0xFFFFFFE0  }
0xd9: {  	[tilespmem:s17], [sflag:$0x2] =	stream.linear.gather [hbm4b:s31+s4], $0x8000, $0x38;
	[tilespmem:$0x11500] =	vst v63  }
.LBB2_16:
0xda: {  	s28 =	sadd.s32 $0x1, s28  }
0xdb: {  	p0 =	sne.s32 s28, $0x8  }
.Ltmp3:
0xdc: {  	_ = 	snop;
	(pc) =	sbr.rel @!p0 .LBB2_17-.Ltmp3, $3  }
0xdd: {  	_ =	sdelay $0x1  }
0xde: {  	s0 =	sadd.s32 s3, s29;
	s26 =	sadd.s32 $0x2, s26  }
0xdf: {  	[hbm4b:s0+s4] =	stream.linear.scatter [tilespmem:s18], [sflag:$0x5], $0x8000, $0x38;
	[tilespmem:$0x11500] =	vst v63  }
.LBB2_2:
0xe0: {  	s0 =	sshllo.u32 s28, $0x1;
	p0 =	seq.s32 s28, $0x0  }
0xe1: {  	s2 =	simm.s32 @!p0 $0x5;
	s30 =	sor.u32 s6, s0  }
0xe2: {  	_ =	swait.ge @!p0 [sflag:s2], $0x8000;
	s7 =	sshll.u32 s30, $0xC  }
0xe3: {  	[sflag:s2] =	ssyncset.done @!p0 $0x0;
	s29 =	sand.u32 $0x1FFFF000, s7  }
0xe4: {  	[sflag:s2] =	ssyncadd.s32 @!p0 $0xFFFF8000;
	s7 =	sadd.s32 s1, s29;
	s2 =	simm.s32 $0x0  }
0xe5: {  	[tilespmem:s18], [sflag:$0x3] =	stream.linear.gather [hbm4b:s7+s2], $0x8000, $0x38;
	[tilespmem:$0x11500] =	vst v63  }
0xe6: {  	v2 =	vld [tilespmem:s2+$0x0];
	_ =	sdelay $0x1  }
0xe7: {  	s31 =	sshll.u32 s28, $0x1  }
0xe8: {  	v3 =	vmov s31  }
0xe9: {  	vm2 =	veq.s32 v3, v0  }
0xea: {  	v3 =	vnsel vm2, $0x0, v2  }
0xeb: {  	(xrf0) =	vadd.scan.msk.s32 $0xffff, v3;
	_ =	sdelay $0x5  }
0xec: {  	v3, _, _ =	vpop (xrf0)  }
0xed: {  	(v2sf) =	vpush v3, $0xF;
	_ =	sdelay $0x5  }
0xee: {  	v4 =	vmov s0  }
0xef: {  	vm1 =	veq.s32 v4, v0  }
0xf0: {  	v2 =	vnsel vm1, $0x0, v2  }
0xf1: {  	(xrf0) =	vadd.scan.msk.s32 $0xffff, v2;
	_ =	sdelay $0x1  }
0xf2: {  	v2 =	vmov s2  }
0xf3: {  	v2 =	vnsel vm0, $0x0, v2;
	_ =	sdelay $0x2  }
0xf4: {  	v3 =	vbroadcast v3, $0xF;
	v63, _, _ =	vpop (xrf0);
	s14 =	spop (v2sf)  }
0xf5: {  	v4 =	vbroadcast v63, $0xF;
	s0 =	sadd.s32 $0x0, s14  }
0xf6: {  	s23 =	sshll.u32 s26, $0x2;
	[tilespmem:v2+s19+$0x0] =	vst.idx.msk $0x1, v3;
	s0 =	sshrl.u32 s0, $0x3  }
0xf7: {  	s9 =	simm.s32 $0x20;
	s7 =	simm.s32 $0x10400;
	[tilespmem:v2+s20+$0x0] =	vst.idx.msk $0x1, v4;
	s0 =	sadd.s32 s5, s0  }
0xf8: {  	[tilespmem:s7], [sflag:$0x1] =	stream.linear.gather [hbm4b:s0+s4], $0x80, $0x38;
	[tilespmem:$0x11500] =	vst v63  }
0xf9: {  	s8 =	simm.s32 $0x1;
	s10 =	simm.s32 $0x2;
	s0 =	sand.u32 $0xFFFFFFC0, s23;
	v2 =	vld [tilespmem:s9+$0x0]  }
.LBB2_3:
0xfa: {  	p0 =	sne.s32 s10, $0x1F;
	_ =	sdelay $0x3  }
0xfb: {  	v3 =	vnsel vm2, $0x0, v2  }
0xfc: {  	(xrf0) =	vadd.scan.msk.s32 $0xffff, v3;
	_ =	sdelay $0x5  }
0xfd: {  	v3, _, _ =	vpop (xrf0)  }
0xfe: {  	(v2sf) =	vpush v3, $0xF;
	_ =	sdelay $0x8  }
0xff: {  	v2 =	vnsel vm1, $0x0, v2  }
0x100: {  	(xrf0) =	vadd.scan.msk.s32 $0xffff, v2;
	_ =	sdelay $0x1  }
0x101: {  	v2 =	vmov s8;
	s8 =	smov.u32 s10  }
0x102: {  	v2 =	vnsel vm0, $0x0, v2;
	_ =	sdelay $0x1  }
0x103: {  	s2 =	sadd.s32 $0x7B80, s2;
	s11 =	spop (v2sf)  }
.Ltmp4:
0x104: {  	v3 =	vbroadcast v3, $0xF;
	s11 =	sadd.s32 s2, s11;
	v4, _, _ =	vpop (xrf0);
	(pc) =	sbr.rel @p0 .LBB2_3-.Ltmp4, $4  }
0x105: {  	v4 =	vbroadcast v4, $0xF;
	s11 =	sshrl.u32 s11, $0x3  }
0x106: {  	s9 =	sadd.s32 $0x20, s9;
	s7 =	sadd.s32 $0x80, s7;
	[tilespmem:v2+s19+$0x0] =	vst.idx.msk $0x1, v3;
	s11 =	sadd.s32 s5, s11  }
0x107: {  	[tilespmem:v2+s20+$0x0] =	vst.idx.msk $0x1, v4;
	[tilespmem:s7], [sflag:$0x1] =	stream.linear.gather [hbm4b:s11+s4], $0x80, $0x38  }
0x108: {  	s10 =	sadd.s32 $0x1, s10;
	v2 =	vld [tilespmem:s9+$0x0]  }
0x109: {  	_ =	sdelay $0x3  }
0x10a: {  	v3 =	vnsel vm2, $0x0, v2  }
0x10b: {  	(xrf0) =	vadd.scan.msk.s32 $0xffff, v3;
	_ =	sdelay $0x5  }
0x10c: {  	v3, _, _ =	vpop (xrf0)  }
0x10d: {  	(v2sf) =	vpush v3, $0xF;
	_ =	sdelay $0x7  }
0x10e: {  	v2 =	vnsel vm1, $0x0, v2  }
0x10f: {  	(xrf0) =	vadd.scan.msk.s32 $0xffff, v2;
	_ =	sdelay $0x1  }
0x110: {  	v2 =	vmov s8  }
0x111: {  	v2 =	vnsel vm0, $0x0, v2;
	_ =	sdelay $0x2  }
0x112: {  	s2 =	sadd.s32 $0x7B80, s2;
	v3 =	vbroadcast v3, $0xF;
	v4, _, _ =	vpop (xrf0);
	s14 =	spop (v2sf)  }
0x113: {  	v4 =	vbroadcast v4, $0xF;
	s2 =	sadd.s32 s2, s14  }
0x114: {  	[tilespmem:v2+s19+$0x0] =	vst.idx.msk $0x1, v3;
	s2 =	sshrl.u32 s2, $0x3  }
0x115: {  	s7 =	sadd.s32 $0x80, s7;
	[tilespmem:v2+s20+$0x0] =	vst.idx.msk $0x1, v4;
	s2 =	sadd.s32 s5, s2  }
0x116: {  	[tilespmem:s7], [sflag:$0x1] =	stream.linear.gather [hbm4b:s2+s4], $0x80, $0x38;
	[tilespmem:$0x11500] =	vst v63  }
0x117: {  	_ =	swait.ge [sflag:s16], $0x80  }
0x118: {  	[sflag:s16] =	ssyncset.done $0x0  }
0x119: {  	[sflag:s16] =	ssyncadd.s32 $0xFFFFFF80  }
0x11a: {  	_ =	swait.ge [sflag:s16], $0x80  }
0x11b: {  	[sflag:s16] =	ssyncset.done $0x0  }
0x11c: {  	[sflag:s16] =	ssyncadd.s32 $0xFFFFFF80  }
0x11d: {  	_ =	swait.ge [sflag:s16], $0x80  }
0x11e: {  	[sflag:s16] =	ssyncset.done $0x0  }
0x11f: {  	[sflag:s16] =	ssyncadd.s32 $0xFFFFFF80  }
0x120: {  	_ =	swait.ge [sflag:s16], $0x80  }
0x121: {  	[sflag:s16] =	ssyncset.done $0x0  }
0x122: {  	[sflag:s16] =	ssyncadd.s32 $0xFFFFFF80  }
0x123: {  	_ =	swait.ge [sflag:s16], $0x80  }
0x124: {  	[sflag:s16] =	ssyncset.done $0x0  }
0x125: {  	[sflag:s16] =	ssyncadd.s32 $0xFFFFFF80  }
0x126: {  	_ =	swait.ge [sflag:s16], $0x80  }
0x127: {  	[sflag:s16] =	ssyncset.done $0x0  }
0x128: {  	[sflag:s16] =	ssyncadd.s32 $0xFFFFFF80  }
0x129: {  	_ =	swait.ge [sflag:s16], $0x80  }
0x12a: {  	[sflag:s16] =	ssyncset.done $0x0  }
0x12b: {  	[sflag:s16] =	ssyncadd.s32 $0xFFFFFF80  }
0x12c: {  	_ =	swait.ge [sflag:s16], $0x80  }
0x12d: {  	[sflag:s16] =	ssyncset.done $0x0  }
0x12e: {  	[sflag:s16] =	ssyncadd.s32 $0xFFFFFF80  }
0x12f: {  	_ =	swait.ge [sflag:s16], $0x80  }
0x130: {  	[sflag:s16] =	ssyncset.done $0x0  }
0x131: {  	[sflag:s16] =	ssyncadd.s32 $0xFFFFFF80  }
0x132: {  	_ =	swait.ge [sflag:s16], $0x80  }
0x133: {  	[sflag:s16] =	ssyncset.done $0x0  }
0x134: {  	[sflag:s16] =	ssyncadd.s32 $0xFFFFFF80  }
0x135: {  	_ =	swait.ge [sflag:s16], $0x80  }
0x136: {  	[sflag:s16] =	ssyncset.done $0x0  }
0x137: {  	[sflag:s16] =	ssyncadd.s32 $0xFFFFFF80  }
0x138: {  	_ =	swait.ge [sflag:s16], $0x80  }
0x139: {  	[sflag:s16] =	ssyncset.done $0x0  }
0x13a: {  	[sflag:s16] =	ssyncadd.s32 $0xFFFFFF80  }
0x13b: {  	_ =	swait.ge [sflag:s16], $0x80  }
0x13c: {  	[sflag:s16] =	ssyncset.done $0x0  }
0x13d: {  	[sflag:s16] =	ssyncadd.s32 $0xFFFFFF80  }
0x13e: {  	_ =	swait.ge [sflag:s16], $0x80  }
0x13f: {  	[sflag:s16] =	ssyncset.done $0x0  }
0x140: {  	[sflag:s16] =	ssyncadd.s32 $0xFFFFFF80  }
0x141: {  	_ =	swait.ge [sflag:s16], $0x80  }
0x142: {  	[sflag:s16] =	ssyncset.done $0x0  }
0x143: {  	[sflag:s16] =	ssyncadd.s32 $0xFFFFFF80  }
0x144: {  	_ =	swait.ge [sflag:s16], $0x80  }
0x145: {  	[sflag:s16] =	ssyncset.done $0x0  }
0x146: {  	[sflag:s16] =	ssyncadd.s32 $0xFFFFFF80  }
0x147: {  	_ =	swait.ge [sflag:s16], $0x80  }
0x148: {  	[sflag:s16] =	ssyncset.done $0x0  }
0x149: {  	[sflag:s16] =	ssyncadd.s32 $0xFFFFFF80  }
0x14a: {  	_ =	swait.ge [sflag:s16], $0x80  }
0x14b: {  	[sflag:s16] =	ssyncset.done $0x0  }
0x14c: {  	[sflag:s16] =	ssyncadd.s32 $0xFFFFFF80  }
0x14d: {  	_ =	swait.ge [sflag:s16], $0x80  }
0x14e: {  	[sflag:s16] =	ssyncset.done $0x0  }
0x14f: {  	[sflag:s16] =	ssyncadd.s32 $0xFFFFFF80  }
0x150: {  	_ =	swait.ge [sflag:s16], $0x80  }
0x151: {  	[sflag:s16] =	ssyncset.done $0x0  }
0x152: {  	[sflag:s16] =	ssyncadd.s32 $0xFFFFFF80  }
0x153: {  	_ =	swait.ge [sflag:s16], $0x80  }
0x154: {  	[sflag:s16] =	ssyncset.done $0x0  }
0x155: {  	[sflag:s16] =	ssyncadd.s32 $0xFFFFFF80  }
0x156: {  	_ =	swait.ge [sflag:s16], $0x80  }
0x157: {  	[sflag:s16] =	ssyncset.done $0x0  }
0x158: {  	[sflag:s16] =	ssyncadd.s32 $0xFFFFFF80  }
0x159: {  	_ =	swait.ge [sflag:s16], $0x80  }
0x15a: {  	[sflag:s16] =	ssyncset.done $0x0  }
0x15b: {  	[sflag:s16] =	ssyncadd.s32 $0xFFFFFF80  }
0x15c: {  	_ =	swait.ge [sflag:s16], $0x80  }
0x15d: {  	[sflag:s16] =	ssyncset.done $0x0  }
0x15e: {  	[sflag:s16] =	ssyncadd.s32 $0xFFFFFF80  }
0x15f: {  	_ =	swait.ge [sflag:s16], $0x80  }
0x160: {  	[sflag:s16] =	ssyncset.done $0x0  }
0x161: {  	[sflag:s16] =	ssyncadd.s32 $0xFFFFFF80  }
0x162: {  	_ =	swait.ge [sflag:s16], $0x80  }
0x163: {  	[sflag:s16] =	ssyncset.done $0x0  }
0x164: {  	[sflag:s16] =	ssyncadd.s32 $0xFFFFFF80  }
0x165: {  	_ =	swait.ge [sflag:s16], $0x80  }
0x166: {  	[sflag:s16] =	ssyncset.done $0x0  }
0x167: {  	[sflag:s16] =	ssyncadd.s32 $0xFFFFFF80  }
0x168: {  	_ =	swait.ge [sflag:s16], $0x80  }
0x169: {  	[sflag:s16] =	ssyncset.done $0x0  }
0x16a: {  	[sflag:s16] =	ssyncadd.s32 $0xFFFFFF80  }
0x16b: {  	_ =	swait.ge [sflag:s16], $0x80  }
0x16c: {  	[sflag:s16] =	ssyncset.done $0x0  }
0x16d: {  	[sflag:s16] =	ssyncadd.s32 $0xFFFFFF80  }
0x16e: {  	_ =	swait.ge [sflag:s16], $0x80  }
0x16f: {  	[sflag:s16] =	ssyncset.done $0x0  }
0x170: {  	[sflag:s16] =	ssyncadd.s32 $0xFFFFFF80  }
0x171: {  	_ =	swait.ge [sflag:s16], $0x80  }
0x172: {  	[sflag:s16] =	ssyncset.done $0x0  }
0x173: {  	[sflag:s16] =	ssyncadd.s32 $0xFFFFFF80  }
0x174: {  	_ =	swait.ge [sflag:s16], $0x80  }
.Ltmp5:
0x175: {  	[sflag:s16] =	ssyncset.done $0x0;
	(pc) =	sbr.rel .LBB2_5-.Ltmp5, $4  }
0x176: {  	[sflag:s16] =	ssyncadd.s32 $0xFFFFFF80  }
0x177: {  	s2 =	sor.u32 s6, s31;
	_ =	swait.ge [sflag:s21], $0x8000  }
0x178: {  	s23 =	sshll.u32 s2, $0xF;
	[sflag:s21] =	ssyncset.done $0x0  }
0x179: {  	s8 =	simm.s32 $0x0;
	s7 =	simm.s32 $0x0;
	v2 =	vmov s23;
	[sflag:s21] =	ssyncadd.s32 $0xFFFF8000  }
.LBB2_8:
0x17a: {  	s8 =	sadd.s32 $0x1, s8  }
0x17b: {  	p0 =	sne.s32 s8, $0x20  }
.Ltmp6:
0x17c: {  	_ = 	snop;
	(pc) =	sbr.rel @!p0 .LBB2_9-.Ltmp6, $2  }
0x17d: {  	_ =	sdelay $0x2  }
0x17e: {  	s7 =	sadd.s32 $0x7B80, s7  }
.LBB2_5:
0x17f: {  	s9 =	sand.u32 $0x10, s8  }
0x180: {  	v3 =	vld [tilespmem:s9+$0x11400]  }
0x181: {  	v4 =	vld [tilespmem:s9+$0x11480]  }
0x182: {  	s14 =	sand.u32 $0xF, s8  }
0x183: {  	v5 =	vmov s14  }
0x184: {  	vm2 =	veq.s32 v5, v0  }
0x185: {  	v3 =	vnsel vm2, $0x0, v3  }
0x186: {  	(xrf0) =	vadd.scan.msk.s32 $0xffff, v3;
	v3 =	vnsel vm2, $0x0, v4  }
0x187: {  	(xrf0) =	vadd.scan.msk.s32 $0xffff, v3;
	_ =	sdelay $0x4  }
0x188: {  	v3, _, _ =	vpop (xrf0)  }
0x189: {  	(v2sf) =	vpush v3, $0xF;
	v4, _, _ =	vpop (xrf0)  }
0x18a: {  	(v2sf) =	vpush v4, $0xF;
	_ =	sdelay $0xd  }
0x18b: {  	s23 =	spop (v2sf)  }
0x18c: {  	s10 =	spop (v2sf);
	s12 =	sand.u32 $0xFFFFFFF8, s23  }
0x18d: {  	s9 =	ssub.s32 s10, s12  }
0x18e: {  	s9 =	sadd.s32 $0x7F, s9  }
0x18f: {  	s11 =	sshrl.u32 s9, $0x7  }
0x190: {  	p0 =	seq.s32 s11, $0x0  }
.Ltmp7:
0x191: {  	_ = 	snop;
	(pc) =	sbr.rel @p0 .LBB2_8-.Ltmp7, $1  }
0x192: {  	_ =	sdelay $0x3  }
0x193: {  	s9 =	sshll.u32 s8, $0x7  }
0x194: {  	s11 =	ssub.s32 $0x0, s11;
	s9 =	sand.u32 $0x3FFFFF80, s9  }
0x195: {  	v3 =	vbroadcast v3, $0xF;
	v4 =	vbroadcast v4, $0xF;
	s12 =	sadd.s32 $0x70, s12;
	s13 =	simm.s32 $0x0;
	s10 =	sadd.s32 $0x10400, s9  }
.LBB2_7:
0x196: {  	p0 =	seq.s32 s13, $0x0  }
0x197: {  	s14 =	sadd.s32 @!p0 s12, s7  }
0x198: {  	s14 =	sadd.s32 @!p0 $0xFFFFFF90, s14  }
0x199: {  	s14 =	sshrl.u32 @!p0 s14, $0x3  }
0x19a: {  	s23 =	simm.s32 @!p0 $0x0;
	s14 =	sadd.s32 @!p0 s5, s14  }
0x19b: {  	[tilespmem:s10], [sflag:$0x1] =	stream.linear.gather @!p0 [hbm4b:s14+s23], $0x80, $0x38;
	[tilespmem:$0x11500] =	vst v63  }
0x19c: {  	s14 =	simm.s32 @!p0 $0x1  }
0x19d: {  	_ =	swait.ge @!p0 [sflag:s14], $0x80  }
0x19e: {  	[sflag:s14] =	ssyncset.done @!p0 $0x0  }
0x19f: {  	[sflag:s14] =	ssyncadd.s32 @!p0 $0xFFFFFF80  }
0x1a0: {  	v5 =	vld [tilespmem:s9+$0x10400];
	_ =	sdelay $0x1  }
0x1a1: {  	s23 =	sadd.s32 $0xFFFFFF90, s12  }
0x1a2: {  	v6 =	vadd.s32 s23, v0  }
0x1a3: {  	vm2 =	vge.s32 v6, v3;
	vm3 =	vlt.s32 v6, v4  }
0x1a4: {  	vm2 =	vmand vm2, vm3;
	v5 =	vsub.s32 v5, v2  }
0x1a5: {  	v5 =	vnsel vm2, $0x0, v5  }
0x1a6: {  	v6 =	vshll.u32 v5, $0x3  }
0x1a7: {  	v7 =	vshrl.u32 v5, $0x5;
	v5 =	vand.u32 $0xFFFF807F, v5;
	v6 =	vand.u32 $0x7C00, v6  }
0x1a8: {  	v7 =	vand.u32 $0x380, v7;
	v5 =	vor.u32 v6, v5  }
0x1a9: {  	v5 =	vor.u32 v7, v5;
	_ =	sdelay $0x4  }
0x1aa: {  	[tilespmem:v5+s17+$0x0] =	vst.idx.msk vm2, v1  }
0x1ab: {  	v5 =	vld [tilespmem:s9+$0x10410];
	_ =	sdelay $0x1  }
0x1ac: {  	s23 =	sadd.s32 $0xFFFFFFA0, s12  }
0x1ad: {  	v6 =	vadd.s32 s23, v0  }
0x1ae: {  	vm3 =	vlt.s32 v6, v4;
	vm2 =	vge.s32 v6, v3  }
0x1af: {  	vm2 =	vmand vm2, vm3;
	v5 =	vsub.s32 v5, v2  }
0x1b0: {  	v5 =	vnsel vm2, $0x0, v5  }
0x1b1: {  	v6 =	vshll.u32 v5, $0x3  }
0x1b2: {  	v7 =	vshrl.u32 v5, $0x5;
	v5 =	vand.u32 $0xFFFF807F, v5;
	v6 =	vand.u32 $0x7C00, v6  }
0x1b3: {  	v7 =	vand.u32 $0x380, v7;
	v5 =	vor.u32 v6, v5  }
0x1b4: {  	v5 =	vor.u32 v7, v5;
	_ =	sdelay $0x4  }
0x1b5: {  	[tilespmem:v5+s17+$0x0] =	vst.idx.msk vm2, v1  }
0x1b6: {  	v5 =	vld [tilespmem:s9+$0x10420];
	_ =	sdelay $0x1  }
0x1b7: {  	s23 =	sadd.s32 $0xFFFFFFB0, s12  }
0x1b8: {  	v6 =	vadd.s32 s23, v0  }
0x1b9: {  	vm3 =	vlt.s32 v6, v4;
	vm2 =	vge.s32 v6, v3  }
0x1ba: {  	vm2 =	vmand vm2, vm3;
	v5 =	vsub.s32 v5, v2  }
0x1bb: {  	v5 =	vnsel vm2, $0x0, v5  }
0x1bc: {  	v6 =	vshll.u32 v5, $0x3  }
0x1bd: {  	v7 =	vshrl.u32 v5, $0x5;
	v5 =	vand.u32 $0xFFFF807F, v5;
	v6 =	vand.u32 $0x7C00, v6  }
0x1be: {  	v7 =	vand.u32 $0x380, v7;
	v5 =	vor.u32 v6, v5  }
0x1bf: {  	v5 =	vor.u32 v7, v5;
	_ =	sdelay $0x4  }
0x1c0: {  	[tilespmem:v5+s17+$0x0] =	vst.idx.msk vm2, v1  }
0x1c1: {  	v5 =	vld [tilespmem:s9+$0x10430];
	_ =	sdelay $0x1  }
0x1c2: {  	s23 =	sadd.s32 $0xFFFFFFC0, s12  }
0x1c3: {  	v6 =	vadd.s32 s23, v0  }
0x1c4: {  	vm3 =	vlt.s32 v6, v4;
	vm2 =	vge.s32 v6, v3  }
0x1c5: {  	vm2 =	vmand vm2, vm3;
	v5 =	vsub.s32 v5, v2  }
0x1c6: {  	v5 =	vnsel vm2, $0x0, v5  }
0x1c7: {  	v6 =	vshll.u32 v5, $0x3  }
0x1c8: {  	v7 =	vshrl.u32 v5, $0x5;
	v5 =	vand.u32 $0xFFFF807F, v5;
	v6 =	vand.u32 $0x7C00, v6  }
0x1c9: {  	v7 =	vand.u32 $0x380, v7;
	v5 =	vor.u32 v6, v5  }
0x1ca: {  	v5 =	vor.u32 v7, v5;
	_ =	sdelay $0x4  }
0x1cb: {  	[tilespmem:v5+s17+$0x0] =	vst.idx.msk vm2, v1  }
0x1cc: {  	v5 =	vld [tilespmem:s9+$0x10440];
	_ =	sdelay $0x1  }
0x1cd: {  	s23 =	sadd.s32 $0xFFFFFFD0, s12  }
0x1ce: {  	v6 =	vadd.s32 s23, v0  }
0x1cf: {  	vm3 =	vlt.s32 v6, v4;
	vm2 =	vge.s32 v6, v3  }
0x1d0: {  	vm2 =	vmand vm2, vm3;
	v5 =	vsub.s32 v5, v2  }
0x1d1: {  	v5 =	vnsel vm2, $0x0, v5  }
0x1d2: {  	v6 =	vshll.u32 v5, $0x3  }
0x1d3: {  	v7 =	vshrl.u32 v5, $0x5;
	v5 =	vand.u32 $0xFFFF807F, v5;
	v6 =	vand.u32 $0x7C00, v6  }
0x1d4: {  	v7 =	vand.u32 $0x380, v7;
	v5 =	vor.u32 v6, v5  }
0x1d5: {  	v5 =	vor.u32 v7, v5;
	_ =	sdelay $0x4  }
0x1d6: {  	[tilespmem:v5+s17+$0x0] =	vst.idx.msk vm2, v1  }
0x1d7: {  	v5 =	vld [tilespmem:s9+$0x10450];
	_ =	sdelay $0x1  }
0x1d8: {  	s23 =	sadd.s32 $0xFFFFFFE0, s12  }
0x1d9: {  	v6 =	vadd.s32 s23, v0  }
0x1da: {  	vm3 =	vlt.s32 v6, v4;
	vm2 =	vge.s32 v6, v3  }
0x1db: {  	vm2 =	vmand vm2, vm3;
	v5 =	vsub.s32 v5, v2  }
0x1dc: {  	v5 =	vnsel vm2, $0x0, v5  }
0x1dd: {  	v6 =	vshll.u32 v5, $0x3  }
0x1de: {  	v7 =	vshrl.u32 v5, $0x5;
	v5 =	vand.u32 $0xFFFF807F, v5;
	v6 =	vand.u32 $0x7C00, v6  }
0x1df: {  	v7 =	vand.u32 $0x380, v7;
	v5 =	vor.u32 v6, v5  }
0x1e0: {  	v5 =	vor.u32 v7, v5;
	_ =	sdelay $0x4  }
0x1e1: {  	[tilespmem:v5+s17+$0x0] =	vst.idx.msk vm2, v1  }
0x1e2: {  	v5 =	vld [tilespmem:s9+$0x10460];
	_ =	sdelay $0x1  }
0x1e3: {  	s23 =	sadd.s32 $0xFFFFFFF0, s12  }
0x1e4: {  	v6 =	vadd.s32 s23, v0  }
0x1e5: {  	vm3 =	vlt.s32 v6, v4;
	vm2 =	vge.s32 v6, v3  }
0x1e6: {  	vm2 =	vmand vm2, vm3;
	v5 =	vsub.s32 v5, v2  }
0x1e7: {  	v5 =	vnsel vm2, $0x0, v5  }
0x1e8: {  	v6 =	vshll.u32 v5, $0x3  }
0x1e9: {  	v7 =	vshrl.u32 v5, $0x5;
	v5 =	vand.u32 $0xFFFF807F, v5;
	v6 =	vand.u32 $0x7C00, v6  }
0x1ea: {  	v7 =	vand.u32 $0x380, v7;
	v5 =	vor.u32 v6, v5  }
0x1eb: {  	v5 =	vor.u32 v7, v5;
	_ =	sdelay $0x4  }
0x1ec: {  	[tilespmem:v5+s17+$0x0] =	vst.idx.msk vm2, v1  }
0x1ed: {  	v5 =	vld [tilespmem:s9+$0x10470];
	_ =	sdelay $0x2  }
0x1ee: {  	v6 =	vadd.s32 s12, v0  }
0x1ef: {  	vm3 =	vlt.s32 v6, v4;
	vm2 =	vge.s32 v6, v3  }
0x1f0: {  	vm2 =	vmand vm2, vm3;
	v5 =	vsub.s32 v5, v2  }
0x1f1: {  	v5 =	vnsel vm2, $0x0, v5  }
0x1f2: {  	v6 =	vshll.u32 v5, $0x3  }
0x1f3: {  	v7 =	vshrl.u32 v5, $0x5;
	v5 =	vand.u32 $0xFFFF807F, v5;
	v6 =	vand.u32 $0x7C00, v6  }
0x1f4: {  	s13 =	sadd.s32 $0xFFFFFFFF, s13;
	v7 =	vand.u32 $0x380, v7;
	v5 =	vor.u32 v6, v5  }
0x1f5: {  	p0 =	sne.s32 s11, s13;
	v5 =	vor.u32 v7, v5  }
.Ltmp8:
0x1f6: {  	_ = 	snop;
	(pc) =	sbr.rel @p0 .LBB2_7-.Ltmp8, $2  }
0x1f7: {  	_ =	sdelay $0x2  }
0x1f8: {  	s12 =	sadd.s32 $0x80, s12;
	[tilespmem:v5+s17+$0x0] =	vst.idx.msk vm2, v1  }
.Ltmp9:
0x1f9: {  	_ = 	snop;
	(pc) =	sbr.rel .LBB2_8-.Ltmp9, $1  }
0x1fa: {  	_ =	sdelay $0x3  }
.LBB2_9:
0x1fb: {  	s2 =	sshll.u32 s2, $0xC  }
0x1fc: {  	s7 =	simm.s32 $0x0;
	s2 =	sadd.s32 s3, s2  }
0x1fd: {  	[hbm4b:s2+s7] =	stream.linear.scatter [tilespmem:s17], [sflag:$0x4], $0x8000, $0x38;
	[tilespmem:$0x11500] =	vst v63  }
0x1fe: {  	v2 =	vld [tilespmem:s7+$0x0];
	_ =	sdelay $0x4  }
0x1ff: {  	v2 =	vnsel vm1, $0x0, v2  }
0x200: {  	(xrf0) =	vadd.scan.msk.s32 $0xffff, v2;
	_ =	sdelay $0x3  }
0x201: {  	s0 =	sshra.s32 s0, $0x2  }
0x202: {  	v2 =	vmov s0  }
0x203: {  	v3, _, _ =	vpop (xrf0)  }
0x204: {  	(v2sf) =	vpush v3, $0xF;
	_ =	sdelay $0x2  }
0x205: {  	v4 =	vld.idx.msk [tilespmem:v2+s7+$0x0 ss:$0x1], $0xffff  }
0x206: {  	s13 =	sadd.s32 $0x2, s31  }
0x207: {  	s0 =	sand.u32 $0xE, s13  }
0x208: {  	v5 =	vmov s0  }
0x209: {  	vm2 =	veq.s32 v5, v0  }
0x20a: {  	v4 =	vnsel vm2, $0x0, v4  }
0x20b: {  	(xrf0) =	vadd.scan.msk.s32 $0xffff, v4;
	_ =	sdelay $0x1  }
0x20c: {  	v62 =	vmov s7  }
0x20d: {  	v4 =	vnsel vm0, $0x0, v62;
	_ =	sdelay $0x2  }
0x20e: {  	v3 =	vbroadcast v3, $0xF;
	v63, _, _ =	vpop (xrf0);
	s14 =	spop (v2sf)  }
0x20f: {  	s9 =	simm.s32 $0x7B80;
	v5 =	vbroadcast v63, $0xF;
	s23 =	sadd.s32 $0x0, s14  }
0x210: {  	s2 =	simm.s32 $0x10400;
	s0 =	simm.s32 $0x1;
	[tilespmem:v4+s19+$0x0] =	vst.idx.msk $0x1, v3;
	s8 =	sshrl.u32 s23, $0x3  }
0x211: {  	s7 =	simm.s32 $0x20;
	[tilespmem:v4+s20+$0x0] =	vst.idx.msk $0x1, v5;
	s10 =	sadd.s32 s5, s8;
	s8 =	simm.s32 $0x10480  }
.LBB2_10:
0x212: {  	[tilespmem:s2], [sflag:$0x1] =	stream.linear.gather [hbm4b:s10+s4], $0x80, $0x38;
	[tilespmem:$0x11500] =	vst v63  }
0x213: {  	p0 =	sne.s32 s0, $0x1F;
	s10 =	smov.u32 s0;
	s0 =	sadd.s32 $0x1, s0;
	v3 =	vld [tilespmem:s7+$0x0]  }
0x214: {  	s2 =	smov.u32 s8;
	_ =	sdelay $0x3  }
0x215: {  	v3 =	vnsel vm1, $0x0, v3  }
0x216: {  	(xrf0) =	vadd.scan.msk.s32 $0xffff, v3;
	_ =	sdelay $0x5  }
0x217: {  	v3, _, _ =	vpop (xrf0)  }
0x218: {  	(v2sf) =	vpush v3, $0xF;
	_ =	sdelay $0x1  }
0x219: {  	v4 =	vld.idx.msk [tilespmem:v2+s7+$0x0 ss:$0x1], $0xffff;
	_ =	sdelay $0x5  }
0x21a: {  	v4 =	vnsel vm2, $0x0, v4  }
0x21b: {  	(xrf0) =	vadd.scan.msk.s32 $0xffff, v4;
	_ =	sdelay $0x1  }
0x21c: {  	v4 =	vmov s10  }
0x21d: {  	v4 =	vnsel vm0, $0x0, v4;
	_ =	sdelay $0x1  }
.Ltmp10:
0x21e: {  	(pc) =	sbr.rel @p0 .LBB2_10-.Ltmp10, $4  }
0x21f: {  	v3 =	vbroadcast v3, $0xF;
	v5, _, _ =	vpop (xrf0);
	s10 =	spop (v2sf)  }
0x220: {  	v5 =	vbroadcast v5, $0xF;
	s10 =	sadd.s32 s9, s10  }
0x221: {  	s7 =	sadd.s32 $0x20, s7;
	[tilespmem:v4+s19+$0x0] =	vst.idx.msk $0x1, v3;
	s10 =	sshrl.u32 s10, $0x3  }
0x222: {  	s8 =	sadd.s32 $0x80, s8;
	s9 =	sadd.s32 $0x7B80, s9;
	[tilespmem:v4+s20+$0x0] =	vst.idx.msk $0x1, v5;
	s10 =	sadd.s32 s5, s10  }
0x223: {  	[tilespmem:s2], [sflag:$0x1] =	stream.linear.gather [hbm4b:s10+s4], $0x80, $0x38;
	[tilespmem:$0x11500] =	vst v63  }
0x224: {  	_ =	swait.ge [sflag:s16], $0x80  }
0x225: {  	[sflag:s16] =	ssyncset.done $0x0  }
0x226: {  	[sflag:s16] =	ssyncadd.s32 $0xFFFFFF80  }
0x227: {  	_ =	swait.ge [sflag:s16], $0x80  }
0x228: {  	[sflag:s16] =	ssyncset.done $0x0  }
0x229: {  	[sflag:s16] =	ssyncadd.s32 $0xFFFFFF80  }
0x22a: {  	_ =	swait.ge [sflag:s16], $0x80  }
0x22b: {  	[sflag:s16] =	ssyncset.done $0x0  }
0x22c: {  	[sflag:s16] =	ssyncadd.s32 $0xFFFFFF80  }
0x22d: {  	_ =	swait.ge [sflag:s16], $0x80  }
0x22e: {  	[sflag:s16] =	ssyncset.done $0x0  }
0x22f: {  	[sflag:s16] =	ssyncadd.s32 $0xFFFFFF80  }
0x230: {  	_ =	swait.ge [sflag:s16], $0x80  }
0x231: {  	[sflag:s16] =	ssyncset.done $0x0  }
0x232: {  	[sflag:s16] =	ssyncadd.s32 $0xFFFFFF80  }
0x233: {  	_ =	swait.ge [sflag:s16], $0x80  }
0x234: {  	[sflag:s16] =	ssyncset.done $0x0  }
0x235: {  	[sflag:s16] =	ssyncadd.s32 $0xFFFFFF80  }
0x236: {  	_ =	swait.ge [sflag:s16], $0x80  }
0x237: {  	[sflag:s16] =	ssyncset.done $0x0  }
0x238: {  	[sflag:s16] =	ssyncadd.s32 $0xFFFFFF80  }
0x239: {  	_ =	swait.ge [sflag:s16], $0x80  }
0x23a: {  	[sflag:s16] =	ssyncset.done $0x0  }
0x23b: {  	[sflag:s16] =	ssyncadd.s32 $0xFFFFFF80  }
0x23c: {  	_ =	swait.ge [sflag:s16], $0x80  }
0x23d: {  	[sflag:s16] =	ssyncset.done $0x0  }
0x23e: {  	[sflag:s16] =	ssyncadd.s32 $0xFFFFFF80  }
0x23f: {  	_ =	swait.ge [sflag:s16], $0x80  }
0x240: {  	[sflag:s16] =	ssyncset.done $0x0  }
0x241: {  	[sflag:s16] =	ssyncadd.s32 $0xFFFFFF80  }
0x242: {  	_ =	swait.ge [sflag:s16], $0x80  }
0x243: {  	[sflag:s16] =	ssyncset.done $0x0  }
0x244: {  	[sflag:s16] =	ssyncadd.s32 $0xFFFFFF80  }
0x245: {  	_ =	swait.ge [sflag:s16], $0x80  }
0x246: {  	[sflag:s16] =	ssyncset.done $0x0  }
0x247: {  	[sflag:s16] =	ssyncadd.s32 $0xFFFFFF80  }
0x248: {  	_ =	swait.ge [sflag:s16], $0x80  }
0x249: {  	[sflag:s16] =	ssyncset.done $0x0  }
0x24a: {  	[sflag:s16] =	ssyncadd.s32 $0xFFFFFF80  }
0x24b: {  	_ =	swait.ge [sflag:s16], $0x80  }
0x24c: {  	[sflag:s16] =	ssyncset.done $0x0  }
0x24d: {  	[sflag:s16] =	ssyncadd.s32 $0xFFFFFF80  }
0x24e: {  	_ =	swait.ge [sflag:s16], $0x80  }
0x24f: {  	[sflag:s16] =	ssyncset.done $0x0  }
0x250: {  	[sflag:s16] =	ssyncadd.s32 $0xFFFFFF80  }
0x251: {  	_ =	swait.ge [sflag:s16], $0x80  }
0x252: {  	[sflag:s16] =	ssyncset.done $0x0  }
0x253: {  	[sflag:s16] =	ssyncadd.s32 $0xFFFFFF80  }
0x254: {  	_ =	swait.ge [sflag:s16], $0x80  }
0x255: {  	[sflag:s16] =	ssyncset.done $0x0  }
0x256: {  	[sflag:s16] =	ssyncadd.s32 $0xFFFFFF80  }
0x257: {  	_ =	swait.ge [sflag:s16], $0x80  }
0x258: {  	[sflag:s16] =	ssyncset.done $0x0  }
0x259: {  	[sflag:s16] =	ssyncadd.s32 $0xFFFFFF80  }
0x25a: {  	_ =	swait.ge [sflag:s16], $0x80  }
0x25b: {  	[sflag:s16] =	ssyncset.done $0x0  }
0x25c: {  	[sflag:s16] =	ssyncadd.s32 $0xFFFFFF80  }
0x25d: {  	_ =	swait.ge [sflag:s16], $0x80  }
0x25e: {  	[sflag:s16] =	ssyncset.done $0x0  }
0x25f: {  	[sflag:s16] =	ssyncadd.s32 $0xFFFFFF80  }
0x260: {  	_ =	swait.ge [sflag:s16], $0x80  }
0x261: {  	[sflag:s16] =	ssyncset.done $0x0  }
0x262: {  	[sflag:s16] =	ssyncadd.s32 $0xFFFFFF80  }
0x263: {  	_ =	swait.ge [sflag:s16], $0x80  }
0x264: {  	[sflag:s16] =	ssyncset.done $0x0  }
0x265: {  	[sflag:s16] =	ssyncadd.s32 $0xFFFFFF80  }
0x266: {  	_ =	swait.ge [sflag:s16], $0x80  }
0x267: {  	[sflag:s16] =	ssyncset.done $0x0  }
0x268: {  	[sflag:s16] =	ssyncadd.s32 $0xFFFFFF80  }
0x269: {  	_ =	swait.ge [sflag:s16], $0x80  }
0x26a: {  	[sflag:s16] =	ssyncset.done $0x0  }
0x26b: {  	[sflag:s16] =	ssyncadd.s32 $0xFFFFFF80  }
0x26c: {  	_ =	swait.ge [sflag:s16], $0x80  }
0x26d: {  	[sflag:s16] =	ssyncset.done $0x0  }
0x26e: {  	[sflag:s16] =	ssyncadd.s32 $0xFFFFFF80  }
0x26f: {  	_ =	swait.ge [sflag:s16], $0x80  }
0x270: {  	[sflag:s16] =	ssyncset.done $0x0  }
0x271: {  	[sflag:s16] =	ssyncadd.s32 $0xFFFFFF80  }
0x272: {  	_ =	swait.ge [sflag:s16], $0x80  }
0x273: {  	[sflag:s16] =	ssyncset.done $0x0  }
0x274: {  	[sflag:s16] =	ssyncadd.s32 $0xFFFFFF80  }
0x275: {  	_ =	swait.ge [sflag:s16], $0x80  }
0x276: {  	[sflag:s16] =	ssyncset.done $0x0  }
0x277: {  	[sflag:s16] =	ssyncadd.s32 $0xFFFFFF80  }
0x278: {  	_ =	swait.ge [sflag:s16], $0x80  }
0x279: {  	[sflag:s16] =	ssyncset.done $0x0  }
0x27a: {  	[sflag:s16] =	ssyncadd.s32 $0xFFFFFF80  }
0x27b: {  	_ =	swait.ge [sflag:s16], $0x80  }
0x27c: {  	[sflag:s16] =	ssyncset.done $0x0  }
0x27d: {  	[sflag:s16] =	ssyncadd.s32 $0xFFFFFF80  }
0x27e: {  	_ =	swait.ge [sflag:s16], $0x80  }
0x27f: {  	[sflag:s16] =	ssyncset.done $0x0  }
0x280: {  	[sflag:s16] =	ssyncadd.s32 $0xFFFFFF80  }
0x281: {  	_ =	swait.ge [sflag:s16], $0x80  }
0x282: {  	p0 =	seq.s32 s28, $0x7;
	[sflag:s16] =	ssyncset.done $0x0  }
0x283: {  	s0 =	simm.s32 @!p0 $0x4;
	[sflag:s16] =	ssyncadd.s32 $0xFFFFFF80  }
0x284: {  	s2 =	sadd.s32 @!p0 s31, s15;
	_ =	swait.ge @!p0 [sflag:s0], $0x8000  }
0x285: {  	s2 =	sshll.u32 @!p0 s2, $0xC;
	[sflag:s0] =	ssyncset.done @!p0 $0x0  }
0x286: {  	s7 =	simm.s32 @!p0 $0x400;
	[sflag:s0] =	ssyncadd.s32 @!p0 $0xFFFF8000;
	s0 =	sand.u32 @!p0 $0x1FFFE000, s2  }
.Ltmp11:
0x287: {  	s2 =	simm.s32 @!p0 $0x0;
	s0 =	sadd.s32 @!p0 s1, s0;
	(pc) =	sbr.rel .LBB2_12-.Ltmp11, $4  }
0x288: {  	[tilespmem:s7], [sflag:$0x2] =	stream.linear.gather @!p0 [hbm4b:s0+s2], $0x8000, $0x38;
	[tilespmem:$0x11500] =	vst v63  }
0x289: {  	_ =	swait.ge [sflag:s22], $0x8000  }
0x28a: {  	s31 =	sshll.u32 s30, $0xF;
	[sflag:s22] =	ssyncset.done $0x0  }
0x28b: {  	v2 =	vmov s31;
	s0 =	simm.s32 $0x0;
	s2 =	simm.s32 $0x0;
	[sflag:s22] =	ssyncadd.s32 $0xFFFF8000  }
.LBB2_15:
0x28c: {  	s2 =	sadd.s32 $0x1, s2  }
0x28d: {  	p0 =	sne.s32 s2, $0x20  }
.Ltmp12:
0x28e: {  	_ = 	snop;
	(pc) =	sbr.rel @!p0 .LBB2_16-.Ltmp12, $2  }
0x28f: {  	_ =	sdelay $0x2  }
0x290: {  	s0 =	sadd.s32 $0x7B80, s0  }
.LBB2_12:
0x291: {  	s7 =	sand.u32 $0x10, s2  }
0x292: {  	v3 =	vld [tilespmem:s7+$0x11400]  }
0x293: {  	v4 =	vld [tilespmem:s7+$0x11480]  }
0x294: {  	s30 =	sand.u32 $0xF, s2  }
0x295: {  	v5 =	vmov s30  }
0x296: {  	vm1 =	veq.s32 v5, v0  }
0x297: {  	v3 =	vnsel vm1, $0x0, v3  }
0x298: {  	(xrf0) =	vadd.scan.msk.s32 $0xffff, v3;
	v3 =	vnsel vm1, $0x0, v4  }
0x299: {  	(xrf0) =	vadd.scan.msk.s32 $0xffff, v3;
	_ =	sdelay $0x4  }
0x29a: {  	v3, _, _ =	vpop (xrf0)  }
0x29b: {  	(v2sf) =	vpush v3, $0xF;
	v4, _, _ =	vpop (xrf0)  }
0x29c: {  	(v2sf) =	vpush v4, $0xF;
	_ =	sdelay $0xd  }
0x29d: {  	s31 =	spop (v2sf)  }
0x29e: {  	s8 =	spop (v2sf);
	s10 =	sand.u32 $0xFFFFFFF8, s31  }
0x29f: {  	s7 =	ssub.s32 s8, s10  }
0x2a0: {  	s7 =	sadd.s32 $0x7F, s7  }
0x2a1: {  	s9 =	sshrl.u32 s7, $0x7  }
0x2a2: {  	p0 =	seq.s32 s9, $0x0  }
.Ltmp13:
0x2a3: {  	_ = 	snop;
	(pc) =	sbr.rel @p0 .LBB2_15-.Ltmp13, $1  }
0x2a4: {  	_ =	sdelay $0x3  }
0x2a5: {  	s7 =	sshll.u32 s2, $0x7  }
0x2a6: {  	s9 =	ssub.s32 $0x0, s9;
	s7 =	sand.u32 $0x3FFFFF80, s7  }
0x2a7: {  	v3 =	vbroadcast v3, $0xF;
	v4 =	vbroadcast v4, $0xF;
	s10 =	sadd.s32 $0x70, s10;
	s11 =	simm.s32 $0x0;
	s8 =	sadd.s32 $0x10400, s7  }
.LBB2_14:
0x2a8: {  	p0 =	seq.s32 s11, $0x0  }
0x2a9: {  	s12 =	sadd.s32 @!p0 s10, s0  }
0x2aa: {  	s12 =	sadd.s32 @!p0 $0xFFFFFF90, s12  }
0x2ab: {  	s12 =	sshrl.u32 @!p0 s12, $0x3  }
0x2ac: {  	s13 =	simm.s32 @!p0 $0x0;
	s12 =	sadd.s32 @!p0 s5, s12  }
0x2ad: {  	[tilespmem:s8], [sflag:$0x1] =	stream.linear.gather @!p0 [hbm4b:s12+s13], $0x80, $0x38;
	[tilespmem:$0x11500] =	vst v63  }
0x2ae: {  	s12 =	simm.s32 @!p0 $0x1  }
0x2af: {  	_ =	swait.ge @!p0 [sflag:s12], $0x80  }
0x2b0: {  	[sflag:s12] =	ssyncset.done @!p0 $0x0  }
0x2b1: {  	[sflag:s12] =	ssyncadd.s32 @!p0 $0xFFFFFF80  }
0x2b2: {  	v5 =	vld [tilespmem:s7+$0x10400];
	_ =	sdelay $0x1  }
0x2b3: {  	s30 =	sadd.s32 $0xFFFFFF90, s10  }
0x2b4: {  	v6 =	vadd.s32 s30, v0  }
0x2b5: {  	vm1 =	vge.s32 v6, v3;
	vm2 =	vlt.s32 v6, v4  }
0x2b6: {  	vm1 =	vmand vm1, vm2;
	v5 =	vsub.s32 v5, v2  }
0x2b7: {  	v5 =	vnsel vm1, $0x0, v5  }
0x2b8: {  	v6 =	vshll.u32 v5, $0x3  }
0x2b9: {  	v7 =	vshrl.u32 v5, $0x5;
	v5 =	vand.u32 $0xFFFF807F, v5;
	v6 =	vand.u32 $0x7C00, v6  }
0x2ba: {  	v7 =	vand.u32 $0x380, v7;
	v5 =	vor.u32 v6, v5  }
0x2bb: {  	v5 =	vor.u32 v7, v5;
	_ =	sdelay $0x4  }
0x2bc: {  	[tilespmem:v5+s18+$0x0] =	vst.idx.msk vm1, v1  }
0x2bd: {  	v5 =	vld [tilespmem:s7+$0x10410];
	_ =	sdelay $0x1  }
0x2be: {  	s31 =	sadd.s32 $0xFFFFFFA0, s10  }
0x2bf: {  	v6 =	vadd.s32 s31, v0  }
0x2c0: {  	vm2 =	vlt.s32 v6, v4;
	vm1 =	vge.s32 v6, v3  }
0x2c1: {  	vm1 =	vmand vm1, vm2;
	v5 =	vsub.s32 v5, v2  }
0x2c2: {  	v5 =	vnsel vm1, $0x0, v5  }
0x2c3: {  	v6 =	vshll.u32 v5, $0x3  }
0x2c4: {  	v7 =	vshrl.u32 v5, $0x5;
	v5 =	vand.u32 $0xFFFF807F, v5;
	v6 =	vand.u32 $0x7C00, v6  }
0x2c5: {  	v7 =	vand.u32 $0x380, v7;
	v5 =	vor.u32 v6, v5  }
0x2c6: {  	v5 =	vor.u32 v7, v5;
	_ =	sdelay $0x4  }
0x2c7: {  	[tilespmem:v5+s18+$0x0] =	vst.idx.msk vm1, v1  }
0x2c8: {  	v5 =	vld [tilespmem:s7+$0x10420];
	_ =	sdelay $0x1  }
0x2c9: {  	s13 =	sadd.s32 $0xFFFFFFB0, s10  }
0x2ca: {  	v6 =	vadd.s32 s13, v0  }
0x2cb: {  	vm2 =	vlt.s32 v6, v4;
	vm1 =	vge.s32 v6, v3  }
0x2cc: {  	vm1 =	vmand vm1, vm2;
	v5 =	vsub.s32 v5, v2  }
0x2cd: {  	v5 =	vnsel vm1, $0x0, v5  }
0x2ce: {  	v6 =	vshll.u32 v5, $0x3  }
0x2cf: {  	v7 =	vshrl.u32 v5, $0x5;
	v5 =	vand.u32 $0xFFFF807F, v5;
	v6 =	vand.u32 $0x7C00, v6  }
0x2d0: {  	v7 =	vand.u32 $0x380, v7;
	v5 =	vor.u32 v6, v5  }
0x2d1: {  	v5 =	vor.u32 v7, v5;
	_ =	sdelay $0x4  }
0x2d2: {  	[tilespmem:v5+s18+$0x0] =	vst.idx.msk vm1, v1  }
0x2d3: {  	v5 =	vld [tilespmem:s7+$0x10430];
	_ =	sdelay $0x1  }
0x2d4: {  	s14 =	sadd.s32 $0xFFFFFFC0, s10  }
0x2d5: {  	v6 =	vadd.s32 s14, v0  }
0x2d6: {  	vm2 =	vlt.s32 v6, v4;
	vm1 =	vge.s32 v6, v3  }
0x2d7: {  	vm1 =	vmand vm1, vm2;
	v5 =	vsub.s32 v5, v2  }
0x2d8: {  	v5 =	vnsel vm1, $0x0, v5  }
0x2d9: {  	v6 =	vshll.u32 v5, $0x3  }
0x2da: {  	v7 =	vshrl.u32 v5, $0x5;
	v5 =	vand.u32 $0xFFFF807F, v5;
	v6 =	vand.u32 $0x7C00, v6  }
0x2db: {  	v7 =	vand.u32 $0x380, v7;
	v5 =	vor.u32 v6, v5  }
0x2dc: {  	v5 =	vor.u32 v7, v5;
	_ =	sdelay $0x4  }
0x2dd: {  	[tilespmem:v5+s18+$0x0] =	vst.idx.msk vm1, v1  }
0x2de: {  	v5 =	vld [tilespmem:s7+$0x10440];
	_ =	sdelay $0x1  }
0x2df: {  	s23 =	sadd.s32 $0xFFFFFFD0, s10  }
0x2e0: {  	v6 =	vadd.s32 s23, v0  }
0x2e1: {  	vm2 =	vlt.s32 v6, v4;
	vm1 =	vge.s32 v6, v3  }
0x2e2: {  	vm1 =	vmand vm1, vm2;
	v5 =	vsub.s32 v5, v2  }
0x2e3: {  	v5 =	vnsel vm1, $0x0, v5  }
0x2e4: {  	v6 =	vshll.u32 v5, $0x3  }
0x2e5: {  	v7 =	vshrl.u32 v5, $0x5;
	v5 =	vand.u32 $0xFFFF807F, v5;
	v6 =	vand.u32 $0x7C00, v6  }
0x2e6: {  	v7 =	vand.u32 $0x380, v7;
	v5 =	vor.u32 v6, v5  }
0x2e7: {  	v5 =	vor.u32 v7, v5;
	_ =	sdelay $0x4  }
0x2e8: {  	[tilespmem:v5+s18+$0x0] =	vst.idx.msk vm1, v1  }
0x2e9: {  	v5 =	vld [tilespmem:s7+$0x10450];
	_ =	sdelay $0x1  }
0x2ea: {  	s30 =	sadd.s32 $0xFFFFFFE0, s10  }
0x2eb: {  	v6 =	vadd.s32 s30, v0  }
0x2ec: {  	vm2 =	vlt.s32 v6, v4;
	vm1 =	vge.s32 v6, v3  }
0x2ed: {  	vm1 =	vmand vm1, vm2;
	v5 =	vsub.s32 v5, v2  }
0x2ee: {  	v5 =	vnsel vm1, $0x0, v5  }
0x2ef: {  	v6 =	vshll.u32 v5, $0x3  }
0x2f0: {  	v7 =	vshrl.u32 v5, $0x5;
	v5 =	vand.u32 $0xFFFF807F, v5;
	v6 =	vand.u32 $0x7C00, v6  }
0x2f1: {  	v7 =	vand.u32 $0x380, v7;
	v5 =	vor.u32 v6, v5  }
0x2f2: {  	v5 =	vor.u32 v7, v5;
	_ =	sdelay $0x4  }
0x2f3: {  	[tilespmem:v5+s18+$0x0] =	vst.idx.msk vm1, v1  }
0x2f4: {  	v5 =	vld [tilespmem:s7+$0x10460];
	_ =	sdelay $0x1  }
0x2f5: {  	s31 =	sadd.s32 $0xFFFFFFF0, s10  }
0x2f6: {  	v6 =	vadd.s32 s31, v0  }
0x2f7: {  	vm2 =	vlt.s32 v6, v4;
	vm1 =	vge.s32 v6, v3  }
0x2f8: {  	vm1 =	vmand vm1, vm2;
	v5 =	vsub.s32 v5, v2  }
0x2f9: {  	v5 =	vnsel vm1, $0x0, v5  }
0x2fa: {  	v6 =	vshll.u32 v5, $0x3  }
0x2fb: {  	v7 =	vshrl.u32 v5, $0x5;
	v5 =	vand.u32 $0xFFFF807F, v5;
	v6 =	vand.u32 $0x7C00, v6  }
0x2fc: {  	v7 =	vand.u32 $0x380, v7;
	v5 =	vor.u32 v6, v5  }
0x2fd: {  	v5 =	vor.u32 v7, v5;
	_ =	sdelay $0x4  }
0x2fe: {  	[tilespmem:v5+s18+$0x0] =	vst.idx.msk vm1, v1  }
0x2ff: {  	v5 =	vld [tilespmem:s7+$0x10470];
	_ =	sdelay $0x2  }
0x300: {  	v6 =	vadd.s32 s10, v0  }
0x301: {  	vm2 =	vlt.s32 v6, v4;
	vm1 =	vge.s32 v6, v3  }
0x302: {  	vm1 =	vmand vm1, vm2;
	v5 =	vsub.s32 v5, v2  }
0x303: {  	v5 =	vnsel vm1, $0x0, v5  }
0x304: {  	v6 =	vshll.u32 v5, $0x3  }
0x305: {  	v7 =	vshrl.u32 v5, $0x5;
	v5 =	vand.u32 $0xFFFF807F, v5;
	v6 =	vand.u32 $0x7C00, v6  }
0x306: {  	s11 =	sadd.s32 $0xFFFFFFFF, s11;
	v7 =	vand.u32 $0x380, v7;
	v5 =	vor.u32 v6, v5  }
0x307: {  	p0 =	sne.s32 s9, s11;
	v5 =	vor.u32 v7, v5  }
.Ltmp14:
0x308: {  	_ = 	snop;
	(pc) =	sbr.rel @p0 .LBB2_14-.Ltmp14, $2  }
0x309: {  	_ =	sdelay $0x2  }
0x30a: {  	s10 =	sadd.s32 $0x80, s10;
	[tilespmem:v5+s18+$0x0] =	vst.idx.msk vm1, v1  }
.Ltmp15:
0x30b: {  	_ = 	snop;
	(pc) =	sbr.rel .LBB2_15-.Ltmp15, $1  }
0x30c: {  	_ =	sdelay $0x3  }
.LBB2_18:
0x30d: {  	_ =	sfence.sel $0x180000  }
0x30e: {  	[bflag:$0x0] =	sbarrier.arrive $0xFFFF  }
0x30f: {  	_ =	strace $0x9000004A  }
0x310: {  	s0 =	stileid.u32;
	[bflag:$0x2] =	sbarrier.arrive $0xFFFF  }
0x311: {  	p0 =	sne.s32 s0, $0x0;
	s0 =	rddreg [dreg:$0x3]  }
0x312: {  	s0 =	sadd.s32 @!p0 $0x100000, s0  }
0x313: {  	[sflag:s0] =	ssyncadd.tile.s32 @!p0 $0x1;
	_ =	shalt  }
.Lfunc_end2:
_tile_overlayer_lowered:
.L_overlay_start_2:
0x314: {  	(tag) =	ssettag $0x2  }
0x315: {  	s0 =	rddreg [dreg:$0x0];
	s2 =	stileid.u32  }
0x316: {  	s1 =	rddreg [dreg:$0x1];
	p0 =	sne.s32 s2, $0x0  }
0x317: {  	s3 =	rddreg [dreg:$0x2];
	[bflag:$0x3] =	sbarrier.arrive $0xFFFF;
	s2 =	simm.s32 @!p0 $0x1C06  }
0x318: {  	[timem:s3], [sflag:s2] =	dma.local @!p0 [hbm:s0], s1  }
0x319: {  	s0 =	simm.s32 @!p0 $0x6  }
0x31a: {  	_ =	swait.ge @!p0 [sflag:s0], s1  }
0x31b: {  	s1 =	ssub.s32 @!p0 $0x0, s1;
	[sflag:s0] =	ssyncset.done @!p0 $0x0  }
0x31c: {  	[sflag:s0] =	ssyncadd.s32 @!p0 s1  }
0x31d: {  	[bflag:$0x3] =	sbarrier.arrive $0xFFFF  }
0x31e: {  	_ =	shalt  }

</sc_bundles>
